<compile_context>
chip_gen: v7x
topology: tpu7x:2x2x1
jax: 0.10.2.dev20260603
libtpu: 0.0.44.dev20260713+nightly
codegen_flags: <defaults>
</compile_context>

<pallas_src>
import functools

import jax
import jax.numpy as jnp
from jax import lax
from jax.experimental import pallas as pl
from jax.experimental.pallas import tpu as pltpu
from jax.experimental.pallas import tpu_sc as plsc

_NUM_ENVS = 16384
_ALPHA = 0.01
_NSUB = 16
_L = 16
_PER_W = _NUM_ENVS // _NSUB
_CHUNKS = _PER_W // _L
_NACC = 6

_mesh = plsc.VectorSubcoreMesh(
    core_axis_name="c", subcore_axis_name="s", num_cores=1,
    num_subcores=_NSUB)


@functools.partial(
    pl.kernel,
    out_type=(
        jax.ShapeDtypeStruct((_NUM_ENVS,), jnp.float32),
        jax.ShapeDtypeStruct((_NUM_ENVS,), jnp.int32),
        jax.ShapeDtypeStruct((_L,), jnp.float32),
        jax.ShapeDtypeStruct((_L,), jnp.int32),
    ),
    mesh=_mesh,
    scratch_types=[
        pltpu.VMEM((_PER_W,), jnp.float32),
        pltpu.VMEM((_PER_W,), jnp.float32),
        pltpu.VMEM((_PER_W,), jnp.int32),
        pltpu.VMEM((_PER_W,), jnp.float32),
        pltpu.VMEM((_PER_W,), jnp.int32),
        pltpu.VMEM((_PER_W,), jnp.float32),
        pltpu.VMEM((_PER_W,), jnp.int32),
        pltpu.VMEM((_NACC * _L,), jnp.float32),
        pltpu.VMEM((_NSUB * _NACC * _L,), jnp.float32),
        pltpu.VMEM((_L,), jnp.float32),
        pltpu.VMEM((_L,), jnp.int32),
        pltpu.VMEM_SHARED((_NSUB * _NACC * _L,), jnp.float32),
        pltpu.SemaphoreType.DMA,
    ],
)
def _ema_step(rew_hbm, mask_hbm, reas_hbm, epr_hbm, epl_hbm, scalf_hbm,
              scali_hbm, epr_out, epl_out, outf, outi,
              v_rew, v_mask, v_reas, v_epr, v_epl, o_epr, o_epl,
              v_acc, v_all, v_scalf, v_scali, sh_part, sem):
    sid = lax.axis_index("s")
    base = sid * _PER_W

    copies = [
        pltpu.async_copy(rew_hbm.at[pl.ds(base, _PER_W)], v_rew, sem),
        pltpu.async_copy(mask_hbm.at[pl.ds(base, _PER_W)], v_mask, sem),
        pltpu.async_copy(reas_hbm.at[pl.ds(base, _PER_W)], v_reas, sem),
        pltpu.async_copy(epr_hbm.at[pl.ds(base, _PER_W)], v_epr, sem),
        pltpu.async_copy(epl_hbm.at[pl.ds(base, _PER_W)], v_epl, sem),
    ]
    for cp in copies:
        cp.wait()

    zf = jnp.zeros((_L,), jnp.float32)
    acc_r = zf
    acc_l = zf
    acc_c0 = zf
    acc_c1 = zf
    acc_c2 = zf
    acc_n = zf
    for j in range(_CHUNKS):
        sl = pl.ds(j * _L, _L)
        m = v_mask[sl]
        epr = v_epr[sl] + v_rew[sl]
        epl = v_epl[sl] + 1
        r = v_reas[sl]
        acc_n = acc_n + m
        acc_r = acc_r + epr * m
        acc_l = acc_l + epl.astype(jnp.float32) * m
        acc_c0 = acc_c0 + jnp.where(r == 0, m, 0.0)
        acc_c1 = acc_c1 + jnp.where(r == 1, m, 0.0)
        acc_c2 = acc_c2 + jnp.where(r == 2, m, 0.0)
        done = m > 0.0
        o_epr[sl] = jnp.where(done, 0.0, epr)
        o_epl[sl] = jnp.where(done, 0, epl)

    out_cp1 = pltpu.async_copy(o_epr, epr_out.at[pl.ds(base, _PER_W)], sem)
    out_cp2 = pltpu.async_copy(o_epl, epl_out.at[pl.ds(base, _PER_W)], sem)

    accs = (acc_r, acc_l, acc_c0, acc_c1, acc_c2, acc_n)
    for q in range(_NACC):
        v_acc[pl.ds(q * _L, _L)] = accs[q]
    pltpu.sync_copy(v_acc, sh_part.at[pl.ds(sid * (_NACC * _L), _NACC * _L)])
    plsc.subcore_barrier()

    @pl.when(sid == 0)
    def _finalize():
        pltpu.sync_copy(sh_part, v_all)
        pltpu.sync_copy(scalf_hbm, v_scalf)
        pltpu.sync_copy(scali_hbm, v_scali)
        sums = []
        for q in range(_NACC):
            tot_q = v_all[pl.ds(q * _L, _L)]
            for i in range(1, _NSUB):
                tot_q = tot_q + v_all[pl.ds((i * _NACC + q) * _L, _L)]
            s = tot_q[0]
            for k in range(1, _L):
                s = s + tot_q[k]
            sums.append(s)
        s_r, s_l, s_c0, s_c1, s_c2, s_n = sums
        denom = jnp.maximum(s_n, 1.0)
        hasf = jnp.where(s_n > 0.0, 1.0, 0.0)
        lane = lax.iota(jnp.int32, _L)
        packed = jnp.where(lane == 0, s_r,
                 jnp.where(lane == 1, s_l,
                 jnp.where(lane == 2, s_c0,
                 jnp.where(lane == 3, s_c1,
                 jnp.where(lane == 4, s_c2, 0.0)))))
        oldf = v_scalf[...]
        cand = oldf * (1.0 - _ALPHA) + _ALPHA * (packed / denom)
        newf = oldf + hasf * (cand - oldf)
        newf = jnp.where(lane == 5, s_n, newf)
        newi = v_scali[...] + packed.astype(jnp.int32)
        v_scalf[...] = newf
        v_scali[...] = newi
        pltpu.sync_copy(v_scalf, outf)
        pltpu.sync_copy(v_scali, outi)

    out_cp1.wait()
    out_cp2.wait()


def kernel(rewards, dones, termination_reasons, episode_rewards,
           episode_lengths, ema_reward, ema_length, ema_term,
           termination_counts):
    maskf = dones.astype(jnp.float32)
    scalf = jnp.concatenate([
        jnp.reshape(ema_reward, (1,)), jnp.reshape(ema_length, (1,)),
        ema_term, jnp.zeros((_L - 5,), jnp.float32)])
    scali = jnp.concatenate([
        jnp.zeros((2,), jnp.int32), termination_counts,
        jnp.zeros((_L - 5,), jnp.int32)])
    epr, epl, outf, outi = _ema_step(
        rewards, maskf, termination_reasons, episode_rewards,
        episode_lengths, scalf, scali)
    return (epr, epl, outf[0], outf[1], outf[2:5], outi[2:5], outf[5])

# --- scband reference (transcript-rebuilt; emitter-appended) ---
"""Pipeline reference for scband-episodic-ematracker-55052890800313 (READ-ONLY COPY).

The authoritative reference and input builder live on the scoring server;
editing this copy changes nothing except your own understanding.
"""

import jax, jax.numpy as jnp
import numpy as np

NUM_ENVS = 16384
ALPHA = 0.01
NUM_REASONS = 3


def setup_inputs(seed: int = 0) -> dict:
    key = jax.random.key(seed)
    k1, k2, k3 = jax.random.split(key, 3)
    return {
        "rewards": jax.random.normal(k1, (NUM_ENVS,), dtype=jnp.float32),
        "dones": jax.random.randint(k2, (NUM_ENVS,), 0, 2).astype(bool),
        "termination_reasons": jax.random.randint(k3, (NUM_ENVS,), 0, NUM_REASONS).astype(jnp.int32),
        # state buffers (registered buffers in the torch module)
        "episode_rewards": jnp.zeros((NUM_ENVS,), dtype=jnp.float32),
        "episode_lengths": jnp.zeros((NUM_ENVS,), dtype=jnp.int32),
        "ema_reward": jnp.zeros((), dtype=jnp.float32),
        "ema_length": jnp.zeros((), dtype=jnp.float32),
        "ema_term": jnp.zeros((NUM_REASONS,), dtype=jnp.float32),
        "termination_counts": jnp.zeros((NUM_REASONS,), dtype=jnp.int32),
    }


def reference(rewards, dones, termination_reasons, episode_rewards, episode_lengths,
              ema_reward, ema_length, ema_term, termination_counts):
    # EMATracker(decay = 1 - alpha): ema = ema*decay + value*(1-decay)
    decay = jnp.float32(1.0 - ALPHA)
    one_minus_decay = jnp.float32(ALPHA)

    # accumulate step
    epr = episode_rewards + rewards
    epl = episode_lengths + 1

    mask = dones
    maskf = mask.astype(jnp.float32)
    num_completed = maskf.sum()
    denom = jnp.maximum(num_completed, 1.0)
    has = num_completed > 0

    # means over completed episodes
    mean_r = (epr * maskf).sum() / denom
    mean_l = (epl.astype(jnp.float32) * maskf).sum() / denom

    new_ema_reward = jnp.where(has, ema_reward * decay + one_minus_decay * mean_r, ema_reward)
    new_ema_length = jnp.where(has, ema_length * decay + one_minus_decay * mean_l, ema_length)

    # termination-reason counts via scatter-add (SparseCore friendly)
    counts = jnp.zeros((NUM_REASONS,), dtype=jnp.float32).at[termination_reasons].add(maskf)
    probs = counts / denom
    new_ema_term = jnp.where(has, ema_term * decay + one_minus_decay * probs, ema_term)
    new_termination_counts = termination_counts + counts.astype(termination_counts.dtype)

    # reset completed envs
    new_episode_rewards = jnp.where(mask, jnp.float32(0.0), epr)
    new_episode_lengths = jnp.where(mask, 0, epl)

    return (new_episode_rewards, new_episode_lengths, new_ema_reward, new_ema_length,
            new_ema_term, new_termination_counts, num_completed)

if __name__ == "__main__":
    import jax
    _d = setup_inputs()
    print(jax.jit(kernel)(*tuple(_d.values())))

</pallas_src>

<mosaic_0001>
#map = affine_map<(d0, d1) -> (0)>
module attributes {stable_mosaic.version = 14 : i64} {
  func.func @_ema_step(%arg0: i32, %arg1: i32, %arg2: memref<16384xf32, #tpu.memory_space<hbm>>, %arg3: memref<16384xf32, #tpu.memory_space<hbm>>, %arg4: memref<16384xi32, #tpu.memory_space<hbm>>, %arg5: memref<16384xf32, #tpu.memory_space<hbm>>, %arg6: memref<16384xi32, #tpu.memory_space<hbm>>, %arg7: memref<16xf32, #tpu.memory_space<hbm>>, %arg8: memref<16xi32, #tpu.memory_space<hbm>>, %arg9: memref<16384xf32, #tpu.memory_space<hbm>>, %arg10: memref<16384xi32, #tpu.memory_space<hbm>>, %arg11: memref<16xf32, #tpu.memory_space<hbm>>, %arg12: memref<16xi32, #tpu.memory_space<hbm>>, %arg13: memref<1024xf32, #tpu.memory_space<vmem>>, %arg14: memref<1024xf32, #tpu.memory_space<vmem>>, %arg15: memref<1024xi32, #tpu.memory_space<vmem>>, %arg16: memref<1024xf32, #tpu.memory_space<vmem>>, %arg17: memref<1024xi32, #tpu.memory_space<vmem>>, %arg18: memref<1024xf32, #tpu.memory_space<vmem>>, %arg19: memref<1024xi32, #tpu.memory_space<vmem>>, %arg20: memref<96xf32, #tpu.memory_space<vmem>>, %arg21: memref<1536xf32, #tpu.memory_space<vmem>>, %arg22: memref<16xf32, #tpu.memory_space<vmem>>, %arg23: memref<16xi32, #tpu.memory_space<vmem>>, %arg24: memref<1536xf32, #tpu.memory_space<vmem_shared>>, %arg25: memref<!tpu.dma_semaphore, #tpu.memory_space<semaphore_mem>>) attributes {dimension_semantics = [#tpu.dimension_semantics<core_parallel>, #tpu.dimension_semantics<subcore_parallel>], iteration_bounds = array<i64: 1, 16>, scalar_prefetch = 0 : i64, scratch_operands = 13 : i64, tpu.core_type = #tpu.core_type<sc_vector_subcore>, window_params = [{transform_indices = #map}, {transform_indices = #map}, {transform_indices = #map}, {transform_indices = #map}, {transform_indices = #map}, {transform_indices = #map}, {transform_indices = #map}, {transform_indices = #map}, {transform_indices = #map}, {transform_indices = #map}, {transform_indices = #map}]} {
    %mul3A = arith.constant 1024 : i32
    %mul3A_0 = arith.muli %arg1, %mul3A : i32
    %dma_start3A = tpu.memref_slice %arg2[%mul3A_0] : memref<16384xf32, #tpu.memory_space<hbm>> -> memref<1024xf32, #tpu.memory_space<hbm>>
    %dma_start3A_1 = tpu.memref_slice %arg2[%mul3A_0] : memref<16384xf32, #tpu.memory_space<hbm>> -> memref<1024xf32, #tpu.memory_space<hbm>>
    tpu.enqueue_dma source(%dma_start3A_1 : memref<1024xf32, #tpu.memory_space<hbm>>) target(%arg13 : memref<1024xf32, #tpu.memory_space<vmem>>) target_semaphore(%arg25 : memref<!tpu.dma_semaphore, #tpu.memory_space<semaphore_mem>>)
    %dma_start3A_2 = tpu.memref_slice %arg3[%mul3A_0] : memref<16384xf32, #tpu.memory_space<hbm>> -> memref<1024xf32, #tpu.memory_space<hbm>>
    %dma_start3A_3 = tpu.memref_slice %arg3[%mul3A_0] : memref<16384xf32, #tpu.memory_space<hbm>> -> memref<1024xf32, #tpu.memory_space<hbm>>
    tpu.enqueue_dma source(%dma_start3A_3 : memref<1024xf32, #tpu.memory_space<hbm>>) target(%arg14 : memref<1024xf32, #tpu.memory_space<vmem>>) target_semaphore(%arg25 : memref<!tpu.dma_semaphore, #tpu.memory_space<semaphore_mem>>)
    %dma_start3A_4 = tpu.memref_slice %arg4[%mul3A_0] : memref<16384xi32, #tpu.memory_space<hbm>> -> memref<1024xi32, #tpu.memory_space<hbm>>
    %dma_start3A_5 = tpu.memref_slice %arg4[%mul3A_0] : memref<16384xi32, #tpu.memory_space<hbm>> -> memref<1024xi32, #tpu.memory_space<hbm>>
    tpu.enqueue_dma source(%dma_start3A_5 : memref<1024xi32, #tpu.memory_space<hbm>>) target(%arg15 : memref<1024xi32, #tpu.memory_space<vmem>>) target_semaphore(%arg25 : memref<!tpu.dma_semaphore, #tpu.memory_space<semaphore_mem>>)
    %dma_start3A_6 = tpu.memref_slice %arg5[%mul3A_0] : memref<16384xf32, #tpu.memory_space<hbm>> -> memref<1024xf32, #tpu.memory_space<hbm>>
    %dma_start3A_7 = tpu.memref_slice %arg5[%mul3A_0] : memref<16384xf32, #tpu.memory_space<hbm>> -> memref<1024xf32, #tpu.memory_space<hbm>>
    tpu.enqueue_dma source(%dma_start3A_7 : memref<1024xf32, #tpu.memory_space<hbm>>) target(%arg16 : memref<1024xf32, #tpu.memory_space<vmem>>) target_semaphore(%arg25 : memref<!tpu.dma_semaphore, #tpu.memory_space<semaphore_mem>>)
    %dma_start3A_8 = tpu.memref_slice %arg6[%mul3A_0] : memref<16384xi32, #tpu.memory_space<hbm>> -> memref<1024xi32, #tpu.memory_space<hbm>>
    %dma_start3A_9 = tpu.memref_slice %arg6[%mul3A_0] : memref<16384xi32, #tpu.memory_space<hbm>> -> memref<1024xi32, #tpu.memory_space<hbm>>
    tpu.enqueue_dma source(%dma_start3A_9 : memref<1024xi32, #tpu.memory_space<hbm>>) target(%arg17 : memref<1024xi32, #tpu.memory_space<vmem>>) target_semaphore(%arg25 : memref<!tpu.dma_semaphore, #tpu.memory_space<semaphore_mem>>)
    %dma_wait3A = tpu.memref_slice %arg2[%mul3A_0] : memref<16384xf32, #tpu.memory_space<hbm>> -> memref<1024xf32, #tpu.memory_space<hbm>>
    %dma_wait3A_10 = tpu.memref_slice %arg2[%mul3A_0] : memref<16384xf32, #tpu.memory_space<hbm>> -> memref<1024xf32, #tpu.memory_space<hbm>>
    tpu.wait_dma2 semaphore(%arg25 : memref<!tpu.dma_semaphore, #tpu.memory_space<semaphore_mem>>) src(%dma_wait3A_10 : memref<1024xf32, #tpu.memory_space<hbm>>) dst(%arg13 : memref<1024xf32, #tpu.memory_space<vmem>>)
    %dma_wait3A_11 = tpu.memref_slice %arg3[%mul3A_0] : memref<16384xf32, #tpu.memory_space<hbm>> -> memref<1024xf32, #tpu.memory_space<hbm>>
    %dma_wait3A_12 = tpu.memref_slice %arg3[%mul3A_0] : memref<16384xf32, #tpu.memory_space<hbm>> -> memref<1024xf32, #tpu.memory_space<hbm>>
    tpu.wait_dma2 semaphore(%arg25 : memref<!tpu.dma_semaphore, #tpu.memory_space<semaphore_mem>>) src(%dma_wait3A_12 : memref<1024xf32, #tpu.memory_space<hbm>>) dst(%arg14 : memref<1024xf32, #tpu.memory_space<vmem>>)
    %dma_wait3A_13 = tpu.memref_slice %arg4[%mul3A_0] : memref<16384xi32, #tpu.memory_space<hbm>> -> memref<1024xi32, #tpu.memory_space<hbm>>
    %dma_wait3A_14 = tpu.memref_slice %arg4[%mul3A_0] : memref<16384xi32, #tpu.memory_space<hbm>> -> memref<1024xi32, #tpu.memory_space<hbm>>
    tpu.wait_dma2 semaphore(%arg25 : memref<!tpu.dma_semaphore, #tpu.memory_space<semaphore_mem>>) src(%dma_wait3A_14 : memref<1024xi32, #tpu.memory_space<hbm>>) dst(%arg15 : memref<1024xi32, #tpu.memory_space<vmem>>)
    %dma_wait3A_15 = tpu.memref_slice %arg5[%mul3A_0] : memref<16384xf32, #tpu.memory_space<hbm>> -> memref<1024xf32, #tpu.memory_space<hbm>>
    %dma_wait3A_16 = tpu.memref_slice %arg5[%mul3A_0] : memref<16384xf32, #tpu.memory_space<hbm>> -> memref<1024xf32, #tpu.memory_space<hbm>>
    tpu.wait_dma2 semaphore(%arg25 : memref<!tpu.dma_semaphore, #tpu.memory_space<semaphore_mem>>) src(%dma_wait3A_16 : memref<1024xf32, #tpu.memory_space<hbm>>) dst(%arg16 : memref<1024xf32, #tpu.memory_space<vmem>>)
    %dma_wait3A_17 = tpu.memref_slice %arg6[%mul3A_0] : memref<16384xi32, #tpu.memory_space<hbm>> -> memref<1024xi32, #tpu.memory_space<hbm>>
    %dma_wait3A_18 = tpu.memref_slice %arg6[%mul3A_0] : memref<16384xi32, #tpu.memory_space<hbm>> -> memref<1024xi32, #tpu.memory_space<hbm>>
    tpu.wait_dma2 semaphore(%arg25 : memref<!tpu.dma_semaphore, #tpu.memory_space<semaphore_mem>>) src(%dma_wait3A_18 : memref<1024xi32, #tpu.memory_space<hbm>>) dst(%arg17 : memref<1024xi32, #tpu.memory_space<vmem>>)
    %broadcast_in_dim3A = arith.constant 0.000000e+00 : f32
    %broadcast_in_dim3A_19 = vector.broadcast %broadcast_in_dim3A : f32 to vector<16xf32>
    %get3A = arith.constant 0 : index
    %get3A_20 = tpu.vector_load %arg14[%get3A] {strides = array<i32>} : memref<1024xf32, #tpu.memory_space<vmem>>, vector<16xf32>,
    %get3A_21 = vector.shape_cast %get3A_20 : vector<16xf32> to vector<16xf32>
    %get3A_22 = arith.constant 0 : index
    %get3A_23 = tpu.vector_load %arg16[%get3A_22] {strides = array<i32>} : memref<1024xf32, #tpu.memory_space<vmem>>, vector<16xf32>,
    %get3A_24 = vector.shape_cast %get3A_23 : vector<16xf32> to vector<16xf32>
    %get3A_25 = arith.constant 0 : index
    %get3A_26 = tpu.vector_load %arg13[%get3A_25] {strides = array<i32>} : memref<1024xf32, #tpu.memory_space<vmem>>, vector<16xf32>,
    %get3A_27 = vector.shape_cast %get3A_26 : vector<16xf32> to vector<16xf32>
    %add3A = arith.addf %get3A_24, %get3A_27 : vector<16xf32>
    %get3A_28 = arith.constant 0 : index
    %get3A_29 = tpu.vector_load %arg17[%get3A_28] {strides = array<i32>} : memref<1024xi32, #tpu.memory_space<vmem>>, vector<16xi32>,
    %get3A_30 = vector.shape_cast %get3A_29 : vector<16xi32> to vector<16xi32>
    %add3A_31 = arith.constant 1 : i32
    %add3A_32 = vector.broadcast %add3A_31 : i32 to vector<16xi32>
    %add3A_33 = arith.addi %get3A_30, %add3A_32 : vector<16xi32>
    %get3A_34 = arith.constant 0 : index
    %get3A_35 = tpu.vector_load %arg15[%get3A_34] {strides = array<i32>} : memref<1024xi32, #tpu.memory_space<vmem>>, vector<16xi32>,
    %get3A_36 = vector.shape_cast %get3A_35 : vector<16xi32> to vector<16xi32>
    %add3A_37 = arith.addf %broadcast_in_dim3A_19, %get3A_21 : vector<16xf32>
    %mul3A_38 = arith.mulf %add3A, %get3A_21 : vector<16xf32>
    %add3A_39 = arith.addf %broadcast_in_dim3A_19, %mul3A_38 : vector<16xf32>
    %convert_element_type3A = arith.sitofp %add3A_33 : vector<16xi32> to vector<16xf32>
    %mul3A_40 = arith.mulf %convert_element_type3A, %get3A_21 : vector<16xf32>
    %add3A_41 = arith.addf %broadcast_in_dim3A_19, %mul3A_40 : vector<16xf32>
    %eq3A = arith.constant 0 : i32
    %eq3A_42 = vector.broadcast %eq3A : i32 to vector<16xi32>
    %eq3A_43 = arith.cmpi eq, %get3A_36, %eq3A_42 : vector<16xi32>
    %jit3A = arith.constant 0.000000e+00 : f32
    %broadcast_in_dim3A_44 = vector.broadcast %jit3A : f32 to vector<16xf32>
    %select_n3A = arith.select %eq3A_43, %get3A_21, %broadcast_in_dim3A_44 : vector<16xi1>, vector<16xf32>
    %add3A_45 = arith.addf %broadcast_in_dim3A_19, %select_n3A : vector<16xf32>
    %eq3A_46 = arith.constant 1 : i32
    %eq3A_47 = vector.broadcast %eq3A_46 : i32 to vector<16xi32>
    %eq3A_48 = arith.cmpi eq, %get3A_36, %eq3A_47 : vector<16xi32>
    %jit3A_49 = arith.constant 0.000000e+00 : f32
    %broadcast_in_dim3A_50 = vector.broadcast %jit3A_49 : f32 to vector<16xf32>
    %select_n3A_51 = arith.select %eq3A_48, %get3A_21, %broadcast_in_dim3A_50 : vector<16xi1>, vector<16xf32>
    %add3A_52 = arith.addf %broadcast_in_dim3A_19, %select_n3A_51 : vector<16xf32>
    %eq3A_53 = arith.constant 2 : i32
    %eq3A_54 = vector.broadcast %eq3A_53 : i32 to vector<16xi32>
    %eq3A_55 = arith.cmpi eq, %get3A_36, %eq3A_54 : vector<16xi32>
    %jit3A_56 = arith.constant 0.000000e+00 : f32
    %broadcast_in_dim3A_57 = vector.broadcast %jit3A_56 : f32 to vector<16xf32>
    %select_n3A_58 = arith.select %eq3A_55, %get3A_21, %broadcast_in_dim3A_57 : vector<16xi1>, vector<16xf32>
    %add3A_59 = arith.addf %broadcast_in_dim3A_19, %select_n3A_58 : vector<16xf32>
    %gt3A = arith.constant 0.000000e+00 : f32
    %gt3A_60 = vector.broadcast %gt3A : f32 to vector<16xf32>
    %gt3A_61 = arith.cmpf ogt, %get3A_21, %gt3A_60 : vector<16xf32>
    %jit3A_62 = arith.constant 0.000000e+00 : f32
    %broadcast_in_dim3A_63 = vector.broadcast %jit3A_62 : f32 to vector<16xf32>
    %select_n3A_64 = arith.select %gt3A_61, %broadcast_in_dim3A_63, %add3A : vector<16xi1>, vector<16xf32>
    %swap3A = arith.constant 0 : index
    %swap3A_65 = tpu.vector_load %arg18[%swap3A] {strides = array<i32>} : memref<1024xf32, #tpu.memory_space<vmem>>, vector<16xf32>,
    %swap3A_66 = vector.shape_cast %swap3A_65 : vector<16xf32> to vector<16xf32>
    %swap3A_67 = vector.shape_cast %select_n3A_64 : vector<16xf32> to vector<16xf32>
    tpu.vector_store %arg18[%swap3A], %swap3A_67 {strides = array<i32>} : memref<1024xf32, #tpu.memory_space<vmem>>, vector<16xf32>,
    %jit3A_68 = arith.constant 0 : i32
    %broadcast_in_dim3A_69 = vector.broadcast %jit3A_68 : i32 to vector<16xi32>
    %select_n3A_70 = arith.select %gt3A_61, %broadcast_in_dim3A_69, %add3A_33 : vector<16xi1>, vector<16xi32>
    %swap3A_71 = arith.constant 0 : index
    %swap3A_72 = tpu.vector_load %arg19[%swap3A_71] {strides = array<i32>} : memref<1024xi32, #tpu.memory_space<vmem>>, vector<16xi32>,
    %swap3A_73 = vector.shape_cast %swap3A_72 : vector<16xi32> to vector<16xi32>
    %swap3A_74 = vector.shape_cast %select_n3A_70 : vector<16xi32> to vector<16xi32>
    tpu.vector_store %arg19[%swap3A_71], %swap3A_74 {strides = array<i32>} : memref<1024xi32, #tpu.memory_space<vmem>>, vector<16xi32>,
    %get3A_75 = arith.constant 16 : index
    %get3A_76 = tpu.vector_load %arg14[%get3A_75] {strides = array<i32>} : memref<1024xf32, #tpu.memory_space<vmem>>, vector<16xf32>,
    %get3A_77 = vector.shape_cast %get3A_76 : vector<16xf32> to vector<16xf32>
    %get3A_78 = arith.constant 16 : index
    %get3A_79 = tpu.vector_load %arg16[%get3A_78] {strides = array<i32>} : memref<1024xf32, #tpu.memory_space<vmem>>, vector<16xf32>,
    %get3A_80 = vector.shape_cast %get3A_79 : vector<16xf32> to vector<16xf32>
    %get3A_81 = arith.constant 16 : index
    %get3A_82 = tpu.vector_load %arg13[%get3A_81] {strides = array<i32>} : memref<1024xf32, #tpu.memory_space<vmem>>, vector<16xf32>,
    %get3A_83 = vector.shape_cast %get3A_82 : vector<16xf32> to vector<16xf32>
    %add3A_84 = arith.addf %get3A_80, %get3A_83 : vector<16xf32>
    %get3A_85 = arith.constant 16 : index
    %get3A_86 = tpu.vector_load %arg17[%get3A_85] {strides = array<i32>} : memref<1024xi32, #tpu.memory_space<vmem>>, vector<16xi32>,
    %get3A_87 = vector.shape_cast %get3A_86 : vector<16xi32> to vector<16xi32>
    %add3A_88 = arith.constant 1 : i32
    %add3A_89 = vector.broadcast %add3A_88 : i32 to vector<16xi32>
    %add3A_90 = arith.addi %get3A_87, %add3A_89 : vector<16xi32>
    %get3A_91 = arith.constant 16 : index
    %get3A_92 = tpu.vector_load %arg15[%get3A_91] {strides = array<i32>} : memref<1024xi32, #tpu.memory_space<vmem>>, vector<16xi32>,
    %get3A_93 = vector.shape_cast %get3A_92 : vector<16xi32> to vector<16xi32>
    %add3A_94 = arith.addf %add3A_37, %get3A_77 : vector<16xf32>
    %mul3A_95 = arith.mulf %add3A_84, %get3A_77 : vector<16xf32>
    %add3A_96 = arith.addf %add3A_39, %mul3A_95 : vector<16xf32>
    %convert_element_type3A_97 = arith.sitofp %add3A_90 : vector<16xi32> to vector<16xf32>
    %mul3A_98 = arith.mulf %convert_element_type3A_97, %get3A_77 : vector<16xf32>
    %add3A_99 = arith.addf %add3A_41, %mul3A_98 : vector<16xf32>
    %eq3A_100 = arith.constant 0 : i32
    %eq3A_101 = vector.broadcast %eq3A_100 : i32 to vector<16xi32>
    %eq3A_102 = arith.cmpi eq, %get3A_93, %eq3A_101 : vector<16xi32>
    %jit3A_103 = arith.constant 0.000000e+00 : f32
    %broadcast_in_dim3A_104 = vector.broadcast %jit3A_103 : f32 to vector<16xf32>
    %select_n3A_105 = arith.select %eq3A_102, %get3A_77, %broadcast_in_dim3A_104 : vector<16xi1>, vector<16xf32>
    %add3A_106 = arith.addf %add3A_45, %select_n3A_105 : vector<16xf32>
    %eq3A_107 = arith.constant 1 : i32
    %eq3A_108 = vector.broadcast %eq3A_107 : i32 to vector<16xi32>
    %eq3A_109 = arith.cmpi eq, %get3A_93, %eq3A_108 : vector<16xi32>
    %jit3A_110 = arith.constant 0.000000e+00 : f32
    %broadcast_in_dim3A_111 = vector.broadcast %jit3A_110 : f32 to vector<16xf32>
    %select_n3A_112 = arith.select %eq3A_109, %get3A_77, %broadcast_in_dim3A_111 : vector<16xi1>, vector<16xf32>
    %add3A_113 = arith.addf %add3A_52, %select_n3A_112 : vector<16xf32>
    %eq3A_114 = arith.constant 2 : i32
    %eq3A_115 = vector.broadcast %eq3A_114 : i32 to vector<16xi32>
    %eq3A_116 = arith.cmpi eq, %get3A_93, %eq3A_115 : vector<16xi32>
    %jit3A_117 = arith.constant 0.000000e+00 : f32
    %broadcast_in_dim3A_118 = vector.broadcast %jit3A_117 : f32 to vector<16xf32>
    %select_n3A_119 = arith.select %eq3A_116, %get3A_77, %broadcast_in_dim3A_118 : vector<16xi1>, vector<16xf32>
    %add3A_120 = arith.addf %add3A_59, %select_n3A_119 : vector<16xf32>
    %gt3A_121 = arith.constant 0.000000e+00 : f32
    %gt3A_122 = vector.broadcast %gt3A_121 : f32 to vector<16xf32>
    %gt3A_123 = arith.cmpf ogt, %get3A_77, %gt3A_122 : vector<16xf32>
    %jit3A_124 = arith.constant 0.000000e+00 : f32
    %broadcast_in_dim3A_125 = vector.broadcast %jit3A_124 : f32 to vector<16xf32>
    %select_n3A_126 = arith.select %gt3A_123, %broadcast_in_dim3A_125, %add3A_84 : vector<16xi1>, vector<16xf32>
    %swap3A_127 = arith.constant 16 : index
    %swap3A_128 = tpu.vector_load %arg18[%swap3A_127] {strides = array<i32>} : memref<1024xf32, #tpu.memory_space<vmem>>, vector<16xf32>,
    %swap3A_129 = vector.shape_cast %swap3A_128 : vector<16xf32> to vector<16xf32>
    %swap3A_130 = vector.shape_cast %select_n3A_126 : vector<16xf32> to vector<16xf32>
    tpu.vector_store %arg18[%swap3A_127], %swap3A_130 {strides = array<i32>} : memref<1024xf32, #tpu.memory_space<vmem>>, vector<16xf32>,
    %jit3A_131 = arith.constant 0 : i32
    %broadcast_in_dim3A_132 = vector.broadcast %jit3A_131 : i32 to vector<16xi32>
    %select_n3A_133 = arith.select %gt3A_123, %broadcast_in_dim3A_132, %add3A_90 : vector<16xi1>, vector<16xi32>
    %swap3A_134 = arith.constant 16 : index
    %swap3A_135 = tpu.vector_load %arg19[%swap3A_134] {strides = array<i32>} : memref<1024xi32, #tpu.memory_space<vmem>>, vector<16xi32>,
    %swap3A_136 = vector.shape_cast %swap3A_135 : vector<16xi32> to vector<16xi32>
    %swap3A_137 = vector.shape_cast %select_n3A_133 : vector<16xi32> to vector<16xi32>
    tpu.vector_store %arg19[%swap3A_134], %swap3A_137 {strides = array<i32>} : memref<1024xi32, #tpu.memory_space<vmem>>, vector<16xi32>,
    %get3A_138 = arith.constant 32 : index
    %get3A_139 = tpu.vector_load %arg14[%get3A_138] {strides = array<i32>} : memref<1024xf32, #tpu.memory_space<vmem>>, vector<16xf32>,
    %get3A_140 = vector.shape_cast %get3A_139 : vector<16xf32> to vector<16xf32>
    %get3A_141 = arith.constant 32 : index
    %get3A_142 = tpu.vector_load %arg16[%get3A_141] {strides = array<i32>} : memref<1024xf32, #tpu.memory_space<vmem>>, vector<16xf32>,
    %get3A_143 = vector.shape_cast %get3A_142 : vector<16xf32> to vector<16xf32>
    %get3A_144 = arith.constant 32 : index
    %get3A_145 = tpu.vector_load %arg13[%get3A_144] {strides = array<i32>} : memref<1024xf32, #tpu.memory_space<vmem>>, vector<16xf32>,
    %get3A_146 = vector.shape_cast %get3A_145 : vector<16xf32> to vector<16xf32>
    %add3A_147 = arith.addf %get3A_143, %get3A_146 : vector<16xf32>
    %get3A_148 = arith.constant 32 : index
    %get3A_149 = tpu.vector_load %arg17[%get3A_148] {strides = array<i32>} : memref<1024xi32, #tpu.memory_space<vmem>>, vector<16xi32>,
    %get3A_150 = vector.shape_cast %get3A_149 : vector<16xi32> to vector<16xi32>
    %add3A_151 = arith.constant 1 : i32
    %add3A_152 = vector.broadcast %add3A_151 : i32 to vector<16xi32>
    %add3A_153 = arith.addi %get3A_150, %add3A_152 : vector<16xi32>
    %get3A_154 = arith.constant 32 : index
    %get3A_155 = tpu.vector_load %arg15[%get3A_154] {strides = array<i32>} : memref<1024xi32, #tpu.memory_space<vmem>>, vector<16xi32>,
    %get3A_156 = vector.shape_cast %get3A_155 : vector<16xi32> to vector<16xi32>
    %add3A_157 = arith.addf %add3A_94, %get3A_140 : vector<16xf32>
    %mul3A_158 = arith.mulf %add3A_147, %get3A_140 : vector<16xf32>
    %add3A_159 = arith.addf %add3A_96, %mul3A_158 : vector<16xf32>
    %convert_element_type3A_160 = arith.sitofp %add3A_153 : vector<16xi32> to vector<16xf32>
    %mul3A_161 = arith.mulf %convert_element_type3A_160, %get3A_140 : vector<16xf32>
    %add3A_162 = arith.addf %add3A_99, %mul3A_161 : vector<16xf32>
    %eq3A_163 = arith.constant 0 : i32
    %eq3A_164 = vector.broadcast %eq3A_163 : i32 to vector<16xi32>
    %eq3A_165 = arith.cmpi eq, %get3A_156, %eq3A_164 : vector<16xi32>
    %jit3A_166 = arith.constant 0.000000e+00 : f32
    %broadcast_in_dim3A_167 = vector.broadcast %jit3A_166 : f32 to vector<16xf32>
    %select_n3A_168 = arith.select %eq3A_165, %get3A_140, %broadcast_in_dim3A_167 : vector<16xi1>, vector<16xf32>
    %add3A_169 = arith.addf %add3A_106, %select_n3A_168 : vector<16xf32>
    %eq3A_170 = arith.constant 1 : i32
    %eq3A_171 = vector.broadcast %eq3A_170 : i32 to vector<16xi32>
    %eq3A_172 = arith.cmpi eq, %get3A_156, %eq3A_171 : vector<16xi32>
    %jit3A_173 = arith.constant 0.000000e+00 : f32
    %broadcast_in_dim3A_174 = vector.broadcast %jit3A_173 : f32 to vector<16xf32>
    %select_n3A_175 = arith.select %eq3A_172, %get3A_140, %broadcast_in_dim3A_174 : vector<16xi1>, vector<16xf32>
    %add3A_176 = arith.addf %add3A_113, %select_n3A_175 : vector<16xf32>
    %eq3A_177 = arith.constant 2 : i32
    %eq3A_178 = vector.broadcast %eq3A_177 : i32 to vector<16xi32>
    %eq3A_179 = arith.cmpi eq, %get3A_156, %eq3A_178 : vector<16xi32>
    %jit3A_180 = arith.constant 0.000000e+00 : f32
    %broadcast_in_dim3A_181 = vector.broadcast %jit3A_180 : f32 to vector<16xf32>
    %select_n3A_182 = arith.select %eq3A_179, %get3A_140, %broadcast_in_dim3A_181 : vector<16xi1>, vector<16xf32>
    %add3A_183 = arith.addf %add3A_120, %select_n3A_182 : vector<16xf32>
    %gt3A_184 = arith.constant 0.000000e+00 : f32
    %gt3A_185 = vector.broadcast %gt3A_184 : f32 to vector<16xf32>
    %gt3A_186 = arith.cmpf ogt, %get3A_140, %gt3A_185 : vector<16xf32>
    %jit3A_187 = arith.constant 0.000000e+00 : f32
    %broadcast_in_dim3A_188 = vector.broadcast %jit3A_187 : f32 to vector<16xf32>
    %select_n3A_189 = arith.select %gt3A_186, %broadcast_in_dim3A_188, %add3A_147 : vector<16xi1>, vector<16xf32>
    %swap3A_190 = arith.constant 32 : index
    %swap3A_191 = tpu.vector_load %arg18[%swap3A_190] {strides = array<i32>} : memref<1024xf32, #tpu.memory_space<vmem>>, vector<16xf32>,
    %swap3A_192 = vector.shape_cast %swap3A_191 : vector<16xf32> to vector<16xf32>
    %swap3A_193 = vector.shape_cast %select_n3A_189 : vector<16xf32> to vector<16xf32>
    tpu.vector_store %arg18[%swap3A_190], %swap3A_193 {strides = array<i32>} : memref<1024xf32, #tpu.memory_space<vmem>>, vector<16xf32>,
    %jit3A_194 = arith.constant 0 : i32
    %broadcast_in_dim3A_195 = vector.broadcast %jit3A_194 : i32 to vector<16xi32>
    %select_n3A_196 = arith.select %gt3A_186, %broadcast_in_dim3A_195, %add3A_153 : vector<16xi1>, vector<16xi32>
    %swap3A_197 = arith.constant 32 : index
    %swap3A_198 = tpu.vector_load %arg19[%swap3A_197] {strides = array<i32>} : memref<1024xi32, #tpu.memory_space<vmem>>, vector<16xi32>,
    %swap3A_199 = vector.shape_cast %swap3A_198 : vector<16xi32> to vector<16xi32>
    %swap3A_200 = vector.shape_cast %select_n3A_196 : vector<16xi32> to vector<16xi32>
    tpu.vector_store %arg19[%swap3A_197], %swap3A_200 {strides = array<i32>} : memref<1024xi32, #tpu.memory_space<vmem>>, vector<16xi32>,
    %get3A_201 = arith.constant 48 : index
    %get3A_202 = tpu.vector_load %arg14[%get3A_201] {strides = array<i32>} : memref<1024xf32, #tpu.memory_space<vmem>>, vector<16xf32>,
    %get3A_203 = vector.shape_cast %get3A_202 : vector<16xf32> to vector<16xf32>
    %get3A_204 = arith.constant 48 : index
    %get3A_205 = tpu.vector_load %arg16[%get3A_204] {strides = array<i32>} : memref<1024xf32, #tpu.memory_space<vmem>>, vector<16xf32>,
    %get3A_206 = vector.shape_cast %get3A_205 : vector<16xf32> to vector<16xf32>
    %get3A_207 = arith.constant 48 : index
    %get3A_208 = tpu.vector_load %arg13[%get3A_207] {strides = array<i32>} : memref<1024xf32, #tpu.memory_space<vmem>>, vector<16xf32>,
    %get3A_209 = vector.shape_cast %get3A_208 : vector<16xf32> to vector<16xf32>
    %add3A_210 = arith.addf %get3A_206, %get3A_209 : vector<16xf32>
    %get3A_211 = arith.constant 48 : index
    %get3A_212 = tpu.vector_load %arg17[%get3A_211] {strides = array<i32>} : memref<1024xi32, #tpu.memory_space<vmem>>, vector<16xi32>,
    %get3A_213 = vector.shape_cast %get3A_212 : vector<16xi32> to vector<16xi32>
    %add3A_214 = arith.constant 1 : i32
    %add3A_215 = vector.broadcast %add3A_214 : i32 to vector<16xi32>
    %add3A_216 = arith.addi %get3A_213, %add3A_215 : vector<16xi32>
    %get3A_217 = arith.constant 48 : index
    %get3A_218 = tpu.vector_load %arg15[%get3A_217] {strides = array<i32>} : memref<1024xi32, #tpu.memory_space<vmem>>, vector<16xi32>,
    %get3A_219 = vector.shape_cast %get3A_218 : vector<16xi32> to vector<16xi32>
    %add3A_220 = arith.addf %add3A_157, %get3A_203 : vector<16xf32>
    %mul3A_221 = arith.mulf %add3A_210, %get3A_203 : vector<16xf32>
    %add3A_222 = arith.addf %add3A_159, %mul3A_221 : vector<16xf32>
    %convert_element_type3A_223 = arith.sitofp %add3A_216 : vector<16xi32> to vector<16xf32>
    %mul3A_224 = arith.mulf %convert_element_type3A_223, %get3A_203 : vector<16xf32>
    %add3A_225 = arith.addf %add3A_162, %mul3A_224 : vector<16xf32>
    %eq3A_226 = arith.constant 0 : i32
    %eq3A_227 = vector.broadcast %eq3A_226 : i32 to vector<16xi32>
    %eq3A_228 = arith.cmpi eq, %get3A_219, %eq3A_227 : vector<16xi32>
    %jit3A_229 = arith.constant 0.000000e+00 : f32
    %broadcast_in_dim3A_230 = vector.broadcast %jit3A_229 : f32 to vector<16xf32>
    %select_n3A_231 = arith.select %eq3A_228, %get3A_203, %broadcast_in_dim3A_230 : vector<16xi1>, vector<16xf32>
    %add3A_232 = arith.addf %add3A_169, %select_n3A_231 : vector<16xf32>
    %eq3A_233 = arith.constant 1 : i32
    %eq3A_234 = vector.broadcast %eq3A_233 : i32 to vector<16xi32>
    %eq3A_235 = arith.cmpi eq, %get3A_219, %eq3A_234 : vector<16xi32>
    %jit3A_236 = arith.constant 0.000000e+00 : f32
    %broadcast_in_dim3A_237 = vector.broadcast %jit3A_236 : f32 to vector<16xf32>
    %select_n3A_238 = arith.select %eq3A_235, %get3A_203, %broadcast_in_dim3A_237 : vector<16xi1>, vector<16xf32>
    %add3A_239 = arith.addf %add3A_176, %select_n3A_238 : vector<16xf32>
    %eq3A_240 = arith.constant 2 : i32
    %eq3A_241 = vector.broadcast %eq3A_240 : i32 to vector<16xi32>
    %eq3A_242 = arith.cmpi eq, %get3A_219, %eq3A_241 : vector<16xi32>
    %jit3A_243 = arith.constant 0.000000e+00 : f32
    %broadcast_in_dim3A_244 = vector.broadcast %jit3A_243 : f32 to vector<16xf32>
    %select_n3A_245 = arith.select %eq3A_242, %get3A_203, %broadcast_in_dim3A_244 : vector<16xi1>, vector<16xf32>
    %add3A_246 = arith.addf %add3A_183, %select_n3A_245 : vector<16xf32>
    %gt3A_247 = arith.constant 0.000000e+00 : f32
    %gt3A_248 = vector.broadcast %gt3A_247 : f32 to vector<16xf32>
    %gt3A_249 = arith.cmpf ogt, %get3A_203, %gt3A_248 : vector<16xf32>
    %jit3A_250 = arith.constant 0.000000e+00 : f32
    %broadcast_in_dim3A_251 = vector.broadcast %jit3A_250 : f32 to vector<16xf32>
    %select_n3A_252 = arith.select %gt3A_249, %broadcast_in_dim3A_251, %add3A_210 : vector<16xi1>, vector<16xf32>
    %swap3A_253 = arith.constant 48 : index
    %swap3A_254 = tpu.vector_load %arg18[%swap3A_253] {strides = array<i32>} : memref<1024xf32, #tpu.memory_space<vmem>>, vector<16xf32>,
    %swap3A_255 = vector.shape_cast %swap3A_254 : vector<16xf32> to vector<16xf32>
    %swap3A_256 = vector.shape_cast %select_n3A_252 : vector<16xf32> to vector<16xf32>
    tpu.vector_store %arg18[%swap3A_253], %swap3A_256 {strides = array<i32>} : memref<1024xf32, #tpu.memory_space<vmem>>, vector<16xf32>,
    %jit3A_257 = arith.constant 0 : i32
    %broadcast_in_dim3A_258 = vector.broadcast %jit3A_257 : i32 to vector<16xi32>
    %select_n3A_259 = arith.select %gt3A_249, %broadcast_in_dim3A_258, %add3A_216 : vector<16xi1>, vector<16xi32>
    %swap3A_260 = arith.constant 48 : index
    %swap3A_261 = tpu.vector_load %arg19[%swap3A_260] {strides = array<i32>} : memref<1024xi32, #tpu.memory_space<vmem>>, vector<16xi32>,
    %swap3A_262 = vector.shape_cast %swap3A_261 : vector<16xi32> to vector<16xi32>
    %swap3A_263 = vector.shape_cast %select_n3A_259 : vector<16xi32> to vector<16xi32>
    tpu.vector_store %arg19[%swap3A_260], %swap3A_263 {strides = array<i32>} : memref<1024xi32, #tpu.memory_space<vmem>>, vector<16xi32>,
    %get3A_264 = arith.constant 64 : index
    %get3A_265 = tpu.vector_load %arg14[%get3A_264] {strides = array<i32>} : memref<1024xf32, #tpu.memory_space<vmem>>, vector<16xf32>,
    %get3A_266 = vector.shape_cast %get3A_265 : vector<16xf32> to vector<16xf32>
    %get3A_267 = arith.constant 64 : index
    %get3A_268 = tpu.vector_load %arg16[%get3A_267] {strides = array<i32>} : memref<1024xf32, #tpu.memory_space<vmem>>, vector<16xf32>,
    %get3A_269 = vector.shape_cast %get3A_268 : vector<16xf32> to vector<16xf32>
    %get3A_270 = arith.constant 64 : index
    %get3A_271 = tpu.vector_load %arg13[%get3A_270] {strides = array<i32>} : memref<1024xf32, #tpu.memory_space<vmem>>, vector<16xf32>,
    %get3A_272 = vector.shape_cast %get3A_271 : vector<16xf32> to vector<16xf32>
    %add3A_273 = arith.addf %get3A_269, %get3A_272 : vector<16xf32>
    %get3A_274 = arith.constant 64 : index
    %get3A_275 = tpu.vector_load %arg17[%get3A_274] {strides = array<i32>} : memref<1024xi32, #tpu.memory_space<vmem>>, vector<16xi32>,
    %get3A_276 = vector.shape_cast %get3A_275 : vector<16xi32> to vector<16xi32>
    %add3A_277 = arith.constant 1 : i32
    %add3A_278 = vector.broadcast %add3A_277 : i32 to vector<16xi32>
    %add3A_279 = arith.addi %get3A_276, %add3A_278 : vector<16xi32>
    %get3A_280 = arith.constant 64 : index
    %get3A_281 = tpu.vector_load %arg15[%get3A_280] {strides = array<i32>} : memref<1024xi32, #tpu.memory_space<vmem>>, vector<16xi32>,
    %get3A_282 = vector.shape_cast %get3A_281 : vector<16xi32> to vector<16xi32>
    %add3A_283 = arith.addf %add3A_220, %get3A_266 : vector<16xf32>
    %mul3A_284 = arith.mulf %add3A_273, %get3A_266 : vector<16xf32>
    %add3A_285 = arith.addf %add3A_222, %mul3A_284 : vector<16xf32>
    %convert_element_type3A_286 = arith.sitofp %add3A_279 : vector<16xi32> to vector<16xf32>
    %mul3A_287 = arith.mulf %convert_element_type3A_286, %get3A_266 : vector<16xf32>
    %add3A_288 = arith.addf %add3A_225, %mul3A_287 : vector<16xf32>
    %eq3A_289 = arith.constant 0 : i32
    %eq3A_290 = vector.broadcast %eq3A_289 : i32 to vector<16xi32>
    %eq3A_291 = arith.cmpi eq, %get3A_282, %eq3A_290 : vector<16xi32>
    %jit3A_292 = arith.constant 0.000000e+00 : f32
    %broadcast_in_dim3A_293 = vector.broadcast %jit3A_292 : f32 to vector<16xf32>
    %select_n3A_294 = arith.select %eq3A_291, %get3A_266, %broadcast_in_dim3A_293 : vector<16xi1>, vector<16xf32>
    %add3A_295 = arith.addf %add3A_232, %select_n3A_294 : vector<16xf32>
    %eq3A_296 = arith.constant 1 : i32
    %eq3A_297 = vector.broadcast %eq3A_296 : i32 to vector<16xi32>
    %eq3A_298 = arith.cmpi eq, %get3A_282, %eq3A_297 : vector<16xi32>
    %jit3A_299 = arith.constant 0.000000e+00 : f32
    %broadcast_in_dim3A_300 = vector.broadcast %jit3A_299 : f32 to vector<16xf32>
    %select_n3A_301 = arith.select %eq3A_298, %get3A_266, %broadcast_in_dim3A_300 : vector<16xi1>, vector<16xf32>
    %add3A_302 = arith.addf %add3A_239, %select_n3A_301 : vector<16xf32>
    %eq3A_303 = arith.constant 2 : i32
    %eq3A_304 = vector.broadcast %eq3A_303 : i32 to vector<16xi32>
    %eq3A_305 = arith.cmpi eq, %get3A_282, %eq3A_304 : vector<16xi32>
    %jit3A_306 = arith.constant 0.000000e+00 : f32
    %broadcast_in_dim3A_307 = vector.broadcast %jit3A_306 : f32 to vector<16xf32>
    %select_n3A_308 = arith.select %eq3A_305, %get3A_266, %broadcast_in_dim3A_307 : vector<16xi1>, vector<16xf32>
    %add3A_309 = arith.addf %add3A_246, %select_n3A_308 : vector<16xf32>
    %gt3A_310 = arith.constant 0.000000e+00 : f32
    %gt3A_311 = vector.broadcast %gt3A_310 : f32 to vector<16xf32>
    %gt3A_312 = arith.cmpf ogt, %get3A_266, %gt3A_311 : vector<16xf32>
    %jit3A_313 = arith.constant 0.000000e+00 : f32
    %broadcast_in_dim3A_314 = vector.broadcast %jit3A_313 : f32 to vector<16xf32>
    %select_n3A_315 = arith.select %gt3A_312, %broadcast_in_dim3A_314, %add3A_273 : vector<16xi1>, vector<16xf32>
    %swap3A_316 = arith.constant 64 : index
    %swap3A_317 = tpu.vector_load %arg18[%swap3A_316] {strides = array<i32>} : memref<1024xf32, #tpu.memory_space<vmem>>, vector<16xf32>,
    %swap3A_318 = vector.shape_cast %swap3A_317 : vector<16xf32> to vector<16xf32>
    %swap3A_319 = vector.shape_cast %select_n3A_315 : vector<16xf32> to vector<16xf32>
    tpu.vector_store %arg18[%swap3A_316], %swap3A_319 {strides = array<i32>} : memref<1024xf32, #tpu.memory_space<vmem>>, vector<16xf32>,
    %jit3A_320 = arith.constant 0 : i32
    %broadcast_in_dim3A_321 = vector.broadcast %jit3A_320 : i32 to vector<16xi32>
    %select_n3A_322 = arith.select %gt3A_312, %broadcast_in_dim3A_321, %add3A_279 : vector<16xi1>, vector<16xi32>
    %swap3A_323 = arith.constant 64 : index
    %swap3A_324 = tpu.vector_load %arg19[%swap3A_323] {strides = array<i32>} : memref<1024xi32, #tpu.memory_space<vmem>>, vector<16xi32>,
    %swap3A_325 = vector.shape_cast %swap3A_324 : vector<16xi32> to vector<16xi32>
    %swap3A_326 = vector.shape_cast %select_n3A_322 : vector<16xi32> to vector<16xi32>
    tpu.vector_store %arg19[%swap3A_323], %swap3A_326 {strides = array<i32>} : memref<1024xi32, #tpu.memory_space<vmem>>, vector<16xi32>,
    %get3A_327 = arith.constant 80 : index
    %get3A_328 = tpu.vector_load %arg14[%get3A_327] {strides = array<i32>} : memref<1024xf32, #tpu.memory_space<vmem>>, vector<16xf32>,
    %get3A_329 = vector.shape_cast %get3A_328 : vector<16xf32> to vector<16xf32>
    %get3A_330 = arith.constant 80 : index
    %get3A_331 = tpu.vector_load %arg16[%get3A_330] {strides = array<i32>} : memref<1024xf32, #tpu.memory_space<vmem>>, vector<16xf32>,
    %get3A_332 = vector.shape_cast %get3A_331 : vector<16xf32> to vector<16xf32>
    %get3A_333 = arith.constant 80 : index
    %get3A_334 = tpu.vector_load %arg13[%get3A_333] {strides = array<i32>} : memref<1024xf32, #tpu.memory_space<vmem>>, vector<16xf32>,
    %get3A_335 = vector.shape_cast %get3A_334 : vector<16xf32> to vector<16xf32>
    %add3A_336 = arith.addf %get3A_332, %get3A_335 : vector<16xf32>
    %get3A_337 = arith.constant 80 : index
    %get3A_338 = tpu.vector_load %arg17[%get3A_337] {strides = array<i32>} : memref<1024xi32, #tpu.memory_space<vmem>>, vector<16xi32>,
    %get3A_339 = vector.shape_cast %get3A_338 : vector<16xi32> to vector<16xi32>
    %add3A_340 = arith.constant 1 : i32
    %add3A_341 = vector.broadcast %add3A_340 : i32 to vector<16xi32>
    %add3A_342 = arith.addi %get3A_339, %add3A_341 : vector<16xi32>
    %get3A_343 = arith.constant 80 : index
    %get3A_344 = tpu.vector_load %arg15[%get3A_343] {strides = array<i32>} : memref<1024xi32, #tpu.memory_space<vmem>>, vector<16xi32>,
    %get3A_345 = vector.shape_cast %get3A_344 : vector<16xi32> to vector<16xi32>
    %add3A_346 = arith.addf %add3A_283, %get3A_329 : vector<16xf32>
    %mul3A_347 = arith.mulf %add3A_336, %get3A_329 : vector<16xf32>
    %add3A_348 = arith.addf %add3A_285, %mul3A_347 : vector<16xf32>
    %convert_element_type3A_349 = arith.sitofp %add3A_342 : vector<16xi32> to vector<16xf32>
    %mul3A_350 = arith.mulf %convert_element_type3A_349, %get3A_329 : vector<16xf32>
    %add3A_351 = arith.addf %add3A_288, %mul3A_350 : vector<16xf32>
    %eq3A_352 = arith.constant 0 : i32
    %eq3A_353 = vector.broadcast %eq3A_352 : i32 to vector<16xi32>
    %eq3A_354 = arith.cmpi eq, %get3A_345, %eq3A_353 : vector<16xi32>
    %jit3A_355 = arith.constant 0.000000e+00 : f32
    %broadcast_in_dim3A_356 = vector.broadcast %jit3A_355 : f32 to vector<16xf32>
    %select_n3A_357 = arith.select %eq3A_354, %get3A_329, %broadcast_in_dim3A_356 : vector<16xi1>, vector<16xf32>
    %add3A_358 = arith.addf %add3A_295, %select_n3A_357 : vector<16xf32>
    %eq3A_359 = arith.constant 1 : i32
    %eq3A_360 = vector.broadcast %eq3A_359 : i32 to vector<16xi32>
    %eq3A_361 = arith.cmpi eq, %get3A_345, %eq3A_360 : vector<16xi32>
    %jit3A_362 = arith.constant 0.000000e+00 : f32
    %broadcast_in_dim3A_363 = vector.broadcast %jit3A_362 : f32 to vector<16xf32>
    %select_n3A_364 = arith.select %eq3A_361, %get3A_329, %broadcast_in_dim3A_363 : vector<16xi1>, vector<16xf32>
    %add3A_365 = arith.addf %add3A_302, %select_n3A_364 : vector<16xf32>
    %eq3A_366 = arith.constant 2 : i32
    %eq3A_367 = vector.broadcast %eq3A_366 : i32 to vector<16xi32>
    %eq3A_368 = arith.cmpi eq, %get3A_345, %eq3A_367 : vector<16xi32>
    %jit3A_369 = arith.constant 0.000000e+00 : f32
    %broadcast_in_dim3A_370 = vector.broadcast %jit3A_369 : f32 to vector<16xf32>
    %select_n3A_371 = arith.select %eq3A_368, %get3A_329, %broadcast_in_dim3A_370 : vector<16xi1>, vector<16xf32>
    %add3A_372 = arith.addf %add3A_309, %select_n3A_371 : vector<16xf32>
    %gt3A_373 = arith.constant 0.000000e+00 : f32
    %gt3A_374 = vector.broadcast %gt3A_373 : f32 to vector<16xf32>
    %gt3A_375 = arith.cmpf ogt, %get3A_329, %gt3A_374 : vector<16xf32>
    %jit3A_376 = arith.constant 0.000000e+00 : f32
    %broadcast_in_dim3A_377 = vector.broadcast %jit3A_376 : f32 to vector<16xf32>
    %select_n3A_378 = arith.select %gt3A_375, %broadcast_in_dim3A_377, %add3A_336 : vector<16xi1>, vector<16xf32>
    %swap3A_379 = arith.constant 80 : index
    %swap3A_380 = tpu.vector_load %arg18[%swap3A_379] {strides = array<i32>} : memref<1024xf32, #tpu.memory_space<vmem>>, vector<16xf32>,
    %swap3A_381 = vector.shape_cast %swap3A_380 : vector<16xf32> to vector<16xf32>
    %swap3A_382 = vector.shape_cast %select_n3A_378 : vector<16xf32> to vector<16xf32>
    tpu.vector_store %arg18[%swap3A_379], %swap3A_382 {strides = array<i32>} : memref<1024xf32, #tpu.memory_space<vmem>>, vector<16xf32>,
    %jit3A_383 = arith.constant 0 : i32
    %broadcast_in_dim3A_384 = vector.broadcast %jit3A_383 : i32 to vector<16xi32>
    %select_n3A_385 = arith.select %gt3A_375, %broadcast_in_dim3A_384, %add3A_342 : vector<16xi1>, vector<16xi32>
    %swap3A_386 = arith.constant 80 : index
    %swap3A_387 = tpu.vector_load %arg19[%swap3A_386] {strides = array<i32>} : memref<1024xi32, #tpu.memory_space<vmem>>, vector<16xi32>,
    %swap3A_388 = vector.shape_cast %swap3A_387 : vector<16xi32> to vector<16xi32>
    %swap3A_389 = vector.shape_cast %select_n3A_385 : vector<16xi32> to vector<16xi32>
    tpu.vector_store %arg19[%swap3A_386], %swap3A_389 {strides = array<i32>} : memref<1024xi32, #tpu.memory_space<vmem>>, vector<16xi32>,
    %get3A_390 = arith.constant 96 : index
    %get3A_391 = tpu.vector_load %arg14[%get3A_390] {strides = array<i32>} : memref<1024xf32, #tpu.memory_space<vmem>>, vector<16xf32>,
    %get3A_392 = vector.shape_cast %get3A_391 : vector<16xf32> to vector<16xf32>
    %get3A_393 = arith.constant 96 : index
    %get3A_394 = tpu.vector_load %arg16[%get3A_393] {strides = array<i32>} : memref<1024xf32, #tpu.memory_space<vmem>>, vector<16xf32>,
    %get3A_395 = vector.shape_cast %get3A_394 : vector<16xf32> to vector<16xf32>
    %get3A_396 = arith.constant 96 : index
    %get3A_397 = tpu.vector_load %arg13[%get3A_396] {strides = array<i32>} : memref<1024xf32, #tpu.memory_space<vmem>>, vector<16xf32>,
    %get3A_398 = vector.shape_cast %get3A_397 : vector<16xf32> to vector<16xf32>
    %add3A_399 = arith.addf %get3A_395, %get3A_398 : vector<16xf32>
    %get3A_400 = arith.constant 96 : index
    %get3A_401 = tpu.vector_load %arg17[%get3A_400] {strides = array<i32>} : memref<1024xi32, #tpu.memory_space<vmem>>, vector<16xi32>,
    %get3A_402 = vector.shape_cast %get3A_401 : vector<16xi32> to vector<16xi32>
    %add3A_403 = arith.constant 1 : i32
    %add3A_404 = vector.broadcast %add3A_403 : i32 to vector<16xi32>
    %add3A_405 = arith.addi %get3A_402, %add3A_404 : vector<16xi32>
    %get3A_406 = arith.constant 96 : index
    %get3A_407 = tpu.vector_load %arg15[%get3A_406] {strides = array<i32>} : memref<1024xi32, #tpu.memory_space<vmem>>, vector<16xi32>,
    %get3A_408 = vector.shape_cast %get3A_407 : vector<16xi32> to vector<16xi32>
    %add3A_409 = arith.addf %add3A_346, %get3A_392 : vector<16xf32>
    %mul3A_410 = arith.mulf %add3A_399, %get3A_392 : vector<16xf32>
    %add3A_411 = arith.addf %add3A_348, %mul3A_410 : vector<16xf32>
    %convert_element_type3A_412 = arith.sitofp %add3A_405 : vector<16xi32> to vector<16xf32>
    %mul3A_413 = arith.mulf %convert_element_type3A_412, %get3A_392 : vector<16xf32>
    %add3A_414 = arith.addf %add3A_351, %mul3A_413 : vector<16xf32>
    %eq3A_415 = arith.constant 0 : i32
    %eq3A_416 = vector.broadcast %eq3A_415 : i32 to vector<16xi32>
    %eq3A_417 = arith.cmpi eq, %get3A_408, %eq3A_416 : vector<16xi32>
    %jit3A_418 = arith.constant 0.000000e+00 : f32
    %broadcast_in_dim3A_419 = vector.broadcast %jit3A_418 : f32 to vector<16xf32>
    %select_n3A_420 = arith.select %eq3A_417, %get3A_392, %broadcast_in_dim3A_419 : vector<16xi1>, vector<16xf32>
    %add3A_421 = arith.addf %add3A_358, %select_n3A_420 : vector<16xf32>
    %eq3A_422 = arith.constant 1 : i32
    %eq3A_423 = vector.broadcast %eq3A_422 : i32 to vector<16xi32>
    %eq3A_424 = arith.cmpi eq, %get3A_408, %eq3A_423 : vector<16xi32>
    %jit3A_425 = arith.constant 0.000000e+00 : f32
    %broadcast_in_dim3A_426 = vector.broadcast %jit3A_425 : f32 to vector<16xf32>
    %select_n3A_427 = arith.select %eq3A_424, %get3A_392, %broadcast_in_dim3A_426 : vector<16xi1>, vector<16xf32>
    %add3A_428 = arith.addf %add3A_365, %select_n3A_427 : vector<16xf32>
    %eq3A_429 = arith.constant 2 : i32
    %eq3A_430 = vector.broadcast %eq3A_429 : i32 to vector<16xi32>
    %eq3A_431 = arith.cmpi eq, %get3A_408, %eq3A_430 : vector<16xi32>
    %jit3A_432 = arith.constant 0.000000e+00 : f32
    %broadcast_in_dim3A_433 = vector.broadcast %jit3A_432 : f32 to vector<16xf32>
    %select_n3A_434 = arith.select %eq3A_431, %get3A_392, %broadcast_in_dim3A_433 : vector<16xi1>, vector<16xf32>
    %add3A_435 = arith.addf %add3A_372, %select_n3A_434 : vector<16xf32>
    %gt3A_436 = arith.constant 0.000000e+00 : f32
    %gt3A_437 = vector.broadcast %gt3A_436 : f32 to vector<16xf32>
    %gt3A_438 = arith.cmpf ogt, %get3A_392, %gt3A_437 : vector<16xf32>
    %jit3A_439 = arith.constant 0.000000e+00 : f32
    %broadcast_in_dim3A_440 = vector.broadcast %jit3A_439 : f32 to vector<16xf32>
    %select_n3A_441 = arith.select %gt3A_438, %broadcast_in_dim3A_440, %add3A_399 : vector<16xi1>, vector<16xf32>
    %swap3A_442 = arith.constant 96 : index
    %swap3A_443 = tpu.vector_load %arg18[%swap3A_442] {strides = array<i32>} : memref<1024xf32, #tpu.memory_space<vmem>>, vector<16xf32>,
    %swap3A_444 = vector.shape_cast %swap3A_443 : vector<16xf32> to vector<16xf32>
    %swap3A_445 = vector.shape_cast %select_n3A_441 : vector<16xf32> to vector<16xf32>
    tpu.vector_store %arg18[%swap3A_442], %swap3A_445 {strides = array<i32>} : memref<1024xf32, #tpu.memory_space<vmem>>, vector<16xf32>,
    %jit3A_446 = arith.constant 0 : i32
    %broadcast_in_dim3A_447 = vector.broadcast %jit3A_446 : i32 to vector<16xi32>
    %select_n3A_448 = arith.select %gt3A_438, %broadcast_in_dim3A_447, %add3A_405 : vector<16xi1>, vector<16xi32>
    %swap3A_449 = arith.constant 96 : index
    %swap3A_450 = tpu.vector_load %arg19[%swap3A_449] {strides = array<i32>} : memref<1024xi32, #tpu.memory_space<vmem>>, vector<16xi32>,
    %swap3A_451 = vector.shape_cast %swap3A_450 : vector<16xi32> to vector<16xi32>
    %swap3A_452 = vector.shape_cast %select_n3A_448 : vector<16xi32> to vector<16xi32>
    tpu.vector_store %arg19[%swap3A_449], %swap3A_452 {strides = array<i32>} : memref<1024xi32, #tpu.memory_space<vmem>>, vector<16xi32>,
    %get3A_453 = arith.constant 112 : index
    %get3A_454 = tpu.vector_load %arg14[%get3A_453] {strides = array<i32>} : memref<1024xf32, #tpu.memory_space<vmem>>, vector<16xf32>,
    %get3A_455 = vector.shape_cast %get3A_454 : vector<16xf32> to vector<16xf32>
    %get3A_456 = arith.constant 112 : index
    %get3A_457 = tpu.vector_load %arg16[%get3A_456] {strides = array<i32>} : memref<1024xf32, #tpu.memory_space<vmem>>, vector<16xf32>,
    %get3A_458 = vector.shape_cast %get3A_457 : vector<16xf32> to vector<16xf32>
    %get3A_459 = arith.constant 112 : index
    %get3A_460 = tpu.vector_load %arg13[%get3A_459] {strides = array<i32>} : memref<1024xf32, #tpu.memory_space<vmem>>, vector<16xf32>,
    %get3A_461 = vector.shape_cast %get3A_460 : vector<16xf32> to vector<16xf32>
    %add3A_462 = arith.addf %get3A_458, %get3A_461 : vector<16xf32>
    %get3A_463 = arith.constant 112 : index
    %get3A_464 = tpu.vector_load %arg17[%get3A_463] {strides = array<i32>} : memref<1024xi32, #tpu.memory_space<vmem>>, vector<16xi32>,
    %get3A_465 = vector.shape_cast %get3A_464 : vector<16xi32> to vector<16xi32>
    %add3A_466 = arith.constant 1 : i32
    %add3A_467 = vector.broadcast %add3A_466 : i32 to vector<16xi32>
    %add3A_468 = arith.addi %get3A_465, %add3A_467 : vector<16xi32>
    %get3A_469 = arith.constant 112 : index
    %get3A_470 = tpu.vector_load %arg15[%get3A_469] {strides = array<i32>} : memref<1024xi32, #tpu.memory_space<vmem>>, vector<16xi32>,
    %get3A_471 = vector.shape_cast %get3A_470 : vector<16xi32> to vector<16xi32>
    %add3A_472 = arith.addf %add3A_409, %get3A_455 : vector<16xf32>
    %mul3A_473 = arith.mulf %add3A_462, %get3A_455 : vector<16xf32>
    %add3A_474 = arith.addf %add3A_411, %mul3A_473 : vector<16xf32>
    %convert_element_type3A_475 = arith.sitofp %add3A_468 : vector<16xi32> to vector<16xf32>
    %mul3A_476 = arith.mulf %convert_element_type3A_475, %get3A_455 : vector<16xf32>
    %add3A_477 = arith.addf %add3A_414, %mul3A_476 : vector<16xf32>
    %eq3A_478 = arith.constant 0 : i32
    %eq3A_479 = vector.broadcast %eq3A_478 : i32 to vector<16xi32>
    %eq3A_480 = arith.cmpi eq, %get3A_471, %eq3A_479 : vector<16xi32>
    %jit3A_481 = arith.constant 0.000000e+00 : f32
    %broadcast_in_dim3A_482 = vector.broadcast %jit3A_481 : f32 to vector<16xf32>
    %select_n3A_483 = arith.select %eq3A_480, %get3A_455, %broadcast_in_dim3A_482 : vector<16xi1>, vector<16xf32>
    %add3A_484 = arith.addf %add3A_421, %select_n3A_483 : vector<16xf32>
    %eq3A_485 = arith.constant 1 : i32
    %eq3A_486 = vector.broadcast %eq3A_485 : i32 to vector<16xi32>
    %eq3A_487 = arith.cmpi eq, %get3A_471, %eq3A_486 : vector<16xi32>
    %jit3A_488 = arith.constant 0.000000e+00 : f32
    %broadcast_in_dim3A_489 = vector.broadcast %jit3A_488 : f32 to vector<16xf32>
    %select_n3A_490 = arith.select %eq3A_487, %get3A_455, %broadcast_in_dim3A_489 : vector<16xi1>, vector<16xf32>
    %add3A_491 = arith.addf %add3A_428, %select_n3A_490 : vector<16xf32>
    %eq3A_492 = arith.constant 2 : i32
    %eq3A_493 = vector.broadcast %eq3A_492 : i32 to vector<16xi32>
    %eq3A_494 = arith.cmpi eq, %get3A_471, %eq3A_493 : vector<16xi32>
    %jit3A_495 = arith.constant 0.000000e+00 : f32
    %broadcast_in_dim3A_496 = vector.broadcast %jit3A_495 : f32 to vector<16xf32>
    %select_n3A_497 = arith.select %eq3A_494, %get3A_455, %broadcast_in_dim3A_496 : vector<16xi1>, vector<16xf32>
    %add3A_498 = arith.addf %add3A_435, %select_n3A_497 : vector<16xf32>
    %gt3A_499 = arith.constant 0.000000e+00 : f32
    %gt3A_500 = vector.broadcast %gt3A_499 : f32 to vector<16xf32>
    %gt3A_501 = arith.cmpf ogt, %get3A_455, %gt3A_500 : vector<16xf32>
    %jit3A_502 = arith.constant 0.000000e+00 : f32
    %broadcast_in_dim3A_503 = vector.broadcast %jit3A_502 : f32 to vector<16xf32>
    %select_n3A_504 = arith.select %gt3A_501, %broadcast_in_dim3A_503, %add3A_462 : vector<16xi1>, vector<16xf32>
    %swap3A_505 = arith.constant 112 : index
    %swap3A_506 = tpu.vector_load %arg18[%swap3A_505] {strides = array<i32>} : memref<1024xf32, #tpu.memory_space<vmem>>, vector<16xf32>,
    %swap3A_507 = vector.shape_cast %swap3A_506 : vector<16xf32> to vector<16xf32>
    %swap3A_508 = vector.shape_cast %select_n3A_504 : vector<16xf32> to vector<16xf32>
    tpu.vector_store %arg18[%swap3A_505], %swap3A_508 {strides = array<i32>} : memref<1024xf32, #tpu.memory_space<vmem>>, vector<16xf32>,
    %jit3A_509 = arith.constant 0 : i32
    %broadcast_in_dim3A_510 = vector.broadcast %jit3A_509 : i32 to vector<16xi32>
    %select_n3A_511 = arith.select %gt3A_501, %broadcast_in_dim3A_510, %add3A_468 : vector<16xi1>, vector<16xi32>
    %swap3A_512 = arith.constant 112 : index
    %swap3A_513 = tpu.vector_load %arg19[%swap3A_512] {strides = array<i32>} : memref<1024xi32, #tpu.memory_space<vmem>>, vector<16xi32>,
    %swap3A_514 = vector.shape_cast %swap3A_513 : vector<16xi32> to vector<16xi32>
    %swap3A_515 = vector.shape_cast %select_n3A_511 : vector<16xi32> to vector<16xi32>
    tpu.vector_store %arg19[%swap3A_512], %swap3A_515 {strides = array<i32>} : memref<1024xi32, #tpu.memory_space<vmem>>, vector<16xi32>,
    %get3A_516 = arith.constant 128 : index
    %get3A_517 = tpu.vector_load %arg14[%get3A_516] {strides = array<i32>} : memref<1024xf32, #tpu.memory_space<vmem>>, vector<16xf32>,
    %get3A_518 = vector.shape_cast %get3A_517 : vector<16xf32> to vector<16xf32>
    %get3A_519 = arith.constant 128 : index
    %get3A_520 = tpu.vector_load %arg16[%get3A_519] {strides = array<i32>} : memref<1024xf32, #tpu.memory_space<vmem>>, vector<16xf32>,
    %get3A_521 = vector.shape_cast %get3A_520 : vector<16xf32> to vector<16xf32>
    %get3A_522 = arith.constant 128 : index
    %get3A_523 = tpu.vector_load %arg13[%get3A_522] {strides = array<i32>} : memref<1024xf32, #tpu.memory_space<vmem>>, vector<16xf32>,
    %get3A_524 = vector.shape_cast %get3A_523 : vector<16xf32> to vector<16xf32>
    %add3A_525 = arith.addf %get3A_521, %get3A_524 : vector<16xf32>
    %get3A_526 = arith.constant 128 : index
    %get3A_527 = tpu.vector_load %arg17[%get3A_526] {strides = array<i32>} : memref<1024xi32, #tpu.memory_space<vmem>>, vector<16xi32>,
    %get3A_528 = vector.shape_cast %get3A_527 : vector<16xi32> to vector<16xi32>
    %add3A_529 = arith.constant 1 : i32
    %add3A_530 = vector.broadcast %add3A_529 : i32 to vector<16xi32>
    %add3A_531 = arith.addi %get3A_528, %add3A_530 : vector<16xi32>
    %get3A_532 = arith.constant 128 : index
    %get3A_533 = tpu.vector_load %arg15[%get3A_532] {strides = array<i32>} : memref<1024xi32, #tpu.memory_space<vmem>>, vector<16xi32>,
    %get3A_534 = vector.shape_cast %get3A_533 : vector<16xi32> to vector<16xi32>
    %add3A_535 = arith.addf %add3A_472, %get3A_518 : vector<16xf32>
    %mul3A_536 = arith.mulf %add3A_525, %get3A_518 : vector<16xf32>
    %add3A_537 = arith.addf %add3A_474, %mul3A_536 : vector<16xf32>
    %convert_element_type3A_538 = arith.sitofp %add3A_531 : vector<16xi32> to vector<16xf32>
    %mul3A_539 = arith.mulf %convert_element_type3A_538, %get3A_518 : vector<16xf32>
    %add3A_540 = arith.addf %add3A_477, %mul3A_539 : vector<16xf32>
    %eq3A_541 = arith.constant 0 : i32
    %eq3A_542 = vector.broadcast %eq3A_541 : i32 to vector<16xi32>
    %eq3A_543 = arith.cmpi eq, %get3A_534, %eq3A_542 : vector<16xi32>
    %jit3A_544 = arith.constant 0.000000e+00 : f32
    %broadcast_in_dim3A_545 = vector.broadcast %jit3A_544 : f32 to vector<16xf32>
    %select_n3A_546 = arith.select %eq3A_543, %get3A_518, %broadcast_in_dim3A_545 : vector<16xi1>, vector<16xf32>
    %add3A_547 = arith.addf %add3A_484, %select_n3A_546 : vector<16xf32>
    %eq3A_548 = arith.constant 1 : i32
    %eq3A_549 = vector.broadcast %eq3A_548 : i32 to vector<16xi32>
    %eq3A_550 = arith.cmpi eq, %get3A_534, %eq3A_549 : vector<16xi32>
    %jit3A_551 = arith.constant 0.000000e+00 : f32
    %broadcast_in_dim3A_552 = vector.broadcast %jit3A_551 : f32 to vector<16xf32>
    %select_n3A_553 = arith.select %eq3A_550, %get3A_518, %broadcast_in_dim3A_552 : vector<16xi1>, vector<16xf32>
    %add3A_554 = arith.addf %add3A_491, %select_n3A_553 : vector<16xf32>
    %eq3A_555 = arith.constant 2 : i32
    %eq3A_556 = vector.broadcast %eq3A_555 : i32 to vector<16xi32>
    %eq3A_557 = arith.cmpi eq, %get3A_534, %eq3A_556 : vector<16xi32>
    %jit3A_558 = arith.constant 0.000000e+00 : f32
    %broadcast_in_dim3A_559 = vector.broadcast %jit3A_558 : f32 to vector<16xf32>
    %select_n3A_560 = arith.select %eq3A_557, %get3A_518, %broadcast_in_dim3A_559 : vector<16xi1>, vector<16xf32>
    %add3A_561 = arith.addf %add3A_498, %select_n3A_560 : vector<16xf32>
    %gt3A_562 = arith.constant 0.000000e+00 : f32
    %gt3A_563 = vector.broadcast %gt3A_562 : f32 to vector<16xf32>
    %gt3A_564 = arith.cmpf ogt, %get3A_518, %gt3A_563 : vector<16xf32>
    %jit3A_565 = arith.constant 0.000000e+00 : f32
    %broadcast_in_dim3A_566 = vector.broadcast %jit3A_565 : f32 to vector<16xf32>
    %select_n3A_567 = arith.select %gt3A_564, %broadcast_in_dim3A_566, %add3A_525 : vector<16xi1>, vector<16xf32>
    %swap3A_568 = arith.constant 128 : index
    %swap3A_569 = tpu.vector_load %arg18[%swap3A_568] {strides = array<i32>} : memref<1024xf32, #tpu.memory_space<vmem>>, vector<16xf32>,
    %swap3A_570 = vector.shape_cast %swap3A_569 : vector<16xf32> to vector<16xf32>
    %swap3A_571 = vector.shape_cast %select_n3A_567 : vector<16xf32> to vector<16xf32>
    tpu.vector_store %arg18[%swap3A_568], %swap3A_571 {strides = array<i32>} : memref<1024xf32, #tpu.memory_space<vmem>>, vector<16xf32>,
    %jit3A_572 = arith.constant 0 : i32
    %broadcast_in_dim3A_573 = vector.broadcast %jit3A_572 : i32 to vector<16xi32>
    %select_n3A_574 = arith.select %gt3A_564, %broadcast_in_dim3A_573, %add3A_531 : vector<16xi1>, vector<16xi32>
    %swap3A_575 = arith.constant 128 : index
    %swap3A_576 = tpu.vector_load %arg19[%swap3A_575] {strides = array<i32>} : memref<1024xi32, #tpu.memory_space<vmem>>, vector<16xi32>,
    %swap3A_577 = vector.shape_cast %swap3A_576 : vector<16xi32> to vector<16xi32>
    %swap3A_578 = vector.shape_cast %select_n3A_574 : vector<16xi32> to vector<16xi32>
    tpu.vector_store %arg19[%swap3A_575], %swap3A_578 {strides = array<i32>} : memref<1024xi32, #tpu.memory_space<vmem>>, vector<16xi32>,
    %get3A_579 = arith.constant 144 : index
    %get3A_580 = tpu.vector_load %arg14[%get3A_579] {strides = array<i32>} : memref<1024xf32, #tpu.memory_space<vmem>>, vector<16xf32>,
    %get3A_581 = vector.shape_cast %get3A_580 : vector<16xf32> to vector<16xf32>
    %get3A_582 = arith.constant 144 : index
    %get3A_583 = tpu.vector_load %arg16[%get3A_582] {strides = array<i32>} : memref<1024xf32, #tpu.memory_space<vmem>>, vector<16xf32>,
    %get3A_584 = vector.shape_cast %get3A_583 : vector<16xf32> to vector<16xf32>
    %get3A_585 = arith.constant 144 : index
    %get3A_586 = tpu.vector_load %arg13[%get3A_585] {strides = array<i32>} : memref<1024xf32, #tpu.memory_space<vmem>>, vector<16xf32>,
    %get3A_587 = vector.shape_cast %get3A_586 : vector<16xf32> to vector<16xf32>
    %add3A_588 = arith.addf %get3A_584, %get3A_587 : vector<16xf32>
    %get3A_589 = arith.constant 144 : index
    %get3A_590 = tpu.vector_load %arg17[%get3A_589] {strides = array<i32>} : memref<1024xi32, #tpu.memory_space<vmem>>, vector<16xi32>,
    %get3A_591 = vector.shape_cast %get3A_590 : vector<16xi32> to vector<16xi32>
    %add3A_592 = arith.constant 1 : i32
    %add3A_593 = vector.broadcast %add3A_592 : i32 to vector<16xi32>
    %add3A_594 = arith.addi %get3A_591, %add3A_593 : vector<16xi32>
    %get3A_595 = arith.constant 144 : index
    %get3A_596 = tpu.vector_load %arg15[%get3A_595] {strides = array<i32>} : memref<1024xi32, #tpu.memory_space<vmem>>, vector<16xi32>,
    %get3A_597 = vector.shape_cast %get3A_596 : vector<16xi32> to vector<16xi32>
    %add3A_598 = arith.addf %add3A_535, %get3A_581 : vector<16xf32>
    %mul3A_599 = arith.mulf %add3A_588, %get3A_581 : vector<16xf32>
    %add3A_600 = arith.addf %add3A_537, %mul3A_599 : vector<16xf32>
    %convert_element_type3A_601 = arith.sitofp %add3A_594 : vector<16xi32> to vector<16xf32>
    %mul3A_602 = arith.mulf %convert_element_type3A_601, %get3A_581 : vector<16xf32>
    %add3A_603 = arith.addf %add3A_540, %mul3A_602 : vector<16xf32>
    %eq3A_604 = arith.constant 0 : i32
    %eq3A_605 = vector.broadcast %eq3A_604 : i32 to vector<16xi32>
    %eq3A_606 = arith.cmpi eq, %get3A_597, %eq3A_605 : vector<16xi32>
    %jit3A_607 = arith.constant 0.000000e+00 : f32
    %broadcast_in_dim3A_608 = vector.broadcast %jit3A_607 : f32 to vector<16xf32>
    %select_n3A_609 = arith.select %eq3A_606, %get3A_581, %broadcast_in_dim3A_608 : vector<16xi1>, vector<16xf32>
    %add3A_610 = arith.addf %add3A_547, %select_n3A_609 : vector<16xf32>
    %eq3A_611 = arith.constant 1 : i32
    %eq3A_612 = vector.broadcast %eq3A_611 : i32 to vector<16xi32>
    %eq3A_613 = arith.cmpi eq, %get3A_597, %eq3A_612 : vector<16xi32>
    %jit3A_614 = arith.constant 0.000000e+00 : f32
    %broadcast_in_dim3A_615 = vector.broadcast %jit3A_614 : f32 to vector<16xf32>
    %select_n3A_616 = arith.select %eq3A_613, %get3A_581, %broadcast_in_dim3A_615 : vector<16xi1>, vector<16xf32>
    %add3A_617 = arith.addf %add3A_554, %select_n3A_616 : vector<16xf32>
    %eq3A_618 = arith.constant 2 : i32
    %eq3A_619 = vector.broadcast %eq3A_618 : i32 to vector<16xi32>
    %eq3A_620 = arith.cmpi eq, %get3A_597, %eq3A_619 : vector<16xi32>
    %jit3A_621 = arith.constant 0.000000e+00 : f32
    %broadcast_in_dim3A_622 = vector.broadcast %jit3A_621 : f32 to vector<16xf32>
    %select_n3A_623 = arith.select %eq3A_620, %get3A_581, %broadcast_in_dim3A_622 : vector<16xi1>, vector<16xf32>
    %add3A_624 = arith.addf %add3A_561, %select_n3A_623 : vector<16xf32>
    %gt3A_625 = arith.constant 0.000000e+00 : f32
    %gt3A_626 = vector.broadcast %gt3A_625 : f32 to vector<16xf32>
    %gt3A_627 = arith.cmpf ogt, %get3A_581, %gt3A_626 : vector<16xf32>
    %jit3A_628 = arith.constant 0.000000e+00 : f32
    %broadcast_in_dim3A_629 = vector.broadcast %jit3A_628 : f32 to vector<16xf32>
    %select_n3A_630 = arith.select %gt3A_627, %broadcast_in_dim3A_629, %add3A_588 : vector<16xi1>, vector<16xf32>
    %swap3A_631 = arith.constant 144 : index
    %swap3A_632 = tpu.vector_load %arg18[%swap3A_631] {strides = array<i32>} : memref<1024xf32, #tpu.memory_space<vmem>>, vector<16xf32>,
    %swap3A_633 = vector.shape_cast %swap3A_632 : vector<16xf32> to vector<16xf32>
    %swap3A_634 = vector.shape_cast %select_n3A_630 : vector<16xf32> to vector<16xf32>
    tpu.vector_store %arg18[%swap3A_631], %swap3A_634 {strides = array<i32>} : memref<1024xf32, #tpu.memory_space<vmem>>, vector<16xf32>,
    %jit3A_635 = arith.constant 0 : i32
    %broadcast_in_dim3A_636 = vector.broadcast %jit3A_635 : i32 to vector<16xi32>
    %select_n3A_637 = arith.select %gt3A_627, %broadcast_in_dim3A_636, %add3A_594 : vector<16xi1>, vector<16xi32>
    %swap3A_638 = arith.constant 144 : index
    %swap3A_639 = tpu.vector_load %arg19[%swap3A_638] {strides = array<i32>} : memref<1024xi32, #tpu.memory_space<vmem>>, vector<16xi32>,
    %swap3A_640 = vector.shape_cast %swap3A_639 : vector<16xi32> to vector<16xi32>
    %swap3A_641 = vector.shape_cast %select_n3A_637 : vector<16xi32> to vector<16xi32>
    tpu.vector_store %arg19[%swap3A_638], %swap3A_641 {strides = array<i32>} : memref<1024xi32, #tpu.memory_space<vmem>>, vector<16xi32>,
    %get3A_642 = arith.constant 160 : index
    %get3A_643 = tpu.vector_load %arg14[%get3A_642] {strides = array<i32>} : memref<1024xf32, #tpu.memory_space<vmem>>, vector<16xf32>,
    %get3A_644 = vector.shape_cast %get3A_643 : vector<16xf32> to vector<16xf32>
    %get3A_645 = arith.constant 160 : index
    %get3A_646 = tpu.vector_load %arg16[%get3A_645] {strides = array<i32>} : memref<1024xf32, #tpu.memory_space<vmem>>, vector<16xf32>,
    %get3A_647 = vector.shape_cast %get3A_646 : vector<16xf32> to vector<16xf32>
    %get3A_648 = arith.constant 160 : index
    %get3A_649 = tpu.vector_load %arg13[%get3A_648] {strides = array<i32>} : memref<1024xf32, #tpu.memory_space<vmem>>, vector<16xf32>,
    %get3A_650 = vector.shape_cast %get3A_649 : vector<16xf32> to vector<16xf32>
    %add3A_651 = arith.addf %get3A_647, %get3A_650 : vector<16xf32>
    %get3A_652 = arith.constant 160 : index
    %get3A_653 = tpu.vector_load %arg17[%get3A_652] {strides = array<i32>} : memref<1024xi32, #tpu.memory_space<vmem>>, vector<16xi32>,
    %get3A_654 = vector.shape_cast %get3A_653 : vector<16xi32> to vector<16xi32>
    %add3A_655 = arith.constant 1 : i32
    %add3A_656 = vector.broadcast %add3A_655 : i32 to vector<16xi32>
    %add3A_657 = arith.addi %get3A_654, %add3A_656 : vector<16xi32>
    %get3A_658 = arith.constant 160 : index
    %get3A_659 = tpu.vector_load %arg15[%get3A_658] {strides = array<i32>} : memref<1024xi32, #tpu.memory_space<vmem>>, vector<16xi32>,
    %get3A_660 = vector.shape_cast %get3A_659 : vector<16xi32> to vector<16xi32>
    %add3A_661 = arith.addf %add3A_598, %get3A_644 : vector<16xf32>
    %mul3A_662 = arith.mulf %add3A_651, %get3A_644 : vector<16xf32>
    %add3A_663 = arith.addf %add3A_600, %mul3A_662 : vector<16xf32>
    %convert_element_type3A_664 = arith.sitofp %add3A_657 : vector<16xi32> to vector<16xf32>
    %mul3A_665 = arith.mulf %convert_element_type3A_664, %get3A_644 : vector<16xf32>
    %add3A_666 = arith.addf %add3A_603, %mul3A_665 : vector<16xf32>
    %eq3A_667 = arith.constant 0 : i32
    %eq3A_668 = vector.broadcast %eq3A_667 : i32 to vector<16xi32>
    %eq3A_669 = arith.cmpi eq, %get3A_660, %eq3A_668 : vector<16xi32>
    %jit3A_670 = arith.constant 0.000000e+00 : f32
    %broadcast_in_dim3A_671 = vector.broadcast %jit3A_670 : f32 to vector<16xf32>
    %select_n3A_672 = arith.select %eq3A_669, %get3A_644, %broadcast_in_dim3A_671 : vector<16xi1>, vector<16xf32>
    %add3A_673 = arith.addf %add3A_610, %select_n3A_672 : vector<16xf32>
    %eq3A_674 = arith.constant 1 : i32
    %eq3A_675 = vector.broadcast %eq3A_674 : i32 to vector<16xi32>
    %eq3A_676 = arith.cmpi eq, %get3A_660, %eq3A_675 : vector<16xi32>
    %jit3A_677 = arith.constant 0.000000e+00 : f32
    %broadcast_in_dim3A_678 = vector.broadcast %jit3A_677 : f32 to vector<16xf32>
    %select_n3A_679 = arith.select %eq3A_676, %get3A_644, %broadcast_in_dim3A_678 : vector<16xi1>, vector<16xf32>
    %add3A_680 = arith.addf %add3A_617, %select_n3A_679 : vector<16xf32>
    %eq3A_681 = arith.constant 2 : i32
    %eq3A_682 = vector.broadcast %eq3A_681 : i32 to vector<16xi32>
    %eq3A_683 = arith.cmpi eq, %get3A_660, %eq3A_682 : vector<16xi32>
    %jit3A_684 = arith.constant 0.000000e+00 : f32
    %broadcast_in_dim3A_685 = vector.broadcast %jit3A_684 : f32 to vector<16xf32>
    %select_n3A_686 = arith.select %eq3A_683, %get3A_644, %broadcast_in_dim3A_685 : vector<16xi1>, vector<16xf32>
    %add3A_687 = arith.addf %add3A_624, %select_n3A_686 : vector<16xf32>
    %gt3A_688 = arith.constant 0.000000e+00 : f32
    %gt3A_689 = vector.broadcast %gt3A_688 : f32 to vector<16xf32>
    %gt3A_690 = arith.cmpf ogt, %get3A_644, %gt3A_689 : vector<16xf32>
    %jit3A_691 = arith.constant 0.000000e+00 : f32
    %broadcast_in_dim3A_692 = vector.broadcast %jit3A_691 : f32 to vector<16xf32>
    %select_n3A_693 = arith.select %gt3A_690, %broadcast_in_dim3A_692, %add3A_651 : vector<16xi1>, vector<16xf32>
    %swap3A_694 = arith.constant 160 : index
    %swap3A_695 = tpu.vector_load %arg18[%swap3A_694] {strides = array<i32>} : memref<1024xf32, #tpu.memory_space<vmem>>, vector<16xf32>,
    %swap3A_696 = vector.shape_cast %swap3A_695 : vector<16xf32> to vector<16xf32>
    %swap3A_697 = vector.shape_cast %select_n3A_693 : vector<16xf32> to vector<16xf32>
    tpu.vector_store %arg18[%swap3A_694], %swap3A_697 {strides = array<i32>} : memref<1024xf32, #tpu.memory_space<vmem>>, vector<16xf32>,
    %jit3A_698 = arith.constant 0 : i32
    %broadcast_in_dim3A_699 = vector.broadcast %jit3A_698 : i32 to vector<16xi32>
    %select_n3A_700 = arith.select %gt3A_690, %broadcast_in_dim3A_699, %add3A_657 : vector<16xi1>, vector<16xi32>
    %swap3A_701 = arith.constant 160 : index
    %swap3A_702 = tpu.vector_load %arg19[%swap3A_701] {strides = array<i32>} : memref<1024xi32, #tpu.memory_space<vmem>>, vector<16xi32>,
    %swap3A_703 = vector.shape_cast %swap3A_702 : vector<16xi32> to vector<16xi32>
    %swap3A_704 = vector.shape_cast %select_n3A_700 : vector<16xi32> to vector<16xi32>
    tpu.vector_store %arg19[%swap3A_701], %swap3A_704 {strides = array<i32>} : memref<1024xi32, #tpu.memory_space<vmem>>, vector<16xi32>,
    %get3A_705 = arith.constant 176 : index
    %get3A_706 = tpu.vector_load %arg14[%get3A_705] {strides = array<i32>} : memref<1024xf32, #tpu.memory_space<vmem>>, vector<16xf32>,
    %get3A_707 = vector.shape_cast %get3A_706 : vector<16xf32> to vector<16xf32>
    %get3A_708 = arith.constant 176 : index
    %get3A_709 = tpu.vector_load %arg16[%get3A_708] {strides = array<i32>} : memref<1024xf32, #tpu.memory_space<vmem>>, vector<16xf32>,
    %get3A_710 = vector.shape_cast %get3A_709 : vector<16xf32> to vector<16xf32>
    %get3A_711 = arith.constant 176 : index
    %get3A_712 = tpu.vector_load %arg13[%get3A_711] {strides = array<i32>} : memref<1024xf32, #tpu.memory_space<vmem>>, vector<16xf32>,
    %get3A_713 = vector.shape_cast %get3A_712 : vector<16xf32> to vector<16xf32>
    %add3A_714 = arith.addf %get3A_710, %get3A_713 : vector<16xf32>
    %get3A_715 = arith.constant 176 : index
    %get3A_716 = tpu.vector_load %arg17[%get3A_715] {strides = array<i32>} : memref<1024xi32, #tpu.memory_space<vmem>>, vector<16xi32>,
    %get3A_717 = vector.shape_cast %get3A_716 : vector<16xi32> to vector<16xi32>
    %add3A_718 = arith.constant 1 : i32
    %add3A_719 = vector.broadcast %add3A_718 : i32 to vector<16xi32>
    %add3A_720 = arith.addi %get3A_717, %add3A_719 : vector<16xi32>
    %get3A_721 = arith.constant 176 : index
    %get3A_722 = tpu.vector_load %arg15[%get3A_721] {strides = array<i32>} : memref<1024xi32, #tpu.memory_space<vmem>>, vector<16xi32>,
    %get3A_723 = vector.shape_cast %get3A_722 : vector<16xi32> to vector<16xi32>
    %add3A_724 = arith.addf %add3A_661, %get3A_707 : vector<16xf32>
    %mul3A_725 = arith.mulf %add3A_714, %get3A_707 : vector<16xf32>
    %add3A_726 = arith.addf %add3A_663, %mul3A_725 : vector<16xf32>
    %convert_element_type3A_727 = arith.sitofp %add3A_720 : vector<16xi32> to vector<16xf32>
    %mul3A_728 = arith.mulf %convert_element_type3A_727, %get3A_707 : vector<16xf32>
    %add3A_729 = arith.addf %add3A_666, %mul3A_728 : vector<16xf32>
    %eq3A_730 = arith.constant 0 : i32
    %eq3A_731 = vector.broadcast %eq3A_730 : i32 to vector<16xi32>
    %eq3A_732 = arith.cmpi eq, %get3A_723, %eq3A_731 : vector<16xi32>
    %jit3A_733 = arith.constant 0.000000e+00 : f32
    %broadcast_in_dim3A_734 = vector.broadcast %jit3A_733 : f32 to vector<16xf32>
    %select_n3A_735 = arith.select %eq3A_732, %get3A_707, %broadcast_in_dim3A_734 : vector<16xi1>, vector<16xf32>
    %add3A_736 = arith.addf %add3A_673, %select_n3A_735 : vector<16xf32>
    %eq3A_737 = arith.constant 1 : i32
    %eq3A_738 = vector.broadcast %eq3A_737 : i32 to vector<16xi32>
    %eq3A_739 = arith.cmpi eq, %get3A_723, %eq3A_738 : vector<16xi32>
    %jit3A_740 = arith.constant 0.000000e+00 : f32
    %broadcast_in_dim3A_741 = vector.broadcast %jit3A_740 : f32 to vector<16xf32>
    %select_n3A_742 = arith.select %eq3A_739, %get3A_707, %broadcast_in_dim3A_741 : vector<16xi1>, vector<16xf32>
    %add3A_743 = arith.addf %add3A_680, %select_n3A_742 : vector<16xf32>
    %eq3A_744 = arith.constant 2 : i32
    %eq3A_745 = vector.broadcast %eq3A_744 : i32 to vector<16xi32>
    %eq3A_746 = arith.cmpi eq, %get3A_723, %eq3A_745 : vector<16xi32>
    %jit3A_747 = arith.constant 0.000000e+00 : f32
    %broadcast_in_dim3A_748 = vector.broadcast %jit3A_747 : f32 to vector<16xf32>
    %select_n3A_749 = arith.select %eq3A_746, %get3A_707, %broadcast_in_dim3A_748 : vector<16xi1>, vector<16xf32>
    %add3A_750 = arith.addf %add3A_687, %select_n3A_749 : vector<16xf32>
    %gt3A_751 = arith.constant 0.000000e+00 : f32
    %gt3A_752 = vector.broadcast %gt3A_751 : f32 to vector<16xf32>
    %gt3A_753 = arith.cmpf ogt, %get3A_707, %gt3A_752 : vector<16xf32>
    %jit3A_754 = arith.constant 0.000000e+00 : f32
    %broadcast_in_dim3A_755 = vector.broadcast %jit3A_754 : f32 to vector<16xf32>
    %select_n3A_756 = arith.select %gt3A_753, %broadcast_in_dim3A_755, %add3A_714 : vector<16xi1>, vector<16xf32>
    %swap3A_757 = arith.constant 176 : index
    %swap3A_758 = tpu.vector_load %arg18[%swap3A_757] {strides = array<i32>} : memref<1024xf32, #tpu.memory_space<vmem>>, vector<16xf32>,
    %swap3A_759 = vector.shape_cast %swap3A_758 : vector<16xf32> to vector<16xf32>
    %swap3A_760 = vector.shape_cast %select_n3A_756 : vector<16xf32> to vector<16xf32>
    tpu.vector_store %arg18[%swap3A_757], %swap3A_760 {strides = array<i32>} : memref<1024xf32, #tpu.memory_space<vmem>>, vector<16xf32>,
    %jit3A_761 = arith.constant 0 : i32
    %broadcast_in_dim3A_762 = vector.broadcast %jit3A_761 : i32 to vector<16xi32>
    %select_n3A_763 = arith.select %gt3A_753, %broadcast_in_dim3A_762, %add3A_720 : vector<16xi1>, vector<16xi32>
    %swap3A_764 = arith.constant 176 : index
    %swap3A_765 = tpu.vector_load %arg19[%swap3A_764] {strides = array<i32>} : memref<1024xi32, #tpu.memory_space<vmem>>, vector<16xi32>,
    %swap3A_766 = vector.shape_cast %swap3A_765 : vector<16xi32> to vector<16xi32>
    %swap3A_767 = vector.shape_cast %select_n3A_763 : vector<16xi32> to vector<16xi32>
    tpu.vector_store %arg19[%swap3A_764], %swap3A_767 {strides = array<i32>} : memref<1024xi32, #tpu.memory_space<vmem>>, vector<16xi32>,
    %get3A_768 = arith.constant 192 : index
    %get3A_769 = tpu.vector_load %arg14[%get3A_768] {strides = array<i32>} : memref<1024xf32, #tpu.memory_space<vmem>>, vector<16xf32>,
    %get3A_770 = vector.shape_cast %get3A_769 : vector<16xf32> to vector<16xf32>
    %get3A_771 = arith.constant 192 : index
    %get3A_772 = tpu.vector_load %arg16[%get3A_771] {strides = array<i32>} : memref<1024xf32, #tpu.memory_space<vmem>>, vector<16xf32>,
    %get3A_773 = vector.shape_cast %get3A_772 : vector<16xf32> to vector<16xf32>
    %get3A_774 = arith.constant 192 : index
    %get3A_775 = tpu.vector_load %arg13[%get3A_774] {strides = array<i32>} : memref<1024xf32, #tpu.memory_space<vmem>>, vector<16xf32>,
    %get3A_776 = vector.shape_cast %get3A_775 : vector<16xf32> to vector<16xf32>
    %add3A_777 = arith.addf %get3A_773, %get3A_776 : vector<16xf32>
    %get3A_778 = arith.constant 192 : index
    %get3A_779 = tpu.vector_load %arg17[%get3A_778] {strides = array<i32>} : memref<1024xi32, #tpu.memory_space<vmem>>, vector<16xi32>,
    %get3A_780 = vector.shape_cast %get3A_779 : vector<16xi32> to vector<16xi32>
    %add3A_781 = arith.constant 1 : i32
    %add3A_782 = vector.broadcast %add3A_781 : i32 to vector<16xi32>
    %add3A_783 = arith.addi %get3A_780, %add3A_782 : vector<16xi32>
    %get3A_784 = arith.constant 192 : index
    %get3A_785 = tpu.vector_load %arg15[%get3A_784] {strides = array<i32>} : memref<1024xi32, #tpu.memory_space<vmem>>, vector<16xi32>,
    %get3A_786 = vector.shape_cast %get3A_785 : vector<16xi32> to vector<16xi32>
    %add3A_787 = arith.addf %add3A_724, %get3A_770 : vector<16xf32>
    %mul3A_788 = arith.mulf %add3A_777, %get3A_770 : vector<16xf32>
    %add3A_789 = arith.addf %add3A_726, %mul3A_788 : vector<16xf32>
    %convert_element_type3A_790 = arith.sitofp %add3A_783 : vector<16xi32> to vector<16xf32>
    %mul3A_791 = arith.mulf %convert_element_type3A_790, %get3A_770 : vector<16xf32>
    %add3A_792 = arith.addf %add3A_729, %mul3A_791 : vector<16xf32>
    %eq3A_793 = arith.constant 0 : i32
    %eq3A_794 = vector.broadcast %eq3A_793 : i32 to vector<16xi32>
    %eq3A_795 = arith.cmpi eq, %get3A_786, %eq3A_794 : vector<16xi32>
    %jit3A_796 = arith.constant 0.000000e+00 : f32
    %broadcast_in_dim3A_797 = vector.broadcast %jit3A_796 : f32 to vector<16xf32>
    %select_n3A_798 = arith.select %eq3A_795, %get3A_770, %broadcast_in_dim3A_797 : vector<16xi1>, vector<16xf32>
    %add3A_799 = arith.addf %add3A_736, %select_n3A_798 : vector<16xf32>
    %eq3A_800 = arith.constant 1 : i32
    %eq3A_801 = vector.broadcast %eq3A_800 : i32 to vector<16xi32>
    %eq3A_802 = arith.cmpi eq, %get3A_786, %eq3A_801 : vector<16xi32>
    %jit3A_803 = arith.constant 0.000000e+00 : f32
    %broadcast_in_dim3A_804 = vector.broadcast %jit3A_803 : f32 to vector<16xf32>
    %select_n3A_805 = arith.select %eq3A_802, %get3A_770, %broadcast_in_dim3A_804 : vector<16xi1>, vector<16xf32>
    %add3A_806 = arith.addf %add3A_743, %select_n3A_805 : vector<16xf32>
    %eq3A_807 = arith.constant 2 : i32
    %eq3A_808 = vector.broadcast %eq3A_807 : i32 to vector<16xi32>
    %eq3A_809 = arith.cmpi eq, %get3A_786, %eq3A_808 : vector<16xi32>
    %jit3A_810 = arith.constant 0.000000e+00 : f32
    %broadcast_in_dim3A_811 = vector.broadcast %jit3A_810 : f32 to vector<16xf32>
    %select_n3A_812 = arith.select %eq3A_809, %get3A_770, %broadcast_in_dim3A_811 : vector<16xi1>, vector<16xf32>
    %add3A_813 = arith.addf %add3A_750, %select_n3A_812 : vector<16xf32>
    %gt3A_814 = arith.constant 0.000000e+00 : f32
    %gt3A_815 = vector.broadcast %gt3A_814 : f32 to vector<16xf32>
    %gt3A_816 = arith.cmpf ogt, %get3A_770, %gt3A_815 : vector<16xf32>
    %jit3A_817 = arith.constant 0.000000e+00 : f32
    %broadcast_in_dim3A_818 = vector.broadcast %jit3A_817 : f32 to vector<16xf32>
    %select_n3A_819 = arith.select %gt3A_816, %broadcast_in_dim3A_818, %add3A_777 : vector<16xi1>, vector<16xf32>
    %swap3A_820 = arith.constant 192 : index
    %swap3A_821 = tpu.vector_load %arg18[%swap3A_820] {strides = array<i32>} : memref<1024xf32, #tpu.memory_space<vmem>>, vector<16xf32>,
    %swap3A_822 = vector.shape_cast %swap3A_821 : vector<16xf32> to vector<16xf32>
    %swap3A_823 = vector.shape_cast %select_n3A_819 : vector<16xf32> to vector<16xf32>
    tpu.vector_store %arg18[%swap3A_820], %swap3A_823 {strides = array<i32>} : memref<1024xf32, #tpu.memory_space<vmem>>, vector<16xf32>,
    %jit3A_824 = arith.constant 0 : i32
    %broadcast_in_dim3A_825 = vector.broadcast %jit3A_824 : i32 to vector<16xi32>
    %select_n3A_826 = arith.select %gt3A_816, %broadcast_in_dim3A_825, %add3A_783 : vector<16xi1>, vector<16xi32>
    %swap3A_827 = arith.constant 192 : index
    %swap3A_828 = tpu.vector_load %arg19[%swap3A_827] {strides = array<i32>} : memref<1024xi32, #tpu.memory_space<vmem>>, vector<16xi32>,
    %swap3A_829 = vector.shape_cast %swap3A_828 : vector<16xi32> to vector<16xi32>
    %swap3A_830 = vector.shape_cast %select_n3A_826 : vector<16xi32> to vector<16xi32>
    tpu.vector_store %arg19[%swap3A_827], %swap3A_830 {strides = array<i32>} : memref<1024xi32, #tpu.memory_space<vmem>>, vector<16xi32>,
    %get3A_831 = arith.constant 208 : index
    %get3A_832 = tpu.vector_load %arg14[%get3A_831] {strides = array<i32>} : memref<1024xf32, #tpu.memory_space<vmem>>, vector<16xf32>,
    %get3A_833 = vector.shape_cast %get3A_832 : vector<16xf32> to vector<16xf32>
    %get3A_834 = arith.constant 208 : index
    %get3A_835 = tpu.vector_load %arg16[%get3A_834] {strides = array<i32>} : memref<1024xf32, #tpu.memory_space<vmem>>, vector<16xf32>,
    %get3A_836 = vector.shape_cast %get3A_835 : vector<16xf32> to vector<16xf32>
    %get3A_837 = arith.constant 208 : index
    %get3A_838 = tpu.vector_load %arg13[%get3A_837] {strides = array<i32>} : memref<1024xf32, #tpu.memory_space<vmem>>, vector<16xf32>,
    %get3A_839 = vector.shape_cast %get3A_838 : vector<16xf32> to vector<16xf32>
    %add3A_840 = arith.addf %get3A_836, %get3A_839 : vector<16xf32>
    %get3A_841 = arith.constant 208 : index
    %get3A_842 = tpu.vector_load %arg17[%get3A_841] {strides = array<i32>} : memref<1024xi32, #tpu.memory_space<vmem>>, vector<16xi32>,
    %get3A_843 = vector.shape_cast %get3A_842 : vector<16xi32> to vector<16xi32>
    %add3A_844 = arith.constant 1 : i32
    %add3A_845 = vector.broadcast %add3A_844 : i32 to vector<16xi32>
    %add3A_846 = arith.addi %get3A_843, %add3A_845 : vector<16xi32>
    %get3A_847 = arith.constant 208 : index
    %get3A_848 = tpu.vector_load %arg15[%get3A_847] {strides = array<i32>} : memref<1024xi32, #tpu.memory_space<vmem>>, vector<16xi32>,
    %get3A_849 = vector.shape_cast %get3A_848 : vector<16xi32> to vector<16xi32>
    %add3A_850 = arith.addf %add3A_787, %get3A_833 : vector<16xf32>
    %mul3A_851 = arith.mulf %add3A_840, %get3A_833 : vector<16xf32>
    %add3A_852 = arith.addf %add3A_789, %mul3A_851 : vector<16xf32>
    %convert_element_type3A_853 = arith.sitofp %add3A_846 : vector<16xi32> to vector<16xf32>
    %mul3A_854 = arith.mulf %convert_element_type3A_853, %get3A_833 : vector<16xf32>
    %add3A_855 = arith.addf %add3A_792, %mul3A_854 : vector<16xf32>
    %eq3A_856 = arith.constant 0 : i32
    %eq3A_857 = vector.broadcast %eq3A_856 : i32 to vector<16xi32>
    %eq3A_858 = arith.cmpi eq, %get3A_849, %eq3A_857 : vector<16xi32>
    %jit3A_859 = arith.constant 0.000000e+00 : f32
    %broadcast_in_dim3A_860 = vector.broadcast %jit3A_859 : f32 to vector<16xf32>
    %select_n3A_861 = arith.select %eq3A_858, %get3A_833, %broadcast_in_dim3A_860 : vector<16xi1>, vector<16xf32>
    %add3A_862 = arith.addf %add3A_799, %select_n3A_861 : vector<16xf32>
    %eq3A_863 = arith.constant 1 : i32
    %eq3A_864 = vector.broadcast %eq3A_863 : i32 to vector<16xi32>
    %eq3A_865 = arith.cmpi eq, %get3A_849, %eq3A_864 : vector<16xi32>
    %jit3A_866 = arith.constant 0.000000e+00 : f32
    %broadcast_in_dim3A_867 = vector.broadcast %jit3A_866 : f32 to vector<16xf32>
    %select_n3A_868 = arith.select %eq3A_865, %get3A_833, %broadcast_in_dim3A_867 : vector<16xi1>, vector<16xf32>
    %add3A_869 = arith.addf %add3A_806, %select_n3A_868 : vector<16xf32>
    %eq3A_870 = arith.constant 2 : i32
    %eq3A_871 = vector.broadcast %eq3A_870 : i32 to vector<16xi32>
    %eq3A_872 = arith.cmpi eq, %get3A_849, %eq3A_871 : vector<16xi32>
    %jit3A_873 = arith.constant 0.000000e+00 : f32
    %broadcast_in_dim3A_874 = vector.broadcast %jit3A_873 : f32 to vector<16xf32>
    %select_n3A_875 = arith.select %eq3A_872, %get3A_833, %broadcast_in_dim3A_874 : vector<16xi1>, vector<16xf32>
    %add3A_876 = arith.addf %add3A_813, %select_n3A_875 : vector<16xf32>
    %gt3A_877 = arith.constant 0.000000e+00 : f32
    %gt3A_878 = vector.broadcast %gt3A_877 : f32 to vector<16xf32>
    %gt3A_879 = arith.cmpf ogt, %get3A_833, %gt3A_878 : vector<16xf32>
    %jit3A_880 = arith.constant 0.000000e+00 : f32
    %broadcast_in_dim3A_881 = vector.broadcast %jit3A_880 : f32 to vector<16xf32>
    %select_n3A_882 = arith.select %gt3A_879, %broadcast_in_dim3A_881, %add3A_840 : vector<16xi1>, vector<16xf32>
    %swap3A_883 = arith.constant 208 : index
    %swap3A_884 = tpu.vector_load %arg18[%swap3A_883] {strides = array<i32>} : memref<1024xf32, #tpu.memory_space<vmem>>, vector<16xf32>,
    %swap3A_885 = vector.shape_cast %swap3A_884 : vector<16xf32> to vector<16xf32>
    %swap3A_886 = vector.shape_cast %select_n3A_882 : vector<16xf32> to vector<16xf32>
    tpu.vector_store %arg18[%swap3A_883], %swap3A_886 {strides = array<i32>} : memref<1024xf32, #tpu.memory_space<vmem>>, vector<16xf32>,
    %jit3A_887 = arith.constant 0 : i32
    %broadcast_in_dim3A_888 = vector.broadcast %jit3A_887 : i32 to vector<16xi32>
    %select_n3A_889 = arith.select %gt3A_879, %broadcast_in_dim3A_888, %add3A_846 : vector<16xi1>, vector<16xi32>
    %swap3A_890 = arith.constant 208 : index
    %swap3A_891 = tpu.vector_load %arg19[%swap3A_890] {strides = array<i32>} : memref<1024xi32, #tpu.memory_space<vmem>>, vector<16xi32>,
    %swap3A_892 = vector.shape_cast %swap3A_891 : vector<16xi32> to vector<16xi32>
    %swap3A_893 = vector.shape_cast %select_n3A_889 : vector<16xi32> to vector<16xi32>
    tpu.vector_store %arg19[%swap3A_890], %swap3A_893 {strides = array<i32>} : memref<1024xi32, #tpu.memory_space<vmem>>, vector<16xi32>,
    %get3A_894 = arith.constant 224 : index
    %get3A_895 = tpu.vector_load %arg14[%get3A_894] {strides = array<i32>} : memref<1024xf32, #tpu.memory_space<vmem>>, vector<16xf32>,
    %get3A_896 = vector.shape_cast %get3A_895 : vector<16xf32> to vector<16xf32>
    %get3A_897 = arith.constant 224 : index
    %get3A_898 = tpu.vector_load %arg16[%get3A_897] {strides = array<i32>} : memref<1024xf32, #tpu.memory_space<vmem>>, vector<16xf32>,
    %get3A_899 = vector.shape_cast %get3A_898 : vector<16xf32> to vector<16xf32>
    %get3A_900 = arith.constant 224 : index
    %get3A_901 = tpu.vector_load %arg13[%get3A_900] {strides = array<i32>} : memref<1024xf32, #tpu.memory_space<vmem>>, vector<16xf32>,
    %get3A_902 = vector.shape_cast %get3A_901 : vector<16xf32> to vector<16xf32>
    %add3A_903 = arith.addf %get3A_899, %get3A_902 : vector<16xf32>
    %get3A_904 = arith.constant 224 : index
    %get3A_905 = tpu.vector_load %arg17[%get3A_904] {strides = array<i32>} : memref<1024xi32, #tpu.memory_space<vmem>>, vector<16xi32>,
    %get3A_906 = vector.shape_cast %get3A_905 : vector<16xi32> to vector<16xi32>
    %add3A_907 = arith.constant 1 : i32
    %add3A_908 = vector.broadcast %add3A_907 : i32 to vector<16xi32>
    %add3A_909 = arith.addi %get3A_906, %add3A_908 : vector<16xi32>
    %get3A_910 = arith.constant 224 : index
    %get3A_911 = tpu.vector_load %arg15[%get3A_910] {strides = array<i32>} : memref<1024xi32, #tpu.memory_space<vmem>>, vector<16xi32>,
    %get3A_912 = vector.shape_cast %get3A_911 : vector<16xi32> to vector<16xi32>
    %add3A_913 = arith.addf %add3A_850, %get3A_896 : vector<16xf32>
    %mul3A_914 = arith.mulf %add3A_903, %get3A_896 : vector<16xf32>
    %add3A_915 = arith.addf %add3A_852, %mul3A_914 : vector<16xf32>
    %convert_element_type3A_916 = arith.sitofp %add3A_909 : vector<16xi32> to vector<16xf32>
    %mul3A_917 = arith.mulf %convert_element_type3A_916, %get3A_896 : vector<16xf32>
    %add3A_918 = arith.addf %add3A_855, %mul3A_917 : vector<16xf32>
    %eq3A_919 = arith.constant 0 : i32
    %eq3A_920 = vector.broadcast %eq3A_919 : i32 to vector<16xi32>
    %eq3A_921 = arith.cmpi eq, %get3A_912, %eq3A_920 : vector<16xi32>
    %jit3A_922 = arith.constant 0.000000e+00 : f32
    %broadcast_in_dim3A_923 = vector.broadcast %jit3A_922 : f32 to vector<16xf32>
    %select_n3A_924 = arith.select %eq3A_921, %get3A_896, %broadcast_in_dim3A_923 : vector<16xi1>, vector<16xf32>
    %add3A_925 = arith.addf %add3A_862, %select_n3A_924 : vector<16xf32>
    %eq3A_926 = arith.constant 1 : i32
    %eq3A_927 = vector.broadcast %eq3A_926 : i32 to vector<16xi32>
    %eq3A_928 = arith.cmpi eq, %get3A_912, %eq3A_927 : vector<16xi32>
    %jit3A_929 = arith.constant 0.000000e+00 : f32
    %broadcast_in_dim3A_930 = vector.broadcast %jit3A_929 : f32 to vector<16xf32>
    %select_n3A_931 = arith.select %eq3A_928, %get3A_896, %broadcast_in_dim3A_930 : vector<16xi1>, vector<16xf32>
    %add3A_932 = arith.addf %add3A_869, %select_n3A_931 : vector<16xf32>
    %eq3A_933 = arith.constant 2 : i32
    %eq3A_934 = vector.broadcast %eq3A_933 : i32 to vector<16xi32>
    %eq3A_935 = arith.cmpi eq, %get3A_912, %eq3A_934 : vector<16xi32>
    %jit3A_936 = arith.constant 0.000000e+00 : f32
    %broadcast_in_dim3A_937 = vector.broadcast %jit3A_936 : f32 to vector<16xf32>
    %select_n3A_938 = arith.select %eq3A_935, %get3A_896, %broadcast_in_dim3A_937 : vector<16xi1>, vector<16xf32>
    %add3A_939 = arith.addf %add3A_876, %select_n3A_938 : vector<16xf32>
    %gt3A_940 = arith.constant 0.000000e+00 : f32
    %gt3A_941 = vector.broadcast %gt3A_940 : f32 to vector<16xf32>
    %gt3A_942 = arith.cmpf ogt, %get3A_896, %gt3A_941 : vector<16xf32>
    %jit3A_943 = arith.constant 0.000000e+00 : f32
    %broadcast_in_dim3A_944 = vector.broadcast %jit3A_943 : f32 to vector<16xf32>
    %select_n3A_945 = arith.select %gt3A_942, %broadcast_in_dim3A_944, %add3A_903 : vector<16xi1>, vector<16xf32>
    %swap3A_946 = arith.constant 224 : index
    %swap3A_947 = tpu.vector_load %arg18[%swap3A_946] {strides = array<i32>} : memref<1024xf32, #tpu.memory_space<vmem>>, vector<16xf32>,
    %swap3A_948 = vector.shape_cast %swap3A_947 : vector<16xf32> to vector<16xf32>
    %swap3A_949 = vector.shape_cast %select_n3A_945 : vector<16xf32> to vector<16xf32>
    tpu.vector_store %arg18[%swap3A_946], %swap3A_949 {strides = array<i32>} : memref<1024xf32, #tpu.memory_space<vmem>>, vector<16xf32>,
    %jit3A_950 = arith.constant 0 : i32
    %broadcast_in_dim3A_951 = vector.broadcast %jit3A_950 : i32 to vector<16xi32>
    %select_n3A_952 = arith.select %gt3A_942, %broadcast_in_dim3A_951, %add3A_909 : vector<16xi1>, vector<16xi32>
    %swap3A_953 = arith.constant 224 : index
    %swap3A_954 = tpu.vector_load %arg19[%swap3A_953] {strides = array<i32>} : memref<1024xi32, #tpu.memory_space<vmem>>, vector<16xi32>,
    %swap3A_955 = vector.shape_cast %swap3A_954 : vector<16xi32> to vector<16xi32>
    %swap3A_956 = vector.shape_cast %select_n3A_952 : vector<16xi32> to vector<16xi32>
    tpu.vector_store %arg19[%swap3A_953], %swap3A_956 {strides = array<i32>} : memref<1024xi32, #tpu.memory_space<vmem>>, vector<16xi32>,
    %get3A_957 = arith.constant 240 : index
    %get3A_958 = tpu.vector_load %arg14[%get3A_957] {strides = array<i32>} : memref<1024xf32, #tpu.memory_space<vmem>>, vector<16xf32>,
    %get3A_959 = vector.shape_cast %get3A_958 : vector<16xf32> to vector<16xf32>
    %get3A_960 = arith.constant 240 : index
    %get3A_961 = tpu.vector_load %arg16[%get3A_960] {strides = array<i32>} : memref<1024xf32, #tpu.memory_space<vmem>>, vector<16xf32>,
    %get3A_962 = vector.shape_cast %get3A_961 : vector<16xf32> to vector<16xf32>
    %get3A_963 = arith.constant 240 : index
    %get3A_964 = tpu.vector_load %arg13[%get3A_963] {strides = array<i32>} : memref<1024xf32, #tpu.memory_space<vmem>>, vector<16xf32>,
    %get3A_965 = vector.shape_cast %get3A_964 : vector<16xf32> to vector<16xf32>
    %add3A_966 = arith.addf %get3A_962, %get3A_965 : vector<16xf32>
    %get3A_967 = arith.constant 240 : index
    %get3A_968 = tpu.vector_load %arg17[%get3A_967] {strides = array<i32>} : memref<1024xi32, #tpu.memory_space<vmem>>, vector<16xi32>,
    %get3A_969 = vector.shape_cast %get3A_968 : vector<16xi32> to vector<16xi32>
    %add3A_970 = arith.constant 1 : i32
    %add3A_971 = vector.broadcast %add3A_970 : i32 to vector<16xi32>
    %add3A_972 = arith.addi %get3A_969, %add3A_971 : vector<16xi32>
    %get3A_973 = arith.constant 240 : index
    %get3A_974 = tpu.vector_load %arg15[%get3A_973] {strides = array<i32>} : memref<1024xi32, #tpu.memory_space<vmem>>, vector<16xi32>,
    %get3A_975 = vector.shape_cast %get3A_974 : vector<16xi32> to vector<16xi32>
    %add3A_976 = arith.addf %add3A_913, %get3A_959 : vector<16xf32>
    %mul3A_977 = arith.mulf %add3A_966, %get3A_959 : vector<16xf32>
    %add3A_978 = arith.addf %add3A_915, %mul3A_977 : vector<16xf32>
    %convert_element_type3A_979 = arith.sitofp %add3A_972 : vector<16xi32> to vector<16xf32>
    %mul3A_980 = arith.mulf %convert_element_type3A_979, %get3A_959 : vector<16xf32>
    %add3A_981 = arith.addf %add3A_918, %mul3A_980 : vector<16xf32>
    %eq3A_982 = arith.constant 0 : i32
    %eq3A_983 = vector.broadcast %eq3A_982 : i32 to vector<16xi32>
    %eq3A_984 = arith.cmpi eq, %get3A_975, %eq3A_983 : vector<16xi32>
    %jit3A_985 = arith.constant 0.000000e+00 : f32
    %broadcast_in_dim3A_986 = vector.broadcast %jit3A_985 : f32 to vector<16xf32>
    %select_n3A_987 = arith.select %eq3A_984, %get3A_959, %broadcast_in_dim3A_986 : vector<16xi1>, vector<16xf32>
    %add3A_988 = arith.addf %add3A_925, %select_n3A_987 : vector<16xf32>
    %eq3A_989 = arith.constant 1 : i32
    %eq3A_990 = vector.broadcast %eq3A_989 : i32 to vector<16xi32>
    %eq3A_991 = arith.cmpi eq, %get3A_975, %eq3A_990 : vector<16xi32>
    %jit3A_992 = arith.constant 0.000000e+00 : f32
    %broadcast_in_dim3A_993 = vector.broadcast %jit3A_992 : f32 to vector<16xf32>
    %select_n3A_994 = arith.select %eq3A_991, %get3A_959, %broadcast_in_dim3A_993 : vector<16xi1>, vector<16xf32>
    %add3A_995 = arith.addf %add3A_932, %select_n3A_994 : vector<16xf32>
    %eq3A_996 = arith.constant 2 : i32
    %eq3A_997 = vector.broadcast %eq3A_996 : i32 to vector<16xi32>
    %eq3A_998 = arith.cmpi eq, %get3A_975, %eq3A_997 : vector<16xi32>
    %jit3A_999 = arith.constant 0.000000e+00 : f32
    %broadcast_in_dim3A_1000 = vector.broadcast %jit3A_999 : f32 to vector<16xf32>
    %select_n3A_1001 = arith.select %eq3A_998, %get3A_959, %broadcast_in_dim3A_1000 : vector<16xi1>, vector<16xf32>
    %add3A_1002 = arith.addf %add3A_939, %select_n3A_1001 : vector<16xf32>
    %gt3A_1003 = arith.constant 0.000000e+00 : f32
    %gt3A_1004 = vector.broadcast %gt3A_1003 : f32 to vector<16xf32>
    %gt3A_1005 = arith.cmpf ogt, %get3A_959, %gt3A_1004 : vector<16xf32>
    %jit3A_1006 = arith.constant 0.000000e+00 : f32
    %broadcast_in_dim3A_1007 = vector.broadcast %jit3A_1006 : f32 to vector<16xf32>
    %select_n3A_1008 = arith.select %gt3A_1005, %broadcast_in_dim3A_1007, %add3A_966 : vector<16xi1>, vector<16xf32>
    %swap3A_1009 = arith.constant 240 : index
    %swap3A_1010 = tpu.vector_load %arg18[%swap3A_1009] {strides = array<i32>} : memref<1024xf32, #tpu.memory_space<vmem>>, vector<16xf32>,
    %swap3A_1011 = vector.shape_cast %swap3A_1010 : vector<16xf32> to vector<16xf32>
    %swap3A_1012 = vector.shape_cast %select_n3A_1008 : vector<16xf32> to vector<16xf32>
    tpu.vector_store %arg18[%swap3A_1009], %swap3A_1012 {strides = array<i32>} : memref<1024xf32, #tpu.memory_space<vmem>>, vector<16xf32>,
    %jit3A_1013 = arith.constant 0 : i32
    %broadcast_in_dim3A_1014 = vector.broadcast %jit3A_1013 : i32 to vector<16xi32>
    %select_n3A_1015 = arith.select %gt3A_1005, %broadcast_in_dim3A_1014, %add3A_972 : vector<16xi1>, vector<16xi32>
    %swap3A_1016 = arith.constant 240 : index
    %swap3A_1017 = tpu.vector_load %arg19[%swap3A_1016] {strides = array<i32>} : memref<1024xi32, #tpu.memory_space<vmem>>, vector<16xi32>,
    %swap3A_1018 = vector.shape_cast %swap3A_1017 : vector<16xi32> to vector<16xi32>
    %swap3A_1019 = vector.shape_cast %select_n3A_1015 : vector<16xi32> to vector<16xi32>
    tpu.vector_store %arg19[%swap3A_1016], %swap3A_1019 {strides = array<i32>} : memref<1024xi32, #tpu.memory_space<vmem>>, vector<16xi32>,
    %get3A_1020 = arith.constant 256 : index
    %get3A_1021 = tpu.vector_load %arg14[%get3A_1020] {strides = array<i32>} : memref<1024xf32, #tpu.memory_space<vmem>>, vector<16xf32>,
    %get3A_1022 = vector.shape_cast %get3A_1021 : vector<16xf32> to vector<16xf32>
    %get3A_1023 = arith.constant 256 : index
    %get3A_1024 = tpu.vector_load %arg16[%get3A_1023] {strides = array<i32>} : memref<1024xf32, #tpu.memory_space<vmem>>, vector<16xf32>,
    %get3A_1025 = vector.shape_cast %get3A_1024 : vector<16xf32> to vector<16xf32>
    %get3A_1026 = arith.constant 256 : index
    %get3A_1027 = tpu.vector_load %arg13[%get3A_1026] {strides = array<i32>} : memref<1024xf32, #tpu.memory_space<vmem>>, vector<16xf32>,
    %get3A_1028 = vector.shape_cast %get3A_1027 : vector<16xf32> to vector<16xf32>
    %add3A_1029 = arith.addf %get3A_1025, %get3A_1028 : vector<16xf32>
    %get3A_1030 = arith.constant 256 : index
    %get3A_1031 = tpu.vector_load %arg17[%get3A_1030] {strides = array<i32>} : memref<1024xi32, #tpu.memory_space<vmem>>, vector<16xi32>,
    %get3A_1032 = vector.shape_cast %get3A_1031 : vector<16xi32> to vector<16xi32>
    %add3A_1033 = arith.constant 1 : i32
    %add3A_1034 = vector.broadcast %add3A_1033 : i32 to vector<16xi32>
    %add3A_1035 = arith.addi %get3A_1032, %add3A_1034 : vector<16xi32>
    %get3A_1036 = arith.constant 256 : index
    %get3A_1037 = tpu.vector_load %arg15[%get3A_1036] {strides = array<i32>} : memref<1024xi32, #tpu.memory_space<vmem>>, vector<16xi32>,
    %get3A_1038 = vector.shape_cast %get3A_1037 : vector<16xi32> to vector<16xi32>
    %add3A_1039 = arith.addf %add3A_976, %get3A_1022 : vector<16xf32>
    %mul3A_1040 = arith.mulf %add3A_1029, %get3A_1022 : vector<16xf32>
    %add3A_1041 = arith.addf %add3A_978, %mul3A_1040 : vector<16xf32>
    %convert_element_type3A_1042 = arith.sitofp %add3A_1035 : vector<16xi32> to vector<16xf32>
    %mul3A_1043 = arith.mulf %convert_element_type3A_1042, %get3A_1022 : vector<16xf32>
    %add3A_1044 = arith.addf %add3A_981, %mul3A_1043 : vector<16xf32>
    %eq3A_1045 = arith.constant 0 : i32
    %eq3A_1046 = vector.broadcast %eq3A_1045 : i32 to vector<16xi32>
    %eq3A_1047 = arith.cmpi eq, %get3A_1038, %eq3A_1046 : vector<16xi32>
    %jit3A_1048 = arith.constant 0.000000e+00 : f32
    %broadcast_in_dim3A_1049 = vector.broadcast %jit3A_1048 : f32 to vector<16xf32>
    %select_n3A_1050 = arith.select %eq3A_1047, %get3A_1022, %broadcast_in_dim3A_1049 : vector<16xi1>, vector<16xf32>
    %add3A_1051 = arith.addf %add3A_988, %select_n3A_1050 : vector<16xf32>
    %eq3A_1052 = arith.constant 1 : i32
    %eq3A_1053 = vector.broadcast %eq3A_1052 : i32 to vector<16xi32>
    %eq3A_1054 = arith.cmpi eq, %get3A_1038, %eq3A_1053 : vector<16xi32>
    %jit3A_1055 = arith.constant 0.000000e+00 : f32
    %broadcast_in_dim3A_1056 = vector.broadcast %jit3A_1055 : f32 to vector<16xf32>
    %select_n3A_1057 = arith.select %eq3A_1054, %get3A_1022, %broadcast_in_dim3A_1056 : vector<16xi1>, vector<16xf32>
    %add3A_1058 = arith.addf %add3A_995, %select_n3A_1057 : vector<16xf32>
    %eq3A_1059 = arith.constant 2 : i32
    %eq3A_1060 = vector.broadcast %eq3A_1059 : i32 to vector<16xi32>
    %eq3A_1061 = arith.cmpi eq, %get3A_1038, %eq3A_1060 : vector<16xi32>
    %jit3A_1062 = arith.constant 0.000000e+00 : f32
    %broadcast_in_dim3A_1063 = vector.broadcast %jit3A_1062 : f32 to vector<16xf32>
    %select_n3A_1064 = arith.select %eq3A_1061, %get3A_1022, %broadcast_in_dim3A_1063 : vector<16xi1>, vector<16xf32>
    %add3A_1065 = arith.addf %add3A_1002, %select_n3A_1064 : vector<16xf32>
    %gt3A_1066 = arith.constant 0.000000e+00 : f32
    %gt3A_1067 = vector.broadcast %gt3A_1066 : f32 to vector<16xf32>
    %gt3A_1068 = arith.cmpf ogt, %get3A_1022, %gt3A_1067 : vector<16xf32>
    %jit3A_1069 = arith.constant 0.000000e+00 : f32
    %broadcast_in_dim3A_1070 = vector.broadcast %jit3A_1069 : f32 to vector<16xf32>
    %select_n3A_1071 = arith.select %gt3A_1068, %broadcast_in_dim3A_1070, %add3A_1029 : vector<16xi1>, vector<16xf32>
    %swap3A_1072 = arith.constant 256 : index
    %swap3A_1073 = tpu.vector_load %arg18[%swap3A_1072] {strides = array<i32>} : memref<1024xf32, #tpu.memory_space<vmem>>, vector<16xf32>,
    %swap3A_1074 = vector.shape_cast %swap3A_1073 : vector<16xf32> to vector<16xf32>
    %swap3A_1075 = vector.shape_cast %select_n3A_1071 : vector<16xf32> to vector<16xf32>
    tpu.vector_store %arg18[%swap3A_1072], %swap3A_1075 {strides = array<i32>} : memref<1024xf32, #tpu.memory_space<vmem>>, vector<16xf32>,
    %jit3A_1076 = arith.constant 0 : i32
    %broadcast_in_dim3A_1077 = vector.broadcast %jit3A_1076 : i32 to vector<16xi32>
    %select_n3A_1078 = arith.select %gt3A_1068, %broadcast_in_dim3A_1077, %add3A_1035 : vector<16xi1>, vector<16xi32>
    %swap3A_1079 = arith.constant 256 : index
    %swap3A_1080 = tpu.vector_load %arg19[%swap3A_1079] {strides = array<i32>} : memref<1024xi32, #tpu.memory_space<vmem>>, vector<16xi32>,
    %swap3A_1081 = vector.shape_cast %swap3A_1080 : vector<16xi32> to vector<16xi32>
    %swap3A_1082 = vector.shape_cast %select_n3A_1078 : vector<16xi32> to vector<16xi32>
    tpu.vector_store %arg19[%swap3A_1079], %swap3A_1082 {strides = array<i32>} : memref<1024xi32, #tpu.memory_space<vmem>>, vector<16xi32>,
    %get3A_1083 = arith.constant 272 : index
    %get3A_1084 = tpu.vector_load %arg14[%get3A_1083] {strides = array<i32>} : memref<1024xf32, #tpu.memory_space<vmem>>, vector<16xf32>,
    %get3A_1085 = vector.shape_cast %get3A_1084 : vector<16xf32> to vector<16xf32>
    %get3A_1086 = arith.constant 272 : index
    %get3A_1087 = tpu.vector_load %arg16[%get3A_1086] {strides = array<i32>} : memref<1024xf32, #tpu.memory_space<vmem>>, vector<16xf32>,
    %get3A_1088 = vector.shape_cast %get3A_1087 : vector<16xf32> to vector<16xf32>
    %get3A_1089 = arith.constant 272 : index
    %get3A_1090 = tpu.vector_load %arg13[%get3A_1089] {strides = array<i32>} : memref<1024xf32, #tpu.memory_space<vmem>>, vector<16xf32>,
    %get3A_1091 = vector.shape_cast %get3A_1090 : vector<16xf32> to vector<16xf32>
    %add3A_1092 = arith.addf %get3A_1088, %get3A_1091 : vector<16xf32>
    %get3A_1093 = arith.constant 272 : index
    %get3A_1094 = tpu.vector_load %arg17[%get3A_1093] {strides = array<i32>} : memref<1024xi32, #tpu.memory_space<vmem>>, vector<16xi32>,
    %get3A_1095 = vector.shape_cast %get3A_1094 : vector<16xi32> to vector<16xi32>
    %add3A_1096 = arith.constant 1 : i32
    %add3A_1097 = vector.broadcast %add3A_1096 : i32 to vector<16xi32>
    %add3A_1098 = arith.addi %get3A_1095, %add3A_1097 : vector<16xi32>
    %get3A_1099 = arith.constant 272 : index
    %get3A_1100 = tpu.vector_load %arg15[%get3A_1099] {strides = array<i32>} : memref<1024xi32, #tpu.memory_space<vmem>>, vector<16xi32>,
    %get3A_1101 = vector.shape_cast %get3A_1100 : vector<16xi32> to vector<16xi32>
    %add3A_1102 = arith.addf %add3A_1039, %get3A_1085 : vector<16xf32>
    %mul3A_1103 = arith.mulf %add3A_1092, %get3A_1085 : vector<16xf32>
    %add3A_1104 = arith.addf %add3A_1041, %mul3A_1103 : vector<16xf32>
    %convert_element_type3A_1105 = arith.sitofp %add3A_1098 : vector<16xi32> to vector<16xf32>
    %mul3A_1106 = arith.mulf %convert_element_type3A_1105, %get3A_1085 : vector<16xf32>
    %add3A_1107 = arith.addf %add3A_1044, %mul3A_1106 : vector<16xf32>
    %eq3A_1108 = arith.constant 0 : i32
    %eq3A_1109 = vector.broadcast %eq3A_1108 : i32 to vector<16xi32>
    %eq3A_1110 = arith.cmpi eq, %get3A_1101, %eq3A_1109 : vector<16xi32>
    %jit3A_1111 = arith.constant 0.000000e+00 : f32
    %broadcast_in_dim3A_1112 = vector.broadcast %jit3A_1111 : f32 to vector<16xf32>
    %select_n3A_1113 = arith.select %eq3A_1110, %get3A_1085, %broadcast_in_dim3A_1112 : vector<16xi1>, vector<16xf32>
    %add3A_1114 = arith.addf %add3A_1051, %select_n3A_1113 : vector<16xf32>
    %eq3A_1115 = arith.constant 1 : i32
    %eq3A_1116 = vector.broadcast %eq3A_1115 : i32 to vector<16xi32>
    %eq3A_1117 = arith.cmpi eq, %get3A_1101, %eq3A_1116 : vector<16xi32>
    %jit3A_1118 = arith.constant 0.000000e+00 : f32
    %broadcast_in_dim3A_1119 = vector.broadcast %jit3A_1118 : f32 to vector<16xf32>
    %select_n3A_1120 = arith.select %eq3A_1117, %get3A_1085, %broadcast_in_dim3A_1119 : vector<16xi1>, vector<16xf32>
    %add3A_1121 = arith.addf %add3A_1058, %select_n3A_1120 : vector<16xf32>
    %eq3A_1122 = arith.constant 2 : i32
    %eq3A_1123 = vector.broadcast %eq3A_1122 : i32 to vector<16xi32>
    %eq3A_1124 = arith.cmpi eq, %get3A_1101, %eq3A_1123 : vector<16xi32>
    %jit3A_1125 = arith.constant 0.000000e+00 : f32
    %broadcast_in_dim3A_1126 = vector.broadcast %jit3A_1125 : f32 to vector<16xf32>
    %select_n3A_1127 = arith.select %eq3A_1124, %get3A_1085, %broadcast_in_dim3A_1126 : vector<16xi1>, vector<16xf32>
    %add3A_1128 = arith.addf %add3A_1065, %select_n3A_1127 : vector<16xf32>
    %gt3A_1129 = arith.constant 0.000000e+00 : f32
    %gt3A_1130 = vector.broadcast %gt3A_1129 : f32 to vector<16xf32>
    %gt3A_1131 = arith.cmpf ogt, %get3A_1085, %gt3A_1130 : vector<16xf32>
    %jit3A_1132 = arith.constant 0.000000e+00 : f32
    %broadcast_in_dim3A_1133 = vector.broadcast %jit3A_1132 : f32 to vector<16xf32>
    %select_n3A_1134 = arith.select %gt3A_1131, %broadcast_in_dim3A_1133, %add3A_1092 : vector<16xi1>, vector<16xf32>
    %swap3A_1135 = arith.constant 272 : index
    %swap3A_1136 = tpu.vector_load %arg18[%swap3A_1135] {strides = array<i32>} : memref<1024xf32, #tpu.memory_space<vmem>>, vector<16xf32>,
    %swap3A_1137 = vector.shape_cast %swap3A_1136 : vector<16xf32> to vector<16xf32>
    %swap3A_1138 = vector.shape_cast %select_n3A_1134 : vector<16xf32> to vector<16xf32>
    tpu.vector_store %arg18[%swap3A_1135], %swap3A_1138 {strides = array<i32>} : memref<1024xf32, #tpu.memory_space<vmem>>, vector<16xf32>,
    %jit3A_1139 = arith.constant 0 : i32
    %broadcast_in_dim3A_1140 = vector.broadcast %jit3A_1139 : i32 to vector<16xi32>
    %select_n3A_1141 = arith.select %gt3A_1131, %broadcast_in_dim3A_1140, %add3A_1098 : vector<16xi1>, vector<16xi32>
    %swap3A_1142 = arith.constant 272 : index
    %swap3A_1143 = tpu.vector_load %arg19[%swap3A_1142] {strides = array<i32>} : memref<1024xi32, #tpu.memory_space<vmem>>, vector<16xi32>,
    %swap3A_1144 = vector.shape_cast %swap3A_1143 : vector<16xi32> to vector<16xi32>
    %swap3A_1145 = vector.shape_cast %select_n3A_1141 : vector<16xi32> to vector<16xi32>
    tpu.vector_store %arg19[%swap3A_1142], %swap3A_1145 {strides = array<i32>} : memref<1024xi32, #tpu.memory_space<vmem>>, vector<16xi32>,
    %get3A_1146 = arith.constant 288 : index
    %get3A_1147 = tpu.vector_load %arg14[%get3A_1146] {strides = array<i32>} : memref<1024xf32, #tpu.memory_space<vmem>>, vector<16xf32>,
    %get3A_1148 = vector.shape_cast %get3A_1147 : vector<16xf32> to vector<16xf32>
    %get3A_1149 = arith.constant 288 : index
    %get3A_1150 = tpu.vector_load %arg16[%get3A_1149] {strides = array<i32>} : memref<1024xf32, #tpu.memory_space<vmem>>, vector<16xf32>,
    %get3A_1151 = vector.shape_cast %get3A_1150 : vector<16xf32> to vector<16xf32>
    %get3A_1152 = arith.constant 288 : index
    %get3A_1153 = tpu.vector_load %arg13[%get3A_1152] {strides = array<i32>} : memref<1024xf32, #tpu.memory_space<vmem>>, vector<16xf32>,
    %get3A_1154 = vector.shape_cast %get3A_1153 : vector<16xf32> to vector<16xf32>
    %add3A_1155 = arith.addf %get3A_1151, %get3A_1154 : vector<16xf32>
    %get3A_1156 = arith.constant 288 : index
    %get3A_1157 = tpu.vector_load %arg17[%get3A_1156] {strides = array<i32>} : memref<1024xi32, #tpu.memory_space<vmem>>, vector<16xi32>,
    %get3A_1158 = vector.shape_cast %get3A_1157 : vector<16xi32> to vector<16xi32>
    %add3A_1159 = arith.constant 1 : i32
    %add3A_1160 = vector.broadcast %add3A_1159 : i32 to vector<16xi32>
    %add3A_1161 = arith.addi %get3A_1158, %add3A_1160 : vector<16xi32>
    %get3A_1162 = arith.constant 288 : index
    %get3A_1163 = tpu.vector_load %arg15[%get3A_1162] {strides = array<i32>} : memref<1024xi32, #tpu.memory_space<vmem>>, vector<16xi32>,
    %get3A_1164 = vector.shape_cast %get3A_1163 : vector<16xi32> to vector<16xi32>
    %add3A_1165 = arith.addf %add3A_1102, %get3A_1148 : vector<16xf32>
    %mul3A_1166 = arith.mulf %add3A_1155, %get3A_1148 : vector<16xf32>
    %add3A_1167 = arith.addf %add3A_1104, %mul3A_1166 : vector<16xf32>
    %convert_element_type3A_1168 = arith.sitofp %add3A_1161 : vector<16xi32> to vector<16xf32>
    %mul3A_1169 = arith.mulf %convert_element_type3A_1168, %get3A_1148 : vector<16xf32>
    %add3A_1170 = arith.addf %add3A_1107, %mul3A_1169 : vector<16xf32>
    %eq3A_1171 = arith.constant 0 : i32
    %eq3A_1172 = vector.broadcast %eq3A_1171 : i32 to vector<16xi32>
    %eq3A_1173 = arith.cmpi eq, %get3A_1164, %eq3A_1172 : vector<16xi32>
    %jit3A_1174 = arith.constant 0.000000e+00 : f32
    %broadcast_in_dim3A_1175 = vector.broadcast %jit3A_1174 : f32 to vector<16xf32>
    %select_n3A_1176 = arith.select %eq3A_1173, %get3A_1148, %broadcast_in_dim3A_1175 : vector<16xi1>, vector<16xf32>
    %add3A_1177 = arith.addf %add3A_1114, %select_n3A_1176 : vector<16xf32>
    %eq3A_1178 = arith.constant 1 : i32
    %eq3A_1179 = vector.broadcast %eq3A_1178 : i32 to vector<16xi32>
    %eq3A_1180 = arith.cmpi eq, %get3A_1164, %eq3A_1179 : vector<16xi32>
    %jit3A_1181 = arith.constant 0.000000e+00 : f32
    %broadcast_in_dim3A_1182 = vector.broadcast %jit3A_1181 : f32 to vector<16xf32>
    %select_n3A_1183 = arith.select %eq3A_1180, %get3A_1148, %broadcast_in_dim3A_1182 : vector<16xi1>, vector<16xf32>
    %add3A_1184 = arith.addf %add3A_1121, %select_n3A_1183 : vector<16xf32>
    %eq3A_1185 = arith.constant 2 : i32
    %eq3A_1186 = vector.broadcast %eq3A_1185 : i32 to vector<16xi32>
    %eq3A_1187 = arith.cmpi eq, %get3A_1164, %eq3A_1186 : vector<16xi32>
    %jit3A_1188 = arith.constant 0.000000e+00 : f32
    %broadcast_in_dim3A_1189 = vector.broadcast %jit3A_1188 : f32 to vector<16xf32>
    %select_n3A_1190 = arith.select %eq3A_1187, %get3A_1148, %broadcast_in_dim3A_1189 : vector<16xi1>, vector<16xf32>
    %add3A_1191 = arith.addf %add3A_1128, %select_n3A_1190 : vector<16xf32>
    %gt3A_1192 = arith.constant 0.000000e+00 : f32
    %gt3A_1193 = vector.broadcast %gt3A_1192 : f32 to vector<16xf32>
    %gt3A_1194 = arith.cmpf ogt, %get3A_1148, %gt3A_1193 : vector<16xf32>
    %jit3A_1195 = arith.constant 0.000000e+00 : f32
    %broadcast_in_dim3A_1196 = vector.broadcast %jit3A_1195 : f32 to vector<16xf32>
    %select_n3A_1197 = arith.select %gt3A_1194, %broadcast_in_dim3A_1196, %add3A_1155 : vector<16xi1>, vector<16xf32>
    %swap3A_1198 = arith.constant 288 : index
    %swap3A_1199 = tpu.vector_load %arg18[%swap3A_1198] {strides = array<i32>} : memref<1024xf32, #tpu.memory_space<vmem>>, vector<16xf32>,
    %swap3A_1200 = vector.shape_cast %swap3A_1199 : vector<16xf32> to vector<16xf32>
    %swap3A_1201 = vector.shape_cast %select_n3A_1197 : vector<16xf32> to vector<16xf32>
    tpu.vector_store %arg18[%swap3A_1198], %swap3A_1201 {strides = array<i32>} : memref<1024xf32, #tpu.memory_space<vmem>>, vector<16xf32>,
    %jit3A_1202 = arith.constant 0 : i32
    %broadcast_in_dim3A_1203 = vector.broadcast %jit3A_1202 : i32 to vector<16xi32>
    %select_n3A_1204 = arith.select %gt3A_1194, %broadcast_in_dim3A_1203, %add3A_1161 : vector<16xi1>, vector<16xi32>
    %swap3A_1205 = arith.constant 288 : index
    %swap3A_1206 = tpu.vector_load %arg19[%swap3A_1205] {strides = array<i32>} : memref<1024xi32, #tpu.memory_space<vmem>>, vector<16xi32>,
    %swap3A_1207 = vector.shape_cast %swap3A_1206 : vector<16xi32> to vector<16xi32>
    %swap3A_1208 = vector.shape_cast %select_n3A_1204 : vector<16xi32> to vector<16xi32>
    tpu.vector_store %arg19[%swap3A_1205], %swap3A_1208 {strides = array<i32>} : memref<1024xi32, #tpu.memory_space<vmem>>, vector<16xi32>,
    %get3A_1209 = arith.constant 304 : index
    %get3A_1210 = tpu.vector_load %arg14[%get3A_1209] {strides = array<i32>} : memref<1024xf32, #tpu.memory_space<vmem>>, vector<16xf32>,
    %get3A_1211 = vector.shape_cast %get3A_1210 : vector<16xf32> to vector<16xf32>
    %get3A_1212 = arith.constant 304 : index
    %get3A_1213 = tpu.vector_load %arg16[%get3A_1212] {strides = array<i32>} : memref<1024xf32, #tpu.memory_space<vmem>>, vector<16xf32>,
    %get3A_1214 = vector.shape_cast %get3A_1213 : vector<16xf32> to vector<16xf32>
    %get3A_1215 = arith.constant 304 : index
    %get3A_1216 = tpu.vector_load %arg13[%get3A_1215] {strides = array<i32>} : memref<1024xf32, #tpu.memory_space<vmem>>, vector<16xf32>,
    %get3A_1217 = vector.shape_cast %get3A_1216 : vector<16xf32> to vector<16xf32>
    %add3A_1218 = arith.addf %get3A_1214, %get3A_1217 : vector<16xf32>
    %get3A_1219 = arith.constant 304 : index
    %get3A_1220 = tpu.vector_load %arg17[%get3A_1219] {strides = array<i32>} : memref<1024xi32, #tpu.memory_space<vmem>>, vector<16xi32>,
    %get3A_1221 = vector.shape_cast %get3A_1220 : vector<16xi32> to vector<16xi32>
    %add3A_1222 = arith.constant 1 : i32
    %add3A_1223 = vector.broadcast %add3A_1222 : i32 to vector<16xi32>
    %add3A_1224 = arith.addi %get3A_1221, %add3A_1223 : vector<16xi32>
    %get3A_1225 = arith.constant 304 : index
    %get3A_1226 = tpu.vector_load %arg15[%get3A_1225] {strides = array<i32>} : memref<1024xi32, #tpu.memory_space<vmem>>, vector<16xi32>,
    %get3A_1227 = vector.shape_cast %get3A_1226 : vector<16xi32> to vector<16xi32>
    %add3A_1228 = arith.addf %add3A_1165, %get3A_1211 : vector<16xf32>
    %mul3A_1229 = arith.mulf %add3A_1218, %get3A_1211 : vector<16xf32>
    %add3A_1230 = arith.addf %add3A_1167, %mul3A_1229 : vector<16xf32>
    %convert_element_type3A_1231 = arith.sitofp %add3A_1224 : vector<16xi32> to vector<16xf32>
    %mul3A_1232 = arith.mulf %convert_element_type3A_1231, %get3A_1211 : vector<16xf32>
    %add3A_1233 = arith.addf %add3A_1170, %mul3A_1232 : vector<16xf32>
    %eq3A_1234 = arith.constant 0 : i32
    %eq3A_1235 = vector.broadcast %eq3A_1234 : i32 to vector<16xi32>
    %eq3A_1236 = arith.cmpi eq, %get3A_1227, %eq3A_1235 : vector<16xi32>
    %jit3A_1237 = arith.constant 0.000000e+00 : f32
    %broadcast_in_dim3A_1238 = vector.broadcast %jit3A_1237 : f32 to vector<16xf32>
    %select_n3A_1239 = arith.select %eq3A_1236, %get3A_1211, %broadcast_in_dim3A_1238 : vector<16xi1>, vector<16xf32>
    %add3A_1240 = arith.addf %add3A_1177, %select_n3A_1239 : vector<16xf32>
    %eq3A_1241 = arith.constant 1 : i32
    %eq3A_1242 = vector.broadcast %eq3A_1241 : i32 to vector<16xi32>
    %eq3A_1243 = arith.cmpi eq, %get3A_1227, %eq3A_1242 : vector<16xi32>
    %jit3A_1244 = arith.constant 0.000000e+00 : f32
    %broadcast_in_dim3A_1245 = vector.broadcast %jit3A_1244 : f32 to vector<16xf32>
    %select_n3A_1246 = arith.select %eq3A_1243, %get3A_1211, %broadcast_in_dim3A_1245 : vector<16xi1>, vector<16xf32>
    %add3A_1247 = arith.addf %add3A_1184, %select_n3A_1246 : vector<16xf32>
    %eq3A_1248 = arith.constant 2 : i32
    %eq3A_1249 = vector.broadcast %eq3A_1248 : i32 to vector<16xi32>
    %eq3A_1250 = arith.cmpi eq, %get3A_1227, %eq3A_1249 : vector<16xi32>
    %jit3A_1251 = arith.constant 0.000000e+00 : f32
    %broadcast_in_dim3A_1252 = vector.broadcast %jit3A_1251 : f32 to vector<16xf32>
    %select_n3A_1253 = arith.select %eq3A_1250, %get3A_1211, %broadcast_in_dim3A_1252 : vector<16xi1>, vector<16xf32>
    %add3A_1254 = arith.addf %add3A_1191, %select_n3A_1253 : vector<16xf32>
    %gt3A_1255 = arith.constant 0.000000e+00 : f32
    %gt3A_1256 = vector.broadcast %gt3A_1255 : f32 to vector<16xf32>
    %gt3A_1257 = arith.cmpf ogt, %get3A_1211, %gt3A_1256 : vector<16xf32>
    %jit3A_1258 = arith.constant 0.000000e+00 : f32
    %broadcast_in_dim3A_1259 = vector.broadcast %jit3A_1258 : f32 to vector<16xf32>
    %select_n3A_1260 = arith.select %gt3A_1257, %broadcast_in_dim3A_1259, %add3A_1218 : vector<16xi1>, vector<16xf32>
    %swap3A_1261 = arith.constant 304 : index
    %swap3A_1262 = tpu.vector_load %arg18[%swap3A_1261] {strides = array<i32>} : memref<1024xf32, #tpu.memory_space<vmem>>, vector<16xf32>,
    %swap3A_1263 = vector.shape_cast %swap3A_1262 : vector<16xf32> to vector<16xf32>
    %swap3A_1264 = vector.shape_cast %select_n3A_1260 : vector<16xf32> to vector<16xf32>
    tpu.vector_store %arg18[%swap3A_1261], %swap3A_1264 {strides = array<i32>} : memref<1024xf32, #tpu.memory_space<vmem>>, vector<16xf32>,
    %jit3A_1265 = arith.constant 0 : i32
    %broadcast_in_dim3A_1266 = vector.broadcast %jit3A_1265 : i32 to vector<16xi32>
    %select_n3A_1267 = arith.select %gt3A_1257, %broadcast_in_dim3A_1266, %add3A_1224 : vector<16xi1>, vector<16xi32>
    %swap3A_1268 = arith.constant 304 : index
    %swap3A_1269 = tpu.vector_load %arg19[%swap3A_1268] {strides = array<i32>} : memref<1024xi32, #tpu.memory_space<vmem>>, vector<16xi32>,
    %swap3A_1270 = vector.shape_cast %swap3A_1269 : vector<16xi32> to vector<16xi32>
    %swap3A_1271 = vector.shape_cast %select_n3A_1267 : vector<16xi32> to vector<16xi32>
    tpu.vector_store %arg19[%swap3A_1268], %swap3A_1271 {strides = array<i32>} : memref<1024xi32, #tpu.memory_space<vmem>>, vector<16xi32>,
    %get3A_1272 = arith.constant 320 : index
    %get3A_1273 = tpu.vector_load %arg14[%get3A_1272] {strides = array<i32>} : memref<1024xf32, #tpu.memory_space<vmem>>, vector<16xf32>,
    %get3A_1274 = vector.shape_cast %get3A_1273 : vector<16xf32> to vector<16xf32>
    %get3A_1275 = arith.constant 320 : index
    %get3A_1276 = tpu.vector_load %arg16[%get3A_1275] {strides = array<i32>} : memref<1024xf32, #tpu.memory_space<vmem>>, vector<16xf32>,
    %get3A_1277 = vector.shape_cast %get3A_1276 : vector<16xf32> to vector<16xf32>
    %get3A_1278 = arith.constant 320 : index
    %get3A_1279 = tpu.vector_load %arg13[%get3A_1278] {strides = array<i32>} : memref<1024xf32, #tpu.memory_space<vmem>>, vector<16xf32>,
    %get3A_1280 = vector.shape_cast %get3A_1279 : vector<16xf32> to vector<16xf32>
    %add3A_1281 = arith.addf %get3A_1277, %get3A_1280 : vector<16xf32>
    %get3A_1282 = arith.constant 320 : index
    %get3A_1283 = tpu.vector_load %arg17[%get3A_1282] {strides = array<i32>} : memref<1024xi32, #tpu.memory_space<vmem>>, vector<16xi32>,
    %get3A_1284 = vector.shape_cast %get3A_1283 : vector<16xi32> to vector<16xi32>
    %add3A_1285 = arith.constant 1 : i32
    %add3A_1286 = vector.broadcast %add3A_1285 : i32 to vector<16xi32>
    %add3A_1287 = arith.addi %get3A_1284, %add3A_1286 : vector<16xi32>
    %get3A_1288 = arith.constant 320 : index
    %get3A_1289 = tpu.vector_load %arg15[%get3A_1288] {strides = array<i32>} : memref<1024xi32, #tpu.memory_space<vmem>>, vector<16xi32>,
    %get3A_1290 = vector.shape_cast %get3A_1289 : vector<16xi32> to vector<16xi32>
    %add3A_1291 = arith.addf %add3A_1228, %get3A_1274 : vector<16xf32>
    %mul3A_1292 = arith.mulf %add3A_1281, %get3A_1274 : vector<16xf32>
    %add3A_1293 = arith.addf %add3A_1230, %mul3A_1292 : vector<16xf32>
    %convert_element_type3A_1294 = arith.sitofp %add3A_1287 : vector<16xi32> to vector<16xf32>
    %mul3A_1295 = arith.mulf %convert_element_type3A_1294, %get3A_1274 : vector<16xf32>
    %add3A_1296 = arith.addf %add3A_1233, %mul3A_1295 : vector<16xf32>
    %eq3A_1297 = arith.constant 0 : i32
    %eq3A_1298 = vector.broadcast %eq3A_1297 : i32 to vector<16xi32>
    %eq3A_1299 = arith.cmpi eq, %get3A_1290, %eq3A_1298 : vector<16xi32>
    %jit3A_1300 = arith.constant 0.000000e+00 : f32
    %broadcast_in_dim3A_1301 = vector.broadcast %jit3A_1300 : f32 to vector<16xf32>
    %select_n3A_1302 = arith.select %eq3A_1299, %get3A_1274, %broadcast_in_dim3A_1301 : vector<16xi1>, vector<16xf32>
    %add3A_1303 = arith.addf %add3A_1240, %select_n3A_1302 : vector<16xf32>
    %eq3A_1304 = arith.constant 1 : i32
    %eq3A_1305 = vector.broadcast %eq3A_1304 : i32 to vector<16xi32>
    %eq3A_1306 = arith.cmpi eq, %get3A_1290, %eq3A_1305 : vector<16xi32>
    %jit3A_1307 = arith.constant 0.000000e+00 : f32
    %broadcast_in_dim3A_1308 = vector.broadcast %jit3A_1307 : f32 to vector<16xf32>
    %select_n3A_1309 = arith.select %eq3A_1306, %get3A_1274, %broadcast_in_dim3A_1308 : vector<16xi1>, vector<16xf32>
    %add3A_1310 = arith.addf %add3A_1247, %select_n3A_1309 : vector<16xf32>
    %eq3A_1311 = arith.constant 2 : i32
    %eq3A_1312 = vector.broadcast %eq3A_1311 : i32 to vector<16xi32>
    %eq3A_1313 = arith.cmpi eq, %get3A_1290, %eq3A_1312 : vector<16xi32>
    %jit3A_1314 = arith.constant 0.000000e+00 : f32
    %broadcast_in_dim3A_1315 = vector.broadcast %jit3A_1314 : f32 to vector<16xf32>
    %select_n3A_1316 = arith.select %eq3A_1313, %get3A_1274, %broadcast_in_dim3A_1315 : vector<16xi1>, vector<16xf32>
    %add3A_1317 = arith.addf %add3A_1254, %select_n3A_1316 : vector<16xf32>
    %gt3A_1318 = arith.constant 0.000000e+00 : f32
    %gt3A_1319 = vector.broadcast %gt3A_1318 : f32 to vector<16xf32>
    %gt3A_1320 = arith.cmpf ogt, %get3A_1274, %gt3A_1319 : vector<16xf32>
    %jit3A_1321 = arith.constant 0.000000e+00 : f32
    %broadcast_in_dim3A_1322 = vector.broadcast %jit3A_1321 : f32 to vector<16xf32>
    %select_n3A_1323 = arith.select %gt3A_1320, %broadcast_in_dim3A_1322, %add3A_1281 : vector<16xi1>, vector<16xf32>
    %swap3A_1324 = arith.constant 320 : index
    %swap3A_1325 = tpu.vector_load %arg18[%swap3A_1324] {strides = array<i32>} : memref<1024xf32, #tpu.memory_space<vmem>>, vector<16xf32>,
    %swap3A_1326 = vector.shape_cast %swap3A_1325 : vector<16xf32> to vector<16xf32>
    %swap3A_1327 = vector.shape_cast %select_n3A_1323 : vector<16xf32> to vector<16xf32>
    tpu.vector_store %arg18[%swap3A_1324], %swap3A_1327 {strides = array<i32>} : memref<1024xf32, #tpu.memory_space<vmem>>, vector<16xf32>,
    %jit3A_1328 = arith.constant 0 : i32
    %broadcast_in_dim3A_1329 = vector.broadcast %jit3A_1328 : i32 to vector<16xi32>
    %select_n3A_1330 = arith.select %gt3A_1320, %broadcast_in_dim3A_1329, %add3A_1287 : vector<16xi1>, vector<16xi32>
    %swap3A_1331 = arith.constant 320 : index
    %swap3A_1332 = tpu.vector_load %arg19[%swap3A_1331] {strides = array<i32>} : memref<1024xi32, #tpu.memory_space<vmem>>, vector<16xi32>,
    %swap3A_1333 = vector.shape_cast %swap3A_1332 : vector<16xi32> to vector<16xi32>
    %swap3A_1334 = vector.shape_cast %select_n3A_1330 : vector<16xi32> to vector<16xi32>
    tpu.vector_store %arg19[%swap3A_1331], %swap3A_1334 {strides = array<i32>} : memref<1024xi32, #tpu.memory_space<vmem>>, vector<16xi32>,
    %get3A_1335 = arith.constant 336 : index
    %get3A_1336 = tpu.vector_load %arg14[%get3A_1335] {strides = array<i32>} : memref<1024xf32, #tpu.memory_space<vmem>>, vector<16xf32>,
    %get3A_1337 = vector.shape_cast %get3A_1336 : vector<16xf32> to vector<16xf32>
    %get3A_1338 = arith.constant 336 : index
    %get3A_1339 = tpu.vector_load %arg16[%get3A_1338] {strides = array<i32>} : memref<1024xf32, #tpu.memory_space<vmem>>, vector<16xf32>,
    %get3A_1340 = vector.shape_cast %get3A_1339 : vector<16xf32> to vector<16xf32>
    %get3A_1341 = arith.constant 336 : index
    %get3A_1342 = tpu.vector_load %arg13[%get3A_1341] {strides = array<i32>} : memref<1024xf32, #tpu.memory_space<vmem>>, vector<16xf32>,
    %get3A_1343 = vector.shape_cast %get3A_1342 : vector<16xf32> to vector<16xf32>
    %add3A_1344 = arith.addf %get3A_1340, %get3A_1343 : vector<16xf32>
    %get3A_1345 = arith.constant 336 : index
    %get3A_1346 = tpu.vector_load %arg17[%get3A_1345] {strides = array<i32>} : memref<1024xi32, #tpu.memory_space<vmem>>, vector<16xi32>,
    %get3A_1347 = vector.shape_cast %get3A_1346 : vector<16xi32> to vector<16xi32>
    %add3A_1348 = arith.constant 1 : i32
    %add3A_1349 = vector.broadcast %add3A_1348 : i32 to vector<16xi32>
    %add3A_1350 = arith.addi %get3A_1347, %add3A_1349 : vector<16xi32>
    %get3A_1351 = arith.constant 336 : index
    %get3A_1352 = tpu.vector_load %arg15[%get3A_1351] {strides = array<i32>} : memref<1024xi32, #tpu.memory_space<vmem>>, vector<16xi32>,
    %get3A_1353 = vector.shape_cast %get3A_1352 : vector<16xi32> to vector<16xi32>
    %add3A_1354 = arith.addf %add3A_1291, %get3A_1337 : vector<16xf32>
    %mul3A_1355 = arith.mulf %add3A_1344, %get3A_1337 : vector<16xf32>
    %add3A_1356 = arith.addf %add3A_1293, %mul3A_1355 : vector<16xf32>
    %convert_element_type3A_1357 = arith.sitofp %add3A_1350 : vector<16xi32> to vector<16xf32>
    %mul3A_1358 = arith.mulf %convert_element_type3A_1357, %get3A_1337 : vector<16xf32>
    %add3A_1359 = arith.addf %add3A_1296, %mul3A_1358 : vector<16xf32>
    %eq3A_1360 = arith.constant 0 : i32
    %eq3A_1361 = vector.broadcast %eq3A_1360 : i32 to vector<16xi32>
    %eq3A_1362 = arith.cmpi eq, %get3A_1353, %eq3A_1361 : vector<16xi32>
    %jit3A_1363 = arith.constant 0.000000e+00 : f32
    %broadcast_in_dim3A_1364 = vector.broadcast %jit3A_1363 : f32 to vector<16xf32>
    %select_n3A_1365 = arith.select %eq3A_1362, %get3A_1337, %broadcast_in_dim3A_1364 : vector<16xi1>, vector<16xf32>
    %add3A_1366 = arith.addf %add3A_1303, %select_n3A_1365 : vector<16xf32>
    %eq3A_1367 = arith.constant 1 : i32
    %eq3A_1368 = vector.broadcast %eq3A_1367 : i32 to vector<16xi32>
    %eq3A_1369 = arith.cmpi eq, %get3A_1353, %eq3A_1368 : vector<16xi32>
    %jit3A_1370 = arith.constant 0.000000e+00 : f32
    %broadcast_in_dim3A_1371 = vector.broadcast %jit3A_1370 : f32 to vector<16xf32>
    %select_n3A_1372 = arith.select %eq3A_1369, %get3A_1337, %broadcast_in_dim3A_1371 : vector<16xi1>, vector<16xf32>
    %add3A_1373 = arith.addf %add3A_1310, %select_n3A_1372 : vector<16xf32>
    %eq3A_1374 = arith.constant 2 : i32
    %eq3A_1375 = vector.broadcast %eq3A_1374 : i32 to vector<16xi32>
    %eq3A_1376 = arith.cmpi eq, %get3A_1353, %eq3A_1375 : vector<16xi32>
    %jit3A_1377 = arith.constant 0.000000e+00 : f32
    %broadcast_in_dim3A_1378 = vector.broadcast %jit3A_1377 : f32 to vector<16xf32>
    %select_n3A_1379 = arith.select %eq3A_1376, %get3A_1337, %broadcast_in_dim3A_1378 : vector<16xi1>, vector<16xf32>
    %add3A_1380 = arith.addf %add3A_1317, %select_n3A_1379 : vector<16xf32>
    %gt3A_1381 = arith.constant 0.000000e+00 : f32
    %gt3A_1382 = vector.broadcast %gt3A_1381 : f32 to vector<16xf32>
    %gt3A_1383 = arith.cmpf ogt, %get3A_1337, %gt3A_1382 : vector<16xf32>
    %jit3A_1384 = arith.constant 0.000000e+00 : f32
    %broadcast_in_dim3A_1385 = vector.broadcast %jit3A_1384 : f32 to vector<16xf32>
    %select_n3A_1386 = arith.select %gt3A_1383, %broadcast_in_dim3A_1385, %add3A_1344 : vector<16xi1>, vector<16xf32>
    %swap3A_1387 = arith.constant 336 : index
    %swap3A_1388 = tpu.vector_load %arg18[%swap3A_1387] {strides = array<i32>} : memref<1024xf32, #tpu.memory_space<vmem>>, vector<16xf32>,
    %swap3A_1389 = vector.shape_cast %swap3A_1388 : vector<16xf32> to vector<16xf32>
    %swap3A_1390 = vector.shape_cast %select_n3A_1386 : vector<16xf32> to vector<16xf32>
    tpu.vector_store %arg18[%swap3A_1387], %swap3A_1390 {strides = array<i32>} : memref<1024xf32, #tpu.memory_space<vmem>>, vector<16xf32>,
    %jit3A_1391 = arith.constant 0 : i32
    %broadcast_in_dim3A_1392 = vector.broadcast %jit3A_1391 : i32 to vector<16xi32>
    %select_n3A_1393 = arith.select %gt3A_1383, %broadcast_in_dim3A_1392, %add3A_1350 : vector<16xi1>, vector<16xi32>
    %swap3A_1394 = arith.constant 336 : index
    %swap3A_1395 = tpu.vector_load %arg19[%swap3A_1394] {strides = array<i32>} : memref<1024xi32, #tpu.memory_space<vmem>>, vector<16xi32>,
    %swap3A_1396 = vector.shape_cast %swap3A_1395 : vector<16xi32> to vector<16xi32>
    %swap3A_1397 = vector.shape_cast %select_n3A_1393 : vector<16xi32> to vector<16xi32>
    tpu.vector_store %arg19[%swap3A_1394], %swap3A_1397 {strides = array<i32>} : memref<1024xi32, #tpu.memory_space<vmem>>, vector<16xi32>,
    %get3A_1398 = arith.constant 352 : index
    %get3A_1399 = tpu.vector_load %arg14[%get3A_1398] {strides = array<i32>} : memref<1024xf32, #tpu.memory_space<vmem>>, vector<16xf32>,
    %get3A_1400 = vector.shape_cast %get3A_1399 : vector<16xf32> to vector<16xf32>
    %get3A_1401 = arith.constant 352 : index
    %get3A_1402 = tpu.vector_load %arg16[%get3A_1401] {strides = array<i32>} : memref<1024xf32, #tpu.memory_space<vmem>>, vector<16xf32>,
    %get3A_1403 = vector.shape_cast %get3A_1402 : vector<16xf32> to vector<16xf32>
    %get3A_1404 = arith.constant 352 : index
    %get3A_1405 = tpu.vector_load %arg13[%get3A_1404] {strides = array<i32>} : memref<1024xf32, #tpu.memory_space<vmem>>, vector<16xf32>,
    %get3A_1406 = vector.shape_cast %get3A_1405 : vector<16xf32> to vector<16xf32>
    %add3A_1407 = arith.addf %get3A_1403, %get3A_1406 : vector<16xf32>
    %get3A_1408 = arith.constant 352 : index
    %get3A_1409 = tpu.vector_load %arg17[%get3A_1408] {strides = array<i32>} : memref<1024xi32, #tpu.memory_space<vmem>>, vector<16xi32>,
    %get3A_1410 = vector.shape_cast %get3A_1409 : vector<16xi32> to vector<16xi32>
    %add3A_1411 = arith.constant 1 : i32
    %add3A_1412 = vector.broadcast %add3A_1411 : i32 to vector<16xi32>
    %add3A_1413 = arith.addi %get3A_1410, %add3A_1412 : vector<16xi32>
    %get3A_1414 = arith.constant 352 : index
    %get3A_1415 = tpu.vector_load %arg15[%get3A_1414] {strides = array<i32>} : memref<1024xi32, #tpu.memory_space<vmem>>, vector<16xi32>,
    %get3A_1416 = vector.shape_cast %get3A_1415 : vector<16xi32> to vector<16xi32>
    %add3A_1417 = arith.addf %add3A_1354, %get3A_1400 : vector<16xf32>
    %mul3A_1418 = arith.mulf %add3A_1407, %get3A_1400 : vector<16xf32>
    %add3A_1419 = arith.addf %add3A_1356, %mul3A_1418 : vector<16xf32>
    %convert_element_type3A_1420 = arith.sitofp %add3A_1413 : vector<16xi32> to vector<16xf32>
    %mul3A_1421 = arith.mulf %convert_element_type3A_1420, %get3A_1400 : vector<16xf32>
    %add3A_1422 = arith.addf %add3A_1359, %mul3A_1421 : vector<16xf32>
    %eq3A_1423 = arith.constant 0 : i32
    %eq3A_1424 = vector.broadcast %eq3A_1423 : i32 to vector<16xi32>
    %eq3A_1425 = arith.cmpi eq, %get3A_1416, %eq3A_1424 : vector<16xi32>
    %jit3A_1426 = arith.constant 0.000000e+00 : f32
    %broadcast_in_dim3A_1427 = vector.broadcast %jit3A_1426 : f32 to vector<16xf32>
    %select_n3A_1428 = arith.select %eq3A_1425, %get3A_1400, %broadcast_in_dim3A_1427 : vector<16xi1>, vector<16xf32>
    %add3A_1429 = arith.addf %add3A_1366, %select_n3A_1428 : vector<16xf32>
    %eq3A_1430 = arith.constant 1 : i32
    %eq3A_1431 = vector.broadcast %eq3A_1430 : i32 to vector<16xi32>
    %eq3A_1432 = arith.cmpi eq, %get3A_1416, %eq3A_1431 : vector<16xi32>
    %jit3A_1433 = arith.constant 0.000000e+00 : f32
    %broadcast_in_dim3A_1434 = vector.broadcast %jit3A_1433 : f32 to vector<16xf32>
    %select_n3A_1435 = arith.select %eq3A_1432, %get3A_1400, %broadcast_in_dim3A_1434 : vector<16xi1>, vector<16xf32>
    %add3A_1436 = arith.addf %add3A_1373, %select_n3A_1435 : vector<16xf32>
    %eq3A_1437 = arith.constant 2 : i32
    %eq3A_1438 = vector.broadcast %eq3A_1437 : i32 to vector<16xi32>
    %eq3A_1439 = arith.cmpi eq, %get3A_1416, %eq3A_1438 : vector<16xi32>
    %jit3A_1440 = arith.constant 0.000000e+00 : f32
    %broadcast_in_dim3A_1441 = vector.broadcast %jit3A_1440 : f32 to vector<16xf32>
    %select_n3A_1442 = arith.select %eq3A_1439, %get3A_1400, %broadcast_in_dim3A_1441 : vector<16xi1>, vector<16xf32>
    %add3A_1443 = arith.addf %add3A_1380, %select_n3A_1442 : vector<16xf32>
    %gt3A_1444 = arith.constant 0.000000e+00 : f32
    %gt3A_1445 = vector.broadcast %gt3A_1444 : f32 to vector<16xf32>
    %gt3A_1446 = arith.cmpf ogt, %get3A_1400, %gt3A_1445 : vector<16xf32>
    %jit3A_1447 = arith.constant 0.000000e+00 : f32
    %broadcast_in_dim3A_1448 = vector.broadcast %jit3A_1447 : f32 to vector<16xf32>
    %select_n3A_1449 = arith.select %gt3A_1446, %broadcast_in_dim3A_1448, %add3A_1407 : vector<16xi1>, vector<16xf32>
    %swap3A_1450 = arith.constant 352 : index
    %swap3A_1451 = tpu.vector_load %arg18[%swap3A_1450] {strides = array<i32>} : memref<1024xf32, #tpu.memory_space<vmem>>, vector<16xf32>,
    %swap3A_1452 = vector.shape_cast %swap3A_1451 : vector<16xf32> to vector<16xf32>
    %swap3A_1453 = vector.shape_cast %select_n3A_1449 : vector<16xf32> to vector<16xf32>
    tpu.vector_store %arg18[%swap3A_1450], %swap3A_1453 {strides = array<i32>} : memref<1024xf32, #tpu.memory_space<vmem>>, vector<16xf32>,
    %jit3A_1454 = arith.constant 0 : i32
    %broadcast_in_dim3A_1455 = vector.broadcast %jit3A_1454 : i32 to vector<16xi32>
    %select_n3A_1456 = arith.select %gt3A_1446, %broadcast_in_dim3A_1455, %add3A_1413 : vector<16xi1>, vector<16xi32>
    %swap3A_1457 = arith.constant 352 : index
    %swap3A_1458 = tpu.vector_load %arg19[%swap3A_1457] {strides = array<i32>} : memref<1024xi32, #tpu.memory_space<vmem>>, vector<16xi32>,
    %swap3A_1459 = vector.shape_cast %swap3A_1458 : vector<16xi32> to vector<16xi32>
    %swap3A_1460 = vector.shape_cast %select_n3A_1456 : vector<16xi32> to vector<16xi32>
    tpu.vector_store %arg19[%swap3A_1457], %swap3A_1460 {strides = array<i32>} : memref<1024xi32, #tpu.memory_space<vmem>>, vector<16xi32>,
    %get3A_1461 = arith.constant 368 : index
    %get3A_1462 = tpu.vector_load %arg14[%get3A_1461] {strides = array<i32>} : memref<1024xf32, #tpu.memory_space<vmem>>, vector<16xf32>,
    %get3A_1463 = vector.shape_cast %get3A_1462 : vector<16xf32> to vector<16xf32>
    %get3A_1464 = arith.constant 368 : index
    %get3A_1465 = tpu.vector_load %arg16[%get3A_1464] {strides = array<i32>} : memref<1024xf32, #tpu.memory_space<vmem>>, vector<16xf32>,
    %get3A_1466 = vector.shape_cast %get3A_1465 : vector<16xf32> to vector<16xf32>
    %get3A_1467 = arith.constant 368 : index
    %get3A_1468 = tpu.vector_load %arg13[%get3A_1467] {strides = array<i32>} : memref<1024xf32, #tpu.memory_space<vmem>>, vector<16xf32>,
    %get3A_1469 = vector.shape_cast %get3A_1468 : vector<16xf32> to vector<16xf32>
    %add3A_1470 = arith.addf %get3A_1466, %get3A_1469 : vector<16xf32>
    %get3A_1471 = arith.constant 368 : index
    %get3A_1472 = tpu.vector_load %arg17[%get3A_1471] {strides = array<i32>} : memref<1024xi32, #tpu.memory_space<vmem>>, vector<16xi32>,
    %get3A_1473 = vector.shape_cast %get3A_1472 : vector<16xi32> to vector<16xi32>
    %add3A_1474 = arith.constant 1 : i32
    %add3A_1475 = vector.broadcast %add3A_1474 : i32 to vector<16xi32>
    %add3A_1476 = arith.addi %get3A_1473, %add3A_1475 : vector<16xi32>
    %get3A_1477 = arith.constant 368 : index
    %get3A_1478 = tpu.vector_load %arg15[%get3A_1477] {strides = array<i32>} : memref<1024xi32, #tpu.memory_space<vmem>>, vector<16xi32>,
    %get3A_1479 = vector.shape_cast %get3A_1478 : vector<16xi32> to vector<16xi32>
    %add3A_1480 = arith.addf %add3A_1417, %get3A_1463 : vector<16xf32>
    %mul3A_1481 = arith.mulf %add3A_1470, %get3A_1463 : vector<16xf32>
    %add3A_1482 = arith.addf %add3A_1419, %mul3A_1481 : vector<16xf32>
    %convert_element_type3A_1483 = arith.sitofp %add3A_1476 : vector<16xi32> to vector<16xf32>
    %mul3A_1484 = arith.mulf %convert_element_type3A_1483, %get3A_1463 : vector<16xf32>
    %add3A_1485 = arith.addf %add3A_1422, %mul3A_1484 : vector<16xf32>
    %eq3A_1486 = arith.constant 0 : i32
    %eq3A_1487 = vector.broadcast %eq3A_1486 : i32 to vector<16xi32>
    %eq3A_1488 = arith.cmpi eq, %get3A_1479, %eq3A_1487 : vector<16xi32>
    %jit3A_1489 = arith.constant 0.000000e+00 : f32
    %broadcast_in_dim3A_1490 = vector.broadcast %jit3A_1489 : f32 to vector<16xf32>
    %select_n3A_1491 = arith.select %eq3A_1488, %get3A_1463, %broadcast_in_dim3A_1490 : vector<16xi1>, vector<16xf32>
    %add3A_1492 = arith.addf %add3A_1429, %select_n3A_1491 : vector<16xf32>
    %eq3A_1493 = arith.constant 1 : i32
    %eq3A_1494 = vector.broadcast %eq3A_1493 : i32 to vector<16xi32>
    %eq3A_1495 = arith.cmpi eq, %get3A_1479, %eq3A_1494 : vector<16xi32>
    %jit3A_1496 = arith.constant 0.000000e+00 : f32
    %broadcast_in_dim3A_1497 = vector.broadcast %jit3A_1496 : f32 to vector<16xf32>
    %select_n3A_1498 = arith.select %eq3A_1495, %get3A_1463, %broadcast_in_dim3A_1497 : vector<16xi1>, vector<16xf32>
    %add3A_1499 = arith.addf %add3A_1436, %select_n3A_1498 : vector<16xf32>
    %eq3A_1500 = arith.constant 2 : i32
    %eq3A_1501 = vector.broadcast %eq3A_1500 : i32 to vector<16xi32>
    %eq3A_1502 = arith.cmpi eq, %get3A_1479, %eq3A_1501 : vector<16xi32>
    %jit3A_1503 = arith.constant 0.000000e+00 : f32
    %broadcast_in_dim3A_1504 = vector.broadcast %jit3A_1503 : f32 to vector<16xf32>
    %select_n3A_1505 = arith.select %eq3A_1502, %get3A_1463, %broadcast_in_dim3A_1504 : vector<16xi1>, vector<16xf32>
    %add3A_1506 = arith.addf %add3A_1443, %select_n3A_1505 : vector<16xf32>
    %gt3A_1507 = arith.constant 0.000000e+00 : f32
    %gt3A_1508 = vector.broadcast %gt3A_1507 : f32 to vector<16xf32>
    %gt3A_1509 = arith.cmpf ogt, %get3A_1463, %gt3A_1508 : vector<16xf32>
    %jit3A_1510 = arith.constant 0.000000e+00 : f32
    %broadcast_in_dim3A_1511 = vector.broadcast %jit3A_1510 : f32 to vector<16xf32>
    %select_n3A_1512 = arith.select %gt3A_1509, %broadcast_in_dim3A_1511, %add3A_1470 : vector<16xi1>, vector<16xf32>
    %swap3A_1513 = arith.constant 368 : index
    %swap3A_1514 = tpu.vector_load %arg18[%swap3A_1513] {strides = array<i32>} : memref<1024xf32, #tpu.memory_space<vmem>>, vector<16xf32>,
    %swap3A_1515 = vector.shape_cast %swap3A_1514 : vector<16xf32> to vector<16xf32>
    %swap3A_1516 = vector.shape_cast %select_n3A_1512 : vector<16xf32> to vector<16xf32>
    tpu.vector_store %arg18[%swap3A_1513], %swap3A_1516 {strides = array<i32>} : memref<1024xf32, #tpu.memory_space<vmem>>, vector<16xf32>,
    %jit3A_1517 = arith.constant 0 : i32
    %broadcast_in_dim3A_1518 = vector.broadcast %jit3A_1517 : i32 to vector<16xi32>
    %select_n3A_1519 = arith.select %gt3A_1509, %broadcast_in_dim3A_1518, %add3A_1476 : vector<16xi1>, vector<16xi32>
    %swap3A_1520 = arith.constant 368 : index
    %swap3A_1521 = tpu.vector_load %arg19[%swap3A_1520] {strides = array<i32>} : memref<1024xi32, #tpu.memory_space<vmem>>, vector<16xi32>,
    %swap3A_1522 = vector.shape_cast %swap3A_1521 : vector<16xi32> to vector<16xi32>
    %swap3A_1523 = vector.shape_cast %select_n3A_1519 : vector<16xi32> to vector<16xi32>
    tpu.vector_store %arg19[%swap3A_1520], %swap3A_1523 {strides = array<i32>} : memref<1024xi32, #tpu.memory_space<vmem>>, vector<16xi32>,
    %get3A_1524 = arith.constant 384 : index
    %get3A_1525 = tpu.vector_load %arg14[%get3A_1524] {strides = array<i32>} : memref<1024xf32, #tpu.memory_space<vmem>>, vector<16xf32>,
    %get3A_1526 = vector.shape_cast %get3A_1525 : vector<16xf32> to vector<16xf32>
    %get3A_1527 = arith.constant 384 : index
    %get3A_1528 = tpu.vector_load %arg16[%get3A_1527] {strides = array<i32>} : memref<1024xf32, #tpu.memory_space<vmem>>, vector<16xf32>,
    %get3A_1529 = vector.shape_cast %get3A_1528 : vector<16xf32> to vector<16xf32>
    %get3A_1530 = arith.constant 384 : index
    %get3A_1531 = tpu.vector_load %arg13[%get3A_1530] {strides = array<i32>} : memref<1024xf32, #tpu.memory_space<vmem>>, vector<16xf32>,
    %get3A_1532 = vector.shape_cast %get3A_1531 : vector<16xf32> to vector<16xf32>
    %add3A_1533 = arith.addf %get3A_1529, %get3A_1532 : vector<16xf32>
    %get3A_1534 = arith.constant 384 : index
    %get3A_1535 = tpu.vector_load %arg17[%get3A_1534] {strides = array<i32>} : memref<1024xi32, #tpu.memory_space<vmem>>, vector<16xi32>,
    %get3A_1536 = vector.shape_cast %get3A_1535 : vector<16xi32> to vector<16xi32>
    %add3A_1537 = arith.constant 1 : i32
    %add3A_1538 = vector.broadcast %add3A_1537 : i32 to vector<16xi32>
    %add3A_1539 = arith.addi %get3A_1536, %add3A_1538 : vector<16xi32>
    %get3A_1540 = arith.constant 384 : index
    %get3A_1541 = tpu.vector_load %arg15[%get3A_1540] {strides = array<i32>} : memref<1024xi32, #tpu.memory_space<vmem>>, vector<16xi32>,
    %get3A_1542 = vector.shape_cast %get3A_1541 : vector<16xi32> to vector<16xi32>
    %add3A_1543 = arith.addf %add3A_1480, %get3A_1526 : vector<16xf32>
    %mul3A_1544 = arith.mulf %add3A_1533, %get3A_1526 : vector<16xf32>
    %add3A_1545 = arith.addf %add3A_1482, %mul3A_1544 : vector<16xf32>
    %convert_element_type3A_1546 = arith.sitofp %add3A_1539 : vector<16xi32> to vector<16xf32>
    %mul3A_1547 = arith.mulf %convert_element_type3A_1546, %get3A_1526 : vector<16xf32>
    %add3A_1548 = arith.addf %add3A_1485, %mul3A_1547 : vector<16xf32>
    %eq3A_1549 = arith.constant 0 : i32
    %eq3A_1550 = vector.broadcast %eq3A_1549 : i32 to vector<16xi32>
    %eq3A_1551 = arith.cmpi eq, %get3A_1542, %eq3A_1550 : vector<16xi32>
    %jit3A_1552 = arith.constant 0.000000e+00 : f32
    %broadcast_in_dim3A_1553 = vector.broadcast %jit3A_1552 : f32 to vector<16xf32>
    %select_n3A_1554 = arith.select %eq3A_1551, %get3A_1526, %broadcast_in_dim3A_1553 : vector<16xi1>, vector<16xf32>
    %add3A_1555 = arith.addf %add3A_1492, %select_n3A_1554 : vector<16xf32>
    %eq3A_1556 = arith.constant 1 : i32
    %eq3A_1557 = vector.broadcast %eq3A_1556 : i32 to vector<16xi32>
    %eq3A_1558 = arith.cmpi eq, %get3A_1542, %eq3A_1557 : vector<16xi32>
    %jit3A_1559 = arith.constant 0.000000e+00 : f32
    %broadcast_in_dim3A_1560 = vector.broadcast %jit3A_1559 : f32 to vector<16xf32>
    %select_n3A_1561 = arith.select %eq3A_1558, %get3A_1526, %broadcast_in_dim3A_1560 : vector<16xi1>, vector<16xf32>
    %add3A_1562 = arith.addf %add3A_1499, %select_n3A_1561 : vector<16xf32>
    %eq3A_1563 = arith.constant 2 : i32
    %eq3A_1564 = vector.broadcast %eq3A_1563 : i32 to vector<16xi32>
    %eq3A_1565 = arith.cmpi eq, %get3A_1542, %eq3A_1564 : vector<16xi32>
    %jit3A_1566 = arith.constant 0.000000e+00 : f32
    %broadcast_in_dim3A_1567 = vector.broadcast %jit3A_1566 : f32 to vector<16xf32>
    %select_n3A_1568 = arith.select %eq3A_1565, %get3A_1526, %broadcast_in_dim3A_1567 : vector<16xi1>, vector<16xf32>
    %add3A_1569 = arith.addf %add3A_1506, %select_n3A_1568 : vector<16xf32>
    %gt3A_1570 = arith.constant 0.000000e+00 : f32
    %gt3A_1571 = vector.broadcast %gt3A_1570 : f32 to vector<16xf32>
    %gt3A_1572 = arith.cmpf ogt, %get3A_1526, %gt3A_1571 : vector<16xf32>
    %jit3A_1573 = arith.constant 0.000000e+00 : f32
    %broadcast_in_dim3A_1574 = vector.broadcast %jit3A_1573 : f32 to vector<16xf32>
    %select_n3A_1575 = arith.select %gt3A_1572, %broadcast_in_dim3A_1574, %add3A_1533 : vector<16xi1>, vector<16xf32>
    %swap3A_1576 = arith.constant 384 : index
    %swap3A_1577 = tpu.vector_load %arg18[%swap3A_1576] {strides = array<i32>} : memref<1024xf32, #tpu.memory_space<vmem>>, vector<16xf32>,
    %swap3A_1578 = vector.shape_cast %swap3A_1577 : vector<16xf32> to vector<16xf32>
    %swap3A_1579 = vector.shape_cast %select_n3A_1575 : vector<16xf32> to vector<16xf32>
    tpu.vector_store %arg18[%swap3A_1576], %swap3A_1579 {strides = array<i32>} : memref<1024xf32, #tpu.memory_space<vmem>>, vector<16xf32>,
    %jit3A_1580 = arith.constant 0 : i32
    %broadcast_in_dim3A_1581 = vector.broadcast %jit3A_1580 : i32 to vector<16xi32>
    %select_n3A_1582 = arith.select %gt3A_1572, %broadcast_in_dim3A_1581, %add3A_1539 : vector<16xi1>, vector<16xi32>
    %swap3A_1583 = arith.constant 384 : index
    %swap3A_1584 = tpu.vector_load %arg19[%swap3A_1583] {strides = array<i32>} : memref<1024xi32, #tpu.memory_space<vmem>>, vector<16xi32>,
    %swap3A_1585 = vector.shape_cast %swap3A_1584 : vector<16xi32> to vector<16xi32>
    %swap3A_1586 = vector.shape_cast %select_n3A_1582 : vector<16xi32> to vector<16xi32>
    tpu.vector_store %arg19[%swap3A_1583], %swap3A_1586 {strides = array<i32>} : memref<1024xi32, #tpu.memory_space<vmem>>, vector<16xi32>,
    %get3A_1587 = arith.constant 400 : index
    %get3A_1588 = tpu.vector_load %arg14[%get3A_1587] {strides = array<i32>} : memref<1024xf32, #tpu.memory_space<vmem>>, vector<16xf32>,
    %get3A_1589 = vector.shape_cast %get3A_1588 : vector<16xf32> to vector<16xf32>
    %get3A_1590 = arith.constant 400 : index
    %get3A_1591 = tpu.vector_load %arg16[%get3A_1590] {strides = array<i32>} : memref<1024xf32, #tpu.memory_space<vmem>>, vector<16xf32>,
    %get3A_1592 = vector.shape_cast %get3A_1591 : vector<16xf32> to vector<16xf32>
    %get3A_1593 = arith.constant 400 : index
    %get3A_1594 = tpu.vector_load %arg13[%get3A_1593] {strides = array<i32>} : memref<1024xf32, #tpu.memory_space<vmem>>, vector<16xf32>,
    %get3A_1595 = vector.shape_cast %get3A_1594 : vector<16xf32> to vector<16xf32>
    %add3A_1596 = arith.addf %get3A_1592, %get3A_1595 : vector<16xf32>
    %get3A_1597 = arith.constant 400 : index
    %get3A_1598 = tpu.vector_load %arg17[%get3A_1597] {strides = array<i32>} : memref<1024xi32, #tpu.memory_space<vmem>>, vector<16xi32>,
    %get3A_1599 = vector.shape_cast %get3A_1598 : vector<16xi32> to vector<16xi32>
    %add3A_1600 = arith.constant 1 : i32
    %add3A_1601 = vector.broadcast %add3A_1600 : i32 to vector<16xi32>
    %add3A_1602 = arith.addi %get3A_1599, %add3A_1601 : vector<16xi32>
    %get3A_1603 = arith.constant 400 : index
    %get3A_1604 = tpu.vector_load %arg15[%get3A_1603] {strides = array<i32>} : memref<1024xi32, #tpu.memory_space<vmem>>, vector<16xi32>,
    %get3A_1605 = vector.shape_cast %get3A_1604 : vector<16xi32> to vector<16xi32>
    %add3A_1606 = arith.addf %add3A_1543, %get3A_1589 : vector<16xf32>
    %mul3A_1607 = arith.mulf %add3A_1596, %get3A_1589 : vector<16xf32>
    %add3A_1608 = arith.addf %add3A_1545, %mul3A_1607 : vector<16xf32>
    %convert_element_type3A_1609 = arith.sitofp %add3A_1602 : vector<16xi32> to vector<16xf32>
    %mul3A_1610 = arith.mulf %convert_element_type3A_1609, %get3A_1589 : vector<16xf32>
    %add3A_1611 = arith.addf %add3A_1548, %mul3A_1610 : vector<16xf32>
    %eq3A_1612 = arith.constant 0 : i32
    %eq3A_1613 = vector.broadcast %eq3A_1612 : i32 to vector<16xi32>
    %eq3A_1614 = arith.cmpi eq, %get3A_1605, %eq3A_1613 : vector<16xi32>
    %jit3A_1615 = arith.constant 0.000000e+00 : f32
    %broadcast_in_dim3A_1616 = vector.broadcast %jit3A_1615 : f32 to vector<16xf32>
    %select_n3A_1617 = arith.select %eq3A_1614, %get3A_1589, %broadcast_in_dim3A_1616 : vector<16xi1>, vector<16xf32>
    %add3A_1618 = arith.addf %add3A_1555, %select_n3A_1617 : vector<16xf32>
    %eq3A_1619 = arith.constant 1 : i32
    %eq3A_1620 = vector.broadcast %eq3A_1619 : i32 to vector<16xi32>
    %eq3A_1621 = arith.cmpi eq, %get3A_1605, %eq3A_1620 : vector<16xi32>
    %jit3A_1622 = arith.constant 0.000000e+00 : f32
    %broadcast_in_dim3A_1623 = vector.broadcast %jit3A_1622 : f32 to vector<16xf32>
    %select_n3A_1624 = arith.select %eq3A_1621, %get3A_1589, %broadcast_in_dim3A_1623 : vector<16xi1>, vector<16xf32>
    %add3A_1625 = arith.addf %add3A_1562, %select_n3A_1624 : vector<16xf32>
    %eq3A_1626 = arith.constant 2 : i32
    %eq3A_1627 = vector.broadcast %eq3A_1626 : i32 to vector<16xi32>
    %eq3A_1628 = arith.cmpi eq, %get3A_1605, %eq3A_1627 : vector<16xi32>
    %jit3A_1629 = arith.constant 0.000000e+00 : f32
    %broadcast_in_dim3A_1630 = vector.broadcast %jit3A_1629 : f32 to vector<16xf32>
    %select_n3A_1631 = arith.select %eq3A_1628, %get3A_1589, %broadcast_in_dim3A_1630 : vector<16xi1>, vector<16xf32>
    %add3A_1632 = arith.addf %add3A_1569, %select_n3A_1631 : vector<16xf32>
    %gt3A_1633 = arith.constant 0.000000e+00 : f32
    %gt3A_1634 = vector.broadcast %gt3A_1633 : f32 to vector<16xf32>
    %gt3A_1635 = arith.cmpf ogt, %get3A_1589, %gt3A_1634 : vector<16xf32>
    %jit3A_1636 = arith.constant 0.000000e+00 : f32
    %broadcast_in_dim3A_1637 = vector.broadcast %jit3A_1636 : f32 to vector<16xf32>
    %select_n3A_1638 = arith.select %gt3A_1635, %broadcast_in_dim3A_1637, %add3A_1596 : vector<16xi1>, vector<16xf32>
    %swap3A_1639 = arith.constant 400 : index
    %swap3A_1640 = tpu.vector_load %arg18[%swap3A_1639] {strides = array<i32>} : memref<1024xf32, #tpu.memory_space<vmem>>, vector<16xf32>,
    %swap3A_1641 = vector.shape_cast %swap3A_1640 : vector<16xf32> to vector<16xf32>
    %swap3A_1642 = vector.shape_cast %select_n3A_1638 : vector<16xf32> to vector<16xf32>
    tpu.vector_store %arg18[%swap3A_1639], %swap3A_1642 {strides = array<i32>} : memref<1024xf32, #tpu.memory_space<vmem>>, vector<16xf32>,
    %jit3A_1643 = arith.constant 0 : i32
    %broadcast_in_dim3A_1644 = vector.broadcast %jit3A_1643 : i32 to vector<16xi32>
    %select_n3A_1645 = arith.select %gt3A_1635, %broadcast_in_dim3A_1644, %add3A_1602 : vector<16xi1>, vector<16xi32>
    %swap3A_1646 = arith.constant 400 : index
    %swap3A_1647 = tpu.vector_load %arg19[%swap3A_1646] {strides = array<i32>} : memref<1024xi32, #tpu.memory_space<vmem>>, vector<16xi32>,
    %swap3A_1648 = vector.shape_cast %swap3A_1647 : vector<16xi32> to vector<16xi32>
    %swap3A_1649 = vector.shape_cast %select_n3A_1645 : vector<16xi32> to vector<16xi32>
    tpu.vector_store %arg19[%swap3A_1646], %swap3A_1649 {strides = array<i32>} : memref<1024xi32, #tpu.memory_space<vmem>>, vector<16xi32>,
    %get3A_1650 = arith.constant 416 : index
    %get3A_1651 = tpu.vector_load %arg14[%get3A_1650] {strides = array<i32>} : memref<1024xf32, #tpu.memory_space<vmem>>, vector<16xf32>,
    %get3A_1652 = vector.shape_cast %get3A_1651 : vector<16xf32> to vector<16xf32>
    %get3A_1653 = arith.constant 416 : index
    %get3A_1654 = tpu.vector_load %arg16[%get3A_1653] {strides = array<i32>} : memref<1024xf32, #tpu.memory_space<vmem>>, vector<16xf32>,
    %get3A_1655 = vector.shape_cast %get3A_1654 : vector<16xf32> to vector<16xf32>
    %get3A_1656 = arith.constant 416 : index
    %get3A_1657 = tpu.vector_load %arg13[%get3A_1656] {strides = array<i32>} : memref<1024xf32, #tpu.memory_space<vmem>>, vector<16xf32>,
    %get3A_1658 = vector.shape_cast %get3A_1657 : vector<16xf32> to vector<16xf32>
    %add3A_1659 = arith.addf %get3A_1655, %get3A_1658 : vector<16xf32>
    %get3A_1660 = arith.constant 416 : index
    %get3A_1661 = tpu.vector_load %arg17[%get3A_1660] {strides = array<i32>} : memref<1024xi32, #tpu.memory_space<vmem>>, vector<16xi32>,
    %get3A_1662 = vector.shape_cast %get3A_1661 : vector<16xi32> to vector<16xi32>
    %add3A_1663 = arith.constant 1 : i32
    %add3A_1664 = vector.broadcast %add3A_1663 : i32 to vector<16xi32>
    %add3A_1665 = arith.addi %get3A_1662, %add3A_1664 : vector<16xi32>
    %get3A_1666 = arith.constant 416 : index
    %get3A_1667 = tpu.vector_load %arg15[%get3A_1666] {strides = array<i32>} : memref<1024xi32, #tpu.memory_space<vmem>>, vector<16xi32>,
    %get3A_1668 = vector.shape_cast %get3A_1667 : vector<16xi32> to vector<16xi32>
    %add3A_1669 = arith.addf %add3A_1606, %get3A_1652 : vector<16xf32>
    %mul3A_1670 = arith.mulf %add3A_1659, %get3A_1652 : vector<16xf32>
    %add3A_1671 = arith.addf %add3A_1608, %mul3A_1670 : vector<16xf32>
    %convert_element_type3A_1672 = arith.sitofp %add3A_1665 : vector<16xi32> to vector<16xf32>
    %mul3A_1673 = arith.mulf %convert_element_type3A_1672, %get3A_1652 : vector<16xf32>
    %add3A_1674 = arith.addf %add3A_1611, %mul3A_1673 : vector<16xf32>
    %eq3A_1675 = arith.constant 0 : i32
    %eq3A_1676 = vector.broadcast %eq3A_1675 : i32 to vector<16xi32>
    %eq3A_1677 = arith.cmpi eq, %get3A_1668, %eq3A_1676 : vector<16xi32>
    %jit3A_1678 = arith.constant 0.000000e+00 : f32
    %broadcast_in_dim3A_1679 = vector.broadcast %jit3A_1678 : f32 to vector<16xf32>
    %select_n3A_1680 = arith.select %eq3A_1677, %get3A_1652, %broadcast_in_dim3A_1679 : vector<16xi1>, vector<16xf32>
    %add3A_1681 = arith.addf %add3A_1618, %select_n3A_1680 : vector<16xf32>
    %eq3A_1682 = arith.constant 1 : i32
    %eq3A_1683 = vector.broadcast %eq3A_1682 : i32 to vector<16xi32>
    %eq3A_1684 = arith.cmpi eq, %get3A_1668, %eq3A_1683 : vector<16xi32>
    %jit3A_1685 = arith.constant 0.000000e+00 : f32
    %broadcast_in_dim3A_1686 = vector.broadcast %jit3A_1685 : f32 to vector<16xf32>
    %select_n3A_1687 = arith.select %eq3A_1684, %get3A_1652, %broadcast_in_dim3A_1686 : vector<16xi1>, vector<16xf32>
    %add3A_1688 = arith.addf %add3A_1625, %select_n3A_1687 : vector<16xf32>
    %eq3A_1689 = arith.constant 2 : i32
    %eq3A_1690 = vector.broadcast %eq3A_1689 : i32 to vector<16xi32>
    %eq3A_1691 = arith.cmpi eq, %get3A_1668, %eq3A_1690 : vector<16xi32>
    %jit3A_1692 = arith.constant 0.000000e+00 : f32
    %broadcast_in_dim3A_1693 = vector.broadcast %jit3A_1692 : f32 to vector<16xf32>
    %select_n3A_1694 = arith.select %eq3A_1691, %get3A_1652, %broadcast_in_dim3A_1693 : vector<16xi1>, vector<16xf32>
    %add3A_1695 = arith.addf %add3A_1632, %select_n3A_1694 : vector<16xf32>
    %gt3A_1696 = arith.constant 0.000000e+00 : f32
    %gt3A_1697 = vector.broadcast %gt3A_1696 : f32 to vector<16xf32>
    %gt3A_1698 = arith.cmpf ogt, %get3A_1652, %gt3A_1697 : vector<16xf32>
    %jit3A_1699 = arith.constant 0.000000e+00 : f32
    %broadcast_in_dim3A_1700 = vector.broadcast %jit3A_1699 : f32 to vector<16xf32>
    %select_n3A_1701 = arith.select %gt3A_1698, %broadcast_in_dim3A_1700, %add3A_1659 : vector<16xi1>, vector<16xf32>
    %swap3A_1702 = arith.constant 416 : index
    %swap3A_1703 = tpu.vector_load %arg18[%swap3A_1702] {strides = array<i32>} : memref<1024xf32, #tpu.memory_space<vmem>>, vector<16xf32>,
    %swap3A_1704 = vector.shape_cast %swap3A_1703 : vector<16xf32> to vector<16xf32>
    %swap3A_1705 = vector.shape_cast %select_n3A_1701 : vector<16xf32> to vector<16xf32>
    tpu.vector_store %arg18[%swap3A_1702], %swap3A_1705 {strides = array<i32>} : memref<1024xf32, #tpu.memory_space<vmem>>, vector<16xf32>,
    %jit3A_1706 = arith.constant 0 : i32
    %broadcast_in_dim3A_1707 = vector.broadcast %jit3A_1706 : i32 to vector<16xi32>
    %select_n3A_1708 = arith.select %gt3A_1698, %broadcast_in_dim3A_1707, %add3A_1665 : vector<16xi1>, vector<16xi32>
    %swap3A_1709 = arith.constant 416 : index
    %swap3A_1710 = tpu.vector_load %arg19[%swap3A_1709] {strides = array<i32>} : memref<1024xi32, #tpu.memory_space<vmem>>, vector<16xi32>,
    %swap3A_1711 = vector.shape_cast %swap3A_1710 : vector<16xi32> to vector<16xi32>
    %swap3A_1712 = vector.shape_cast %select_n3A_1708 : vector<16xi32> to vector<16xi32>
    tpu.vector_store %arg19[%swap3A_1709], %swap3A_1712 {strides = array<i32>} : memref<1024xi32, #tpu.memory_space<vmem>>, vector<16xi32>,
    %get3A_1713 = arith.constant 432 : index
    %get3A_1714 = tpu.vector_load %arg14[%get3A_1713] {strides = array<i32>} : memref<1024xf32, #tpu.memory_space<vmem>>, vector<16xf32>,
    %get3A_1715 = vector.shape_cast %get3A_1714 : vector<16xf32> to vector<16xf32>
    %get3A_1716 = arith.constant 432 : index
    %get3A_1717 = tpu.vector_load %arg16[%get3A_1716] {strides = array<i32>} : memref<1024xf32, #tpu.memory_space<vmem>>, vector<16xf32>,
    %get3A_1718 = vector.shape_cast %get3A_1717 : vector<16xf32> to vector<16xf32>
    %get3A_1719 = arith.constant 432 : index
    %get3A_1720 = tpu.vector_load %arg13[%get3A_1719] {strides = array<i32>} : memref<1024xf32, #tpu.memory_space<vmem>>, vector<16xf32>,
    %get3A_1721 = vector.shape_cast %get3A_1720 : vector<16xf32> to vector<16xf32>
    %add3A_1722 = arith.addf %get3A_1718, %get3A_1721 : vector<16xf32>
    %get3A_1723 = arith.constant 432 : index
    %get3A_1724 = tpu.vector_load %arg17[%get3A_1723] {strides = array<i32>} : memref<1024xi32, #tpu.memory_space<vmem>>, vector<16xi32>,
    %get3A_1725 = vector.shape_cast %get3A_1724 : vector<16xi32> to vector<16xi32>
    %add3A_1726 = arith.constant 1 : i32
    %add3A_1727 = vector.broadcast %add3A_1726 : i32 to vector<16xi32>
    %add3A_1728 = arith.addi %get3A_1725, %add3A_1727 : vector<16xi32>
    %get3A_1729 = arith.constant 432 : index
    %get3A_1730 = tpu.vector_load %arg15[%get3A_1729] {strides = array<i32>} : memref<1024xi32, #tpu.memory_space<vmem>>, vector<16xi32>,
    %get3A_1731 = vector.shape_cast %get3A_1730 : vector<16xi32> to vector<16xi32>
    %add3A_1732 = arith.addf %add3A_1669, %get3A_1715 : vector<16xf32>
    %mul3A_1733 = arith.mulf %add3A_1722, %get3A_1715 : vector<16xf32>
    %add3A_1734 = arith.addf %add3A_1671, %mul3A_1733 : vector<16xf32>
    %convert_element_type3A_1735 = arith.sitofp %add3A_1728 : vector<16xi32> to vector<16xf32>
    %mul3A_1736 = arith.mulf %convert_element_type3A_1735, %get3A_1715 : vector<16xf32>
    %add3A_1737 = arith.addf %add3A_1674, %mul3A_1736 : vector<16xf32>
    %eq3A_1738 = arith.constant 0 : i32
    %eq3A_1739 = vector.broadcast %eq3A_1738 : i32 to vector<16xi32>
    %eq3A_1740 = arith.cmpi eq, %get3A_1731, %eq3A_1739 : vector<16xi32>
    %jit3A_1741 = arith.constant 0.000000e+00 : f32
    %broadcast_in_dim3A_1742 = vector.broadcast %jit3A_1741 : f32 to vector<16xf32>
    %select_n3A_1743 = arith.select %eq3A_1740, %get3A_1715, %broadcast_in_dim3A_1742 : vector<16xi1>, vector<16xf32>
    %add3A_1744 = arith.addf %add3A_1681, %select_n3A_1743 : vector<16xf32>
    %eq3A_1745 = arith.constant 1 : i32
    %eq3A_1746 = vector.broadcast %eq3A_1745 : i32 to vector<16xi32>
    %eq3A_1747 = arith.cmpi eq, %get3A_1731, %eq3A_1746 : vector<16xi32>
    %jit3A_1748 = arith.constant 0.000000e+00 : f32
    %broadcast_in_dim3A_1749 = vector.broadcast %jit3A_1748 : f32 to vector<16xf32>
    %select_n3A_1750 = arith.select %eq3A_1747, %get3A_1715, %broadcast_in_dim3A_1749 : vector<16xi1>, vector<16xf32>
    %add3A_1751 = arith.addf %add3A_1688, %select_n3A_1750 : vector<16xf32>
    %eq3A_1752 = arith.constant 2 : i32
    %eq3A_1753 = vector.broadcast %eq3A_1752 : i32 to vector<16xi32>
    %eq3A_1754 = arith.cmpi eq, %get3A_1731, %eq3A_1753 : vector<16xi32>
    %jit3A_1755 = arith.constant 0.000000e+00 : f32
    %broadcast_in_dim3A_1756 = vector.broadcast %jit3A_1755 : f32 to vector<16xf32>
    %select_n3A_1757 = arith.select %eq3A_1754, %get3A_1715, %broadcast_in_dim3A_1756 : vector<16xi1>, vector<16xf32>
    %add3A_1758 = arith.addf %add3A_1695, %select_n3A_1757 : vector<16xf32>
    %gt3A_1759 = arith.constant 0.000000e+00 : f32
    %gt3A_1760 = vector.broadcast %gt3A_1759 : f32 to vector<16xf32>
    %gt3A_1761 = arith.cmpf ogt, %get3A_1715, %gt3A_1760 : vector<16xf32>
    %jit3A_1762 = arith.constant 0.000000e+00 : f32
    %broadcast_in_dim3A_1763 = vector.broadcast %jit3A_1762 : f32 to vector<16xf32>
    %select_n3A_1764 = arith.select %gt3A_1761, %broadcast_in_dim3A_1763, %add3A_1722 : vector<16xi1>, vector<16xf32>
    %swap3A_1765 = arith.constant 432 : index
    %swap3A_1766 = tpu.vector_load %arg18[%swap3A_1765] {strides = array<i32>} : memref<1024xf32, #tpu.memory_space<vmem>>, vector<16xf32>,
    %swap3A_1767 = vector.shape_cast %swap3A_1766 : vector<16xf32> to vector<16xf32>
    %swap3A_1768 = vector.shape_cast %select_n3A_1764 : vector<16xf32> to vector<16xf32>
    tpu.vector_store %arg18[%swap3A_1765], %swap3A_1768 {strides = array<i32>} : memref<1024xf32, #tpu.memory_space<vmem>>, vector<16xf32>,
    %jit3A_1769 = arith.constant 0 : i32
    %broadcast_in_dim3A_1770 = vector.broadcast %jit3A_1769 : i32 to vector<16xi32>
    %select_n3A_1771 = arith.select %gt3A_1761, %broadcast_in_dim3A_1770, %add3A_1728 : vector<16xi1>, vector<16xi32>
    %swap3A_1772 = arith.constant 432 : index
    %swap3A_1773 = tpu.vector_load %arg19[%swap3A_1772] {strides = array<i32>} : memref<1024xi32, #tpu.memory_space<vmem>>, vector<16xi32>,
    %swap3A_1774 = vector.shape_cast %swap3A_1773 : vector<16xi32> to vector<16xi32>
    %swap3A_1775 = vector.shape_cast %select_n3A_1771 : vector<16xi32> to vector<16xi32>
    tpu.vector_store %arg19[%swap3A_1772], %swap3A_1775 {strides = array<i32>} : memref<1024xi32, #tpu.memory_space<vmem>>, vector<16xi32>,
    %get3A_1776 = arith.constant 448 : index
    %get3A_1777 = tpu.vector_load %arg14[%get3A_1776] {strides = array<i32>} : memref<1024xf32, #tpu.memory_space<vmem>>, vector<16xf32>,
    %get3A_1778 = vector.shape_cast %get3A_1777 : vector<16xf32> to vector<16xf32>
    %get3A_1779 = arith.constant 448 : index
    %get3A_1780 = tpu.vector_load %arg16[%get3A_1779] {strides = array<i32>} : memref<1024xf32, #tpu.memory_space<vmem>>, vector<16xf32>,
    %get3A_1781 = vector.shape_cast %get3A_1780 : vector<16xf32> to vector<16xf32>
    %get3A_1782 = arith.constant 448 : index
    %get3A_1783 = tpu.vector_load %arg13[%get3A_1782] {strides = array<i32>} : memref<1024xf32, #tpu.memory_space<vmem>>, vector<16xf32>,
    %get3A_1784 = vector.shape_cast %get3A_1783 : vector<16xf32> to vector<16xf32>
    %add3A_1785 = arith.addf %get3A_1781, %get3A_1784 : vector<16xf32>
    %get3A_1786 = arith.constant 448 : index
    %get3A_1787 = tpu.vector_load %arg17[%get3A_1786] {strides = array<i32>} : memref<1024xi32, #tpu.memory_space<vmem>>, vector<16xi32>,
    %get3A_1788 = vector.shape_cast %get3A_1787 : vector<16xi32> to vector<16xi32>
    %add3A_1789 = arith.constant 1 : i32
    %add3A_1790 = vector.broadcast %add3A_1789 : i32 to vector<16xi32>
    %add3A_1791 = arith.addi %get3A_1788, %add3A_1790 : vector<16xi32>
    %get3A_1792 = arith.constant 448 : index
    %get3A_1793 = tpu.vector_load %arg15[%get3A_1792] {strides = array<i32>} : memref<1024xi32, #tpu.memory_space<vmem>>, vector<16xi32>,
    %get3A_1794 = vector.shape_cast %get3A_1793 : vector<16xi32> to vector<16xi32>
    %add3A_1795 = arith.addf %add3A_1732, %get3A_1778 : vector<16xf32>
    %mul3A_1796 = arith.mulf %add3A_1785, %get3A_1778 : vector<16xf32>
    %add3A_1797 = arith.addf %add3A_1734, %mul3A_1796 : vector<16xf32>
    %convert_element_type3A_1798 = arith.sitofp %add3A_1791 : vector<16xi32> to vector<16xf32>
    %mul3A_1799 = arith.mulf %convert_element_type3A_1798, %get3A_1778 : vector<16xf32>
    %add3A_1800 = arith.addf %add3A_1737, %mul3A_1799 : vector<16xf32>
    %eq3A_1801 = arith.constant 0 : i32
    %eq3A_1802 = vector.broadcast %eq3A_1801 : i32 to vector<16xi32>
    %eq3A_1803 = arith.cmpi eq, %get3A_1794, %eq3A_1802 : vector<16xi32>
    %jit3A_1804 = arith.constant 0.000000e+00 : f32
    %broadcast_in_dim3A_1805 = vector.broadcast %jit3A_1804 : f32 to vector<16xf32>
    %select_n3A_1806 = arith.select %eq3A_1803, %get3A_1778, %broadcast_in_dim3A_1805 : vector<16xi1>, vector<16xf32>
    %add3A_1807 = arith.addf %add3A_1744, %select_n3A_1806 : vector<16xf32>
    %eq3A_1808 = arith.constant 1 : i32
    %eq3A_1809 = vector.broadcast %eq3A_1808 : i32 to vector<16xi32>
    %eq3A_1810 = arith.cmpi eq, %get3A_1794, %eq3A_1809 : vector<16xi32>
    %jit3A_1811 = arith.constant 0.000000e+00 : f32
    %broadcast_in_dim3A_1812 = vector.broadcast %jit3A_1811 : f32 to vector<16xf32>
    %select_n3A_1813 = arith.select %eq3A_1810, %get3A_1778, %broadcast_in_dim3A_1812 : vector<16xi1>, vector<16xf32>
    %add3A_1814 = arith.addf %add3A_1751, %select_n3A_1813 : vector<16xf32>
    %eq3A_1815 = arith.constant 2 : i32
    %eq3A_1816 = vector.broadcast %eq3A_1815 : i32 to vector<16xi32>
    %eq3A_1817 = arith.cmpi eq, %get3A_1794, %eq3A_1816 : vector<16xi32>
    %jit3A_1818 = arith.constant 0.000000e+00 : f32
    %broadcast_in_dim3A_1819 = vector.broadcast %jit3A_1818 : f32 to vector<16xf32>
    %select_n3A_1820 = arith.select %eq3A_1817, %get3A_1778, %broadcast_in_dim3A_1819 : vector<16xi1>, vector<16xf32>
    %add3A_1821 = arith.addf %add3A_1758, %select_n3A_1820 : vector<16xf32>
    %gt3A_1822 = arith.constant 0.000000e+00 : f32
    %gt3A_1823 = vector.broadcast %gt3A_1822 : f32 to vector<16xf32>
    %gt3A_1824 = arith.cmpf ogt, %get3A_1778, %gt3A_1823 : vector<16xf32>
    %jit3A_1825 = arith.constant 0.000000e+00 : f32
    %broadcast_in_dim3A_1826 = vector.broadcast %jit3A_1825 : f32 to vector<16xf32>
    %select_n3A_1827 = arith.select %gt3A_1824, %broadcast_in_dim3A_1826, %add3A_1785 : vector<16xi1>, vector<16xf32>
    %swap3A_1828 = arith.constant 448 : index
    %swap3A_1829 = tpu.vector_load %arg18[%swap3A_1828] {strides = array<i32>} : memref<1024xf32, #tpu.memory_space<vmem>>, vector<16xf32>,
    %swap3A_1830 = vector.shape_cast %swap3A_1829 : vector<16xf32> to vector<16xf32>
    %swap3A_1831 = vector.shape_cast %select_n3A_1827 : vector<16xf32> to vector<16xf32>
    tpu.vector_store %arg18[%swap3A_1828], %swap3A_1831 {strides = array<i32>} : memref<1024xf32, #tpu.memory_space<vmem>>, vector<16xf32>,
    %jit3A_1832 = arith.constant 0 : i32
    %broadcast_in_dim3A_1833 = vector.broadcast %jit3A_1832 : i32 to vector<16xi32>
    %select_n3A_1834 = arith.select %gt3A_1824, %broadcast_in_dim3A_1833, %add3A_1791 : vector<16xi1>, vector<16xi32>
    %swap3A_1835 = arith.constant 448 : index
    %swap3A_1836 = tpu.vector_load %arg19[%swap3A_1835] {strides = array<i32>} : memref<1024xi32, #tpu.memory_space<vmem>>, vector<16xi32>,
    %swap3A_1837 = vector.shape_cast %swap3A_1836 : vector<16xi32> to vector<16xi32>
    %swap3A_1838 = vector.shape_cast %select_n3A_1834 : vector<16xi32> to vector<16xi32>
    tpu.vector_store %arg19[%swap3A_1835], %swap3A_1838 {strides = array<i32>} : memref<1024xi32, #tpu.memory_space<vmem>>, vector<16xi32>,
    %get3A_1839 = arith.constant 464 : index
    %get3A_1840 = tpu.vector_load %arg14[%get3A_1839] {strides = array<i32>} : memref<1024xf32, #tpu.memory_space<vmem>>, vector<16xf32>,
    %get3A_1841 = vector.shape_cast %get3A_1840 : vector<16xf32> to vector<16xf32>
    %get3A_1842 = arith.constant 464 : index
    %get3A_1843 = tpu.vector_load %arg16[%get3A_1842] {strides = array<i32>} : memref<1024xf32, #tpu.memory_space<vmem>>, vector<16xf32>,
    %get3A_1844 = vector.shape_cast %get3A_1843 : vector<16xf32> to vector<16xf32>
    %get3A_1845 = arith.constant 464 : index
    %get3A_1846 = tpu.vector_load %arg13[%get3A_1845] {strides = array<i32>} : memref<1024xf32, #tpu.memory_space<vmem>>, vector<16xf32>,
    %get3A_1847 = vector.shape_cast %get3A_1846 : vector<16xf32> to vector<16xf32>
    %add3A_1848 = arith.addf %get3A_1844, %get3A_1847 : vector<16xf32>
    %get3A_1849 = arith.constant 464 : index
    %get3A_1850 = tpu.vector_load %arg17[%get3A_1849] {strides = array<i32>} : memref<1024xi32, #tpu.memory_space<vmem>>, vector<16xi32>,
    %get3A_1851 = vector.shape_cast %get3A_1850 : vector<16xi32> to vector<16xi32>
    %add3A_1852 = arith.constant 1 : i32
    %add3A_1853 = vector.broadcast %add3A_1852 : i32 to vector<16xi32>
    %add3A_1854 = arith.addi %get3A_1851, %add3A_1853 : vector<16xi32>
    %get3A_1855 = arith.constant 464 : index
    %get3A_1856 = tpu.vector_load %arg15[%get3A_1855] {strides = array<i32>} : memref<1024xi32, #tpu.memory_space<vmem>>, vector<16xi32>,
    %get3A_1857 = vector.shape_cast %get3A_1856 : vector<16xi32> to vector<16xi32>
    %add3A_1858 = arith.addf %add3A_1795, %get3A_1841 : vector<16xf32>
    %mul3A_1859 = arith.mulf %add3A_1848, %get3A_1841 : vector<16xf32>
    %add3A_1860 = arith.addf %add3A_1797, %mul3A_1859 : vector<16xf32>
    %convert_element_type3A_1861 = arith.sitofp %add3A_1854 : vector<16xi32> to vector<16xf32>
    %mul3A_1862 = arith.mulf %convert_element_type3A_1861, %get3A_1841 : vector<16xf32>
    %add3A_1863 = arith.addf %add3A_1800, %mul3A_1862 : vector<16xf32>
    %eq3A_1864 = arith.constant 0 : i32
    %eq3A_1865 = vector.broadcast %eq3A_1864 : i32 to vector<16xi32>
    %eq3A_1866 = arith.cmpi eq, %get3A_1857, %eq3A_1865 : vector<16xi32>
    %jit3A_1867 = arith.constant 0.000000e+00 : f32
    %broadcast_in_dim3A_1868 = vector.broadcast %jit3A_1867 : f32 to vector<16xf32>
    %select_n3A_1869 = arith.select %eq3A_1866, %get3A_1841, %broadcast_in_dim3A_1868 : vector<16xi1>, vector<16xf32>
    %add3A_1870 = arith.addf %add3A_1807, %select_n3A_1869 : vector<16xf32>
    %eq3A_1871 = arith.constant 1 : i32
    %eq3A_1872 = vector.broadcast %eq3A_1871 : i32 to vector<16xi32>
    %eq3A_1873 = arith.cmpi eq, %get3A_1857, %eq3A_1872 : vector<16xi32>
    %jit3A_1874 = arith.constant 0.000000e+00 : f32
    %broadcast_in_dim3A_1875 = vector.broadcast %jit3A_1874 : f32 to vector<16xf32>
    %select_n3A_1876 = arith.select %eq3A_1873, %get3A_1841, %broadcast_in_dim3A_1875 : vector<16xi1>, vector<16xf32>
    %add3A_1877 = arith.addf %add3A_1814, %select_n3A_1876 : vector<16xf32>
    %eq3A_1878 = arith.constant 2 : i32
    %eq3A_1879 = vector.broadcast %eq3A_1878 : i32 to vector<16xi32>
    %eq3A_1880 = arith.cmpi eq, %get3A_1857, %eq3A_1879 : vector<16xi32>
    %jit3A_1881 = arith.constant 0.000000e+00 : f32
    %broadcast_in_dim3A_1882 = vector.broadcast %jit3A_1881 : f32 to vector<16xf32>
    %select_n3A_1883 = arith.select %eq3A_1880, %get3A_1841, %broadcast_in_dim3A_1882 : vector<16xi1>, vector<16xf32>
    %add3A_1884 = arith.addf %add3A_1821, %select_n3A_1883 : vector<16xf32>
    %gt3A_1885 = arith.constant 0.000000e+00 : f32
    %gt3A_1886 = vector.broadcast %gt3A_1885 : f32 to vector<16xf32>
    %gt3A_1887 = arith.cmpf ogt, %get3A_1841, %gt3A_1886 : vector<16xf32>
    %jit3A_1888 = arith.constant 0.000000e+00 : f32
    %broadcast_in_dim3A_1889 = vector.broadcast %jit3A_1888 : f32 to vector<16xf32>
    %select_n3A_1890 = arith.select %gt3A_1887, %broadcast_in_dim3A_1889, %add3A_1848 : vector<16xi1>, vector<16xf32>
    %swap3A_1891 = arith.constant 464 : index
    %swap3A_1892 = tpu.vector_load %arg18[%swap3A_1891] {strides = array<i32>} : memref<1024xf32, #tpu.memory_space<vmem>>, vector<16xf32>,
    %swap3A_1893 = vector.shape_cast %swap3A_1892 : vector<16xf32> to vector<16xf32>
    %swap3A_1894 = vector.shape_cast %select_n3A_1890 : vector<16xf32> to vector<16xf32>
    tpu.vector_store %arg18[%swap3A_1891], %swap3A_1894 {strides = array<i32>} : memref<1024xf32, #tpu.memory_space<vmem>>, vector<16xf32>,
    %jit3A_1895 = arith.constant 0 : i32
    %broadcast_in_dim3A_1896 = vector.broadcast %jit3A_1895 : i32 to vector<16xi32>
    %select_n3A_1897 = arith.select %gt3A_1887, %broadcast_in_dim3A_1896, %add3A_1854 : vector<16xi1>, vector<16xi32>
    %swap3A_1898 = arith.constant 464 : index
    %swap3A_1899 = tpu.vector_load %arg19[%swap3A_1898] {strides = array<i32>} : memref<1024xi32, #tpu.memory_space<vmem>>, vector<16xi32>,
    %swap3A_1900 = vector.shape_cast %swap3A_1899 : vector<16xi32> to vector<16xi32>
    %swap3A_1901 = vector.shape_cast %select_n3A_1897 : vector<16xi32> to vector<16xi32>
    tpu.vector_store %arg19[%swap3A_1898], %swap3A_1901 {strides = array<i32>} : memref<1024xi32, #tpu.memory_space<vmem>>, vector<16xi32>,
    %get3A_1902 = arith.constant 480 : index
    %get3A_1903 = tpu.vector_load %arg14[%get3A_1902] {strides = array<i32>} : memref<1024xf32, #tpu.memory_space<vmem>>, vector<16xf32>,
    %get3A_1904 = vector.shape_cast %get3A_1903 : vector<16xf32> to vector<16xf32>
    %get3A_1905 = arith.constant 480 : index
    %get3A_1906 = tpu.vector_load %arg16[%get3A_1905] {strides = array<i32>} : memref<1024xf32, #tpu.memory_space<vmem>>, vector<16xf32>,
    %get3A_1907 = vector.shape_cast %get3A_1906 : vector<16xf32> to vector<16xf32>
    %get3A_1908 = arith.constant 480 : index
    %get3A_1909 = tpu.vector_load %arg13[%get3A_1908] {strides = array<i32>} : memref<1024xf32, #tpu.memory_space<vmem>>, vector<16xf32>,
    %get3A_1910 = vector.shape_cast %get3A_1909 : vector<16xf32> to vector<16xf32>
    %add3A_1911 = arith.addf %get3A_1907, %get3A_1910 : vector<16xf32>
    %get3A_1912 = arith.constant 480 : index
    %get3A_1913 = tpu.vector_load %arg17[%get3A_1912] {strides = array<i32>} : memref<1024xi32, #tpu.memory_space<vmem>>, vector<16xi32>,
    %get3A_1914 = vector.shape_cast %get3A_1913 : vector<16xi32> to vector<16xi32>
    %add3A_1915 = arith.constant 1 : i32
    %add3A_1916 = vector.broadcast %add3A_1915 : i32 to vector<16xi32>
    %add3A_1917 = arith.addi %get3A_1914, %add3A_1916 : vector<16xi32>
    %get3A_1918 = arith.constant 480 : index
    %get3A_1919 = tpu.vector_load %arg15[%get3A_1918] {strides = array<i32>} : memref<1024xi32, #tpu.memory_space<vmem>>, vector<16xi32>,
    %get3A_1920 = vector.shape_cast %get3A_1919 : vector<16xi32> to vector<16xi32>
    %add3A_1921 = arith.addf %add3A_1858, %get3A_1904 : vector<16xf32>
    %mul3A_1922 = arith.mulf %add3A_1911, %get3A_1904 : vector<16xf32>
    %add3A_1923 = arith.addf %add3A_1860, %mul3A_1922 : vector<16xf32>
    %convert_element_type3A_1924 = arith.sitofp %add3A_1917 : vector<16xi32> to vector<16xf32>
    %mul3A_1925 = arith.mulf %convert_element_type3A_1924, %get3A_1904 : vector<16xf32>
    %add3A_1926 = arith.addf %add3A_1863, %mul3A_1925 : vector<16xf32>
    %eq3A_1927 = arith.constant 0 : i32
    %eq3A_1928 = vector.broadcast %eq3A_1927 : i32 to vector<16xi32>
    %eq3A_1929 = arith.cmpi eq, %get3A_1920, %eq3A_1928 : vector<16xi32>
    %jit3A_1930 = arith.constant 0.000000e+00 : f32
    %broadcast_in_dim3A_1931 = vector.broadcast %jit3A_1930 : f32 to vector<16xf32>
    %select_n3A_1932 = arith.select %eq3A_1929, %get3A_1904, %broadcast_in_dim3A_1931 : vector<16xi1>, vector<16xf32>
    %add3A_1933 = arith.addf %add3A_1870, %select_n3A_1932 : vector<16xf32>
    %eq3A_1934 = arith.constant 1 : i32
    %eq3A_1935 = vector.broadcast %eq3A_1934 : i32 to vector<16xi32>
    %eq3A_1936 = arith.cmpi eq, %get3A_1920, %eq3A_1935 : vector<16xi32>
    %jit3A_1937 = arith.constant 0.000000e+00 : f32
    %broadcast_in_dim3A_1938 = vector.broadcast %jit3A_1937 : f32 to vector<16xf32>
    %select_n3A_1939 = arith.select %eq3A_1936, %get3A_1904, %broadcast_in_dim3A_1938 : vector<16xi1>, vector<16xf32>
    %add3A_1940 = arith.addf %add3A_1877, %select_n3A_1939 : vector<16xf32>
    %eq3A_1941 = arith.constant 2 : i32
    %eq3A_1942 = vector.broadcast %eq3A_1941 : i32 to vector<16xi32>
    %eq3A_1943 = arith.cmpi eq, %get3A_1920, %eq3A_1942 : vector<16xi32>
    %jit3A_1944 = arith.constant 0.000000e+00 : f32
    %broadcast_in_dim3A_1945 = vector.broadcast %jit3A_1944 : f32 to vector<16xf32>
    %select_n3A_1946 = arith.select %eq3A_1943, %get3A_1904, %broadcast_in_dim3A_1945 : vector<16xi1>, vector<16xf32>
    %add3A_1947 = arith.addf %add3A_1884, %select_n3A_1946 : vector<16xf32>
    %gt3A_1948 = arith.constant 0.000000e+00 : f32
    %gt3A_1949 = vector.broadcast %gt3A_1948 : f32 to vector<16xf32>
    %gt3A_1950 = arith.cmpf ogt, %get3A_1904, %gt3A_1949 : vector<16xf32>
    %jit3A_1951 = arith.constant 0.000000e+00 : f32
    %broadcast_in_dim3A_1952 = vector.broadcast %jit3A_1951 : f32 to vector<16xf32>
    %select_n3A_1953 = arith.select %gt3A_1950, %broadcast_in_dim3A_1952, %add3A_1911 : vector<16xi1>, vector<16xf32>
    %swap3A_1954 = arith.constant 480 : index
    %swap3A_1955 = tpu.vector_load %arg18[%swap3A_1954] {strides = array<i32>} : memref<1024xf32, #tpu.memory_space<vmem>>, vector<16xf32>,
    %swap3A_1956 = vector.shape_cast %swap3A_1955 : vector<16xf32> to vector<16xf32>
    %swap3A_1957 = vector.shape_cast %select_n3A_1953 : vector<16xf32> to vector<16xf32>
    tpu.vector_store %arg18[%swap3A_1954], %swap3A_1957 {strides = array<i32>} : memref<1024xf32, #tpu.memory_space<vmem>>, vector<16xf32>,
    %jit3A_1958 = arith.constant 0 : i32
    %broadcast_in_dim3A_1959 = vector.broadcast %jit3A_1958 : i32 to vector<16xi32>
    %select_n3A_1960 = arith.select %gt3A_1950, %broadcast_in_dim3A_1959, %add3A_1917 : vector<16xi1>, vector<16xi32>
    %swap3A_1961 = arith.constant 480 : index
    %swap3A_1962 = tpu.vector_load %arg19[%swap3A_1961] {strides = array<i32>} : memref<1024xi32, #tpu.memory_space<vmem>>, vector<16xi32>,
    %swap3A_1963 = vector.shape_cast %swap3A_1962 : vector<16xi32> to vector<16xi32>
    %swap3A_1964 = vector.shape_cast %select_n3A_1960 : vector<16xi32> to vector<16xi32>
    tpu.vector_store %arg19[%swap3A_1961], %swap3A_1964 {strides = array<i32>} : memref<1024xi32, #tpu.memory_space<vmem>>, vector<16xi32>,
    %get3A_1965 = arith.constant 496 : index
    %get3A_1966 = tpu.vector_load %arg14[%get3A_1965] {strides = array<i32>} : memref<1024xf32, #tpu.memory_space<vmem>>, vector<16xf32>,
    %get3A_1967 = vector.shape_cast %get3A_1966 : vector<16xf32> to vector<16xf32>
    %get3A_1968 = arith.constant 496 : index
    %get3A_1969 = tpu.vector_load %arg16[%get3A_1968] {strides = array<i32>} : memref<1024xf32, #tpu.memory_space<vmem>>, vector<16xf32>,
    %get3A_1970 = vector.shape_cast %get3A_1969 : vector<16xf32> to vector<16xf32>
    %get3A_1971 = arith.constant 496 : index
    %get3A_1972 = tpu.vector_load %arg13[%get3A_1971] {strides = array<i32>} : memref<1024xf32, #tpu.memory_space<vmem>>, vector<16xf32>,
    %get3A_1973 = vector.shape_cast %get3A_1972 : vector<16xf32> to vector<16xf32>
    %add3A_1974 = arith.addf %get3A_1970, %get3A_1973 : vector<16xf32>
    %get3A_1975 = arith.constant 496 : index
    %get3A_1976 = tpu.vector_load %arg17[%get3A_1975] {strides = array<i32>} : memref<1024xi32, #tpu.memory_space<vmem>>, vector<16xi32>,
    %get3A_1977 = vector.shape_cast %get3A_1976 : vector<16xi32> to vector<16xi32>
    %add3A_1978 = arith.constant 1 : i32
    %add3A_1979 = vector.broadcast %add3A_1978 : i32 to vector<16xi32>
    %add3A_1980 = arith.addi %get3A_1977, %add3A_1979 : vector<16xi32>
    %get3A_1981 = arith.constant 496 : index
    %get3A_1982 = tpu.vector_load %arg15[%get3A_1981] {strides = array<i32>} : memref<1024xi32, #tpu.memory_space<vmem>>, vector<16xi32>,
    %get3A_1983 = vector.shape_cast %get3A_1982 : vector<16xi32> to vector<16xi32>
    %add3A_1984 = arith.addf %add3A_1921, %get3A_1967 : vector<16xf32>
    %mul3A_1985 = arith.mulf %add3A_1974, %get3A_1967 : vector<16xf32>
    %add3A_1986 = arith.addf %add3A_1923, %mul3A_1985 : vector<16xf32>
    %convert_element_type3A_1987 = arith.sitofp %add3A_1980 : vector<16xi32> to vector<16xf32>
    %mul3A_1988 = arith.mulf %convert_element_type3A_1987, %get3A_1967 : vector<16xf32>
    %add3A_1989 = arith.addf %add3A_1926, %mul3A_1988 : vector<16xf32>
    %eq3A_1990 = arith.constant 0 : i32
    %eq3A_1991 = vector.broadcast %eq3A_1990 : i32 to vector<16xi32>
    %eq3A_1992 = arith.cmpi eq, %get3A_1983, %eq3A_1991 : vector<16xi32>
    %jit3A_1993 = arith.constant 0.000000e+00 : f32
    %broadcast_in_dim3A_1994 = vector.broadcast %jit3A_1993 : f32 to vector<16xf32>
    %select_n3A_1995 = arith.select %eq3A_1992, %get3A_1967, %broadcast_in_dim3A_1994 : vector<16xi1>, vector<16xf32>
    %add3A_1996 = arith.addf %add3A_1933, %select_n3A_1995 : vector<16xf32>
    %eq3A_1997 = arith.constant 1 : i32
    %eq3A_1998 = vector.broadcast %eq3A_1997 : i32 to vector<16xi32>
    %eq3A_1999 = arith.cmpi eq, %get3A_1983, %eq3A_1998 : vector<16xi32>
    %jit3A_2000 = arith.constant 0.000000e+00 : f32
    %broadcast_in_dim3A_2001 = vector.broadcast %jit3A_2000 : f32 to vector<16xf32>
    %select_n3A_2002 = arith.select %eq3A_1999, %get3A_1967, %broadcast_in_dim3A_2001 : vector<16xi1>, vector<16xf32>
    %add3A_2003 = arith.addf %add3A_1940, %select_n3A_2002 : vector<16xf32>
    %eq3A_2004 = arith.constant 2 : i32
    %eq3A_2005 = vector.broadcast %eq3A_2004 : i32 to vector<16xi32>
    %eq3A_2006 = arith.cmpi eq, %get3A_1983, %eq3A_2005 : vector<16xi32>
    %jit3A_2007 = arith.constant 0.000000e+00 : f32
    %broadcast_in_dim3A_2008 = vector.broadcast %jit3A_2007 : f32 to vector<16xf32>
    %select_n3A_2009 = arith.select %eq3A_2006, %get3A_1967, %broadcast_in_dim3A_2008 : vector<16xi1>, vector<16xf32>
    %add3A_2010 = arith.addf %add3A_1947, %select_n3A_2009 : vector<16xf32>
    %gt3A_2011 = arith.constant 0.000000e+00 : f32
    %gt3A_2012 = vector.broadcast %gt3A_2011 : f32 to vector<16xf32>
    %gt3A_2013 = arith.cmpf ogt, %get3A_1967, %gt3A_2012 : vector<16xf32>
    %jit3A_2014 = arith.constant 0.000000e+00 : f32
    %broadcast_in_dim3A_2015 = vector.broadcast %jit3A_2014 : f32 to vector<16xf32>
    %select_n3A_2016 = arith.select %gt3A_2013, %broadcast_in_dim3A_2015, %add3A_1974 : vector<16xi1>, vector<16xf32>
    %swap3A_2017 = arith.constant 496 : index
    %swap3A_2018 = tpu.vector_load %arg18[%swap3A_2017] {strides = array<i32>} : memref<1024xf32, #tpu.memory_space<vmem>>, vector<16xf32>,
    %swap3A_2019 = vector.shape_cast %swap3A_2018 : vector<16xf32> to vector<16xf32>
    %swap3A_2020 = vector.shape_cast %select_n3A_2016 : vector<16xf32> to vector<16xf32>
    tpu.vector_store %arg18[%swap3A_2017], %swap3A_2020 {strides = array<i32>} : memref<1024xf32, #tpu.memory_space<vmem>>, vector<16xf32>,
    %jit3A_2021 = arith.constant 0 : i32
    %broadcast_in_dim3A_2022 = vector.broadcast %jit3A_2021 : i32 to vector<16xi32>
    %select_n3A_2023 = arith.select %gt3A_2013, %broadcast_in_dim3A_2022, %add3A_1980 : vector<16xi1>, vector<16xi32>
    %swap3A_2024 = arith.constant 496 : index
    %swap3A_2025 = tpu.vector_load %arg19[%swap3A_2024] {strides = array<i32>} : memref<1024xi32, #tpu.memory_space<vmem>>, vector<16xi32>,
    %swap3A_2026 = vector.shape_cast %swap3A_2025 : vector<16xi32> to vector<16xi32>
    %swap3A_2027 = vector.shape_cast %select_n3A_2023 : vector<16xi32> to vector<16xi32>
    tpu.vector_store %arg19[%swap3A_2024], %swap3A_2027 {strides = array<i32>} : memref<1024xi32, #tpu.memory_space<vmem>>, vector<16xi32>,
    %get3A_2028 = arith.constant 512 : index
    %get3A_2029 = tpu.vector_load %arg14[%get3A_2028] {strides = array<i32>} : memref<1024xf32, #tpu.memory_space<vmem>>, vector<16xf32>,
    %get3A_2030 = vector.shape_cast %get3A_2029 : vector<16xf32> to vector<16xf32>
    %get3A_2031 = arith.constant 512 : index
    %get3A_2032 = tpu.vector_load %arg16[%get3A_2031] {strides = array<i32>} : memref<1024xf32, #tpu.memory_space<vmem>>, vector<16xf32>,
    %get3A_2033 = vector.shape_cast %get3A_2032 : vector<16xf32> to vector<16xf32>
    %get3A_2034 = arith.constant 512 : index
    %get3A_2035 = tpu.vector_load %arg13[%get3A_2034] {strides = array<i32>} : memref<1024xf32, #tpu.memory_space<vmem>>, vector<16xf32>,
    %get3A_2036 = vector.shape_cast %get3A_2035 : vector<16xf32> to vector<16xf32>
    %add3A_2037 = arith.addf %get3A_2033, %get3A_2036 : vector<16xf32>
    %get3A_2038 = arith.constant 512 : index
    %get3A_2039 = tpu.vector_load %arg17[%get3A_2038] {strides = array<i32>} : memref<1024xi32, #tpu.memory_space<vmem>>, vector<16xi32>,
    %get3A_2040 = vector.shape_cast %get3A_2039 : vector<16xi32> to vector<16xi32>
    %add3A_2041 = arith.constant 1 : i32
    %add3A_2042 = vector.broadcast %add3A_2041 : i32 to vector<16xi32>
    %add3A_2043 = arith.addi %get3A_2040, %add3A_2042 : vector<16xi32>
    %get3A_2044 = arith.constant 512 : index
    %get3A_2045 = tpu.vector_load %arg15[%get3A_2044] {strides = array<i32>} : memref<1024xi32, #tpu.memory_space<vmem>>, vector<16xi32>,
    %get3A_2046 = vector.shape_cast %get3A_2045 : vector<16xi32> to vector<16xi32>
    %add3A_2047 = arith.addf %add3A_1984, %get3A_2030 : vector<16xf32>
    %mul3A_2048 = arith.mulf %add3A_2037, %get3A_2030 : vector<16xf32>
    %add3A_2049 = arith.addf %add3A_1986, %mul3A_2048 : vector<16xf32>
    %convert_element_type3A_2050 = arith.sitofp %add3A_2043 : vector<16xi32> to vector<16xf32>
    %mul3A_2051 = arith.mulf %convert_element_type3A_2050, %get3A_2030 : vector<16xf32>
    %add3A_2052 = arith.addf %add3A_1989, %mul3A_2051 : vector<16xf32>
    %eq3A_2053 = arith.constant 0 : i32
    %eq3A_2054 = vector.broadcast %eq3A_2053 : i32 to vector<16xi32>
    %eq3A_2055 = arith.cmpi eq, %get3A_2046, %eq3A_2054 : vector<16xi32>
    %jit3A_2056 = arith.constant 0.000000e+00 : f32
    %broadcast_in_dim3A_2057 = vector.broadcast %jit3A_2056 : f32 to vector<16xf32>
    %select_n3A_2058 = arith.select %eq3A_2055, %get3A_2030, %broadcast_in_dim3A_2057 : vector<16xi1>, vector<16xf32>
    %add3A_2059 = arith.addf %add3A_1996, %select_n3A_2058 : vector<16xf32>
    %eq3A_2060 = arith.constant 1 : i32
    %eq3A_2061 = vector.broadcast %eq3A_2060 : i32 to vector<16xi32>
    %eq3A_2062 = arith.cmpi eq, %get3A_2046, %eq3A_2061 : vector<16xi32>
    %jit3A_2063 = arith.constant 0.000000e+00 : f32
    %broadcast_in_dim3A_2064 = vector.broadcast %jit3A_2063 : f32 to vector<16xf32>
    %select_n3A_2065 = arith.select %eq3A_2062, %get3A_2030, %broadcast_in_dim3A_2064 : vector<16xi1>, vector<16xf32>
    %add3A_2066 = arith.addf %add3A_2003, %select_n3A_2065 : vector<16xf32>
    %eq3A_2067 = arith.constant 2 : i32
    %eq3A_2068 = vector.broadcast %eq3A_2067 : i32 to vector<16xi32>
    %eq3A_2069 = arith.cmpi eq, %get3A_2046, %eq3A_2068 : vector<16xi32>
    %jit3A_2070 = arith.constant 0.000000e+00 : f32
    %broadcast_in_dim3A_2071 = vector.broadcast %jit3A_2070 : f32 to vector<16xf32>
    %select_n3A_2072 = arith.select %eq3A_2069, %get3A_2030, %broadcast_in_dim3A_2071 : vector<16xi1>, vector<16xf32>
    %add3A_2073 = arith.addf %add3A_2010, %select_n3A_2072 : vector<16xf32>
    %gt3A_2074 = arith.constant 0.000000e+00 : f32
    %gt3A_2075 = vector.broadcast %gt3A_2074 : f32 to vector<16xf32>
    %gt3A_2076 = arith.cmpf ogt, %get3A_2030, %gt3A_2075 : vector<16xf32>
    %jit3A_2077 = arith.constant 0.000000e+00 : f32
    %broadcast_in_dim3A_2078 = vector.broadcast %jit3A_2077 : f32 to vector<16xf32>
    %select_n3A_2079 = arith.select %gt3A_2076, %broadcast_in_dim3A_2078, %add3A_2037 : vector<16xi1>, vector<16xf32>
    %swap3A_2080 = arith.constant 512 : index
    %swap3A_2081 = tpu.vector_load %arg18[%swap3A_2080] {strides = array<i32>} : memref<1024xf32, #tpu.memory_space<vmem>>, vector<16xf32>,
    %swap3A_2082 = vector.shape_cast %swap3A_2081 : vector<16xf32> to vector<16xf32>
    %swap3A_2083 = vector.shape_cast %select_n3A_2079 : vector<16xf32> to vector<16xf32>
    tpu.vector_store %arg18[%swap3A_2080], %swap3A_2083 {strides = array<i32>} : memref<1024xf32, #tpu.memory_space<vmem>>, vector<16xf32>,
    %jit3A_2084 = arith.constant 0 : i32
    %broadcast_in_dim3A_2085 = vector.broadcast %jit3A_2084 : i32 to vector<16xi32>
    %select_n3A_2086 = arith.select %gt3A_2076, %broadcast_in_dim3A_2085, %add3A_2043 : vector<16xi1>, vector<16xi32>
    %swap3A_2087 = arith.constant 512 : index
    %swap3A_2088 = tpu.vector_load %arg19[%swap3A_2087] {strides = array<i32>} : memref<1024xi32, #tpu.memory_space<vmem>>, vector<16xi32>,
    %swap3A_2089 = vector.shape_cast %swap3A_2088 : vector<16xi32> to vector<16xi32>
    %swap3A_2090 = vector.shape_cast %select_n3A_2086 : vector<16xi32> to vector<16xi32>
    tpu.vector_store %arg19[%swap3A_2087], %swap3A_2090 {strides = array<i32>} : memref<1024xi32, #tpu.memory_space<vmem>>, vector<16xi32>,
    %get3A_2091 = arith.constant 528 : index
    %get3A_2092 = tpu.vector_load %arg14[%get3A_2091] {strides = array<i32>} : memref<1024xf32, #tpu.memory_space<vmem>>, vector<16xf32>,
    %get3A_2093 = vector.shape_cast %get3A_2092 : vector<16xf32> to vector<16xf32>
    %get3A_2094 = arith.constant 528 : index
    %get3A_2095 = tpu.vector_load %arg16[%get3A_2094] {strides = array<i32>} : memref<1024xf32, #tpu.memory_space<vmem>>, vector<16xf32>,
    %get3A_2096 = vector.shape_cast %get3A_2095 : vector<16xf32> to vector<16xf32>
    %get3A_2097 = arith.constant 528 : index
    %get3A_2098 = tpu.vector_load %arg13[%get3A_2097] {strides = array<i32>} : memref<1024xf32, #tpu.memory_space<vmem>>, vector<16xf32>,
    %get3A_2099 = vector.shape_cast %get3A_2098 : vector<16xf32> to vector<16xf32>
    %add3A_2100 = arith.addf %get3A_2096, %get3A_2099 : vector<16xf32>
    %get3A_2101 = arith.constant 528 : index
    %get3A_2102 = tpu.vector_load %arg17[%get3A_2101] {strides = array<i32>} : memref<1024xi32, #tpu.memory_space<vmem>>, vector<16xi32>,
    %get3A_2103 = vector.shape_cast %get3A_2102 : vector<16xi32> to vector<16xi32>
    %add3A_2104 = arith.constant 1 : i32
    %add3A_2105 = vector.broadcast %add3A_2104 : i32 to vector<16xi32>
    %add3A_2106 = arith.addi %get3A_2103, %add3A_2105 : vector<16xi32>
    %get3A_2107 = arith.constant 528 : index
    %get3A_2108 = tpu.vector_load %arg15[%get3A_2107] {strides = array<i32>} : memref<1024xi32, #tpu.memory_space<vmem>>, vector<16xi32>,
    %get3A_2109 = vector.shape_cast %get3A_2108 : vector<16xi32> to vector<16xi32>
    %add3A_2110 = arith.addf %add3A_2047, %get3A_2093 : vector<16xf32>
    %mul3A_2111 = arith.mulf %add3A_2100, %get3A_2093 : vector<16xf32>
    %add3A_2112 = arith.addf %add3A_2049, %mul3A_2111 : vector<16xf32>
    %convert_element_type3A_2113 = arith.sitofp %add3A_2106 : vector<16xi32> to vector<16xf32>
    %mul3A_2114 = arith.mulf %convert_element_type3A_2113, %get3A_2093 : vector<16xf32>
    %add3A_2115 = arith.addf %add3A_2052, %mul3A_2114 : vector<16xf32>
    %eq3A_2116 = arith.constant 0 : i32
    %eq3A_2117 = vector.broadcast %eq3A_2116 : i32 to vector<16xi32>
    %eq3A_2118 = arith.cmpi eq, %get3A_2109, %eq3A_2117 : vector<16xi32>
    %jit3A_2119 = arith.constant 0.000000e+00 : f32
    %broadcast_in_dim3A_2120 = vector.broadcast %jit3A_2119 : f32 to vector<16xf32>
    %select_n3A_2121 = arith.select %eq3A_2118, %get3A_2093, %broadcast_in_dim3A_2120 : vector<16xi1>, vector<16xf32>
    %add3A_2122 = arith.addf %add3A_2059, %select_n3A_2121 : vector<16xf32>
    %eq3A_2123 = arith.constant 1 : i32
    %eq3A_2124 = vector.broadcast %eq3A_2123 : i32 to vector<16xi32>
    %eq3A_2125 = arith.cmpi eq, %get3A_2109, %eq3A_2124 : vector<16xi32>
    %jit3A_2126 = arith.constant 0.000000e+00 : f32
    %broadcast_in_dim3A_2127 = vector.broadcast %jit3A_2126 : f32 to vector<16xf32>
    %select_n3A_2128 = arith.select %eq3A_2125, %get3A_2093, %broadcast_in_dim3A_2127 : vector<16xi1>, vector<16xf32>
    %add3A_2129 = arith.addf %add3A_2066, %select_n3A_2128 : vector<16xf32>
    %eq3A_2130 = arith.constant 2 : i32
    %eq3A_2131 = vector.broadcast %eq3A_2130 : i32 to vector<16xi32>
    %eq3A_2132 = arith.cmpi eq, %get3A_2109, %eq3A_2131 : vector<16xi32>
    %jit3A_2133 = arith.constant 0.000000e+00 : f32
    %broadcast_in_dim3A_2134 = vector.broadcast %jit3A_2133 : f32 to vector<16xf32>
    %select_n3A_2135 = arith.select %eq3A_2132, %get3A_2093, %broadcast_in_dim3A_2134 : vector<16xi1>, vector<16xf32>
    %add3A_2136 = arith.addf %add3A_2073, %select_n3A_2135 : vector<16xf32>
    %gt3A_2137 = arith.constant 0.000000e+00 : f32
    %gt3A_2138 = vector.broadcast %gt3A_2137 : f32 to vector<16xf32>
    %gt3A_2139 = arith.cmpf ogt, %get3A_2093, %gt3A_2138 : vector<16xf32>
    %jit3A_2140 = arith.constant 0.000000e+00 : f32
    %broadcast_in_dim3A_2141 = vector.broadcast %jit3A_2140 : f32 to vector<16xf32>
    %select_n3A_2142 = arith.select %gt3A_2139, %broadcast_in_dim3A_2141, %add3A_2100 : vector<16xi1>, vector<16xf32>
    %swap3A_2143 = arith.constant 528 : index
    %swap3A_2144 = tpu.vector_load %arg18[%swap3A_2143] {strides = array<i32>} : memref<1024xf32, #tpu.memory_space<vmem>>, vector<16xf32>,
    %swap3A_2145 = vector.shape_cast %swap3A_2144 : vector<16xf32> to vector<16xf32>
    %swap3A_2146 = vector.shape_cast %select_n3A_2142 : vector<16xf32> to vector<16xf32>
    tpu.vector_store %arg18[%swap3A_2143], %swap3A_2146 {strides = array<i32>} : memref<1024xf32, #tpu.memory_space<vmem>>, vector<16xf32>,
    %jit3A_2147 = arith.constant 0 : i32
    %broadcast_in_dim3A_2148 = vector.broadcast %jit3A_2147 : i32 to vector<16xi32>
    %select_n3A_2149 = arith.select %gt3A_2139, %broadcast_in_dim3A_2148, %add3A_2106 : vector<16xi1>, vector<16xi32>
    %swap3A_2150 = arith.constant 528 : index
    %swap3A_2151 = tpu.vector_load %arg19[%swap3A_2150] {strides = array<i32>} : memref<1024xi32, #tpu.memory_space<vmem>>, vector<16xi32>,
    %swap3A_2152 = vector.shape_cast %swap3A_2151 : vector<16xi32> to vector<16xi32>
    %swap3A_2153 = vector.shape_cast %select_n3A_2149 : vector<16xi32> to vector<16xi32>
    tpu.vector_store %arg19[%swap3A_2150], %swap3A_2153 {strides = array<i32>} : memref<1024xi32, #tpu.memory_space<vmem>>, vector<16xi32>,
    %get3A_2154 = arith.constant 544 : index
    %get3A_2155 = tpu.vector_load %arg14[%get3A_2154] {strides = array<i32>} : memref<1024xf32, #tpu.memory_space<vmem>>, vector<16xf32>,
    %get3A_2156 = vector.shape_cast %get3A_2155 : vector<16xf32> to vector<16xf32>
    %get3A_2157 = arith.constant 544 : index
    %get3A_2158 = tpu.vector_load %arg16[%get3A_2157] {strides = array<i32>} : memref<1024xf32, #tpu.memory_space<vmem>>, vector<16xf32>,
    %get3A_2159 = vector.shape_cast %get3A_2158 : vector<16xf32> to vector<16xf32>
    %get3A_2160 = arith.constant 544 : index
    %get3A_2161 = tpu.vector_load %arg13[%get3A_2160] {strides = array<i32>} : memref<1024xf32, #tpu.memory_space<vmem>>, vector<16xf32>,
    %get3A_2162 = vector.shape_cast %get3A_2161 : vector<16xf32> to vector<16xf32>
    %add3A_2163 = arith.addf %get3A_2159, %get3A_2162 : vector<16xf32>
    %get3A_2164 = arith.constant 544 : index
    %get3A_2165 = tpu.vector_load %arg17[%get3A_2164] {strides = array<i32>} : memref<1024xi32, #tpu.memory_space<vmem>>, vector<16xi32>,
    %get3A_2166 = vector.shape_cast %get3A_2165 : vector<16xi32> to vector<16xi32>
    %add3A_2167 = arith.constant 1 : i32
    %add3A_2168 = vector.broadcast %add3A_2167 : i32 to vector<16xi32>
    %add3A_2169 = arith.addi %get3A_2166, %add3A_2168 : vector<16xi32>
    %get3A_2170 = arith.constant 544 : index
    %get3A_2171 = tpu.vector_load %arg15[%get3A_2170] {strides = array<i32>} : memref<1024xi32, #tpu.memory_space<vmem>>, vector<16xi32>,
    %get3A_2172 = vector.shape_cast %get3A_2171 : vector<16xi32> to vector<16xi32>
    %add3A_2173 = arith.addf %add3A_2110, %get3A_2156 : vector<16xf32>
    %mul3A_2174 = arith.mulf %add3A_2163, %get3A_2156 : vector<16xf32>
    %add3A_2175 = arith.addf %add3A_2112, %mul3A_2174 : vector<16xf32>
    %convert_element_type3A_2176 = arith.sitofp %add3A_2169 : vector<16xi32> to vector<16xf32>
    %mul3A_2177 = arith.mulf %convert_element_type3A_2176, %get3A_2156 : vector<16xf32>
    %add3A_2178 = arith.addf %add3A_2115, %mul3A_2177 : vector<16xf32>
    %eq3A_2179 = arith.constant 0 : i32
    %eq3A_2180 = vector.broadcast %eq3A_2179 : i32 to vector<16xi32>
    %eq3A_2181 = arith.cmpi eq, %get3A_2172, %eq3A_2180 : vector<16xi32>
    %jit3A_2182 = arith.constant 0.000000e+00 : f32
    %broadcast_in_dim3A_2183 = vector.broadcast %jit3A_2182 : f32 to vector<16xf32>
    %select_n3A_2184 = arith.select %eq3A_2181, %get3A_2156, %broadcast_in_dim3A_2183 : vector<16xi1>, vector<16xf32>
    %add3A_2185 = arith.addf %add3A_2122, %select_n3A_2184 : vector<16xf32>
    %eq3A_2186 = arith.constant 1 : i32
    %eq3A_2187 = vector.broadcast %eq3A_2186 : i32 to vector<16xi32>
    %eq3A_2188 = arith.cmpi eq, %get3A_2172, %eq3A_2187 : vector<16xi32>
    %jit3A_2189 = arith.constant 0.000000e+00 : f32
    %broadcast_in_dim3A_2190 = vector.broadcast %jit3A_2189 : f32 to vector<16xf32>
    %select_n3A_2191 = arith.select %eq3A_2188, %get3A_2156, %broadcast_in_dim3A_2190 : vector<16xi1>, vector<16xf32>
    %add3A_2192 = arith.addf %add3A_2129, %select_n3A_2191 : vector<16xf32>
    %eq3A_2193 = arith.constant 2 : i32
    %eq3A_2194 = vector.broadcast %eq3A_2193 : i32 to vector<16xi32>
    %eq3A_2195 = arith.cmpi eq, %get3A_2172, %eq3A_2194 : vector<16xi32>
    %jit3A_2196 = arith.constant 0.000000e+00 : f32
    %broadcast_in_dim3A_2197 = vector.broadcast %jit3A_2196 : f32 to vector<16xf32>
    %select_n3A_2198 = arith.select %eq3A_2195, %get3A_2156, %broadcast_in_dim3A_2197 : vector<16xi1>, vector<16xf32>
    %add3A_2199 = arith.addf %add3A_2136, %select_n3A_2198 : vector<16xf32>
    %gt3A_2200 = arith.constant 0.000000e+00 : f32
    %gt3A_2201 = vector.broadcast %gt3A_2200 : f32 to vector<16xf32>
    %gt3A_2202 = arith.cmpf ogt, %get3A_2156, %gt3A_2201 : vector<16xf32>
    %jit3A_2203 = arith.constant 0.000000e+00 : f32
    %broadcast_in_dim3A_2204 = vector.broadcast %jit3A_2203 : f32 to vector<16xf32>
    %select_n3A_2205 = arith.select %gt3A_2202, %broadcast_in_dim3A_2204, %add3A_2163 : vector<16xi1>, vector<16xf32>
    %swap3A_2206 = arith.constant 544 : index
    %swap3A_2207 = tpu.vector_load %arg18[%swap3A_2206] {strides = array<i32>} : memref<1024xf32, #tpu.memory_space<vmem>>, vector<16xf32>,
    %swap3A_2208 = vector.shape_cast %swap3A_2207 : vector<16xf32> to vector<16xf32>
    %swap3A_2209 = vector.shape_cast %select_n3A_2205 : vector<16xf32> to vector<16xf32>
    tpu.vector_store %arg18[%swap3A_2206], %swap3A_2209 {strides = array<i32>} : memref<1024xf32, #tpu.memory_space<vmem>>, vector<16xf32>,
    %jit3A_2210 = arith.constant 0 : i32
    %broadcast_in_dim3A_2211 = vector.broadcast %jit3A_2210 : i32 to vector<16xi32>
    %select_n3A_2212 = arith.select %gt3A_2202, %broadcast_in_dim3A_2211, %add3A_2169 : vector<16xi1>, vector<16xi32>
    %swap3A_2213 = arith.constant 544 : index
    %swap3A_2214 = tpu.vector_load %arg19[%swap3A_2213] {strides = array<i32>} : memref<1024xi32, #tpu.memory_space<vmem>>, vector<16xi32>,
    %swap3A_2215 = vector.shape_cast %swap3A_2214 : vector<16xi32> to vector<16xi32>
    %swap3A_2216 = vector.shape_cast %select_n3A_2212 : vector<16xi32> to vector<16xi32>
    tpu.vector_store %arg19[%swap3A_2213], %swap3A_2216 {strides = array<i32>} : memref<1024xi32, #tpu.memory_space<vmem>>, vector<16xi32>,
    %get3A_2217 = arith.constant 560 : index
    %get3A_2218 = tpu.vector_load %arg14[%get3A_2217] {strides = array<i32>} : memref<1024xf32, #tpu.memory_space<vmem>>, vector<16xf32>,
    %get3A_2219 = vector.shape_cast %get3A_2218 : vector<16xf32> to vector<16xf32>
    %get3A_2220 = arith.constant 560 : index
    %get3A_2221 = tpu.vector_load %arg16[%get3A_2220] {strides = array<i32>} : memref<1024xf32, #tpu.memory_space<vmem>>, vector<16xf32>,
    %get3A_2222 = vector.shape_cast %get3A_2221 : vector<16xf32> to vector<16xf32>
    %get3A_2223 = arith.constant 560 : index
    %get3A_2224 = tpu.vector_load %arg13[%get3A_2223] {strides = array<i32>} : memref<1024xf32, #tpu.memory_space<vmem>>, vector<16xf32>,
    %get3A_2225 = vector.shape_cast %get3A_2224 : vector<16xf32> to vector<16xf32>
    %add3A_2226 = arith.addf %get3A_2222, %get3A_2225 : vector<16xf32>
    %get3A_2227 = arith.constant 560 : index
    %get3A_2228 = tpu.vector_load %arg17[%get3A_2227] {strides = array<i32>} : memref<1024xi32, #tpu.memory_space<vmem>>, vector<16xi32>,
    %get3A_2229 = vector.shape_cast %get3A_2228 : vector<16xi32> to vector<16xi32>
    %add3A_2230 = arith.constant 1 : i32
    %add3A_2231 = vector.broadcast %add3A_2230 : i32 to vector<16xi32>
    %add3A_2232 = arith.addi %get3A_2229, %add3A_2231 : vector<16xi32>
    %get3A_2233 = arith.constant 560 : index
    %get3A_2234 = tpu.vector_load %arg15[%get3A_2233] {strides = array<i32>} : memref<1024xi32, #tpu.memory_space<vmem>>, vector<16xi32>,
    %get3A_2235 = vector.shape_cast %get3A_2234 : vector<16xi32> to vector<16xi32>
    %add3A_2236 = arith.addf %add3A_2173, %get3A_2219 : vector<16xf32>
    %mul3A_2237 = arith.mulf %add3A_2226, %get3A_2219 : vector<16xf32>
    %add3A_2238 = arith.addf %add3A_2175, %mul3A_2237 : vector<16xf32>
    %convert_element_type3A_2239 = arith.sitofp %add3A_2232 : vector<16xi32> to vector<16xf32>
    %mul3A_2240 = arith.mulf %convert_element_type3A_2239, %get3A_2219 : vector<16xf32>
    %add3A_2241 = arith.addf %add3A_2178, %mul3A_2240 : vector<16xf32>
    %eq3A_2242 = arith.constant 0 : i32
    %eq3A_2243 = vector.broadcast %eq3A_2242 : i32 to vector<16xi32>
    %eq3A_2244 = arith.cmpi eq, %get3A_2235, %eq3A_2243 : vector<16xi32>
    %jit3A_2245 = arith.constant 0.000000e+00 : f32
    %broadcast_in_dim3A_2246 = vector.broadcast %jit3A_2245 : f32 to vector<16xf32>
    %select_n3A_2247 = arith.select %eq3A_2244, %get3A_2219, %broadcast_in_dim3A_2246 : vector<16xi1>, vector<16xf32>
    %add3A_2248 = arith.addf %add3A_2185, %select_n3A_2247 : vector<16xf32>
    %eq3A_2249 = arith.constant 1 : i32
    %eq3A_2250 = vector.broadcast %eq3A_2249 : i32 to vector<16xi32>
    %eq3A_2251 = arith.cmpi eq, %get3A_2235, %eq3A_2250 : vector<16xi32>
    %jit3A_2252 = arith.constant 0.000000e+00 : f32
    %broadcast_in_dim3A_2253 = vector.broadcast %jit3A_2252 : f32 to vector<16xf32>
    %select_n3A_2254 = arith.select %eq3A_2251, %get3A_2219, %broadcast_in_dim3A_2253 : vector<16xi1>, vector<16xf32>
    %add3A_2255 = arith.addf %add3A_2192, %select_n3A_2254 : vector<16xf32>
    %eq3A_2256 = arith.constant 2 : i32
    %eq3A_2257 = vector.broadcast %eq3A_2256 : i32 to vector<16xi32>
    %eq3A_2258 = arith.cmpi eq, %get3A_2235, %eq3A_2257 : vector<16xi32>
    %jit3A_2259 = arith.constant 0.000000e+00 : f32
    %broadcast_in_dim3A_2260 = vector.broadcast %jit3A_2259 : f32 to vector<16xf32>
    %select_n3A_2261 = arith.select %eq3A_2258, %get3A_2219, %broadcast_in_dim3A_2260 : vector<16xi1>, vector<16xf32>
    %add3A_2262 = arith.addf %add3A_2199, %select_n3A_2261 : vector<16xf32>
    %gt3A_2263 = arith.constant 0.000000e+00 : f32
    %gt3A_2264 = vector.broadcast %gt3A_2263 : f32 to vector<16xf32>
    %gt3A_2265 = arith.cmpf ogt, %get3A_2219, %gt3A_2264 : vector<16xf32>
    %jit3A_2266 = arith.constant 0.000000e+00 : f32
    %broadcast_in_dim3A_2267 = vector.broadcast %jit3A_2266 : f32 to vector<16xf32>
    %select_n3A_2268 = arith.select %gt3A_2265, %broadcast_in_dim3A_2267, %add3A_2226 : vector<16xi1>, vector<16xf32>
    %swap3A_2269 = arith.constant 560 : index
    %swap3A_2270 = tpu.vector_load %arg18[%swap3A_2269] {strides = array<i32>} : memref<1024xf32, #tpu.memory_space<vmem>>, vector<16xf32>,
    %swap3A_2271 = vector.shape_cast %swap3A_2270 : vector<16xf32> to vector<16xf32>
    %swap3A_2272 = vector.shape_cast %select_n3A_2268 : vector<16xf32> to vector<16xf32>
    tpu.vector_store %arg18[%swap3A_2269], %swap3A_2272 {strides = array<i32>} : memref<1024xf32, #tpu.memory_space<vmem>>, vector<16xf32>,
    %jit3A_2273 = arith.constant 0 : i32
    %broadcast_in_dim3A_2274 = vector.broadcast %jit3A_2273 : i32 to vector<16xi32>
    %select_n3A_2275 = arith.select %gt3A_2265, %broadcast_in_dim3A_2274, %add3A_2232 : vector<16xi1>, vector<16xi32>
    %swap3A_2276 = arith.constant 560 : index
    %swap3A_2277 = tpu.vector_load %arg19[%swap3A_2276] {strides = array<i32>} : memref<1024xi32, #tpu.memory_space<vmem>>, vector<16xi32>,
    %swap3A_2278 = vector.shape_cast %swap3A_2277 : vector<16xi32> to vector<16xi32>
    %swap3A_2279 = vector.shape_cast %select_n3A_2275 : vector<16xi32> to vector<16xi32>
    tpu.vector_store %arg19[%swap3A_2276], %swap3A_2279 {strides = array<i32>} : memref<1024xi32, #tpu.memory_space<vmem>>, vector<16xi32>,
    %get3A_2280 = arith.constant 576 : index
    %get3A_2281 = tpu.vector_load %arg14[%get3A_2280] {strides = array<i32>} : memref<1024xf32, #tpu.memory_space<vmem>>, vector<16xf32>,
    %get3A_2282 = vector.shape_cast %get3A_2281 : vector<16xf32> to vector<16xf32>
    %get3A_2283 = arith.constant 576 : index
    %get3A_2284 = tpu.vector_load %arg16[%get3A_2283] {strides = array<i32>} : memref<1024xf32, #tpu.memory_space<vmem>>, vector<16xf32>,
    %get3A_2285 = vector.shape_cast %get3A_2284 : vector<16xf32> to vector<16xf32>
    %get3A_2286 = arith.constant 576 : index
    %get3A_2287 = tpu.vector_load %arg13[%get3A_2286] {strides = array<i32>} : memref<1024xf32, #tpu.memory_space<vmem>>, vector<16xf32>,
    %get3A_2288 = vector.shape_cast %get3A_2287 : vector<16xf32> to vector<16xf32>
    %add3A_2289 = arith.addf %get3A_2285, %get3A_2288 : vector<16xf32>
    %get3A_2290 = arith.constant 576 : index
    %get3A_2291 = tpu.vector_load %arg17[%get3A_2290] {strides = array<i32>} : memref<1024xi32, #tpu.memory_space<vmem>>, vector<16xi32>,
    %get3A_2292 = vector.shape_cast %get3A_2291 : vector<16xi32> to vector<16xi32>
    %add3A_2293 = arith.constant 1 : i32
    %add3A_2294 = vector.broadcast %add3A_2293 : i32 to vector<16xi32>
    %add3A_2295 = arith.addi %get3A_2292, %add3A_2294 : vector<16xi32>
    %get3A_2296 = arith.constant 576 : index
    %get3A_2297 = tpu.vector_load %arg15[%get3A_2296] {strides = array<i32>} : memref<1024xi32, #tpu.memory_space<vmem>>, vector<16xi32>,
    %get3A_2298 = vector.shape_cast %get3A_2297 : vector<16xi32> to vector<16xi32>
    %add3A_2299 = arith.addf %add3A_2236, %get3A_2282 : vector<16xf32>
    %mul3A_2300 = arith.mulf %add3A_2289, %get3A_2282 : vector<16xf32>
    %add3A_2301 = arith.addf %add3A_2238, %mul3A_2300 : vector<16xf32>
    %convert_element_type3A_2302 = arith.sitofp %add3A_2295 : vector<16xi32> to vector<16xf32>
    %mul3A_2303 = arith.mulf %convert_element_type3A_2302, %get3A_2282 : vector<16xf32>
    %add3A_2304 = arith.addf %add3A_2241, %mul3A_2303 : vector<16xf32>
    %eq3A_2305 = arith.constant 0 : i32
    %eq3A_2306 = vector.broadcast %eq3A_2305 : i32 to vector<16xi32>
    %eq3A_2307 = arith.cmpi eq, %get3A_2298, %eq3A_2306 : vector<16xi32>
    %jit3A_2308 = arith.constant 0.000000e+00 : f32
    %broadcast_in_dim3A_2309 = vector.broadcast %jit3A_2308 : f32 to vector<16xf32>
    %select_n3A_2310 = arith.select %eq3A_2307, %get3A_2282, %broadcast_in_dim3A_2309 : vector<16xi1>, vector<16xf32>
    %add3A_2311 = arith.addf %add3A_2248, %select_n3A_2310 : vector<16xf32>
    %eq3A_2312 = arith.constant 1 : i32
    %eq3A_2313 = vector.broadcast %eq3A_2312 : i32 to vector<16xi32>
    %eq3A_2314 = arith.cmpi eq, %get3A_2298, %eq3A_2313 : vector<16xi32>
    %jit3A_2315 = arith.constant 0.000000e+00 : f32
    %broadcast_in_dim3A_2316 = vector.broadcast %jit3A_2315 : f32 to vector<16xf32>
    %select_n3A_2317 = arith.select %eq3A_2314, %get3A_2282, %broadcast_in_dim3A_2316 : vector<16xi1>, vector<16xf32>
    %add3A_2318 = arith.addf %add3A_2255, %select_n3A_2317 : vector<16xf32>
    %eq3A_2319 = arith.constant 2 : i32
    %eq3A_2320 = vector.broadcast %eq3A_2319 : i32 to vector<16xi32>
    %eq3A_2321 = arith.cmpi eq, %get3A_2298, %eq3A_2320 : vector<16xi32>
    %jit3A_2322 = arith.constant 0.000000e+00 : f32
    %broadcast_in_dim3A_2323 = vector.broadcast %jit3A_2322 : f32 to vector<16xf32>
    %select_n3A_2324 = arith.select %eq3A_2321, %get3A_2282, %broadcast_in_dim3A_2323 : vector<16xi1>, vector<16xf32>
    %add3A_2325 = arith.addf %add3A_2262, %select_n3A_2324 : vector<16xf32>
    %gt3A_2326 = arith.constant 0.000000e+00 : f32
    %gt3A_2327 = vector.broadcast %gt3A_2326 : f32 to vector<16xf32>
    %gt3A_2328 = arith.cmpf ogt, %get3A_2282, %gt3A_2327 : vector<16xf32>
    %jit3A_2329 = arith.constant 0.000000e+00 : f32
    %broadcast_in_dim3A_2330 = vector.broadcast %jit3A_2329 : f32 to vector<16xf32>
    %select_n3A_2331 = arith.select %gt3A_2328, %broadcast_in_dim3A_2330, %add3A_2289 : vector<16xi1>, vector<16xf32>
    %swap3A_2332 = arith.constant 576 : index
    %swap3A_2333 = tpu.vector_load %arg18[%swap3A_2332] {strides = array<i32>} : memref<1024xf32, #tpu.memory_space<vmem>>, vector<16xf32>,
    %swap3A_2334 = vector.shape_cast %swap3A_2333 : vector<16xf32> to vector<16xf32>
    %swap3A_2335 = vector.shape_cast %select_n3A_2331 : vector<16xf32> to vector<16xf32>
    tpu.vector_store %arg18[%swap3A_2332], %swap3A_2335 {strides = array<i32>} : memref<1024xf32, #tpu.memory_space<vmem>>, vector<16xf32>,
    %jit3A_2336 = arith.constant 0 : i32
    %broadcast_in_dim3A_2337 = vector.broadcast %jit3A_2336 : i32 to vector<16xi32>
    %select_n3A_2338 = arith.select %gt3A_2328, %broadcast_in_dim3A_2337, %add3A_2295 : vector<16xi1>, vector<16xi32>
    %swap3A_2339 = arith.constant 576 : index
    %swap3A_2340 = tpu.vector_load %arg19[%swap3A_2339] {strides = array<i32>} : memref<1024xi32, #tpu.memory_space<vmem>>, vector<16xi32>,
    %swap3A_2341 = vector.shape_cast %swap3A_2340 : vector<16xi32> to vector<16xi32>
    %swap3A_2342 = vector.shape_cast %select_n3A_2338 : vector<16xi32> to vector<16xi32>
    tpu.vector_store %arg19[%swap3A_2339], %swap3A_2342 {strides = array<i32>} : memref<1024xi32, #tpu.memory_space<vmem>>, vector<16xi32>,
    %get3A_2343 = arith.constant 592 : index
    %get3A_2344 = tpu.vector_load %arg14[%get3A_2343] {strides = array<i32>} : memref<1024xf32, #tpu.memory_space<vmem>>, vector<16xf32>,
    %get3A_2345 = vector.shape_cast %get3A_2344 : vector<16xf32> to vector<16xf32>
    %get3A_2346 = arith.constant 592 : index
    %get3A_2347 = tpu.vector_load %arg16[%get3A_2346] {strides = array<i32>} : memref<1024xf32, #tpu.memory_space<vmem>>, vector<16xf32>,
    %get3A_2348 = vector.shape_cast %get3A_2347 : vector<16xf32> to vector<16xf32>
    %get3A_2349 = arith.constant 592 : index
    %get3A_2350 = tpu.vector_load %arg13[%get3A_2349] {strides = array<i32>} : memref<1024xf32, #tpu.memory_space<vmem>>, vector<16xf32>,
    %get3A_2351 = vector.shape_cast %get3A_2350 : vector<16xf32> to vector<16xf32>
    %add3A_2352 = arith.addf %get3A_2348, %get3A_2351 : vector<16xf32>
    %get3A_2353 = arith.constant 592 : index
    %get3A_2354 = tpu.vector_load %arg17[%get3A_2353] {strides = array<i32>} : memref<1024xi32, #tpu.memory_space<vmem>>, vector<16xi32>,
    %get3A_2355 = vector.shape_cast %get3A_2354 : vector<16xi32> to vector<16xi32>
    %add3A_2356 = arith.constant 1 : i32
    %add3A_2357 = vector.broadcast %add3A_2356 : i32 to vector<16xi32>
    %add3A_2358 = arith.addi %get3A_2355, %add3A_2357 : vector<16xi32>
    %get3A_2359 = arith.constant 592 : index
    %get3A_2360 = tpu.vector_load %arg15[%get3A_2359] {strides = array<i32>} : memref<1024xi32, #tpu.memory_space<vmem>>, vector<16xi32>,
    %get3A_2361 = vector.shape_cast %get3A_2360 : vector<16xi32> to vector<16xi32>
    %add3A_2362 = arith.addf %add3A_2299, %get3A_2345 : vector<16xf32>
    %mul3A_2363 = arith.mulf %add3A_2352, %get3A_2345 : vector<16xf32>
    %add3A_2364 = arith.addf %add3A_2301, %mul3A_2363 : vector<16xf32>
    %convert_element_type3A_2365 = arith.sitofp %add3A_2358 : vector<16xi32> to vector<16xf32>
    %mul3A_2366 = arith.mulf %convert_element_type3A_2365, %get3A_2345 : vector<16xf32>
    %add3A_2367 = arith.addf %add3A_2304, %mul3A_2366 : vector<16xf32>
    %eq3A_2368 = arith.constant 0 : i32
    %eq3A_2369 = vector.broadcast %eq3A_2368 : i32 to vector<16xi32>
    %eq3A_2370 = arith.cmpi eq, %get3A_2361, %eq3A_2369 : vector<16xi32>
    %jit3A_2371 = arith.constant 0.000000e+00 : f32
    %broadcast_in_dim3A_2372 = vector.broadcast %jit3A_2371 : f32 to vector<16xf32>
    %select_n3A_2373 = arith.select %eq3A_2370, %get3A_2345, %broadcast_in_dim3A_2372 : vector<16xi1>, vector<16xf32>
    %add3A_2374 = arith.addf %add3A_2311, %select_n3A_2373 : vector<16xf32>
    %eq3A_2375 = arith.constant 1 : i32
    %eq3A_2376 = vector.broadcast %eq3A_2375 : i32 to vector<16xi32>
    %eq3A_2377 = arith.cmpi eq, %get3A_2361, %eq3A_2376 : vector<16xi32>
    %jit3A_2378 = arith.constant 0.000000e+00 : f32
    %broadcast_in_dim3A_2379 = vector.broadcast %jit3A_2378 : f32 to vector<16xf32>
    %select_n3A_2380 = arith.select %eq3A_2377, %get3A_2345, %broadcast_in_dim3A_2379 : vector<16xi1>, vector<16xf32>
    %add3A_2381 = arith.addf %add3A_2318, %select_n3A_2380 : vector<16xf32>
    %eq3A_2382 = arith.constant 2 : i32
    %eq3A_2383 = vector.broadcast %eq3A_2382 : i32 to vector<16xi32>
    %eq3A_2384 = arith.cmpi eq, %get3A_2361, %eq3A_2383 : vector<16xi32>
    %jit3A_2385 = arith.constant 0.000000e+00 : f32
    %broadcast_in_dim3A_2386 = vector.broadcast %jit3A_2385 : f32 to vector<16xf32>
    %select_n3A_2387 = arith.select %eq3A_2384, %get3A_2345, %broadcast_in_dim3A_2386 : vector<16xi1>, vector<16xf32>
    %add3A_2388 = arith.addf %add3A_2325, %select_n3A_2387 : vector<16xf32>
    %gt3A_2389 = arith.constant 0.000000e+00 : f32
    %gt3A_2390 = vector.broadcast %gt3A_2389 : f32 to vector<16xf32>
    %gt3A_2391 = arith.cmpf ogt, %get3A_2345, %gt3A_2390 : vector<16xf32>
    %jit3A_2392 = arith.constant 0.000000e+00 : f32
    %broadcast_in_dim3A_2393 = vector.broadcast %jit3A_2392 : f32 to vector<16xf32>
    %select_n3A_2394 = arith.select %gt3A_2391, %broadcast_in_dim3A_2393, %add3A_2352 : vector<16xi1>, vector<16xf32>
    %swap3A_2395 = arith.constant 592 : index
    %swap3A_2396 = tpu.vector_load %arg18[%swap3A_2395] {strides = array<i32>} : memref<1024xf32, #tpu.memory_space<vmem>>, vector<16xf32>,
    %swap3A_2397 = vector.shape_cast %swap3A_2396 : vector<16xf32> to vector<16xf32>
    %swap3A_2398 = vector.shape_cast %select_n3A_2394 : vector<16xf32> to vector<16xf32>
    tpu.vector_store %arg18[%swap3A_2395], %swap3A_2398 {strides = array<i32>} : memref<1024xf32, #tpu.memory_space<vmem>>, vector<16xf32>,
    %jit3A_2399 = arith.constant 0 : i32
    %broadcast_in_dim3A_2400 = vector.broadcast %jit3A_2399 : i32 to vector<16xi32>
    %select_n3A_2401 = arith.select %gt3A_2391, %broadcast_in_dim3A_2400, %add3A_2358 : vector<16xi1>, vector<16xi32>
    %swap3A_2402 = arith.constant 592 : index
    %swap3A_2403 = tpu.vector_load %arg19[%swap3A_2402] {strides = array<i32>} : memref<1024xi32, #tpu.memory_space<vmem>>, vector<16xi32>,
    %swap3A_2404 = vector.shape_cast %swap3A_2403 : vector<16xi32> to vector<16xi32>
    %swap3A_2405 = vector.shape_cast %select_n3A_2401 : vector<16xi32> to vector<16xi32>
    tpu.vector_store %arg19[%swap3A_2402], %swap3A_2405 {strides = array<i32>} : memref<1024xi32, #tpu.memory_space<vmem>>, vector<16xi32>,
    %get3A_2406 = arith.constant 608 : index
    %get3A_2407 = tpu.vector_load %arg14[%get3A_2406] {strides = array<i32>} : memref<1024xf32, #tpu.memory_space<vmem>>, vector<16xf32>,
    %get3A_2408 = vector.shape_cast %get3A_2407 : vector<16xf32> to vector<16xf32>
    %get3A_2409 = arith.constant 608 : index
    %get3A_2410 = tpu.vector_load %arg16[%get3A_2409] {strides = array<i32>} : memref<1024xf32, #tpu.memory_space<vmem>>, vector<16xf32>,
    %get3A_2411 = vector.shape_cast %get3A_2410 : vector<16xf32> to vector<16xf32>
    %get3A_2412 = arith.constant 608 : index
    %get3A_2413 = tpu.vector_load %arg13[%get3A_2412] {strides = array<i32>} : memref<1024xf32, #tpu.memory_space<vmem>>, vector<16xf32>,
    %get3A_2414 = vector.shape_cast %get3A_2413 : vector<16xf32> to vector<16xf32>
    %add3A_2415 = arith.addf %get3A_2411, %get3A_2414 : vector<16xf32>
    %get3A_2416 = arith.constant 608 : index
    %get3A_2417 = tpu.vector_load %arg17[%get3A_2416] {strides = array<i32>} : memref<1024xi32, #tpu.memory_space<vmem>>, vector<16xi32>,
    %get3A_2418 = vector.shape_cast %get3A_2417 : vector<16xi32> to vector<16xi32>
    %add3A_2419 = arith.constant 1 : i32
    %add3A_2420 = vector.broadcast %add3A_2419 : i32 to vector<16xi32>
    %add3A_2421 = arith.addi %get3A_2418, %add3A_2420 : vector<16xi32>
    %get3A_2422 = arith.constant 608 : index
    %get3A_2423 = tpu.vector_load %arg15[%get3A_2422] {strides = array<i32>} : memref<1024xi32, #tpu.memory_space<vmem>>, vector<16xi32>,
    %get3A_2424 = vector.shape_cast %get3A_2423 : vector<16xi32> to vector<16xi32>
    %add3A_2425 = arith.addf %add3A_2362, %get3A_2408 : vector<16xf32>
    %mul3A_2426 = arith.mulf %add3A_2415, %get3A_2408 : vector<16xf32>
    %add3A_2427 = arith.addf %add3A_2364, %mul3A_2426 : vector<16xf32>
    %convert_element_type3A_2428 = arith.sitofp %add3A_2421 : vector<16xi32> to vector<16xf32>
    %mul3A_2429 = arith.mulf %convert_element_type3A_2428, %get3A_2408 : vector<16xf32>
    %add3A_2430 = arith.addf %add3A_2367, %mul3A_2429 : vector<16xf32>
    %eq3A_2431 = arith.constant 0 : i32
    %eq3A_2432 = vector.broadcast %eq3A_2431 : i32 to vector<16xi32>
    %eq3A_2433 = arith.cmpi eq, %get3A_2424, %eq3A_2432 : vector<16xi32>
    %jit3A_2434 = arith.constant 0.000000e+00 : f32
    %broadcast_in_dim3A_2435 = vector.broadcast %jit3A_2434 : f32 to vector<16xf32>
    %select_n3A_2436 = arith.select %eq3A_2433, %get3A_2408, %broadcast_in_dim3A_2435 : vector<16xi1>, vector<16xf32>
    %add3A_2437 = arith.addf %add3A_2374, %select_n3A_2436 : vector<16xf32>
    %eq3A_2438 = arith.constant 1 : i32
    %eq3A_2439 = vector.broadcast %eq3A_2438 : i32 to vector<16xi32>
    %eq3A_2440 = arith.cmpi eq, %get3A_2424, %eq3A_2439 : vector<16xi32>
    %jit3A_2441 = arith.constant 0.000000e+00 : f32
    %broadcast_in_dim3A_2442 = vector.broadcast %jit3A_2441 : f32 to vector<16xf32>
    %select_n3A_2443 = arith.select %eq3A_2440, %get3A_2408, %broadcast_in_dim3A_2442 : vector<16xi1>, vector<16xf32>
    %add3A_2444 = arith.addf %add3A_2381, %select_n3A_2443 : vector<16xf32>
    %eq3A_2445 = arith.constant 2 : i32
    %eq3A_2446 = vector.broadcast %eq3A_2445 : i32 to vector<16xi32>
    %eq3A_2447 = arith.cmpi eq, %get3A_2424, %eq3A_2446 : vector<16xi32>
    %jit3A_2448 = arith.constant 0.000000e+00 : f32
    %broadcast_in_dim3A_2449 = vector.broadcast %jit3A_2448 : f32 to vector<16xf32>
    %select_n3A_2450 = arith.select %eq3A_2447, %get3A_2408, %broadcast_in_dim3A_2449 : vector<16xi1>, vector<16xf32>
    %add3A_2451 = arith.addf %add3A_2388, %select_n3A_2450 : vector<16xf32>
    %gt3A_2452 = arith.constant 0.000000e+00 : f32
    %gt3A_2453 = vector.broadcast %gt3A_2452 : f32 to vector<16xf32>
    %gt3A_2454 = arith.cmpf ogt, %get3A_2408, %gt3A_2453 : vector<16xf32>
    %jit3A_2455 = arith.constant 0.000000e+00 : f32
    %broadcast_in_dim3A_2456 = vector.broadcast %jit3A_2455 : f32 to vector<16xf32>
    %select_n3A_2457 = arith.select %gt3A_2454, %broadcast_in_dim3A_2456, %add3A_2415 : vector<16xi1>, vector<16xf32>
    %swap3A_2458 = arith.constant 608 : index
    %swap3A_2459 = tpu.vector_load %arg18[%swap3A_2458] {strides = array<i32>} : memref<1024xf32, #tpu.memory_space<vmem>>, vector<16xf32>,
    %swap3A_2460 = vector.shape_cast %swap3A_2459 : vector<16xf32> to vector<16xf32>
    %swap3A_2461 = vector.shape_cast %select_n3A_2457 : vector<16xf32> to vector<16xf32>
    tpu.vector_store %arg18[%swap3A_2458], %swap3A_2461 {strides = array<i32>} : memref<1024xf32, #tpu.memory_space<vmem>>, vector<16xf32>,
    %jit3A_2462 = arith.constant 0 : i32
    %broadcast_in_dim3A_2463 = vector.broadcast %jit3A_2462 : i32 to vector<16xi32>
    %select_n3A_2464 = arith.select %gt3A_2454, %broadcast_in_dim3A_2463, %add3A_2421 : vector<16xi1>, vector<16xi32>
    %swap3A_2465 = arith.constant 608 : index
    %swap3A_2466 = tpu.vector_load %arg19[%swap3A_2465] {strides = array<i32>} : memref<1024xi32, #tpu.memory_space<vmem>>, vector<16xi32>,
    %swap3A_2467 = vector.shape_cast %swap3A_2466 : vector<16xi32> to vector<16xi32>
    %swap3A_2468 = vector.shape_cast %select_n3A_2464 : vector<16xi32> to vector<16xi32>
    tpu.vector_store %arg19[%swap3A_2465], %swap3A_2468 {strides = array<i32>} : memref<1024xi32, #tpu.memory_space<vmem>>, vector<16xi32>,
    %get3A_2469 = arith.constant 624 : index
    %get3A_2470 = tpu.vector_load %arg14[%get3A_2469] {strides = array<i32>} : memref<1024xf32, #tpu.memory_space<vmem>>, vector<16xf32>,
    %get3A_2471 = vector.shape_cast %get3A_2470 : vector<16xf32> to vector<16xf32>
    %get3A_2472 = arith.constant 624 : index
    %get3A_2473 = tpu.vector_load %arg16[%get3A_2472] {strides = array<i32>} : memref<1024xf32, #tpu.memory_space<vmem>>, vector<16xf32>,
    %get3A_2474 = vector.shape_cast %get3A_2473 : vector<16xf32> to vector<16xf32>
    %get3A_2475 = arith.constant 624 : index
    %get3A_2476 = tpu.vector_load %arg13[%get3A_2475] {strides = array<i32>} : memref<1024xf32, #tpu.memory_space<vmem>>, vector<16xf32>,
    %get3A_2477 = vector.shape_cast %get3A_2476 : vector<16xf32> to vector<16xf32>
    %add3A_2478 = arith.addf %get3A_2474, %get3A_2477 : vector<16xf32>
    %get3A_2479 = arith.constant 624 : index
    %get3A_2480 = tpu.vector_load %arg17[%get3A_2479] {strides = array<i32>} : memref<1024xi32, #tpu.memory_space<vmem>>, vector<16xi32>,
    %get3A_2481 = vector.shape_cast %get3A_2480 : vector<16xi32> to vector<16xi32>
    %add3A_2482 = arith.constant 1 : i32
    %add3A_2483 = vector.broadcast %add3A_2482 : i32 to vector<16xi32>
    %add3A_2484 = arith.addi %get3A_2481, %add3A_2483 : vector<16xi32>
    %get3A_2485 = arith.constant 624 : index
    %get3A_2486 = tpu.vector_load %arg15[%get3A_2485] {strides = array<i32>} : memref<1024xi32, #tpu.memory_space<vmem>>, vector<16xi32>,
    %get3A_2487 = vector.shape_cast %get3A_2486 : vector<16xi32> to vector<16xi32>
    %add3A_2488 = arith.addf %add3A_2425, %get3A_2471 : vector<16xf32>
    %mul3A_2489 = arith.mulf %add3A_2478, %get3A_2471 : vector<16xf32>
    %add3A_2490 = arith.addf %add3A_2427, %mul3A_2489 : vector<16xf32>
    %convert_element_type3A_2491 = arith.sitofp %add3A_2484 : vector<16xi32> to vector<16xf32>
    %mul3A_2492 = arith.mulf %convert_element_type3A_2491, %get3A_2471 : vector<16xf32>
    %add3A_2493 = arith.addf %add3A_2430, %mul3A_2492 : vector<16xf32>
    %eq3A_2494 = arith.constant 0 : i32
    %eq3A_2495 = vector.broadcast %eq3A_2494 : i32 to vector<16xi32>
    %eq3A_2496 = arith.cmpi eq, %get3A_2487, %eq3A_2495 : vector<16xi32>
    %jit3A_2497 = arith.constant 0.000000e+00 : f32
    %broadcast_in_dim3A_2498 = vector.broadcast %jit3A_2497 : f32 to vector<16xf32>
    %select_n3A_2499 = arith.select %eq3A_2496, %get3A_2471, %broadcast_in_dim3A_2498 : vector<16xi1>, vector<16xf32>
    %add3A_2500 = arith.addf %add3A_2437, %select_n3A_2499 : vector<16xf32>
    %eq3A_2501 = arith.constant 1 : i32
    %eq3A_2502 = vector.broadcast %eq3A_2501 : i32 to vector<16xi32>
    %eq3A_2503 = arith.cmpi eq, %get3A_2487, %eq3A_2502 : vector<16xi32>
    %jit3A_2504 = arith.constant 0.000000e+00 : f32
    %broadcast_in_dim3A_2505 = vector.broadcast %jit3A_2504 : f32 to vector<16xf32>
    %select_n3A_2506 = arith.select %eq3A_2503, %get3A_2471, %broadcast_in_dim3A_2505 : vector<16xi1>, vector<16xf32>
    %add3A_2507 = arith.addf %add3A_2444, %select_n3A_2506 : vector<16xf32>
    %eq3A_2508 = arith.constant 2 : i32
    %eq3A_2509 = vector.broadcast %eq3A_2508 : i32 to vector<16xi32>
    %eq3A_2510 = arith.cmpi eq, %get3A_2487, %eq3A_2509 : vector<16xi32>
    %jit3A_2511 = arith.constant 0.000000e+00 : f32
    %broadcast_in_dim3A_2512 = vector.broadcast %jit3A_2511 : f32 to vector<16xf32>
    %select_n3A_2513 = arith.select %eq3A_2510, %get3A_2471, %broadcast_in_dim3A_2512 : vector<16xi1>, vector<16xf32>
    %add3A_2514 = arith.addf %add3A_2451, %select_n3A_2513 : vector<16xf32>
    %gt3A_2515 = arith.constant 0.000000e+00 : f32
    %gt3A_2516 = vector.broadcast %gt3A_2515 : f32 to vector<16xf32>
    %gt3A_2517 = arith.cmpf ogt, %get3A_2471, %gt3A_2516 : vector<16xf32>
    %jit3A_2518 = arith.constant 0.000000e+00 : f32
    %broadcast_in_dim3A_2519 = vector.broadcast %jit3A_2518 : f32 to vector<16xf32>
    %select_n3A_2520 = arith.select %gt3A_2517, %broadcast_in_dim3A_2519, %add3A_2478 : vector<16xi1>, vector<16xf32>
    %swap3A_2521 = arith.constant 624 : index
    %swap3A_2522 = tpu.vector_load %arg18[%swap3A_2521] {strides = array<i32>} : memref<1024xf32, #tpu.memory_space<vmem>>, vector<16xf32>,
    %swap3A_2523 = vector.shape_cast %swap3A_2522 : vector<16xf32> to vector<16xf32>
    %swap3A_2524 = vector.shape_cast %select_n3A_2520 : vector<16xf32> to vector<16xf32>
    tpu.vector_store %arg18[%swap3A_2521], %swap3A_2524 {strides = array<i32>} : memref<1024xf32, #tpu.memory_space<vmem>>, vector<16xf32>,
    %jit3A_2525 = arith.constant 0 : i32
    %broadcast_in_dim3A_2526 = vector.broadcast %jit3A_2525 : i32 to vector<16xi32>
    %select_n3A_2527 = arith.select %gt3A_2517, %broadcast_in_dim3A_2526, %add3A_2484 : vector<16xi1>, vector<16xi32>
    %swap3A_2528 = arith.constant 624 : index
    %swap3A_2529 = tpu.vector_load %arg19[%swap3A_2528] {strides = array<i32>} : memref<1024xi32, #tpu.memory_space<vmem>>, vector<16xi32>,
    %swap3A_2530 = vector.shape_cast %swap3A_2529 : vector<16xi32> to vector<16xi32>
    %swap3A_2531 = vector.shape_cast %select_n3A_2527 : vector<16xi32> to vector<16xi32>
    tpu.vector_store %arg19[%swap3A_2528], %swap3A_2531 {strides = array<i32>} : memref<1024xi32, #tpu.memory_space<vmem>>, vector<16xi32>,
    %get3A_2532 = arith.constant 640 : index
    %get3A_2533 = tpu.vector_load %arg14[%get3A_2532] {strides = array<i32>} : memref<1024xf32, #tpu.memory_space<vmem>>, vector<16xf32>,
    %get3A_2534 = vector.shape_cast %get3A_2533 : vector<16xf32> to vector<16xf32>
    %get3A_2535 = arith.constant 640 : index
    %get3A_2536 = tpu.vector_load %arg16[%get3A_2535] {strides = array<i32>} : memref<1024xf32, #tpu.memory_space<vmem>>, vector<16xf32>,
    %get3A_2537 = vector.shape_cast %get3A_2536 : vector<16xf32> to vector<16xf32>
    %get3A_2538 = arith.constant 640 : index
    %get3A_2539 = tpu.vector_load %arg13[%get3A_2538] {strides = array<i32>} : memref<1024xf32, #tpu.memory_space<vmem>>, vector<16xf32>,
    %get3A_2540 = vector.shape_cast %get3A_2539 : vector<16xf32> to vector<16xf32>
    %add3A_2541 = arith.addf %get3A_2537, %get3A_2540 : vector<16xf32>
    %get3A_2542 = arith.constant 640 : index
    %get3A_2543 = tpu.vector_load %arg17[%get3A_2542] {strides = array<i32>} : memref<1024xi32, #tpu.memory_space<vmem>>, vector<16xi32>,
    %get3A_2544 = vector.shape_cast %get3A_2543 : vector<16xi32> to vector<16xi32>
    %add3A_2545 = arith.constant 1 : i32
    %add3A_2546 = vector.broadcast %add3A_2545 : i32 to vector<16xi32>
    %add3A_2547 = arith.addi %get3A_2544, %add3A_2546 : vector<16xi32>
    %get3A_2548 = arith.constant 640 : index
    %get3A_2549 = tpu.vector_load %arg15[%get3A_2548] {strides = array<i32>} : memref<1024xi32, #tpu.memory_space<vmem>>, vector<16xi32>,
    %get3A_2550 = vector.shape_cast %get3A_2549 : vector<16xi32> to vector<16xi32>
    %add3A_2551 = arith.addf %add3A_2488, %get3A_2534 : vector<16xf32>
    %mul3A_2552 = arith.mulf %add3A_2541, %get3A_2534 : vector<16xf32>
    %add3A_2553 = arith.addf %add3A_2490, %mul3A_2552 : vector<16xf32>
    %convert_element_type3A_2554 = arith.sitofp %add3A_2547 : vector<16xi32> to vector<16xf32>
    %mul3A_2555 = arith.mulf %convert_element_type3A_2554, %get3A_2534 : vector<16xf32>
    %add3A_2556 = arith.addf %add3A_2493, %mul3A_2555 : vector<16xf32>
    %eq3A_2557 = arith.constant 0 : i32
    %eq3A_2558 = vector.broadcast %eq3A_2557 : i32 to vector<16xi32>
    %eq3A_2559 = arith.cmpi eq, %get3A_2550, %eq3A_2558 : vector<16xi32>
    %jit3A_2560 = arith.constant 0.000000e+00 : f32
    %broadcast_in_dim3A_2561 = vector.broadcast %jit3A_2560 : f32 to vector<16xf32>
    %select_n3A_2562 = arith.select %eq3A_2559, %get3A_2534, %broadcast_in_dim3A_2561 : vector<16xi1>, vector<16xf32>
    %add3A_2563 = arith.addf %add3A_2500, %select_n3A_2562 : vector<16xf32>
    %eq3A_2564 = arith.constant 1 : i32
    %eq3A_2565 = vector.broadcast %eq3A_2564 : i32 to vector<16xi32>
    %eq3A_2566 = arith.cmpi eq, %get3A_2550, %eq3A_2565 : vector<16xi32>
    %jit3A_2567 = arith.constant 0.000000e+00 : f32
    %broadcast_in_dim3A_2568 = vector.broadcast %jit3A_2567 : f32 to vector<16xf32>
    %select_n3A_2569 = arith.select %eq3A_2566, %get3A_2534, %broadcast_in_dim3A_2568 : vector<16xi1>, vector<16xf32>
    %add3A_2570 = arith.addf %add3A_2507, %select_n3A_2569 : vector<16xf32>
    %eq3A_2571 = arith.constant 2 : i32
    %eq3A_2572 = vector.broadcast %eq3A_2571 : i32 to vector<16xi32>
    %eq3A_2573 = arith.cmpi eq, %get3A_2550, %eq3A_2572 : vector<16xi32>
    %jit3A_2574 = arith.constant 0.000000e+00 : f32
    %broadcast_in_dim3A_2575 = vector.broadcast %jit3A_2574 : f32 to vector<16xf32>
    %select_n3A_2576 = arith.select %eq3A_2573, %get3A_2534, %broadcast_in_dim3A_2575 : vector<16xi1>, vector<16xf32>
    %add3A_2577 = arith.addf %add3A_2514, %select_n3A_2576 : vector<16xf32>
    %gt3A_2578 = arith.constant 0.000000e+00 : f32
    %gt3A_2579 = vector.broadcast %gt3A_2578 : f32 to vector<16xf32>
    %gt3A_2580 = arith.cmpf ogt, %get3A_2534, %gt3A_2579 : vector<16xf32>
    %jit3A_2581 = arith.constant 0.000000e+00 : f32
    %broadcast_in_dim3A_2582 = vector.broadcast %jit3A_2581 : f32 to vector<16xf32>
    %select_n3A_2583 = arith.select %gt3A_2580, %broadcast_in_dim3A_2582, %add3A_2541 : vector<16xi1>, vector<16xf32>
    %swap3A_2584 = arith.constant 640 : index
    %swap3A_2585 = tpu.vector_load %arg18[%swap3A_2584] {strides = array<i32>} : memref<1024xf32, #tpu.memory_space<vmem>>, vector<16xf32>,
    %swap3A_2586 = vector.shape_cast %swap3A_2585 : vector<16xf32> to vector<16xf32>
    %swap3A_2587 = vector.shape_cast %select_n3A_2583 : vector<16xf32> to vector<16xf32>
    tpu.vector_store %arg18[%swap3A_2584], %swap3A_2587 {strides = array<i32>} : memref<1024xf32, #tpu.memory_space<vmem>>, vector<16xf32>,
    %jit3A_2588 = arith.constant 0 : i32
    %broadcast_in_dim3A_2589 = vector.broadcast %jit3A_2588 : i32 to vector<16xi32>
    %select_n3A_2590 = arith.select %gt3A_2580, %broadcast_in_dim3A_2589, %add3A_2547 : vector<16xi1>, vector<16xi32>
    %swap3A_2591 = arith.constant 640 : index
    %swap3A_2592 = tpu.vector_load %arg19[%swap3A_2591] {strides = array<i32>} : memref<1024xi32, #tpu.memory_space<vmem>>, vector<16xi32>,
    %swap3A_2593 = vector.shape_cast %swap3A_2592 : vector<16xi32> to vector<16xi32>
    %swap3A_2594 = vector.shape_cast %select_n3A_2590 : vector<16xi32> to vector<16xi32>
    tpu.vector_store %arg19[%swap3A_2591], %swap3A_2594 {strides = array<i32>} : memref<1024xi32, #tpu.memory_space<vmem>>, vector<16xi32>,
    %get3A_2595 = arith.constant 656 : index
    %get3A_2596 = tpu.vector_load %arg14[%get3A_2595] {strides = array<i32>} : memref<1024xf32, #tpu.memory_space<vmem>>, vector<16xf32>,
    %get3A_2597 = vector.shape_cast %get3A_2596 : vector<16xf32> to vector<16xf32>
    %get3A_2598 = arith.constant 656 : index
    %get3A_2599 = tpu.vector_load %arg16[%get3A_2598] {strides = array<i32>} : memref<1024xf32, #tpu.memory_space<vmem>>, vector<16xf32>,
    %get3A_2600 = vector.shape_cast %get3A_2599 : vector<16xf32> to vector<16xf32>
    %get3A_2601 = arith.constant 656 : index
    %get3A_2602 = tpu.vector_load %arg13[%get3A_2601] {strides = array<i32>} : memref<1024xf32, #tpu.memory_space<vmem>>, vector<16xf32>,
    %get3A_2603 = vector.shape_cast %get3A_2602 : vector<16xf32> to vector<16xf32>
    %add3A_2604 = arith.addf %get3A_2600, %get3A_2603 : vector<16xf32>
    %get3A_2605 = arith.constant 656 : index
    %get3A_2606 = tpu.vector_load %arg17[%get3A_2605] {strides = array<i32>} : memref<1024xi32, #tpu.memory_space<vmem>>, vector<16xi32>,
    %get3A_2607 = vector.shape_cast %get3A_2606 : vector<16xi32> to vector<16xi32>
    %add3A_2608 = arith.constant 1 : i32
    %add3A_2609 = vector.broadcast %add3A_2608 : i32 to vector<16xi32>
    %add3A_2610 = arith.addi %get3A_2607, %add3A_2609 : vector<16xi32>
    %get3A_2611 = arith.constant 656 : index
    %get3A_2612 = tpu.vector_load %arg15[%get3A_2611] {strides = array<i32>} : memref<1024xi32, #tpu.memory_space<vmem>>, vector<16xi32>,
    %get3A_2613 = vector.shape_cast %get3A_2612 : vector<16xi32> to vector<16xi32>
    %add3A_2614 = arith.addf %add3A_2551, %get3A_2597 : vector<16xf32>
    %mul3A_2615 = arith.mulf %add3A_2604, %get3A_2597 : vector<16xf32>
    %add3A_2616 = arith.addf %add3A_2553, %mul3A_2615 : vector<16xf32>
    %convert_element_type3A_2617 = arith.sitofp %add3A_2610 : vector<16xi32> to vector<16xf32>
    %mul3A_2618 = arith.mulf %convert_element_type3A_2617, %get3A_2597 : vector<16xf32>
    %add3A_2619 = arith.addf %add3A_2556, %mul3A_2618 : vector<16xf32>
    %eq3A_2620 = arith.constant 0 : i32
    %eq3A_2621 = vector.broadcast %eq3A_2620 : i32 to vector<16xi32>
    %eq3A_2622 = arith.cmpi eq, %get3A_2613, %eq3A_2621 : vector<16xi32>
    %jit3A_2623 = arith.constant 0.000000e+00 : f32
    %broadcast_in_dim3A_2624 = vector.broadcast %jit3A_2623 : f32 to vector<16xf32>
    %select_n3A_2625 = arith.select %eq3A_2622, %get3A_2597, %broadcast_in_dim3A_2624 : vector<16xi1>, vector<16xf32>
    %add3A_2626 = arith.addf %add3A_2563, %select_n3A_2625 : vector<16xf32>
    %eq3A_2627 = arith.constant 1 : i32
    %eq3A_2628 = vector.broadcast %eq3A_2627 : i32 to vector<16xi32>
    %eq3A_2629 = arith.cmpi eq, %get3A_2613, %eq3A_2628 : vector<16xi32>
    %jit3A_2630 = arith.constant 0.000000e+00 : f32
    %broadcast_in_dim3A_2631 = vector.broadcast %jit3A_2630 : f32 to vector<16xf32>
    %select_n3A_2632 = arith.select %eq3A_2629, %get3A_2597, %broadcast_in_dim3A_2631 : vector<16xi1>, vector<16xf32>
    %add3A_2633 = arith.addf %add3A_2570, %select_n3A_2632 : vector<16xf32>
    %eq3A_2634 = arith.constant 2 : i32
    %eq3A_2635 = vector.broadcast %eq3A_2634 : i32 to vector<16xi32>
    %eq3A_2636 = arith.cmpi eq, %get3A_2613, %eq3A_2635 : vector<16xi32>
    %jit3A_2637 = arith.constant 0.000000e+00 : f32
    %broadcast_in_dim3A_2638 = vector.broadcast %jit3A_2637 : f32 to vector<16xf32>
    %select_n3A_2639 = arith.select %eq3A_2636, %get3A_2597, %broadcast_in_dim3A_2638 : vector<16xi1>, vector<16xf32>
    %add3A_2640 = arith.addf %add3A_2577, %select_n3A_2639 : vector<16xf32>
    %gt3A_2641 = arith.constant 0.000000e+00 : f32
    %gt3A_2642 = vector.broadcast %gt3A_2641 : f32 to vector<16xf32>
    %gt3A_2643 = arith.cmpf ogt, %get3A_2597, %gt3A_2642 : vector<16xf32>
    %jit3A_2644 = arith.constant 0.000000e+00 : f32
    %broadcast_in_dim3A_2645 = vector.broadcast %jit3A_2644 : f32 to vector<16xf32>
    %select_n3A_2646 = arith.select %gt3A_2643, %broadcast_in_dim3A_2645, %add3A_2604 : vector<16xi1>, vector<16xf32>
    %swap3A_2647 = arith.constant 656 : index
    %swap3A_2648 = tpu.vector_load %arg18[%swap3A_2647] {strides = array<i32>} : memref<1024xf32, #tpu.memory_space<vmem>>, vector<16xf32>,
    %swap3A_2649 = vector.shape_cast %swap3A_2648 : vector<16xf32> to vector<16xf32>
    %swap3A_2650 = vector.shape_cast %select_n3A_2646 : vector<16xf32> to vector<16xf32>
    tpu.vector_store %arg18[%swap3A_2647], %swap3A_2650 {strides = array<i32>} : memref<1024xf32, #tpu.memory_space<vmem>>, vector<16xf32>,
    %jit3A_2651 = arith.constant 0 : i32
    %broadcast_in_dim3A_2652 = vector.broadcast %jit3A_2651 : i32 to vector<16xi32>
    %select_n3A_2653 = arith.select %gt3A_2643, %broadcast_in_dim3A_2652, %add3A_2610 : vector<16xi1>, vector<16xi32>
    %swap3A_2654 = arith.constant 656 : index
    %swap3A_2655 = tpu.vector_load %arg19[%swap3A_2654] {strides = array<i32>} : memref<1024xi32, #tpu.memory_space<vmem>>, vector<16xi32>,
    %swap3A_2656 = vector.shape_cast %swap3A_2655 : vector<16xi32> to vector<16xi32>
    %swap3A_2657 = vector.shape_cast %select_n3A_2653 : vector<16xi32> to vector<16xi32>
    tpu.vector_store %arg19[%swap3A_2654], %swap3A_2657 {strides = array<i32>} : memref<1024xi32, #tpu.memory_space<vmem>>, vector<16xi32>,
    %get3A_2658 = arith.constant 672 : index
    %get3A_2659 = tpu.vector_load %arg14[%get3A_2658] {strides = array<i32>} : memref<1024xf32, #tpu.memory_space<vmem>>, vector<16xf32>,
    %get3A_2660 = vector.shape_cast %get3A_2659 : vector<16xf32> to vector<16xf32>
    %get3A_2661 = arith.constant 672 : index
    %get3A_2662 = tpu.vector_load %arg16[%get3A_2661] {strides = array<i32>} : memref<1024xf32, #tpu.memory_space<vmem>>, vector<16xf32>,
    %get3A_2663 = vector.shape_cast %get3A_2662 : vector<16xf32> to vector<16xf32>
    %get3A_2664 = arith.constant 672 : index
    %get3A_2665 = tpu.vector_load %arg13[%get3A_2664] {strides = array<i32>} : memref<1024xf32, #tpu.memory_space<vmem>>, vector<16xf32>,
    %get3A_2666 = vector.shape_cast %get3A_2665 : vector<16xf32> to vector<16xf32>
    %add3A_2667 = arith.addf %get3A_2663, %get3A_2666 : vector<16xf32>
    %get3A_2668 = arith.constant 672 : index
    %get3A_2669 = tpu.vector_load %arg17[%get3A_2668] {strides = array<i32>} : memref<1024xi32, #tpu.memory_space<vmem>>, vector<16xi32>,
    %get3A_2670 = vector.shape_cast %get3A_2669 : vector<16xi32> to vector<16xi32>
    %add3A_2671 = arith.constant 1 : i32
    %add3A_2672 = vector.broadcast %add3A_2671 : i32 to vector<16xi32>
    %add3A_2673 = arith.addi %get3A_2670, %add3A_2672 : vector<16xi32>
    %get3A_2674 = arith.constant 672 : index
    %get3A_2675 = tpu.vector_load %arg15[%get3A_2674] {strides = array<i32>} : memref<1024xi32, #tpu.memory_space<vmem>>, vector<16xi32>,
    %get3A_2676 = vector.shape_cast %get3A_2675 : vector<16xi32> to vector<16xi32>
    %add3A_2677 = arith.addf %add3A_2614, %get3A_2660 : vector<16xf32>
    %mul3A_2678 = arith.mulf %add3A_2667, %get3A_2660 : vector<16xf32>
    %add3A_2679 = arith.addf %add3A_2616, %mul3A_2678 : vector<16xf32>
    %convert_element_type3A_2680 = arith.sitofp %add3A_2673 : vector<16xi32> to vector<16xf32>
    %mul3A_2681 = arith.mulf %convert_element_type3A_2680, %get3A_2660 : vector<16xf32>
    %add3A_2682 = arith.addf %add3A_2619, %mul3A_2681 : vector<16xf32>
    %eq3A_2683 = arith.constant 0 : i32
    %eq3A_2684 = vector.broadcast %eq3A_2683 : i32 to vector<16xi32>
    %eq3A_2685 = arith.cmpi eq, %get3A_2676, %eq3A_2684 : vector<16xi32>
    %jit3A_2686 = arith.constant 0.000000e+00 : f32
    %broadcast_in_dim3A_2687 = vector.broadcast %jit3A_2686 : f32 to vector<16xf32>
    %select_n3A_2688 = arith.select %eq3A_2685, %get3A_2660, %broadcast_in_dim3A_2687 : vector<16xi1>, vector<16xf32>
    %add3A_2689 = arith.addf %add3A_2626, %select_n3A_2688 : vector<16xf32>
    %eq3A_2690 = arith.constant 1 : i32
    %eq3A_2691 = vector.broadcast %eq3A_2690 : i32 to vector<16xi32>
    %eq3A_2692 = arith.cmpi eq, %get3A_2676, %eq3A_2691 : vector<16xi32>
    %jit3A_2693 = arith.constant 0.000000e+00 : f32
    %broadcast_in_dim3A_2694 = vector.broadcast %jit3A_2693 : f32 to vector<16xf32>
    %select_n3A_2695 = arith.select %eq3A_2692, %get3A_2660, %broadcast_in_dim3A_2694 : vector<16xi1>, vector<16xf32>
    %add3A_2696 = arith.addf %add3A_2633, %select_n3A_2695 : vector<16xf32>
    %eq3A_2697 = arith.constant 2 : i32
    %eq3A_2698 = vector.broadcast %eq3A_2697 : i32 to vector<16xi32>
    %eq3A_2699 = arith.cmpi eq, %get3A_2676, %eq3A_2698 : vector<16xi32>
    %jit3A_2700 = arith.constant 0.000000e+00 : f32
    %broadcast_in_dim3A_2701 = vector.broadcast %jit3A_2700 : f32 to vector<16xf32>
    %select_n3A_2702 = arith.select %eq3A_2699, %get3A_2660, %broadcast_in_dim3A_2701 : vector<16xi1>, vector<16xf32>
    %add3A_2703 = arith.addf %add3A_2640, %select_n3A_2702 : vector<16xf32>
    %gt3A_2704 = arith.constant 0.000000e+00 : f32
    %gt3A_2705 = vector.broadcast %gt3A_2704 : f32 to vector<16xf32>
    %gt3A_2706 = arith.cmpf ogt, %get3A_2660, %gt3A_2705 : vector<16xf32>
    %jit3A_2707 = arith.constant 0.000000e+00 : f32
    %broadcast_in_dim3A_2708 = vector.broadcast %jit3A_2707 : f32 to vector<16xf32>
    %select_n3A_2709 = arith.select %gt3A_2706, %broadcast_in_dim3A_2708, %add3A_2667 : vector<16xi1>, vector<16xf32>
    %swap3A_2710 = arith.constant 672 : index
    %swap3A_2711 = tpu.vector_load %arg18[%swap3A_2710] {strides = array<i32>} : memref<1024xf32, #tpu.memory_space<vmem>>, vector<16xf32>,
    %swap3A_2712 = vector.shape_cast %swap3A_2711 : vector<16xf32> to vector<16xf32>
    %swap3A_2713 = vector.shape_cast %select_n3A_2709 : vector<16xf32> to vector<16xf32>
    tpu.vector_store %arg18[%swap3A_2710], %swap3A_2713 {strides = array<i32>} : memref<1024xf32, #tpu.memory_space<vmem>>, vector<16xf32>,
    %jit3A_2714 = arith.constant 0 : i32
    %broadcast_in_dim3A_2715 = vector.broadcast %jit3A_2714 : i32 to vector<16xi32>
    %select_n3A_2716 = arith.select %gt3A_2706, %broadcast_in_dim3A_2715, %add3A_2673 : vector<16xi1>, vector<16xi32>
    %swap3A_2717 = arith.constant 672 : index
    %swap3A_2718 = tpu.vector_load %arg19[%swap3A_2717] {strides = array<i32>} : memref<1024xi32, #tpu.memory_space<vmem>>, vector<16xi32>,
    %swap3A_2719 = vector.shape_cast %swap3A_2718 : vector<16xi32> to vector<16xi32>
    %swap3A_2720 = vector.shape_cast %select_n3A_2716 : vector<16xi32> to vector<16xi32>
    tpu.vector_store %arg19[%swap3A_2717], %swap3A_2720 {strides = array<i32>} : memref<1024xi32, #tpu.memory_space<vmem>>, vector<16xi32>,
    %get3A_2721 = arith.constant 688 : index
    %get3A_2722 = tpu.vector_load %arg14[%get3A_2721] {strides = array<i32>} : memref<1024xf32, #tpu.memory_space<vmem>>, vector<16xf32>,
    %get3A_2723 = vector.shape_cast %get3A_2722 : vector<16xf32> to vector<16xf32>
    %get3A_2724 = arith.constant 688 : index
    %get3A_2725 = tpu.vector_load %arg16[%get3A_2724] {strides = array<i32>} : memref<1024xf32, #tpu.memory_space<vmem>>, vector<16xf32>,
    %get3A_2726 = vector.shape_cast %get3A_2725 : vector<16xf32> to vector<16xf32>
    %get3A_2727 = arith.constant 688 : index
    %get3A_2728 = tpu.vector_load %arg13[%get3A_2727] {strides = array<i32>} : memref<1024xf32, #tpu.memory_space<vmem>>, vector<16xf32>,
    %get3A_2729 = vector.shape_cast %get3A_2728 : vector<16xf32> to vector<16xf32>
    %add3A_2730 = arith.addf %get3A_2726, %get3A_2729 : vector<16xf32>
    %get3A_2731 = arith.constant 688 : index
    %get3A_2732 = tpu.vector_load %arg17[%get3A_2731] {strides = array<i32>} : memref<1024xi32, #tpu.memory_space<vmem>>, vector<16xi32>,
    %get3A_2733 = vector.shape_cast %get3A_2732 : vector<16xi32> to vector<16xi32>
    %add3A_2734 = arith.constant 1 : i32
    %add3A_2735 = vector.broadcast %add3A_2734 : i32 to vector<16xi32>
    %add3A_2736 = arith.addi %get3A_2733, %add3A_2735 : vector<16xi32>
    %get3A_2737 = arith.constant 688 : index
    %get3A_2738 = tpu.vector_load %arg15[%get3A_2737] {strides = array<i32>} : memref<1024xi32, #tpu.memory_space<vmem>>, vector<16xi32>,
    %get3A_2739 = vector.shape_cast %get3A_2738 : vector<16xi32> to vector<16xi32>
    %add3A_2740 = arith.addf %add3A_2677, %get3A_2723 : vector<16xf32>
    %mul3A_2741 = arith.mulf %add3A_2730, %get3A_2723 : vector<16xf32>
    %add3A_2742 = arith.addf %add3A_2679, %mul3A_2741 : vector<16xf32>
    %convert_element_type3A_2743 = arith.sitofp %add3A_2736 : vector<16xi32> to vector<16xf32>
    %mul3A_2744 = arith.mulf %convert_element_type3A_2743, %get3A_2723 : vector<16xf32>
    %add3A_2745 = arith.addf %add3A_2682, %mul3A_2744 : vector<16xf32>
    %eq3A_2746 = arith.constant 0 : i32
    %eq3A_2747 = vector.broadcast %eq3A_2746 : i32 to vector<16xi32>
    %eq3A_2748 = arith.cmpi eq, %get3A_2739, %eq3A_2747 : vector<16xi32>
    %jit3A_2749 = arith.constant 0.000000e+00 : f32
    %broadcast_in_dim3A_2750 = vector.broadcast %jit3A_2749 : f32 to vector<16xf32>
    %select_n3A_2751 = arith.select %eq3A_2748, %get3A_2723, %broadcast_in_dim3A_2750 : vector<16xi1>, vector<16xf32>
    %add3A_2752 = arith.addf %add3A_2689, %select_n3A_2751 : vector<16xf32>
    %eq3A_2753 = arith.constant 1 : i32
    %eq3A_2754 = vector.broadcast %eq3A_2753 : i32 to vector<16xi32>
    %eq3A_2755 = arith.cmpi eq, %get3A_2739, %eq3A_2754 : vector<16xi32>
    %jit3A_2756 = arith.constant 0.000000e+00 : f32
    %broadcast_in_dim3A_2757 = vector.broadcast %jit3A_2756 : f32 to vector<16xf32>
    %select_n3A_2758 = arith.select %eq3A_2755, %get3A_2723, %broadcast_in_dim3A_2757 : vector<16xi1>, vector<16xf32>
    %add3A_2759 = arith.addf %add3A_2696, %select_n3A_2758 : vector<16xf32>
    %eq3A_2760 = arith.constant 2 : i32
    %eq3A_2761 = vector.broadcast %eq3A_2760 : i32 to vector<16xi32>
    %eq3A_2762 = arith.cmpi eq, %get3A_2739, %eq3A_2761 : vector<16xi32>
    %jit3A_2763 = arith.constant 0.000000e+00 : f32
    %broadcast_in_dim3A_2764 = vector.broadcast %jit3A_2763 : f32 to vector<16xf32>
    %select_n3A_2765 = arith.select %eq3A_2762, %get3A_2723, %broadcast_in_dim3A_2764 : vector<16xi1>, vector<16xf32>
    %add3A_2766 = arith.addf %add3A_2703, %select_n3A_2765 : vector<16xf32>
    %gt3A_2767 = arith.constant 0.000000e+00 : f32
    %gt3A_2768 = vector.broadcast %gt3A_2767 : f32 to vector<16xf32>
    %gt3A_2769 = arith.cmpf ogt, %get3A_2723, %gt3A_2768 : vector<16xf32>
    %jit3A_2770 = arith.constant 0.000000e+00 : f32
    %broadcast_in_dim3A_2771 = vector.broadcast %jit3A_2770 : f32 to vector<16xf32>
    %select_n3A_2772 = arith.select %gt3A_2769, %broadcast_in_dim3A_2771, %add3A_2730 : vector<16xi1>, vector<16xf32>
    %swap3A_2773 = arith.constant 688 : index
    %swap3A_2774 = tpu.vector_load %arg18[%swap3A_2773] {strides = array<i32>} : memref<1024xf32, #tpu.memory_space<vmem>>, vector<16xf32>,
    %swap3A_2775 = vector.shape_cast %swap3A_2774 : vector<16xf32> to vector<16xf32>
    %swap3A_2776 = vector.shape_cast %select_n3A_2772 : vector<16xf32> to vector<16xf32>
    tpu.vector_store %arg18[%swap3A_2773], %swap3A_2776 {strides = array<i32>} : memref<1024xf32, #tpu.memory_space<vmem>>, vector<16xf32>,
    %jit3A_2777 = arith.constant 0 : i32
    %broadcast_in_dim3A_2778 = vector.broadcast %jit3A_2777 : i32 to vector<16xi32>
    %select_n3A_2779 = arith.select %gt3A_2769, %broadcast_in_dim3A_2778, %add3A_2736 : vector<16xi1>, vector<16xi32>
    %swap3A_2780 = arith.constant 688 : index
    %swap3A_2781 = tpu.vector_load %arg19[%swap3A_2780] {strides = array<i32>} : memref<1024xi32, #tpu.memory_space<vmem>>, vector<16xi32>,
    %swap3A_2782 = vector.shape_cast %swap3A_2781 : vector<16xi32> to vector<16xi32>
    %swap3A_2783 = vector.shape_cast %select_n3A_2779 : vector<16xi32> to vector<16xi32>
    tpu.vector_store %arg19[%swap3A_2780], %swap3A_2783 {strides = array<i32>} : memref<1024xi32, #tpu.memory_space<vmem>>, vector<16xi32>,
    %get3A_2784 = arith.constant 704 : index
    %get3A_2785 = tpu.vector_load %arg14[%get3A_2784] {strides = array<i32>} : memref<1024xf32, #tpu.memory_space<vmem>>, vector<16xf32>,
    %get3A_2786 = vector.shape_cast %get3A_2785 : vector<16xf32> to vector<16xf32>
    %get3A_2787 = arith.constant 704 : index
    %get3A_2788 = tpu.vector_load %arg16[%get3A_2787] {strides = array<i32>} : memref<1024xf32, #tpu.memory_space<vmem>>, vector<16xf32>,
    %get3A_2789 = vector.shape_cast %get3A_2788 : vector<16xf32> to vector<16xf32>
    %get3A_2790 = arith.constant 704 : index
    %get3A_2791 = tpu.vector_load %arg13[%get3A_2790] {strides = array<i32>} : memref<1024xf32, #tpu.memory_space<vmem>>, vector<16xf32>,
    %get3A_2792 = vector.shape_cast %get3A_2791 : vector<16xf32> to vector<16xf32>
    %add3A_2793 = arith.addf %get3A_2789, %get3A_2792 : vector<16xf32>
    %get3A_2794 = arith.constant 704 : index
    %get3A_2795 = tpu.vector_load %arg17[%get3A_2794] {strides = array<i32>} : memref<1024xi32, #tpu.memory_space<vmem>>, vector<16xi32>,
    %get3A_2796 = vector.shape_cast %get3A_2795 : vector<16xi32> to vector<16xi32>
    %add3A_2797 = arith.constant 1 : i32
    %add3A_2798 = vector.broadcast %add3A_2797 : i32 to vector<16xi32>
    %add3A_2799 = arith.addi %get3A_2796, %add3A_2798 : vector<16xi32>
    %get3A_2800 = arith.constant 704 : index
    %get3A_2801 = tpu.vector_load %arg15[%get3A_2800] {strides = array<i32>} : memref<1024xi32, #tpu.memory_space<vmem>>, vector<16xi32>,
    %get3A_2802 = vector.shape_cast %get3A_2801 : vector<16xi32> to vector<16xi32>
    %add3A_2803 = arith.addf %add3A_2740, %get3A_2786 : vector<16xf32>
    %mul3A_2804 = arith.mulf %add3A_2793, %get3A_2786 : vector<16xf32>
    %add3A_2805 = arith.addf %add3A_2742, %mul3A_2804 : vector<16xf32>
    %convert_element_type3A_2806 = arith.sitofp %add3A_2799 : vector<16xi32> to vector<16xf32>
    %mul3A_2807 = arith.mulf %convert_element_type3A_2806, %get3A_2786 : vector<16xf32>
    %add3A_2808 = arith.addf %add3A_2745, %mul3A_2807 : vector<16xf32>
    %eq3A_2809 = arith.constant 0 : i32
    %eq3A_2810 = vector.broadcast %eq3A_2809 : i32 to vector<16xi32>
    %eq3A_2811 = arith.cmpi eq, %get3A_2802, %eq3A_2810 : vector<16xi32>
    %jit3A_2812 = arith.constant 0.000000e+00 : f32
    %broadcast_in_dim3A_2813 = vector.broadcast %jit3A_2812 : f32 to vector<16xf32>
    %select_n3A_2814 = arith.select %eq3A_2811, %get3A_2786, %broadcast_in_dim3A_2813 : vector<16xi1>, vector<16xf32>
    %add3A_2815 = arith.addf %add3A_2752, %select_n3A_2814 : vector<16xf32>
    %eq3A_2816 = arith.constant 1 : i32
    %eq3A_2817 = vector.broadcast %eq3A_2816 : i32 to vector<16xi32>
    %eq3A_2818 = arith.cmpi eq, %get3A_2802, %eq3A_2817 : vector<16xi32>
    %jit3A_2819 = arith.constant 0.000000e+00 : f32
    %broadcast_in_dim3A_2820 = vector.broadcast %jit3A_2819 : f32 to vector<16xf32>
    %select_n3A_2821 = arith.select %eq3A_2818, %get3A_2786, %broadcast_in_dim3A_2820 : vector<16xi1>, vector<16xf32>
    %add3A_2822 = arith.addf %add3A_2759, %select_n3A_2821 : vector<16xf32>
    %eq3A_2823 = arith.constant 2 : i32
    %eq3A_2824 = vector.broadcast %eq3A_2823 : i32 to vector<16xi32>
    %eq3A_2825 = arith.cmpi eq, %get3A_2802, %eq3A_2824 : vector<16xi32>
    %jit3A_2826 = arith.constant 0.000000e+00 : f32
    %broadcast_in_dim3A_2827 = vector.broadcast %jit3A_2826 : f32 to vector<16xf32>
    %select_n3A_2828 = arith.select %eq3A_2825, %get3A_2786, %broadcast_in_dim3A_2827 : vector<16xi1>, vector<16xf32>
    %add3A_2829 = arith.addf %add3A_2766, %select_n3A_2828 : vector<16xf32>
    %gt3A_2830 = arith.constant 0.000000e+00 : f32
    %gt3A_2831 = vector.broadcast %gt3A_2830 : f32 to vector<16xf32>
    %gt3A_2832 = arith.cmpf ogt, %get3A_2786, %gt3A_2831 : vector<16xf32>
    %jit3A_2833 = arith.constant 0.000000e+00 : f32
    %broadcast_in_dim3A_2834 = vector.broadcast %jit3A_2833 : f32 to vector<16xf32>
    %select_n3A_2835 = arith.select %gt3A_2832, %broadcast_in_dim3A_2834, %add3A_2793 : vector<16xi1>, vector<16xf32>
    %swap3A_2836 = arith.constant 704 : index
    %swap3A_2837 = tpu.vector_load %arg18[%swap3A_2836] {strides = array<i32>} : memref<1024xf32, #tpu.memory_space<vmem>>, vector<16xf32>,
    %swap3A_2838 = vector.shape_cast %swap3A_2837 : vector<16xf32> to vector<16xf32>
    %swap3A_2839 = vector.shape_cast %select_n3A_2835 : vector<16xf32> to vector<16xf32>
    tpu.vector_store %arg18[%swap3A_2836], %swap3A_2839 {strides = array<i32>} : memref<1024xf32, #tpu.memory_space<vmem>>, vector<16xf32>,
    %jit3A_2840 = arith.constant 0 : i32
    %broadcast_in_dim3A_2841 = vector.broadcast %jit3A_2840 : i32 to vector<16xi32>
    %select_n3A_2842 = arith.select %gt3A_2832, %broadcast_in_dim3A_2841, %add3A_2799 : vector<16xi1>, vector<16xi32>
    %swap3A_2843 = arith.constant 704 : index
    %swap3A_2844 = tpu.vector_load %arg19[%swap3A_2843] {strides = array<i32>} : memref<1024xi32, #tpu.memory_space<vmem>>, vector<16xi32>,
    %swap3A_2845 = vector.shape_cast %swap3A_2844 : vector<16xi32> to vector<16xi32>
    %swap3A_2846 = vector.shape_cast %select_n3A_2842 : vector<16xi32> to vector<16xi32>
    tpu.vector_store %arg19[%swap3A_2843], %swap3A_2846 {strides = array<i32>} : memref<1024xi32, #tpu.memory_space<vmem>>, vector<16xi32>,
    %get3A_2847 = arith.constant 720 : index
    %get3A_2848 = tpu.vector_load %arg14[%get3A_2847] {strides = array<i32>} : memref<1024xf32, #tpu.memory_space<vmem>>, vector<16xf32>,
    %get3A_2849 = vector.shape_cast %get3A_2848 : vector<16xf32> to vector<16xf32>
    %get3A_2850 = arith.constant 720 : index
    %get3A_2851 = tpu.vector_load %arg16[%get3A_2850] {strides = array<i32>} : memref<1024xf32, #tpu.memory_space<vmem>>, vector<16xf32>,
    %get3A_2852 = vector.shape_cast %get3A_2851 : vector<16xf32> to vector<16xf32>
    %get3A_2853 = arith.constant 720 : index
    %get3A_2854 = tpu.vector_load %arg13[%get3A_2853] {strides = array<i32>} : memref<1024xf32, #tpu.memory_space<vmem>>, vector<16xf32>,
    %get3A_2855 = vector.shape_cast %get3A_2854 : vector<16xf32> to vector<16xf32>
    %add3A_2856 = arith.addf %get3A_2852, %get3A_2855 : vector<16xf32>
    %get3A_2857 = arith.constant 720 : index
    %get3A_2858 = tpu.vector_load %arg17[%get3A_2857] {strides = array<i32>} : memref<1024xi32, #tpu.memory_space<vmem>>, vector<16xi32>,
    %get3A_2859 = vector.shape_cast %get3A_2858 : vector<16xi32> to vector<16xi32>
    %add3A_2860 = arith.constant 1 : i32
    %add3A_2861 = vector.broadcast %add3A_2860 : i32 to vector<16xi32>
    %add3A_2862 = arith.addi %get3A_2859, %add3A_2861 : vector<16xi32>
    %get3A_2863 = arith.constant 720 : index
    %get3A_2864 = tpu.vector_load %arg15[%get3A_2863] {strides = array<i32>} : memref<1024xi32, #tpu.memory_space<vmem>>, vector<16xi32>,
    %get3A_2865 = vector.shape_cast %get3A_2864 : vector<16xi32> to vector<16xi32>
    %add3A_2866 = arith.addf %add3A_2803, %get3A_2849 : vector<16xf32>
    %mul3A_2867 = arith.mulf %add3A_2856, %get3A_2849 : vector<16xf32>
    %add3A_2868 = arith.addf %add3A_2805, %mul3A_2867 : vector<16xf32>
    %convert_element_type3A_2869 = arith.sitofp %add3A_2862 : vector<16xi32> to vector<16xf32>
    %mul3A_2870 = arith.mulf %convert_element_type3A_2869, %get3A_2849 : vector<16xf32>
    %add3A_2871 = arith.addf %add3A_2808, %mul3A_2870 : vector<16xf32>
    %eq3A_2872 = arith.constant 0 : i32
    %eq3A_2873 = vector.broadcast %eq3A_2872 : i32 to vector<16xi32>
    %eq3A_2874 = arith.cmpi eq, %get3A_2865, %eq3A_2873 : vector<16xi32>
    %jit3A_2875 = arith.constant 0.000000e+00 : f32
    %broadcast_in_dim3A_2876 = vector.broadcast %jit3A_2875 : f32 to vector<16xf32>
    %select_n3A_2877 = arith.select %eq3A_2874, %get3A_2849, %broadcast_in_dim3A_2876 : vector<16xi1>, vector<16xf32>
    %add3A_2878 = arith.addf %add3A_2815, %select_n3A_2877 : vector<16xf32>
    %eq3A_2879 = arith.constant 1 : i32
    %eq3A_2880 = vector.broadcast %eq3A_2879 : i32 to vector<16xi32>
    %eq3A_2881 = arith.cmpi eq, %get3A_2865, %eq3A_2880 : vector<16xi32>
    %jit3A_2882 = arith.constant 0.000000e+00 : f32
    %broadcast_in_dim3A_2883 = vector.broadcast %jit3A_2882 : f32 to vector<16xf32>
    %select_n3A_2884 = arith.select %eq3A_2881, %get3A_2849, %broadcast_in_dim3A_2883 : vector<16xi1>, vector<16xf32>
    %add3A_2885 = arith.addf %add3A_2822, %select_n3A_2884 : vector<16xf32>
    %eq3A_2886 = arith.constant 2 : i32
    %eq3A_2887 = vector.broadcast %eq3A_2886 : i32 to vector<16xi32>
    %eq3A_2888 = arith.cmpi eq, %get3A_2865, %eq3A_2887 : vector<16xi32>
    %jit3A_2889 = arith.constant 0.000000e+00 : f32
    %broadcast_in_dim3A_2890 = vector.broadcast %jit3A_2889 : f32 to vector<16xf32>
    %select_n3A_2891 = arith.select %eq3A_2888, %get3A_2849, %broadcast_in_dim3A_2890 : vector<16xi1>, vector<16xf32>
    %add3A_2892 = arith.addf %add3A_2829, %select_n3A_2891 : vector<16xf32>
    %gt3A_2893 = arith.constant 0.000000e+00 : f32
    %gt3A_2894 = vector.broadcast %gt3A_2893 : f32 to vector<16xf32>
    %gt3A_2895 = arith.cmpf ogt, %get3A_2849, %gt3A_2894 : vector<16xf32>
    %jit3A_2896 = arith.constant 0.000000e+00 : f32
    %broadcast_in_dim3A_2897 = vector.broadcast %jit3A_2896 : f32 to vector<16xf32>
    %select_n3A_2898 = arith.select %gt3A_2895, %broadcast_in_dim3A_2897, %add3A_2856 : vector<16xi1>, vector<16xf32>
    %swap3A_2899 = arith.constant 720 : index
    %swap3A_2900 = tpu.vector_load %arg18[%swap3A_2899] {strides = array<i32>} : memref<1024xf32, #tpu.memory_space<vmem>>, vector<16xf32>,
    %swap3A_2901 = vector.shape_cast %swap3A_2900 : vector<16xf32> to vector<16xf32>
    %swap3A_2902 = vector.shape_cast %select_n3A_2898 : vector<16xf32> to vector<16xf32>
    tpu.vector_store %arg18[%swap3A_2899], %swap3A_2902 {strides = array<i32>} : memref<1024xf32, #tpu.memory_space<vmem>>, vector<16xf32>,
    %jit3A_2903 = arith.constant 0 : i32
    %broadcast_in_dim3A_2904 = vector.broadcast %jit3A_2903 : i32 to vector<16xi32>
    %select_n3A_2905 = arith.select %gt3A_2895, %broadcast_in_dim3A_2904, %add3A_2862 : vector<16xi1>, vector<16xi32>
    %swap3A_2906 = arith.constant 720 : index
    %swap3A_2907 = tpu.vector_load %arg19[%swap3A_2906] {strides = array<i32>} : memref<1024xi32, #tpu.memory_space<vmem>>, vector<16xi32>,
    %swap3A_2908 = vector.shape_cast %swap3A_2907 : vector<16xi32> to vector<16xi32>
    %swap3A_2909 = vector.shape_cast %select_n3A_2905 : vector<16xi32> to vector<16xi32>
    tpu.vector_store %arg19[%swap3A_2906], %swap3A_2909 {strides = array<i32>} : memref<1024xi32, #tpu.memory_space<vmem>>, vector<16xi32>,
    %get3A_2910 = arith.constant 736 : index
    %get3A_2911 = tpu.vector_load %arg14[%get3A_2910] {strides = array<i32>} : memref<1024xf32, #tpu.memory_space<vmem>>, vector<16xf32>,
    %get3A_2912 = vector.shape_cast %get3A_2911 : vector<16xf32> to vector<16xf32>
    %get3A_2913 = arith.constant 736 : index
    %get3A_2914 = tpu.vector_load %arg16[%get3A_2913] {strides = array<i32>} : memref<1024xf32, #tpu.memory_space<vmem>>, vector<16xf32>,
    %get3A_2915 = vector.shape_cast %get3A_2914 : vector<16xf32> to vector<16xf32>
    %get3A_2916 = arith.constant 736 : index
    %get3A_2917 = tpu.vector_load %arg13[%get3A_2916] {strides = array<i32>} : memref<1024xf32, #tpu.memory_space<vmem>>, vector<16xf32>,
    %get3A_2918 = vector.shape_cast %get3A_2917 : vector<16xf32> to vector<16xf32>
    %add3A_2919 = arith.addf %get3A_2915, %get3A_2918 : vector<16xf32>
    %get3A_2920 = arith.constant 736 : index
    %get3A_2921 = tpu.vector_load %arg17[%get3A_2920] {strides = array<i32>} : memref<1024xi32, #tpu.memory_space<vmem>>, vector<16xi32>,
    %get3A_2922 = vector.shape_cast %get3A_2921 : vector<16xi32> to vector<16xi32>
    %add3A_2923 = arith.constant 1 : i32
    %add3A_2924 = vector.broadcast %add3A_2923 : i32 to vector<16xi32>
    %add3A_2925 = arith.addi %get3A_2922, %add3A_2924 : vector<16xi32>
    %get3A_2926 = arith.constant 736 : index
    %get3A_2927 = tpu.vector_load %arg15[%get3A_2926] {strides = array<i32>} : memref<1024xi32, #tpu.memory_space<vmem>>, vector<16xi32>,
    %get3A_2928 = vector.shape_cast %get3A_2927 : vector<16xi32> to vector<16xi32>
    %add3A_2929 = arith.addf %add3A_2866, %get3A_2912 : vector<16xf32>
    %mul3A_2930 = arith.mulf %add3A_2919, %get3A_2912 : vector<16xf32>
    %add3A_2931 = arith.addf %add3A_2868, %mul3A_2930 : vector<16xf32>
    %convert_element_type3A_2932 = arith.sitofp %add3A_2925 : vector<16xi32> to vector<16xf32>
    %mul3A_2933 = arith.mulf %convert_element_type3A_2932, %get3A_2912 : vector<16xf32>
    %add3A_2934 = arith.addf %add3A_2871, %mul3A_2933 : vector<16xf32>
    %eq3A_2935 = arith.constant 0 : i32
    %eq3A_2936 = vector.broadcast %eq3A_2935 : i32 to vector<16xi32>
    %eq3A_2937 = arith.cmpi eq, %get3A_2928, %eq3A_2936 : vector<16xi32>
    %jit3A_2938 = arith.constant 0.000000e+00 : f32
    %broadcast_in_dim3A_2939 = vector.broadcast %jit3A_2938 : f32 to vector<16xf32>
    %select_n3A_2940 = arith.select %eq3A_2937, %get3A_2912, %broadcast_in_dim3A_2939 : vector<16xi1>, vector<16xf32>
    %add3A_2941 = arith.addf %add3A_2878, %select_n3A_2940 : vector<16xf32>
    %eq3A_2942 = arith.constant 1 : i32
    %eq3A_2943 = vector.broadcast %eq3A_2942 : i32 to vector<16xi32>
    %eq3A_2944 = arith.cmpi eq, %get3A_2928, %eq3A_2943 : vector<16xi32>
    %jit3A_2945 = arith.constant 0.000000e+00 : f32
    %broadcast_in_dim3A_2946 = vector.broadcast %jit3A_2945 : f32 to vector<16xf32>
    %select_n3A_2947 = arith.select %eq3A_2944, %get3A_2912, %broadcast_in_dim3A_2946 : vector<16xi1>, vector<16xf32>
    %add3A_2948 = arith.addf %add3A_2885, %select_n3A_2947 : vector<16xf32>
    %eq3A_2949 = arith.constant 2 : i32
    %eq3A_2950 = vector.broadcast %eq3A_2949 : i32 to vector<16xi32>
    %eq3A_2951 = arith.cmpi eq, %get3A_2928, %eq3A_2950 : vector<16xi32>
    %jit3A_2952 = arith.constant 0.000000e+00 : f32
    %broadcast_in_dim3A_2953 = vector.broadcast %jit3A_2952 : f32 to vector<16xf32>
    %select_n3A_2954 = arith.select %eq3A_2951, %get3A_2912, %broadcast_in_dim3A_2953 : vector<16xi1>, vector<16xf32>
    %add3A_2955 = arith.addf %add3A_2892, %select_n3A_2954 : vector<16xf32>
    %gt3A_2956 = arith.constant 0.000000e+00 : f32
    %gt3A_2957 = vector.broadcast %gt3A_2956 : f32 to vector<16xf32>
    %gt3A_2958 = arith.cmpf ogt, %get3A_2912, %gt3A_2957 : vector<16xf32>
    %jit3A_2959 = arith.constant 0.000000e+00 : f32
    %broadcast_in_dim3A_2960 = vector.broadcast %jit3A_2959 : f32 to vector<16xf32>
    %select_n3A_2961 = arith.select %gt3A_2958, %broadcast_in_dim3A_2960, %add3A_2919 : vector<16xi1>, vector<16xf32>
    %swap3A_2962 = arith.constant 736 : index
    %swap3A_2963 = tpu.vector_load %arg18[%swap3A_2962] {strides = array<i32>} : memref<1024xf32, #tpu.memory_space<vmem>>, vector<16xf32>,
    %swap3A_2964 = vector.shape_cast %swap3A_2963 : vector<16xf32> to vector<16xf32>
    %swap3A_2965 = vector.shape_cast %select_n3A_2961 : vector<16xf32> to vector<16xf32>
    tpu.vector_store %arg18[%swap3A_2962], %swap3A_2965 {strides = array<i32>} : memref<1024xf32, #tpu.memory_space<vmem>>, vector<16xf32>,
    %jit3A_2966 = arith.constant 0 : i32
    %broadcast_in_dim3A_2967 = vector.broadcast %jit3A_2966 : i32 to vector<16xi32>
    %select_n3A_2968 = arith.select %gt3A_2958, %broadcast_in_dim3A_2967, %add3A_2925 : vector<16xi1>, vector<16xi32>
    %swap3A_2969 = arith.constant 736 : index
    %swap3A_2970 = tpu.vector_load %arg19[%swap3A_2969] {strides = array<i32>} : memref<1024xi32, #tpu.memory_space<vmem>>, vector<16xi32>,
    %swap3A_2971 = vector.shape_cast %swap3A_2970 : vector<16xi32> to vector<16xi32>
    %swap3A_2972 = vector.shape_cast %select_n3A_2968 : vector<16xi32> to vector<16xi32>
    tpu.vector_store %arg19[%swap3A_2969], %swap3A_2972 {strides = array<i32>} : memref<1024xi32, #tpu.memory_space<vmem>>, vector<16xi32>,
    %get3A_2973 = arith.constant 752 : index
    %get3A_2974 = tpu.vector_load %arg14[%get3A_2973] {strides = array<i32>} : memref<1024xf32, #tpu.memory_space<vmem>>, vector<16xf32>,
    %get3A_2975 = vector.shape_cast %get3A_2974 : vector<16xf32> to vector<16xf32>
    %get3A_2976 = arith.constant 752 : index
    %get3A_2977 = tpu.vector_load %arg16[%get3A_2976] {strides = array<i32>} : memref<1024xf32, #tpu.memory_space<vmem>>, vector<16xf32>,
    %get3A_2978 = vector.shape_cast %get3A_2977 : vector<16xf32> to vector<16xf32>
    %get3A_2979 = arith.constant 752 : index
    %get3A_2980 = tpu.vector_load %arg13[%get3A_2979] {strides = array<i32>} : memref<1024xf32, #tpu.memory_space<vmem>>, vector<16xf32>,
    %get3A_2981 = vector.shape_cast %get3A_2980 : vector<16xf32> to vector<16xf32>
    %add3A_2982 = arith.addf %get3A_2978, %get3A_2981 : vector<16xf32>
    %get3A_2983 = arith.constant 752 : index
    %get3A_2984 = tpu.vector_load %arg17[%get3A_2983] {strides = array<i32>} : memref<1024xi32, #tpu.memory_space<vmem>>, vector<16xi32>,
    %get3A_2985 = vector.shape_cast %get3A_2984 : vector<16xi32> to vector<16xi32>
    %add3A_2986 = arith.constant 1 : i32
    %add3A_2987 = vector.broadcast %add3A_2986 : i32 to vector<16xi32>
    %add3A_2988 = arith.addi %get3A_2985, %add3A_2987 : vector<16xi32>
    %get3A_2989 = arith.constant 752 : index
    %get3A_2990 = tpu.vector_load %arg15[%get3A_2989] {strides = array<i32>} : memref<1024xi32, #tpu.memory_space<vmem>>, vector<16xi32>,
    %get3A_2991 = vector.shape_cast %get3A_2990 : vector<16xi32> to vector<16xi32>
    %add3A_2992 = arith.addf %add3A_2929, %get3A_2975 : vector<16xf32>
    %mul3A_2993 = arith.mulf %add3A_2982, %get3A_2975 : vector<16xf32>
    %add3A_2994 = arith.addf %add3A_2931, %mul3A_2993 : vector<16xf32>
    %convert_element_type3A_2995 = arith.sitofp %add3A_2988 : vector<16xi32> to vector<16xf32>
    %mul3A_2996 = arith.mulf %convert_element_type3A_2995, %get3A_2975 : vector<16xf32>
    %add3A_2997 = arith.addf %add3A_2934, %mul3A_2996 : vector<16xf32>
    %eq3A_2998 = arith.constant 0 : i32
    %eq3A_2999 = vector.broadcast %eq3A_2998 : i32 to vector<16xi32>
    %eq3A_3000 = arith.cmpi eq, %get3A_2991, %eq3A_2999 : vector<16xi32>
    %jit3A_3001 = arith.constant 0.000000e+00 : f32
    %broadcast_in_dim3A_3002 = vector.broadcast %jit3A_3001 : f32 to vector<16xf32>
    %select_n3A_3003 = arith.select %eq3A_3000, %get3A_2975, %broadcast_in_dim3A_3002 : vector<16xi1>, vector<16xf32>
    %add3A_3004 = arith.addf %add3A_2941, %select_n3A_3003 : vector<16xf32>
    %eq3A_3005 = arith.constant 1 : i32
    %eq3A_3006 = vector.broadcast %eq3A_3005 : i32 to vector<16xi32>
    %eq3A_3007 = arith.cmpi eq, %get3A_2991, %eq3A_3006 : vector<16xi32>
    %jit3A_3008 = arith.constant 0.000000e+00 : f32
    %broadcast_in_dim3A_3009 = vector.broadcast %jit3A_3008 : f32 to vector<16xf32>
    %select_n3A_3010 = arith.select %eq3A_3007, %get3A_2975, %broadcast_in_dim3A_3009 : vector<16xi1>, vector<16xf32>
    %add3A_3011 = arith.addf %add3A_2948, %select_n3A_3010 : vector<16xf32>
    %eq3A_3012 = arith.constant 2 : i32
    %eq3A_3013 = vector.broadcast %eq3A_3012 : i32 to vector<16xi32>
    %eq3A_3014 = arith.cmpi eq, %get3A_2991, %eq3A_3013 : vector<16xi32>
    %jit3A_3015 = arith.constant 0.000000e+00 : f32
    %broadcast_in_dim3A_3016 = vector.broadcast %jit3A_3015 : f32 to vector<16xf32>
    %select_n3A_3017 = arith.select %eq3A_3014, %get3A_2975, %broadcast_in_dim3A_3016 : vector<16xi1>, vector<16xf32>
    %add3A_3018 = arith.addf %add3A_2955, %select_n3A_3017 : vector<16xf32>
    %gt3A_3019 = arith.constant 0.000000e+00 : f32
    %gt3A_3020 = vector.broadcast %gt3A_3019 : f32 to vector<16xf32>
    %gt3A_3021 = arith.cmpf ogt, %get3A_2975, %gt3A_3020 : vector<16xf32>
    %jit3A_3022 = arith.constant 0.000000e+00 : f32
    %broadcast_in_dim3A_3023 = vector.broadcast %jit3A_3022 : f32 to vector<16xf32>
    %select_n3A_3024 = arith.select %gt3A_3021, %broadcast_in_dim3A_3023, %add3A_2982 : vector<16xi1>, vector<16xf32>
    %swap3A_3025 = arith.constant 752 : index
    %swap3A_3026 = tpu.vector_load %arg18[%swap3A_3025] {strides = array<i32>} : memref<1024xf32, #tpu.memory_space<vmem>>, vector<16xf32>,
    %swap3A_3027 = vector.shape_cast %swap3A_3026 : vector<16xf32> to vector<16xf32>
    %swap3A_3028 = vector.shape_cast %select_n3A_3024 : vector<16xf32> to vector<16xf32>
    tpu.vector_store %arg18[%swap3A_3025], %swap3A_3028 {strides = array<i32>} : memref<1024xf32, #tpu.memory_space<vmem>>, vector<16xf32>,
    %jit3A_3029 = arith.constant 0 : i32
    %broadcast_in_dim3A_3030 = vector.broadcast %jit3A_3029 : i32 to vector<16xi32>
    %select_n3A_3031 = arith.select %gt3A_3021, %broadcast_in_dim3A_3030, %add3A_2988 : vector<16xi1>, vector<16xi32>
    %swap3A_3032 = arith.constant 752 : index
    %swap3A_3033 = tpu.vector_load %arg19[%swap3A_3032] {strides = array<i32>} : memref<1024xi32, #tpu.memory_space<vmem>>, vector<16xi32>,
    %swap3A_3034 = vector.shape_cast %swap3A_3033 : vector<16xi32> to vector<16xi32>
    %swap3A_3035 = vector.shape_cast %select_n3A_3031 : vector<16xi32> to vector<16xi32>
    tpu.vector_store %arg19[%swap3A_3032], %swap3A_3035 {strides = array<i32>} : memref<1024xi32, #tpu.memory_space<vmem>>, vector<16xi32>,
    %get3A_3036 = arith.constant 768 : index
    %get3A_3037 = tpu.vector_load %arg14[%get3A_3036] {strides = array<i32>} : memref<1024xf32, #tpu.memory_space<vmem>>, vector<16xf32>,
    %get3A_3038 = vector.shape_cast %get3A_3037 : vector<16xf32> to vector<16xf32>
    %get3A_3039 = arith.constant 768 : index
    %get3A_3040 = tpu.vector_load %arg16[%get3A_3039] {strides = array<i32>} : memref<1024xf32, #tpu.memory_space<vmem>>, vector<16xf32>,
    %get3A_3041 = vector.shape_cast %get3A_3040 : vector<16xf32> to vector<16xf32>
    %get3A_3042 = arith.constant 768 : index
    %get3A_3043 = tpu.vector_load %arg13[%get3A_3042] {strides = array<i32>} : memref<1024xf32, #tpu.memory_space<vmem>>, vector<16xf32>,
    %get3A_3044 = vector.shape_cast %get3A_3043 : vector<16xf32> to vector<16xf32>
    %add3A_3045 = arith.addf %get3A_3041, %get3A_3044 : vector<16xf32>
    %get3A_3046 = arith.constant 768 : index
    %get3A_3047 = tpu.vector_load %arg17[%get3A_3046] {strides = array<i32>} : memref<1024xi32, #tpu.memory_space<vmem>>, vector<16xi32>,
    %get3A_3048 = vector.shape_cast %get3A_3047 : vector<16xi32> to vector<16xi32>
    %add3A_3049 = arith.constant 1 : i32
    %add3A_3050 = vector.broadcast %add3A_3049 : i32 to vector<16xi32>
    %add3A_3051 = arith.addi %get3A_3048, %add3A_3050 : vector<16xi32>
    %get3A_3052 = arith.constant 768 : index
    %get3A_3053 = tpu.vector_load %arg15[%get3A_3052] {strides = array<i32>} : memref<1024xi32, #tpu.memory_space<vmem>>, vector<16xi32>,
    %get3A_3054 = vector.shape_cast %get3A_3053 : vector<16xi32> to vector<16xi32>
    %add3A_3055 = arith.addf %add3A_2992, %get3A_3038 : vector<16xf32>
    %mul3A_3056 = arith.mulf %add3A_3045, %get3A_3038 : vector<16xf32>
    %add3A_3057 = arith.addf %add3A_2994, %mul3A_3056 : vector<16xf32>
    %convert_element_type3A_3058 = arith.sitofp %add3A_3051 : vector<16xi32> to vector<16xf32>
    %mul3A_3059 = arith.mulf %convert_element_type3A_3058, %get3A_3038 : vector<16xf32>
    %add3A_3060 = arith.addf %add3A_2997, %mul3A_3059 : vector<16xf32>
    %eq3A_3061 = arith.constant 0 : i32
    %eq3A_3062 = vector.broadcast %eq3A_3061 : i32 to vector<16xi32>
    %eq3A_3063 = arith.cmpi eq, %get3A_3054, %eq3A_3062 : vector<16xi32>
    %jit3A_3064 = arith.constant 0.000000e+00 : f32
    %broadcast_in_dim3A_3065 = vector.broadcast %jit3A_3064 : f32 to vector<16xf32>
    %select_n3A_3066 = arith.select %eq3A_3063, %get3A_3038, %broadcast_in_dim3A_3065 : vector<16xi1>, vector<16xf32>
    %add3A_3067 = arith.addf %add3A_3004, %select_n3A_3066 : vector<16xf32>
    %eq3A_3068 = arith.constant 1 : i32
    %eq3A_3069 = vector.broadcast %eq3A_3068 : i32 to vector<16xi32>
    %eq3A_3070 = arith.cmpi eq, %get3A_3054, %eq3A_3069 : vector<16xi32>
    %jit3A_3071 = arith.constant 0.000000e+00 : f32
    %broadcast_in_dim3A_3072 = vector.broadcast %jit3A_3071 : f32 to vector<16xf32>
    %select_n3A_3073 = arith.select %eq3A_3070, %get3A_3038, %broadcast_in_dim3A_3072 : vector<16xi1>, vector<16xf32>
    %add3A_3074 = arith.addf %add3A_3011, %select_n3A_3073 : vector<16xf32>
    %eq3A_3075 = arith.constant 2 : i32
    %eq3A_3076 = vector.broadcast %eq3A_3075 : i32 to vector<16xi32>
    %eq3A_3077 = arith.cmpi eq, %get3A_3054, %eq3A_3076 : vector<16xi32>
    %jit3A_3078 = arith.constant 0.000000e+00 : f32
    %broadcast_in_dim3A_3079 = vector.broadcast %jit3A_3078 : f32 to vector<16xf32>
    %select_n3A_3080 = arith.select %eq3A_3077, %get3A_3038, %broadcast_in_dim3A_3079 : vector<16xi1>, vector<16xf32>
    %add3A_3081 = arith.addf %add3A_3018, %select_n3A_3080 : vector<16xf32>
    %gt3A_3082 = arith.constant 0.000000e+00 : f32
    %gt3A_3083 = vector.broadcast %gt3A_3082 : f32 to vector<16xf32>
    %gt3A_3084 = arith.cmpf ogt, %get3A_3038, %gt3A_3083 : vector<16xf32>
    %jit3A_3085 = arith.constant 0.000000e+00 : f32
    %broadcast_in_dim3A_3086 = vector.broadcast %jit3A_3085 : f32 to vector<16xf32>
    %select_n3A_3087 = arith.select %gt3A_3084, %broadcast_in_dim3A_3086, %add3A_3045 : vector<16xi1>, vector<16xf32>
    %swap3A_3088 = arith.constant 768 : index
    %swap3A_3089 = tpu.vector_load %arg18[%swap3A_3088] {strides = array<i32>} : memref<1024xf32, #tpu.memory_space<vmem>>, vector<16xf32>,
    %swap3A_3090 = vector.shape_cast %swap3A_3089 : vector<16xf32> to vector<16xf32>
    %swap3A_3091 = vector.shape_cast %select_n3A_3087 : vector<16xf32> to vector<16xf32>
    tpu.vector_store %arg18[%swap3A_3088], %swap3A_3091 {strides = array<i32>} : memref<1024xf32, #tpu.memory_space<vmem>>, vector<16xf32>,
    %jit3A_3092 = arith.constant 0 : i32
    %broadcast_in_dim3A_3093 = vector.broadcast %jit3A_3092 : i32 to vector<16xi32>
    %select_n3A_3094 = arith.select %gt3A_3084, %broadcast_in_dim3A_3093, %add3A_3051 : vector<16xi1>, vector<16xi32>
    %swap3A_3095 = arith.constant 768 : index
    %swap3A_3096 = tpu.vector_load %arg19[%swap3A_3095] {strides = array<i32>} : memref<1024xi32, #tpu.memory_space<vmem>>, vector<16xi32>,
    %swap3A_3097 = vector.shape_cast %swap3A_3096 : vector<16xi32> to vector<16xi32>
    %swap3A_3098 = vector.shape_cast %select_n3A_3094 : vector<16xi32> to vector<16xi32>
    tpu.vector_store %arg19[%swap3A_3095], %swap3A_3098 {strides = array<i32>} : memref<1024xi32, #tpu.memory_space<vmem>>, vector<16xi32>,
    %get3A_3099 = arith.constant 784 : index
    %get3A_3100 = tpu.vector_load %arg14[%get3A_3099] {strides = array<i32>} : memref<1024xf32, #tpu.memory_space<vmem>>, vector<16xf32>,
    %get3A_3101 = vector.shape_cast %get3A_3100 : vector<16xf32> to vector<16xf32>
    %get3A_3102 = arith.constant 784 : index
    %get3A_3103 = tpu.vector_load %arg16[%get3A_3102] {strides = array<i32>} : memref<1024xf32, #tpu.memory_space<vmem>>, vector<16xf32>,
    %get3A_3104 = vector.shape_cast %get3A_3103 : vector<16xf32> to vector<16xf32>
    %get3A_3105 = arith.constant 784 : index
    %get3A_3106 = tpu.vector_load %arg13[%get3A_3105] {strides = array<i32>} : memref<1024xf32, #tpu.memory_space<vmem>>, vector<16xf32>,
    %get3A_3107 = vector.shape_cast %get3A_3106 : vector<16xf32> to vector<16xf32>
    %add3A_3108 = arith.addf %get3A_3104, %get3A_3107 : vector<16xf32>
    %get3A_3109 = arith.constant 784 : index
    %get3A_3110 = tpu.vector_load %arg17[%get3A_3109] {strides = array<i32>} : memref<1024xi32, #tpu.memory_space<vmem>>, vector<16xi32>,
    %get3A_3111 = vector.shape_cast %get3A_3110 : vector<16xi32> to vector<16xi32>
    %add3A_3112 = arith.constant 1 : i32
    %add3A_3113 = vector.broadcast %add3A_3112 : i32 to vector<16xi32>
    %add3A_3114 = arith.addi %get3A_3111, %add3A_3113 : vector<16xi32>
    %get3A_3115 = arith.constant 784 : index
    %get3A_3116 = tpu.vector_load %arg15[%get3A_3115] {strides = array<i32>} : memref<1024xi32, #tpu.memory_space<vmem>>, vector<16xi32>,
    %get3A_3117 = vector.shape_cast %get3A_3116 : vector<16xi32> to vector<16xi32>
    %add3A_3118 = arith.addf %add3A_3055, %get3A_3101 : vector<16xf32>
    %mul3A_3119 = arith.mulf %add3A_3108, %get3A_3101 : vector<16xf32>
    %add3A_3120 = arith.addf %add3A_3057, %mul3A_3119 : vector<16xf32>
    %convert_element_type3A_3121 = arith.sitofp %add3A_3114 : vector<16xi32> to vector<16xf32>
    %mul3A_3122 = arith.mulf %convert_element_type3A_3121, %get3A_3101 : vector<16xf32>
    %add3A_3123 = arith.addf %add3A_3060, %mul3A_3122 : vector<16xf32>
    %eq3A_3124 = arith.constant 0 : i32
    %eq3A_3125 = vector.broadcast %eq3A_3124 : i32 to vector<16xi32>
    %eq3A_3126 = arith.cmpi eq, %get3A_3117, %eq3A_3125 : vector<16xi32>
    %jit3A_3127 = arith.constant 0.000000e+00 : f32
    %broadcast_in_dim3A_3128 = vector.broadcast %jit3A_3127 : f32 to vector<16xf32>
    %select_n3A_3129 = arith.select %eq3A_3126, %get3A_3101, %broadcast_in_dim3A_3128 : vector<16xi1>, vector<16xf32>
    %add3A_3130 = arith.addf %add3A_3067, %select_n3A_3129 : vector<16xf32>
    %eq3A_3131 = arith.constant 1 : i32
    %eq3A_3132 = vector.broadcast %eq3A_3131 : i32 to vector<16xi32>
    %eq3A_3133 = arith.cmpi eq, %get3A_3117, %eq3A_3132 : vector<16xi32>
    %jit3A_3134 = arith.constant 0.000000e+00 : f32
    %broadcast_in_dim3A_3135 = vector.broadcast %jit3A_3134 : f32 to vector<16xf32>
    %select_n3A_3136 = arith.select %eq3A_3133, %get3A_3101, %broadcast_in_dim3A_3135 : vector<16xi1>, vector<16xf32>
    %add3A_3137 = arith.addf %add3A_3074, %select_n3A_3136 : vector<16xf32>
    %eq3A_3138 = arith.constant 2 : i32
    %eq3A_3139 = vector.broadcast %eq3A_3138 : i32 to vector<16xi32>
    %eq3A_3140 = arith.cmpi eq, %get3A_3117, %eq3A_3139 : vector<16xi32>
    %jit3A_3141 = arith.constant 0.000000e+00 : f32
    %broadcast_in_dim3A_3142 = vector.broadcast %jit3A_3141 : f32 to vector<16xf32>
    %select_n3A_3143 = arith.select %eq3A_3140, %get3A_3101, %broadcast_in_dim3A_3142 : vector<16xi1>, vector<16xf32>
    %add3A_3144 = arith.addf %add3A_3081, %select_n3A_3143 : vector<16xf32>
    %gt3A_3145 = arith.constant 0.000000e+00 : f32
    %gt3A_3146 = vector.broadcast %gt3A_3145 : f32 to vector<16xf32>
    %gt3A_3147 = arith.cmpf ogt, %get3A_3101, %gt3A_3146 : vector<16xf32>
    %jit3A_3148 = arith.constant 0.000000e+00 : f32
    %broadcast_in_dim3A_3149 = vector.broadcast %jit3A_3148 : f32 to vector<16xf32>
    %select_n3A_3150 = arith.select %gt3A_3147, %broadcast_in_dim3A_3149, %add3A_3108 : vector<16xi1>, vector<16xf32>
    %swap3A_3151 = arith.constant 784 : index
    %swap3A_3152 = tpu.vector_load %arg18[%swap3A_3151] {strides = array<i32>} : memref<1024xf32, #tpu.memory_space<vmem>>, vector<16xf32>,
    %swap3A_3153 = vector.shape_cast %swap3A_3152 : vector<16xf32> to vector<16xf32>
    %swap3A_3154 = vector.shape_cast %select_n3A_3150 : vector<16xf32> to vector<16xf32>
    tpu.vector_store %arg18[%swap3A_3151], %swap3A_3154 {strides = array<i32>} : memref<1024xf32, #tpu.memory_space<vmem>>, vector<16xf32>,
    %jit3A_3155 = arith.constant 0 : i32
    %broadcast_in_dim3A_3156 = vector.broadcast %jit3A_3155 : i32 to vector<16xi32>
    %select_n3A_3157 = arith.select %gt3A_3147, %broadcast_in_dim3A_3156, %add3A_3114 : vector<16xi1>, vector<16xi32>
    %swap3A_3158 = arith.constant 784 : index
    %swap3A_3159 = tpu.vector_load %arg19[%swap3A_3158] {strides = array<i32>} : memref<1024xi32, #tpu.memory_space<vmem>>, vector<16xi32>,
    %swap3A_3160 = vector.shape_cast %swap3A_3159 : vector<16xi32> to vector<16xi32>
    %swap3A_3161 = vector.shape_cast %select_n3A_3157 : vector<16xi32> to vector<16xi32>
    tpu.vector_store %arg19[%swap3A_3158], %swap3A_3161 {strides = array<i32>} : memref<1024xi32, #tpu.memory_space<vmem>>, vector<16xi32>,
    %get3A_3162 = arith.constant 800 : index
    %get3A_3163 = tpu.vector_load %arg14[%get3A_3162] {strides = array<i32>} : memref<1024xf32, #tpu.memory_space<vmem>>, vector<16xf32>,
    %get3A_3164 = vector.shape_cast %get3A_3163 : vector<16xf32> to vector<16xf32>
    %get3A_3165 = arith.constant 800 : index
    %get3A_3166 = tpu.vector_load %arg16[%get3A_3165] {strides = array<i32>} : memref<1024xf32, #tpu.memory_space<vmem>>, vector<16xf32>,
    %get3A_3167 = vector.shape_cast %get3A_3166 : vector<16xf32> to vector<16xf32>
    %get3A_3168 = arith.constant 800 : index
    %get3A_3169 = tpu.vector_load %arg13[%get3A_3168] {strides = array<i32>} : memref<1024xf32, #tpu.memory_space<vmem>>, vector<16xf32>,
    %get3A_3170 = vector.shape_cast %get3A_3169 : vector<16xf32> to vector<16xf32>
    %add3A_3171 = arith.addf %get3A_3167, %get3A_3170 : vector<16xf32>
    %get3A_3172 = arith.constant 800 : index
    %get3A_3173 = tpu.vector_load %arg17[%get3A_3172] {strides = array<i32>} : memref<1024xi32, #tpu.memory_space<vmem>>, vector<16xi32>,
    %get3A_3174 = vector.shape_cast %get3A_3173 : vector<16xi32> to vector<16xi32>
    %add3A_3175 = arith.constant 1 : i32
    %add3A_3176 = vector.broadcast %add3A_3175 : i32 to vector<16xi32>
    %add3A_3177 = arith.addi %get3A_3174, %add3A_3176 : vector<16xi32>
    %get3A_3178 = arith.constant 800 : index
    %get3A_3179 = tpu.vector_load %arg15[%get3A_3178] {strides = array<i32>} : memref<1024xi32, #tpu.memory_space<vmem>>, vector<16xi32>,
    %get3A_3180 = vector.shape_cast %get3A_3179 : vector<16xi32> to vector<16xi32>
    %add3A_3181 = arith.addf %add3A_3118, %get3A_3164 : vector<16xf32>
    %mul3A_3182 = arith.mulf %add3A_3171, %get3A_3164 : vector<16xf32>
    %add3A_3183 = arith.addf %add3A_3120, %mul3A_3182 : vector<16xf32>
    %convert_element_type3A_3184 = arith.sitofp %add3A_3177 : vector<16xi32> to vector<16xf32>
    %mul3A_3185 = arith.mulf %convert_element_type3A_3184, %get3A_3164 : vector<16xf32>
    %add3A_3186 = arith.addf %add3A_3123, %mul3A_3185 : vector<16xf32>
    %eq3A_3187 = arith.constant 0 : i32
    %eq3A_3188 = vector.broadcast %eq3A_3187 : i32 to vector<16xi32>
    %eq3A_3189 = arith.cmpi eq, %get3A_3180, %eq3A_3188 : vector<16xi32>
    %jit3A_3190 = arith.constant 0.000000e+00 : f32
    %broadcast_in_dim3A_3191 = vector.broadcast %jit3A_3190 : f32 to vector<16xf32>
    %select_n3A_3192 = arith.select %eq3A_3189, %get3A_3164, %broadcast_in_dim3A_3191 : vector<16xi1>, vector<16xf32>
    %add3A_3193 = arith.addf %add3A_3130, %select_n3A_3192 : vector<16xf32>
    %eq3A_3194 = arith.constant 1 : i32
    %eq3A_3195 = vector.broadcast %eq3A_3194 : i32 to vector<16xi32>
    %eq3A_3196 = arith.cmpi eq, %get3A_3180, %eq3A_3195 : vector<16xi32>
    %jit3A_3197 = arith.constant 0.000000e+00 : f32
    %broadcast_in_dim3A_3198 = vector.broadcast %jit3A_3197 : f32 to vector<16xf32>
    %select_n3A_3199 = arith.select %eq3A_3196, %get3A_3164, %broadcast_in_dim3A_3198 : vector<16xi1>, vector<16xf32>
    %add3A_3200 = arith.addf %add3A_3137, %select_n3A_3199 : vector<16xf32>
    %eq3A_3201 = arith.constant 2 : i32
    %eq3A_3202 = vector.broadcast %eq3A_3201 : i32 to vector<16xi32>
    %eq3A_3203 = arith.cmpi eq, %get3A_3180, %eq3A_3202 : vector<16xi32>
    %jit3A_3204 = arith.constant 0.000000e+00 : f32
    %broadcast_in_dim3A_3205 = vector.broadcast %jit3A_3204 : f32 to vector<16xf32>
    %select_n3A_3206 = arith.select %eq3A_3203, %get3A_3164, %broadcast_in_dim3A_3205 : vector<16xi1>, vector<16xf32>
    %add3A_3207 = arith.addf %add3A_3144, %select_n3A_3206 : vector<16xf32>
    %gt3A_3208 = arith.constant 0.000000e+00 : f32
    %gt3A_3209 = vector.broadcast %gt3A_3208 : f32 to vector<16xf32>
    %gt3A_3210 = arith.cmpf ogt, %get3A_3164, %gt3A_3209 : vector<16xf32>
    %jit3A_3211 = arith.constant 0.000000e+00 : f32
    %broadcast_in_dim3A_3212 = vector.broadcast %jit3A_3211 : f32 to vector<16xf32>
    %select_n3A_3213 = arith.select %gt3A_3210, %broadcast_in_dim3A_3212, %add3A_3171 : vector<16xi1>, vector<16xf32>
    %swap3A_3214 = arith.constant 800 : index
    %swap3A_3215 = tpu.vector_load %arg18[%swap3A_3214] {strides = array<i32>} : memref<1024xf32, #tpu.memory_space<vmem>>, vector<16xf32>,
    %swap3A_3216 = vector.shape_cast %swap3A_3215 : vector<16xf32> to vector<16xf32>
    %swap3A_3217 = vector.shape_cast %select_n3A_3213 : vector<16xf32> to vector<16xf32>
    tpu.vector_store %arg18[%swap3A_3214], %swap3A_3217 {strides = array<i32>} : memref<1024xf32, #tpu.memory_space<vmem>>, vector<16xf32>,
    %jit3A_3218 = arith.constant 0 : i32
    %broadcast_in_dim3A_3219 = vector.broadcast %jit3A_3218 : i32 to vector<16xi32>
    %select_n3A_3220 = arith.select %gt3A_3210, %broadcast_in_dim3A_3219, %add3A_3177 : vector<16xi1>, vector<16xi32>
    %swap3A_3221 = arith.constant 800 : index
    %swap3A_3222 = tpu.vector_load %arg19[%swap3A_3221] {strides = array<i32>} : memref<1024xi32, #tpu.memory_space<vmem>>, vector<16xi32>,
    %swap3A_3223 = vector.shape_cast %swap3A_3222 : vector<16xi32> to vector<16xi32>
    %swap3A_3224 = vector.shape_cast %select_n3A_3220 : vector<16xi32> to vector<16xi32>
    tpu.vector_store %arg19[%swap3A_3221], %swap3A_3224 {strides = array<i32>} : memref<1024xi32, #tpu.memory_space<vmem>>, vector<16xi32>,
    %get3A_3225 = arith.constant 816 : index
    %get3A_3226 = tpu.vector_load %arg14[%get3A_3225] {strides = array<i32>} : memref<1024xf32, #tpu.memory_space<vmem>>, vector<16xf32>,
    %get3A_3227 = vector.shape_cast %get3A_3226 : vector<16xf32> to vector<16xf32>
    %get3A_3228 = arith.constant 816 : index
    %get3A_3229 = tpu.vector_load %arg16[%get3A_3228] {strides = array<i32>} : memref<1024xf32, #tpu.memory_space<vmem>>, vector<16xf32>,
    %get3A_3230 = vector.shape_cast %get3A_3229 : vector<16xf32> to vector<16xf32>
    %get3A_3231 = arith.constant 816 : index
    %get3A_3232 = tpu.vector_load %arg13[%get3A_3231] {strides = array<i32>} : memref<1024xf32, #tpu.memory_space<vmem>>, vector<16xf32>,
    %get3A_3233 = vector.shape_cast %get3A_3232 : vector<16xf32> to vector<16xf32>
    %add3A_3234 = arith.addf %get3A_3230, %get3A_3233 : vector<16xf32>
    %get3A_3235 = arith.constant 816 : index
    %get3A_3236 = tpu.vector_load %arg17[%get3A_3235] {strides = array<i32>} : memref<1024xi32, #tpu.memory_space<vmem>>, vector<16xi32>,
    %get3A_3237 = vector.shape_cast %get3A_3236 : vector<16xi32> to vector<16xi32>
    %add3A_3238 = arith.constant 1 : i32
    %add3A_3239 = vector.broadcast %add3A_3238 : i32 to vector<16xi32>
    %add3A_3240 = arith.addi %get3A_3237, %add3A_3239 : vector<16xi32>
    %get3A_3241 = arith.constant 816 : index
    %get3A_3242 = tpu.vector_load %arg15[%get3A_3241] {strides = array<i32>} : memref<1024xi32, #tpu.memory_space<vmem>>, vector<16xi32>,
    %get3A_3243 = vector.shape_cast %get3A_3242 : vector<16xi32> to vector<16xi32>
    %add3A_3244 = arith.addf %add3A_3181, %get3A_3227 : vector<16xf32>
    %mul3A_3245 = arith.mulf %add3A_3234, %get3A_3227 : vector<16xf32>
    %add3A_3246 = arith.addf %add3A_3183, %mul3A_3245 : vector<16xf32>
    %convert_element_type3A_3247 = arith.sitofp %add3A_3240 : vector<16xi32> to vector<16xf32>
    %mul3A_3248 = arith.mulf %convert_element_type3A_3247, %get3A_3227 : vector<16xf32>
    %add3A_3249 = arith.addf %add3A_3186, %mul3A_3248 : vector<16xf32>
    %eq3A_3250 = arith.constant 0 : i32
    %eq3A_3251 = vector.broadcast %eq3A_3250 : i32 to vector<16xi32>
    %eq3A_3252 = arith.cmpi eq, %get3A_3243, %eq3A_3251 : vector<16xi32>
    %jit3A_3253 = arith.constant 0.000000e+00 : f32
    %broadcast_in_dim3A_3254 = vector.broadcast %jit3A_3253 : f32 to vector<16xf32>
    %select_n3A_3255 = arith.select %eq3A_3252, %get3A_3227, %broadcast_in_dim3A_3254 : vector<16xi1>, vector<16xf32>
    %add3A_3256 = arith.addf %add3A_3193, %select_n3A_3255 : vector<16xf32>
    %eq3A_3257 = arith.constant 1 : i32
    %eq3A_3258 = vector.broadcast %eq3A_3257 : i32 to vector<16xi32>
    %eq3A_3259 = arith.cmpi eq, %get3A_3243, %eq3A_3258 : vector<16xi32>
    %jit3A_3260 = arith.constant 0.000000e+00 : f32
    %broadcast_in_dim3A_3261 = vector.broadcast %jit3A_3260 : f32 to vector<16xf32>
    %select_n3A_3262 = arith.select %eq3A_3259, %get3A_3227, %broadcast_in_dim3A_3261 : vector<16xi1>, vector<16xf32>
    %add3A_3263 = arith.addf %add3A_3200, %select_n3A_3262 : vector<16xf32>
    %eq3A_3264 = arith.constant 2 : i32
    %eq3A_3265 = vector.broadcast %eq3A_3264 : i32 to vector<16xi32>
    %eq3A_3266 = arith.cmpi eq, %get3A_3243, %eq3A_3265 : vector<16xi32>
    %jit3A_3267 = arith.constant 0.000000e+00 : f32
    %broadcast_in_dim3A_3268 = vector.broadcast %jit3A_3267 : f32 to vector<16xf32>
    %select_n3A_3269 = arith.select %eq3A_3266, %get3A_3227, %broadcast_in_dim3A_3268 : vector<16xi1>, vector<16xf32>
    %add3A_3270 = arith.addf %add3A_3207, %select_n3A_3269 : vector<16xf32>
    %gt3A_3271 = arith.constant 0.000000e+00 : f32
    %gt3A_3272 = vector.broadcast %gt3A_3271 : f32 to vector<16xf32>
    %gt3A_3273 = arith.cmpf ogt, %get3A_3227, %gt3A_3272 : vector<16xf32>
    %jit3A_3274 = arith.constant 0.000000e+00 : f32
    %broadcast_in_dim3A_3275 = vector.broadcast %jit3A_3274 : f32 to vector<16xf32>
    %select_n3A_3276 = arith.select %gt3A_3273, %broadcast_in_dim3A_3275, %add3A_3234 : vector<16xi1>, vector<16xf32>
    %swap3A_3277 = arith.constant 816 : index
    %swap3A_3278 = tpu.vector_load %arg18[%swap3A_3277] {strides = array<i32>} : memref<1024xf32, #tpu.memory_space<vmem>>, vector<16xf32>,
    %swap3A_3279 = vector.shape_cast %swap3A_3278 : vector<16xf32> to vector<16xf32>
    %swap3A_3280 = vector.shape_cast %select_n3A_3276 : vector<16xf32> to vector<16xf32>
    tpu.vector_store %arg18[%swap3A_3277], %swap3A_3280 {strides = array<i32>} : memref<1024xf32, #tpu.memory_space<vmem>>, vector<16xf32>,
    %jit3A_3281 = arith.constant 0 : i32
    %broadcast_in_dim3A_3282 = vector.broadcast %jit3A_3281 : i32 to vector<16xi32>
    %select_n3A_3283 = arith.select %gt3A_3273, %broadcast_in_dim3A_3282, %add3A_3240 : vector<16xi1>, vector<16xi32>
    %swap3A_3284 = arith.constant 816 : index
    %swap3A_3285 = tpu.vector_load %arg19[%swap3A_3284] {strides = array<i32>} : memref<1024xi32, #tpu.memory_space<vmem>>, vector<16xi32>,
    %swap3A_3286 = vector.shape_cast %swap3A_3285 : vector<16xi32> to vector<16xi32>
    %swap3A_3287 = vector.shape_cast %select_n3A_3283 : vector<16xi32> to vector<16xi32>
    tpu.vector_store %arg19[%swap3A_3284], %swap3A_3287 {strides = array<i32>} : memref<1024xi32, #tpu.memory_space<vmem>>, vector<16xi32>,
    %get3A_3288 = arith.constant 832 : index
    %get3A_3289 = tpu.vector_load %arg14[%get3A_3288] {strides = array<i32>} : memref<1024xf32, #tpu.memory_space<vmem>>, vector<16xf32>,
    %get3A_3290 = vector.shape_cast %get3A_3289 : vector<16xf32> to vector<16xf32>
    %get3A_3291 = arith.constant 832 : index
    %get3A_3292 = tpu.vector_load %arg16[%get3A_3291] {strides = array<i32>} : memref<1024xf32, #tpu.memory_space<vmem>>, vector<16xf32>,
    %get3A_3293 = vector.shape_cast %get3A_3292 : vector<16xf32> to vector<16xf32>
    %get3A_3294 = arith.constant 832 : index
    %get3A_3295 = tpu.vector_load %arg13[%get3A_3294] {strides = array<i32>} : memref<1024xf32, #tpu.memory_space<vmem>>, vector<16xf32>,
    %get3A_3296 = vector.shape_cast %get3A_3295 : vector<16xf32> to vector<16xf32>
    %add3A_3297 = arith.addf %get3A_3293, %get3A_3296 : vector<16xf32>
    %get3A_3298 = arith.constant 832 : index
    %get3A_3299 = tpu.vector_load %arg17[%get3A_3298] {strides = array<i32>} : memref<1024xi32, #tpu.memory_space<vmem>>, vector<16xi32>,
    %get3A_3300 = vector.shape_cast %get3A_3299 : vector<16xi32> to vector<16xi32>
    %add3A_3301 = arith.constant 1 : i32
    %add3A_3302 = vector.broadcast %add3A_3301 : i32 to vector<16xi32>
    %add3A_3303 = arith.addi %get3A_3300, %add3A_3302 : vector<16xi32>
    %get3A_3304 = arith.constant 832 : index
    %get3A_3305 = tpu.vector_load %arg15[%get3A_3304] {strides = array<i32>} : memref<1024xi32, #tpu.memory_space<vmem>>, vector<16xi32>,
    %get3A_3306 = vector.shape_cast %get3A_3305 : vector<16xi32> to vector<16xi32>
    %add3A_3307 = arith.addf %add3A_3244, %get3A_3290 : vector<16xf32>
    %mul3A_3308 = arith.mulf %add3A_3297, %get3A_3290 : vector<16xf32>
    %add3A_3309 = arith.addf %add3A_3246, %mul3A_3308 : vector<16xf32>
    %convert_element_type3A_3310 = arith.sitofp %add3A_3303 : vector<16xi32> to vector<16xf32>
    %mul3A_3311 = arith.mulf %convert_element_type3A_3310, %get3A_3290 : vector<16xf32>
    %add3A_3312 = arith.addf %add3A_3249, %mul3A_3311 : vector<16xf32>
    %eq3A_3313 = arith.constant 0 : i32
    %eq3A_3314 = vector.broadcast %eq3A_3313 : i32 to vector<16xi32>
    %eq3A_3315 = arith.cmpi eq, %get3A_3306, %eq3A_3314 : vector<16xi32>
    %jit3A_3316 = arith.constant 0.000000e+00 : f32
    %broadcast_in_dim3A_3317 = vector.broadcast %jit3A_3316 : f32 to vector<16xf32>
    %select_n3A_3318 = arith.select %eq3A_3315, %get3A_3290, %broadcast_in_dim3A_3317 : vector<16xi1>, vector<16xf32>
    %add3A_3319 = arith.addf %add3A_3256, %select_n3A_3318 : vector<16xf32>
    %eq3A_3320 = arith.constant 1 : i32
    %eq3A_3321 = vector.broadcast %eq3A_3320 : i32 to vector<16xi32>
    %eq3A_3322 = arith.cmpi eq, %get3A_3306, %eq3A_3321 : vector<16xi32>
    %jit3A_3323 = arith.constant 0.000000e+00 : f32
    %broadcast_in_dim3A_3324 = vector.broadcast %jit3A_3323 : f32 to vector<16xf32>
    %select_n3A_3325 = arith.select %eq3A_3322, %get3A_3290, %broadcast_in_dim3A_3324 : vector<16xi1>, vector<16xf32>
    %add3A_3326 = arith.addf %add3A_3263, %select_n3A_3325 : vector<16xf32>
    %eq3A_3327 = arith.constant 2 : i32
    %eq3A_3328 = vector.broadcast %eq3A_3327 : i32 to vector<16xi32>
    %eq3A_3329 = arith.cmpi eq, %get3A_3306, %eq3A_3328 : vector<16xi32>
    %jit3A_3330 = arith.constant 0.000000e+00 : f32
    %broadcast_in_dim3A_3331 = vector.broadcast %jit3A_3330 : f32 to vector<16xf32>
    %select_n3A_3332 = arith.select %eq3A_3329, %get3A_3290, %broadcast_in_dim3A_3331 : vector<16xi1>, vector<16xf32>
    %add3A_3333 = arith.addf %add3A_3270, %select_n3A_3332 : vector<16xf32>
    %gt3A_3334 = arith.constant 0.000000e+00 : f32
    %gt3A_3335 = vector.broadcast %gt3A_3334 : f32 to vector<16xf32>
    %gt3A_3336 = arith.cmpf ogt, %get3A_3290, %gt3A_3335 : vector<16xf32>
    %jit3A_3337 = arith.constant 0.000000e+00 : f32
    %broadcast_in_dim3A_3338 = vector.broadcast %jit3A_3337 : f32 to vector<16xf32>
    %select_n3A_3339 = arith.select %gt3A_3336, %broadcast_in_dim3A_3338, %add3A_3297 : vector<16xi1>, vector<16xf32>
    %swap3A_3340 = arith.constant 832 : index
    %swap3A_3341 = tpu.vector_load %arg18[%swap3A_3340] {strides = array<i32>} : memref<1024xf32, #tpu.memory_space<vmem>>, vector<16xf32>,
    %swap3A_3342 = vector.shape_cast %swap3A_3341 : vector<16xf32> to vector<16xf32>
    %swap3A_3343 = vector.shape_cast %select_n3A_3339 : vector<16xf32> to vector<16xf32>
    tpu.vector_store %arg18[%swap3A_3340], %swap3A_3343 {strides = array<i32>} : memref<1024xf32, #tpu.memory_space<vmem>>, vector<16xf32>,
    %jit3A_3344 = arith.constant 0 : i32
    %broadcast_in_dim3A_3345 = vector.broadcast %jit3A_3344 : i32 to vector<16xi32>
    %select_n3A_3346 = arith.select %gt3A_3336, %broadcast_in_dim3A_3345, %add3A_3303 : vector<16xi1>, vector<16xi32>
    %swap3A_3347 = arith.constant 832 : index
    %swap3A_3348 = tpu.vector_load %arg19[%swap3A_3347] {strides = array<i32>} : memref<1024xi32, #tpu.memory_space<vmem>>, vector<16xi32>,
    %swap3A_3349 = vector.shape_cast %swap3A_3348 : vector<16xi32> to vector<16xi32>
    %swap3A_3350 = vector.shape_cast %select_n3A_3346 : vector<16xi32> to vector<16xi32>
    tpu.vector_store %arg19[%swap3A_3347], %swap3A_3350 {strides = array<i32>} : memref<1024xi32, #tpu.memory_space<vmem>>, vector<16xi32>,
    %get3A_3351 = arith.constant 848 : index
    %get3A_3352 = tpu.vector_load %arg14[%get3A_3351] {strides = array<i32>} : memref<1024xf32, #tpu.memory_space<vmem>>, vector<16xf32>,
    %get3A_3353 = vector.shape_cast %get3A_3352 : vector<16xf32> to vector<16xf32>
    %get3A_3354 = arith.constant 848 : index
    %get3A_3355 = tpu.vector_load %arg16[%get3A_3354] {strides = array<i32>} : memref<1024xf32, #tpu.memory_space<vmem>>, vector<16xf32>,
    %get3A_3356 = vector.shape_cast %get3A_3355 : vector<16xf32> to vector<16xf32>
    %get3A_3357 = arith.constant 848 : index
    %get3A_3358 = tpu.vector_load %arg13[%get3A_3357] {strides = array<i32>} : memref<1024xf32, #tpu.memory_space<vmem>>, vector<16xf32>,
    %get3A_3359 = vector.shape_cast %get3A_3358 : vector<16xf32> to vector<16xf32>
    %add3A_3360 = arith.addf %get3A_3356, %get3A_3359 : vector<16xf32>
    %get3A_3361 = arith.constant 848 : index
    %get3A_3362 = tpu.vector_load %arg17[%get3A_3361] {strides = array<i32>} : memref<1024xi32, #tpu.memory_space<vmem>>, vector<16xi32>,
    %get3A_3363 = vector.shape_cast %get3A_3362 : vector<16xi32> to vector<16xi32>
    %add3A_3364 = arith.constant 1 : i32
    %add3A_3365 = vector.broadcast %add3A_3364 : i32 to vector<16xi32>
    %add3A_3366 = arith.addi %get3A_3363, %add3A_3365 : vector<16xi32>
    %get3A_3367 = arith.constant 848 : index
    %get3A_3368 = tpu.vector_load %arg15[%get3A_3367] {strides = array<i32>} : memref<1024xi32, #tpu.memory_space<vmem>>, vector<16xi32>,
    %get3A_3369 = vector.shape_cast %get3A_3368 : vector<16xi32> to vector<16xi32>
    %add3A_3370 = arith.addf %add3A_3307, %get3A_3353 : vector<16xf32>
    %mul3A_3371 = arith.mulf %add3A_3360, %get3A_3353 : vector<16xf32>
    %add3A_3372 = arith.addf %add3A_3309, %mul3A_3371 : vector<16xf32>
    %convert_element_type3A_3373 = arith.sitofp %add3A_3366 : vector<16xi32> to vector<16xf32>
    %mul3A_3374 = arith.mulf %convert_element_type3A_3373, %get3A_3353 : vector<16xf32>
    %add3A_3375 = arith.addf %add3A_3312, %mul3A_3374 : vector<16xf32>
    %eq3A_3376 = arith.constant 0 : i32
    %eq3A_3377 = vector.broadcast %eq3A_3376 : i32 to vector<16xi32>
    %eq3A_3378 = arith.cmpi eq, %get3A_3369, %eq3A_3377 : vector<16xi32>
    %jit3A_3379 = arith.constant 0.000000e+00 : f32
    %broadcast_in_dim3A_3380 = vector.broadcast %jit3A_3379 : f32 to vector<16xf32>
    %select_n3A_3381 = arith.select %eq3A_3378, %get3A_3353, %broadcast_in_dim3A_3380 : vector<16xi1>, vector<16xf32>
    %add3A_3382 = arith.addf %add3A_3319, %select_n3A_3381 : vector<16xf32>
    %eq3A_3383 = arith.constant 1 : i32
    %eq3A_3384 = vector.broadcast %eq3A_3383 : i32 to vector<16xi32>
    %eq3A_3385 = arith.cmpi eq, %get3A_3369, %eq3A_3384 : vector<16xi32>
    %jit3A_3386 = arith.constant 0.000000e+00 : f32
    %broadcast_in_dim3A_3387 = vector.broadcast %jit3A_3386 : f32 to vector<16xf32>
    %select_n3A_3388 = arith.select %eq3A_3385, %get3A_3353, %broadcast_in_dim3A_3387 : vector<16xi1>, vector<16xf32>
    %add3A_3389 = arith.addf %add3A_3326, %select_n3A_3388 : vector<16xf32>
    %eq3A_3390 = arith.constant 2 : i32
    %eq3A_3391 = vector.broadcast %eq3A_3390 : i32 to vector<16xi32>
    %eq3A_3392 = arith.cmpi eq, %get3A_3369, %eq3A_3391 : vector<16xi32>
    %jit3A_3393 = arith.constant 0.000000e+00 : f32
    %broadcast_in_dim3A_3394 = vector.broadcast %jit3A_3393 : f32 to vector<16xf32>
    %select_n3A_3395 = arith.select %eq3A_3392, %get3A_3353, %broadcast_in_dim3A_3394 : vector<16xi1>, vector<16xf32>
    %add3A_3396 = arith.addf %add3A_3333, %select_n3A_3395 : vector<16xf32>
    %gt3A_3397 = arith.constant 0.000000e+00 : f32
    %gt3A_3398 = vector.broadcast %gt3A_3397 : f32 to vector<16xf32>
    %gt3A_3399 = arith.cmpf ogt, %get3A_3353, %gt3A_3398 : vector<16xf32>
    %jit3A_3400 = arith.constant 0.000000e+00 : f32
    %broadcast_in_dim3A_3401 = vector.broadcast %jit3A_3400 : f32 to vector<16xf32>
    %select_n3A_3402 = arith.select %gt3A_3399, %broadcast_in_dim3A_3401, %add3A_3360 : vector<16xi1>, vector<16xf32>
    %swap3A_3403 = arith.constant 848 : index
    %swap3A_3404 = tpu.vector_load %arg18[%swap3A_3403] {strides = array<i32>} : memref<1024xf32, #tpu.memory_space<vmem>>, vector<16xf32>,
    %swap3A_3405 = vector.shape_cast %swap3A_3404 : vector<16xf32> to vector<16xf32>
    %swap3A_3406 = vector.shape_cast %select_n3A_3402 : vector<16xf32> to vector<16xf32>
    tpu.vector_store %arg18[%swap3A_3403], %swap3A_3406 {strides = array<i32>} : memref<1024xf32, #tpu.memory_space<vmem>>, vector<16xf32>,
    %jit3A_3407 = arith.constant 0 : i32
    %broadcast_in_dim3A_3408 = vector.broadcast %jit3A_3407 : i32 to vector<16xi32>
    %select_n3A_3409 = arith.select %gt3A_3399, %broadcast_in_dim3A_3408, %add3A_3366 : vector<16xi1>, vector<16xi32>
    %swap3A_3410 = arith.constant 848 : index
    %swap3A_3411 = tpu.vector_load %arg19[%swap3A_3410] {strides = array<i32>} : memref<1024xi32, #tpu.memory_space<vmem>>, vector<16xi32>,
    %swap3A_3412 = vector.shape_cast %swap3A_3411 : vector<16xi32> to vector<16xi32>
    %swap3A_3413 = vector.shape_cast %select_n3A_3409 : vector<16xi32> to vector<16xi32>
    tpu.vector_store %arg19[%swap3A_3410], %swap3A_3413 {strides = array<i32>} : memref<1024xi32, #tpu.memory_space<vmem>>, vector<16xi32>,
    %get3A_3414 = arith.constant 864 : index
    %get3A_3415 = tpu.vector_load %arg14[%get3A_3414] {strides = array<i32>} : memref<1024xf32, #tpu.memory_space<vmem>>, vector<16xf32>,
    %get3A_3416 = vector.shape_cast %get3A_3415 : vector<16xf32> to vector<16xf32>
    %get3A_3417 = arith.constant 864 : index
    %get3A_3418 = tpu.vector_load %arg16[%get3A_3417] {strides = array<i32>} : memref<1024xf32, #tpu.memory_space<vmem>>, vector<16xf32>,
    %get3A_3419 = vector.shape_cast %get3A_3418 : vector<16xf32> to vector<16xf32>
    %get3A_3420 = arith.constant 864 : index
    %get3A_3421 = tpu.vector_load %arg13[%get3A_3420] {strides = array<i32>} : memref<1024xf32, #tpu.memory_space<vmem>>, vector<16xf32>,
    %get3A_3422 = vector.shape_cast %get3A_3421 : vector<16xf32> to vector<16xf32>
    %add3A_3423 = arith.addf %get3A_3419, %get3A_3422 : vector<16xf32>
    %get3A_3424 = arith.constant 864 : index
    %get3A_3425 = tpu.vector_load %arg17[%get3A_3424] {strides = array<i32>} : memref<1024xi32, #tpu.memory_space<vmem>>, vector<16xi32>,
    %get3A_3426 = vector.shape_cast %get3A_3425 : vector<16xi32> to vector<16xi32>
    %add3A_3427 = arith.constant 1 : i32
    %add3A_3428 = vector.broadcast %add3A_3427 : i32 to vector<16xi32>
    %add3A_3429 = arith.addi %get3A_3426, %add3A_3428 : vector<16xi32>
    %get3A_3430 = arith.constant 864 : index
    %get3A_3431 = tpu.vector_load %arg15[%get3A_3430] {strides = array<i32>} : memref<1024xi32, #tpu.memory_space<vmem>>, vector<16xi32>,
    %get3A_3432 = vector.shape_cast %get3A_3431 : vector<16xi32> to vector<16xi32>
    %add3A_3433 = arith.addf %add3A_3370, %get3A_3416 : vector<16xf32>
    %mul3A_3434 = arith.mulf %add3A_3423, %get3A_3416 : vector<16xf32>
    %add3A_3435 = arith.addf %add3A_3372, %mul3A_3434 : vector<16xf32>
    %convert_element_type3A_3436 = arith.sitofp %add3A_3429 : vector<16xi32> to vector<16xf32>
    %mul3A_3437 = arith.mulf %convert_element_type3A_3436, %get3A_3416 : vector<16xf32>
    %add3A_3438 = arith.addf %add3A_3375, %mul3A_3437 : vector<16xf32>
    %eq3A_3439 = arith.constant 0 : i32
    %eq3A_3440 = vector.broadcast %eq3A_3439 : i32 to vector<16xi32>
    %eq3A_3441 = arith.cmpi eq, %get3A_3432, %eq3A_3440 : vector<16xi32>
    %jit3A_3442 = arith.constant 0.000000e+00 : f32
    %broadcast_in_dim3A_3443 = vector.broadcast %jit3A_3442 : f32 to vector<16xf32>
    %select_n3A_3444 = arith.select %eq3A_3441, %get3A_3416, %broadcast_in_dim3A_3443 : vector<16xi1>, vector<16xf32>
    %add3A_3445 = arith.addf %add3A_3382, %select_n3A_3444 : vector<16xf32>
    %eq3A_3446 = arith.constant 1 : i32
    %eq3A_3447 = vector.broadcast %eq3A_3446 : i32 to vector<16xi32>
    %eq3A_3448 = arith.cmpi eq, %get3A_3432, %eq3A_3447 : vector<16xi32>
    %jit3A_3449 = arith.constant 0.000000e+00 : f32
    %broadcast_in_dim3A_3450 = vector.broadcast %jit3A_3449 : f32 to vector<16xf32>
    %select_n3A_3451 = arith.select %eq3A_3448, %get3A_3416, %broadcast_in_dim3A_3450 : vector<16xi1>, vector<16xf32>
    %add3A_3452 = arith.addf %add3A_3389, %select_n3A_3451 : vector<16xf32>
    %eq3A_3453 = arith.constant 2 : i32
    %eq3A_3454 = vector.broadcast %eq3A_3453 : i32 to vector<16xi32>
    %eq3A_3455 = arith.cmpi eq, %get3A_3432, %eq3A_3454 : vector<16xi32>
    %jit3A_3456 = arith.constant 0.000000e+00 : f32
    %broadcast_in_dim3A_3457 = vector.broadcast %jit3A_3456 : f32 to vector<16xf32>
    %select_n3A_3458 = arith.select %eq3A_3455, %get3A_3416, %broadcast_in_dim3A_3457 : vector<16xi1>, vector<16xf32>
    %add3A_3459 = arith.addf %add3A_3396, %select_n3A_3458 : vector<16xf32>
    %gt3A_3460 = arith.constant 0.000000e+00 : f32
    %gt3A_3461 = vector.broadcast %gt3A_3460 : f32 to vector<16xf32>
    %gt3A_3462 = arith.cmpf ogt, %get3A_3416, %gt3A_3461 : vector<16xf32>
    %jit3A_3463 = arith.constant 0.000000e+00 : f32
    %broadcast_in_dim3A_3464 = vector.broadcast %jit3A_3463 : f32 to vector<16xf32>
    %select_n3A_3465 = arith.select %gt3A_3462, %broadcast_in_dim3A_3464, %add3A_3423 : vector<16xi1>, vector<16xf32>
    %swap3A_3466 = arith.constant 864 : index
    %swap3A_3467 = tpu.vector_load %arg18[%swap3A_3466] {strides = array<i32>} : memref<1024xf32, #tpu.memory_space<vmem>>, vector<16xf32>,
    %swap3A_3468 = vector.shape_cast %swap3A_3467 : vector<16xf32> to vector<16xf32>
    %swap3A_3469 = vector.shape_cast %select_n3A_3465 : vector<16xf32> to vector<16xf32>
    tpu.vector_store %arg18[%swap3A_3466], %swap3A_3469 {strides = array<i32>} : memref<1024xf32, #tpu.memory_space<vmem>>, vector<16xf32>,
    %jit3A_3470 = arith.constant 0 : i32
    %broadcast_in_dim3A_3471 = vector.broadcast %jit3A_3470 : i32 to vector<16xi32>
    %select_n3A_3472 = arith.select %gt3A_3462, %broadcast_in_dim3A_3471, %add3A_3429 : vector<16xi1>, vector<16xi32>
    %swap3A_3473 = arith.constant 864 : index
    %swap3A_3474 = tpu.vector_load %arg19[%swap3A_3473] {strides = array<i32>} : memref<1024xi32, #tpu.memory_space<vmem>>, vector<16xi32>,
    %swap3A_3475 = vector.shape_cast %swap3A_3474 : vector<16xi32> to vector<16xi32>
    %swap3A_3476 = vector.shape_cast %select_n3A_3472 : vector<16xi32> to vector<16xi32>
    tpu.vector_store %arg19[%swap3A_3473], %swap3A_3476 {strides = array<i32>} : memref<1024xi32, #tpu.memory_space<vmem>>, vector<16xi32>,
    %get3A_3477 = arith.constant 880 : index
    %get3A_3478 = tpu.vector_load %arg14[%get3A_3477] {strides = array<i32>} : memref<1024xf32, #tpu.memory_space<vmem>>, vector<16xf32>,
    %get3A_3479 = vector.shape_cast %get3A_3478 : vector<16xf32> to vector<16xf32>
    %get3A_3480 = arith.constant 880 : index
    %get3A_3481 = tpu.vector_load %arg16[%get3A_3480] {strides = array<i32>} : memref<1024xf32, #tpu.memory_space<vmem>>, vector<16xf32>,
    %get3A_3482 = vector.shape_cast %get3A_3481 : vector<16xf32> to vector<16xf32>
    %get3A_3483 = arith.constant 880 : index
    %get3A_3484 = tpu.vector_load %arg13[%get3A_3483] {strides = array<i32>} : memref<1024xf32, #tpu.memory_space<vmem>>, vector<16xf32>,
    %get3A_3485 = vector.shape_cast %get3A_3484 : vector<16xf32> to vector<16xf32>
    %add3A_3486 = arith.addf %get3A_3482, %get3A_3485 : vector<16xf32>
    %get3A_3487 = arith.constant 880 : index
    %get3A_3488 = tpu.vector_load %arg17[%get3A_3487] {strides = array<i32>} : memref<1024xi32, #tpu.memory_space<vmem>>, vector<16xi32>,
    %get3A_3489 = vector.shape_cast %get3A_3488 : vector<16xi32> to vector<16xi32>
    %add3A_3490 = arith.constant 1 : i32
    %add3A_3491 = vector.broadcast %add3A_3490 : i32 to vector<16xi32>
    %add3A_3492 = arith.addi %get3A_3489, %add3A_3491 : vector<16xi32>
    %get3A_3493 = arith.constant 880 : index
    %get3A_3494 = tpu.vector_load %arg15[%get3A_3493] {strides = array<i32>} : memref<1024xi32, #tpu.memory_space<vmem>>, vector<16xi32>,
    %get3A_3495 = vector.shape_cast %get3A_3494 : vector<16xi32> to vector<16xi32>
    %add3A_3496 = arith.addf %add3A_3433, %get3A_3479 : vector<16xf32>
    %mul3A_3497 = arith.mulf %add3A_3486, %get3A_3479 : vector<16xf32>
    %add3A_3498 = arith.addf %add3A_3435, %mul3A_3497 : vector<16xf32>
    %convert_element_type3A_3499 = arith.sitofp %add3A_3492 : vector<16xi32> to vector<16xf32>
    %mul3A_3500 = arith.mulf %convert_element_type3A_3499, %get3A_3479 : vector<16xf32>
    %add3A_3501 = arith.addf %add3A_3438, %mul3A_3500 : vector<16xf32>
    %eq3A_3502 = arith.constant 0 : i32
    %eq3A_3503 = vector.broadcast %eq3A_3502 : i32 to vector<16xi32>
    %eq3A_3504 = arith.cmpi eq, %get3A_3495, %eq3A_3503 : vector<16xi32>
    %jit3A_3505 = arith.constant 0.000000e+00 : f32
    %broadcast_in_dim3A_3506 = vector.broadcast %jit3A_3505 : f32 to vector<16xf32>
    %select_n3A_3507 = arith.select %eq3A_3504, %get3A_3479, %broadcast_in_dim3A_3506 : vector<16xi1>, vector<16xf32>
    %add3A_3508 = arith.addf %add3A_3445, %select_n3A_3507 : vector<16xf32>
    %eq3A_3509 = arith.constant 1 : i32
    %eq3A_3510 = vector.broadcast %eq3A_3509 : i32 to vector<16xi32>
    %eq3A_3511 = arith.cmpi eq, %get3A_3495, %eq3A_3510 : vector<16xi32>
    %jit3A_3512 = arith.constant 0.000000e+00 : f32
    %broadcast_in_dim3A_3513 = vector.broadcast %jit3A_3512 : f32 to vector<16xf32>
    %select_n3A_3514 = arith.select %eq3A_3511, %get3A_3479, %broadcast_in_dim3A_3513 : vector<16xi1>, vector<16xf32>
    %add3A_3515 = arith.addf %add3A_3452, %select_n3A_3514 : vector<16xf32>
    %eq3A_3516 = arith.constant 2 : i32
    %eq3A_3517 = vector.broadcast %eq3A_3516 : i32 to vector<16xi32>
    %eq3A_3518 = arith.cmpi eq, %get3A_3495, %eq3A_3517 : vector<16xi32>
    %jit3A_3519 = arith.constant 0.000000e+00 : f32
    %broadcast_in_dim3A_3520 = vector.broadcast %jit3A_3519 : f32 to vector<16xf32>
    %select_n3A_3521 = arith.select %eq3A_3518, %get3A_3479, %broadcast_in_dim3A_3520 : vector<16xi1>, vector<16xf32>
    %add3A_3522 = arith.addf %add3A_3459, %select_n3A_3521 : vector<16xf32>
    %gt3A_3523 = arith.constant 0.000000e+00 : f32
    %gt3A_3524 = vector.broadcast %gt3A_3523 : f32 to vector<16xf32>
    %gt3A_3525 = arith.cmpf ogt, %get3A_3479, %gt3A_3524 : vector<16xf32>
    %jit3A_3526 = arith.constant 0.000000e+00 : f32
    %broadcast_in_dim3A_3527 = vector.broadcast %jit3A_3526 : f32 to vector<16xf32>
    %select_n3A_3528 = arith.select %gt3A_3525, %broadcast_in_dim3A_3527, %add3A_3486 : vector<16xi1>, vector<16xf32>
    %swap3A_3529 = arith.constant 880 : index
    %swap3A_3530 = tpu.vector_load %arg18[%swap3A_3529] {strides = array<i32>} : memref<1024xf32, #tpu.memory_space<vmem>>, vector<16xf32>,
    %swap3A_3531 = vector.shape_cast %swap3A_3530 : vector<16xf32> to vector<16xf32>
    %swap3A_3532 = vector.shape_cast %select_n3A_3528 : vector<16xf32> to vector<16xf32>
    tpu.vector_store %arg18[%swap3A_3529], %swap3A_3532 {strides = array<i32>} : memref<1024xf32, #tpu.memory_space<vmem>>, vector<16xf32>,
    %jit3A_3533 = arith.constant 0 : i32
    %broadcast_in_dim3A_3534 = vector.broadcast %jit3A_3533 : i32 to vector<16xi32>
    %select_n3A_3535 = arith.select %gt3A_3525, %broadcast_in_dim3A_3534, %add3A_3492 : vector<16xi1>, vector<16xi32>
    %swap3A_3536 = arith.constant 880 : index
    %swap3A_3537 = tpu.vector_load %arg19[%swap3A_3536] {strides = array<i32>} : memref<1024xi32, #tpu.memory_space<vmem>>, vector<16xi32>,
    %swap3A_3538 = vector.shape_cast %swap3A_3537 : vector<16xi32> to vector<16xi32>
    %swap3A_3539 = vector.shape_cast %select_n3A_3535 : vector<16xi32> to vector<16xi32>
    tpu.vector_store %arg19[%swap3A_3536], %swap3A_3539 {strides = array<i32>} : memref<1024xi32, #tpu.memory_space<vmem>>, vector<16xi32>,
    %get3A_3540 = arith.constant 896 : index
    %get3A_3541 = tpu.vector_load %arg14[%get3A_3540] {strides = array<i32>} : memref<1024xf32, #tpu.memory_space<vmem>>, vector<16xf32>,
    %get3A_3542 = vector.shape_cast %get3A_3541 : vector<16xf32> to vector<16xf32>
    %get3A_3543 = arith.constant 896 : index
    %get3A_3544 = tpu.vector_load %arg16[%get3A_3543] {strides = array<i32>} : memref<1024xf32, #tpu.memory_space<vmem>>, vector<16xf32>,
    %get3A_3545 = vector.shape_cast %get3A_3544 : vector<16xf32> to vector<16xf32>
    %get3A_3546 = arith.constant 896 : index
    %get3A_3547 = tpu.vector_load %arg13[%get3A_3546] {strides = array<i32>} : memref<1024xf32, #tpu.memory_space<vmem>>, vector<16xf32>,
    %get3A_3548 = vector.shape_cast %get3A_3547 : vector<16xf32> to vector<16xf32>
    %add3A_3549 = arith.addf %get3A_3545, %get3A_3548 : vector<16xf32>
    %get3A_3550 = arith.constant 896 : index
    %get3A_3551 = tpu.vector_load %arg17[%get3A_3550] {strides = array<i32>} : memref<1024xi32, #tpu.memory_space<vmem>>, vector<16xi32>,
    %get3A_3552 = vector.shape_cast %get3A_3551 : vector<16xi32> to vector<16xi32>
    %add3A_3553 = arith.constant 1 : i32
    %add3A_3554 = vector.broadcast %add3A_3553 : i32 to vector<16xi32>
    %add3A_3555 = arith.addi %get3A_3552, %add3A_3554 : vector<16xi32>
    %get3A_3556 = arith.constant 896 : index
    %get3A_3557 = tpu.vector_load %arg15[%get3A_3556] {strides = array<i32>} : memref<1024xi32, #tpu.memory_space<vmem>>, vector<16xi32>,
    %get3A_3558 = vector.shape_cast %get3A_3557 : vector<16xi32> to vector<16xi32>
    %add3A_3559 = arith.addf %add3A_3496, %get3A_3542 : vector<16xf32>
    %mul3A_3560 = arith.mulf %add3A_3549, %get3A_3542 : vector<16xf32>
    %add3A_3561 = arith.addf %add3A_3498, %mul3A_3560 : vector<16xf32>
    %convert_element_type3A_3562 = arith.sitofp %add3A_3555 : vector<16xi32> to vector<16xf32>
    %mul3A_3563 = arith.mulf %convert_element_type3A_3562, %get3A_3542 : vector<16xf32>
    %add3A_3564 = arith.addf %add3A_3501, %mul3A_3563 : vector<16xf32>
    %eq3A_3565 = arith.constant 0 : i32
    %eq3A_3566 = vector.broadcast %eq3A_3565 : i32 to vector<16xi32>
    %eq3A_3567 = arith.cmpi eq, %get3A_3558, %eq3A_3566 : vector<16xi32>
    %jit3A_3568 = arith.constant 0.000000e+00 : f32
    %broadcast_in_dim3A_3569 = vector.broadcast %jit3A_3568 : f32 to vector<16xf32>
    %select_n3A_3570 = arith.select %eq3A_3567, %get3A_3542, %broadcast_in_dim3A_3569 : vector<16xi1>, vector<16xf32>
    %add3A_3571 = arith.addf %add3A_3508, %select_n3A_3570 : vector<16xf32>
    %eq3A_3572 = arith.constant 1 : i32
    %eq3A_3573 = vector.broadcast %eq3A_3572 : i32 to vector<16xi32>
    %eq3A_3574 = arith.cmpi eq, %get3A_3558, %eq3A_3573 : vector<16xi32>
    %jit3A_3575 = arith.constant 0.000000e+00 : f32
    %broadcast_in_dim3A_3576 = vector.broadcast %jit3A_3575 : f32 to vector<16xf32>
    %select_n3A_3577 = arith.select %eq3A_3574, %get3A_3542, %broadcast_in_dim3A_3576 : vector<16xi1>, vector<16xf32>
    %add3A_3578 = arith.addf %add3A_3515, %select_n3A_3577 : vector<16xf32>
    %eq3A_3579 = arith.constant 2 : i32
    %eq3A_3580 = vector.broadcast %eq3A_3579 : i32 to vector<16xi32>
    %eq3A_3581 = arith.cmpi eq, %get3A_3558, %eq3A_3580 : vector<16xi32>
    %jit3A_3582 = arith.constant 0.000000e+00 : f32
    %broadcast_in_dim3A_3583 = vector.broadcast %jit3A_3582 : f32 to vector<16xf32>
    %select_n3A_3584 = arith.select %eq3A_3581, %get3A_3542, %broadcast_in_dim3A_3583 : vector<16xi1>, vector<16xf32>
    %add3A_3585 = arith.addf %add3A_3522, %select_n3A_3584 : vector<16xf32>
    %gt3A_3586 = arith.constant 0.000000e+00 : f32
    %gt3A_3587 = vector.broadcast %gt3A_3586 : f32 to vector<16xf32>
    %gt3A_3588 = arith.cmpf ogt, %get3A_3542, %gt3A_3587 : vector<16xf32>
    %jit3A_3589 = arith.constant 0.000000e+00 : f32
    %broadcast_in_dim3A_3590 = vector.broadcast %jit3A_3589 : f32 to vector<16xf32>
    %select_n3A_3591 = arith.select %gt3A_3588, %broadcast_in_dim3A_3590, %add3A_3549 : vector<16xi1>, vector<16xf32>
    %swap3A_3592 = arith.constant 896 : index
    %swap3A_3593 = tpu.vector_load %arg18[%swap3A_3592] {strides = array<i32>} : memref<1024xf32, #tpu.memory_space<vmem>>, vector<16xf32>,
    %swap3A_3594 = vector.shape_cast %swap3A_3593 : vector<16xf32> to vector<16xf32>
    %swap3A_3595 = vector.shape_cast %select_n3A_3591 : vector<16xf32> to vector<16xf32>
    tpu.vector_store %arg18[%swap3A_3592], %swap3A_3595 {strides = array<i32>} : memref<1024xf32, #tpu.memory_space<vmem>>, vector<16xf32>,
    %jit3A_3596 = arith.constant 0 : i32
    %broadcast_in_dim3A_3597 = vector.broadcast %jit3A_3596 : i32 to vector<16xi32>
    %select_n3A_3598 = arith.select %gt3A_3588, %broadcast_in_dim3A_3597, %add3A_3555 : vector<16xi1>, vector<16xi32>
    %swap3A_3599 = arith.constant 896 : index
    %swap3A_3600 = tpu.vector_load %arg19[%swap3A_3599] {strides = array<i32>} : memref<1024xi32, #tpu.memory_space<vmem>>, vector<16xi32>,
    %swap3A_3601 = vector.shape_cast %swap3A_3600 : vector<16xi32> to vector<16xi32>
    %swap3A_3602 = vector.shape_cast %select_n3A_3598 : vector<16xi32> to vector<16xi32>
    tpu.vector_store %arg19[%swap3A_3599], %swap3A_3602 {strides = array<i32>} : memref<1024xi32, #tpu.memory_space<vmem>>, vector<16xi32>,
    %get3A_3603 = arith.constant 912 : index
    %get3A_3604 = tpu.vector_load %arg14[%get3A_3603] {strides = array<i32>} : memref<1024xf32, #tpu.memory_space<vmem>>, vector<16xf32>,
    %get3A_3605 = vector.shape_cast %get3A_3604 : vector<16xf32> to vector<16xf32>
    %get3A_3606 = arith.constant 912 : index
    %get3A_3607 = tpu.vector_load %arg16[%get3A_3606] {strides = array<i32>} : memref<1024xf32, #tpu.memory_space<vmem>>, vector<16xf32>,
    %get3A_3608 = vector.shape_cast %get3A_3607 : vector<16xf32> to vector<16xf32>
    %get3A_3609 = arith.constant 912 : index
    %get3A_3610 = tpu.vector_load %arg13[%get3A_3609] {strides = array<i32>} : memref<1024xf32, #tpu.memory_space<vmem>>, vector<16xf32>,
    %get3A_3611 = vector.shape_cast %get3A_3610 : vector<16xf32> to vector<16xf32>
    %add3A_3612 = arith.addf %get3A_3608, %get3A_3611 : vector<16xf32>
    %get3A_3613 = arith.constant 912 : index
    %get3A_3614 = tpu.vector_load %arg17[%get3A_3613] {strides = array<i32>} : memref<1024xi32, #tpu.memory_space<vmem>>, vector<16xi32>,
    %get3A_3615 = vector.shape_cast %get3A_3614 : vector<16xi32> to vector<16xi32>
    %add3A_3616 = arith.constant 1 : i32
    %add3A_3617 = vector.broadcast %add3A_3616 : i32 to vector<16xi32>
    %add3A_3618 = arith.addi %get3A_3615, %add3A_3617 : vector<16xi32>
    %get3A_3619 = arith.constant 912 : index
    %get3A_3620 = tpu.vector_load %arg15[%get3A_3619] {strides = array<i32>} : memref<1024xi32, #tpu.memory_space<vmem>>, vector<16xi32>,
    %get3A_3621 = vector.shape_cast %get3A_3620 : vector<16xi32> to vector<16xi32>
    %add3A_3622 = arith.addf %add3A_3559, %get3A_3605 : vector<16xf32>
    %mul3A_3623 = arith.mulf %add3A_3612, %get3A_3605 : vector<16xf32>
    %add3A_3624 = arith.addf %add3A_3561, %mul3A_3623 : vector<16xf32>
    %convert_element_type3A_3625 = arith.sitofp %add3A_3618 : vector<16xi32> to vector<16xf32>
    %mul3A_3626 = arith.mulf %convert_element_type3A_3625, %get3A_3605 : vector<16xf32>
    %add3A_3627 = arith.addf %add3A_3564, %mul3A_3626 : vector<16xf32>
    %eq3A_3628 = arith.constant 0 : i32
    %eq3A_3629 = vector.broadcast %eq3A_3628 : i32 to vector<16xi32>
    %eq3A_3630 = arith.cmpi eq, %get3A_3621, %eq3A_3629 : vector<16xi32>
    %jit3A_3631 = arith.constant 0.000000e+00 : f32
    %broadcast_in_dim3A_3632 = vector.broadcast %jit3A_3631 : f32 to vector<16xf32>
    %select_n3A_3633 = arith.select %eq3A_3630, %get3A_3605, %broadcast_in_dim3A_3632 : vector<16xi1>, vector<16xf32>
    %add3A_3634 = arith.addf %add3A_3571, %select_n3A_3633 : vector<16xf32>
    %eq3A_3635 = arith.constant 1 : i32
    %eq3A_3636 = vector.broadcast %eq3A_3635 : i32 to vector<16xi32>
    %eq3A_3637 = arith.cmpi eq, %get3A_3621, %eq3A_3636 : vector<16xi32>
    %jit3A_3638 = arith.constant 0.000000e+00 : f32
    %broadcast_in_dim3A_3639 = vector.broadcast %jit3A_3638 : f32 to vector<16xf32>
    %select_n3A_3640 = arith.select %eq3A_3637, %get3A_3605, %broadcast_in_dim3A_3639 : vector<16xi1>, vector<16xf32>
    %add3A_3641 = arith.addf %add3A_3578, %select_n3A_3640 : vector<16xf32>
    %eq3A_3642 = arith.constant 2 : i32
    %eq3A_3643 = vector.broadcast %eq3A_3642 : i32 to vector<16xi32>
    %eq3A_3644 = arith.cmpi eq, %get3A_3621, %eq3A_3643 : vector<16xi32>
    %jit3A_3645 = arith.constant 0.000000e+00 : f32
    %broadcast_in_dim3A_3646 = vector.broadcast %jit3A_3645 : f32 to vector<16xf32>
    %select_n3A_3647 = arith.select %eq3A_3644, %get3A_3605, %broadcast_in_dim3A_3646 : vector<16xi1>, vector<16xf32>
    %add3A_3648 = arith.addf %add3A_3585, %select_n3A_3647 : vector<16xf32>
    %gt3A_3649 = arith.constant 0.000000e+00 : f32
    %gt3A_3650 = vector.broadcast %gt3A_3649 : f32 to vector<16xf32>
    %gt3A_3651 = arith.cmpf ogt, %get3A_3605, %gt3A_3650 : vector<16xf32>
    %jit3A_3652 = arith.constant 0.000000e+00 : f32
    %broadcast_in_dim3A_3653 = vector.broadcast %jit3A_3652 : f32 to vector<16xf32>
    %select_n3A_3654 = arith.select %gt3A_3651, %broadcast_in_dim3A_3653, %add3A_3612 : vector<16xi1>, vector<16xf32>
    %swap3A_3655 = arith.constant 912 : index
    %swap3A_3656 = tpu.vector_load %arg18[%swap3A_3655] {strides = array<i32>} : memref<1024xf32, #tpu.memory_space<vmem>>, vector<16xf32>,
    %swap3A_3657 = vector.shape_cast %swap3A_3656 : vector<16xf32> to vector<16xf32>
    %swap3A_3658 = vector.shape_cast %select_n3A_3654 : vector<16xf32> to vector<16xf32>
    tpu.vector_store %arg18[%swap3A_3655], %swap3A_3658 {strides = array<i32>} : memref<1024xf32, #tpu.memory_space<vmem>>, vector<16xf32>,
    %jit3A_3659 = arith.constant 0 : i32
    %broadcast_in_dim3A_3660 = vector.broadcast %jit3A_3659 : i32 to vector<16xi32>
    %select_n3A_3661 = arith.select %gt3A_3651, %broadcast_in_dim3A_3660, %add3A_3618 : vector<16xi1>, vector<16xi32>
    %swap3A_3662 = arith.constant 912 : index
    %swap3A_3663 = tpu.vector_load %arg19[%swap3A_3662] {strides = array<i32>} : memref<1024xi32, #tpu.memory_space<vmem>>, vector<16xi32>,
    %swap3A_3664 = vector.shape_cast %swap3A_3663 : vector<16xi32> to vector<16xi32>
    %swap3A_3665 = vector.shape_cast %select_n3A_3661 : vector<16xi32> to vector<16xi32>
    tpu.vector_store %arg19[%swap3A_3662], %swap3A_3665 {strides = array<i32>} : memref<1024xi32, #tpu.memory_space<vmem>>, vector<16xi32>,
    %get3A_3666 = arith.constant 928 : index
    %get3A_3667 = tpu.vector_load %arg14[%get3A_3666] {strides = array<i32>} : memref<1024xf32, #tpu.memory_space<vmem>>, vector<16xf32>,
    %get3A_3668 = vector.shape_cast %get3A_3667 : vector<16xf32> to vector<16xf32>
    %get3A_3669 = arith.constant 928 : index
    %get3A_3670 = tpu.vector_load %arg16[%get3A_3669] {strides = array<i32>} : memref<1024xf32, #tpu.memory_space<vmem>>, vector<16xf32>,
    %get3A_3671 = vector.shape_cast %get3A_3670 : vector<16xf32> to vector<16xf32>
    %get3A_3672 = arith.constant 928 : index
    %get3A_3673 = tpu.vector_load %arg13[%get3A_3672] {strides = array<i32>} : memref<1024xf32, #tpu.memory_space<vmem>>, vector<16xf32>,
    %get3A_3674 = vector.shape_cast %get3A_3673 : vector<16xf32> to vector<16xf32>
    %add3A_3675 = arith.addf %get3A_3671, %get3A_3674 : vector<16xf32>
    %get3A_3676 = arith.constant 928 : index
    %get3A_3677 = tpu.vector_load %arg17[%get3A_3676] {strides = array<i32>} : memref<1024xi32, #tpu.memory_space<vmem>>, vector<16xi32>,
    %get3A_3678 = vector.shape_cast %get3A_3677 : vector<16xi32> to vector<16xi32>
    %add3A_3679 = arith.constant 1 : i32
    %add3A_3680 = vector.broadcast %add3A_3679 : i32 to vector<16xi32>
    %add3A_3681 = arith.addi %get3A_3678, %add3A_3680 : vector<16xi32>
    %get3A_3682 = arith.constant 928 : index
    %get3A_3683 = tpu.vector_load %arg15[%get3A_3682] {strides = array<i32>} : memref<1024xi32, #tpu.memory_space<vmem>>, vector<16xi32>,
    %get3A_3684 = vector.shape_cast %get3A_3683 : vector<16xi32> to vector<16xi32>
    %add3A_3685 = arith.addf %add3A_3622, %get3A_3668 : vector<16xf32>
    %mul3A_3686 = arith.mulf %add3A_3675, %get3A_3668 : vector<16xf32>
    %add3A_3687 = arith.addf %add3A_3624, %mul3A_3686 : vector<16xf32>
    %convert_element_type3A_3688 = arith.sitofp %add3A_3681 : vector<16xi32> to vector<16xf32>
    %mul3A_3689 = arith.mulf %convert_element_type3A_3688, %get3A_3668 : vector<16xf32>
    %add3A_3690 = arith.addf %add3A_3627, %mul3A_3689 : vector<16xf32>
    %eq3A_3691 = arith.constant 0 : i32
    %eq3A_3692 = vector.broadcast %eq3A_3691 : i32 to vector<16xi32>
    %eq3A_3693 = arith.cmpi eq, %get3A_3684, %eq3A_3692 : vector<16xi32>
    %jit3A_3694 = arith.constant 0.000000e+00 : f32
    %broadcast_in_dim3A_3695 = vector.broadcast %jit3A_3694 : f32 to vector<16xf32>
    %select_n3A_3696 = arith.select %eq3A_3693, %get3A_3668, %broadcast_in_dim3A_3695 : vector<16xi1>, vector<16xf32>
    %add3A_3697 = arith.addf %add3A_3634, %select_n3A_3696 : vector<16xf32>
    %eq3A_3698 = arith.constant 1 : i32
    %eq3A_3699 = vector.broadcast %eq3A_3698 : i32 to vector<16xi32>
    %eq3A_3700 = arith.cmpi eq, %get3A_3684, %eq3A_3699 : vector<16xi32>
    %jit3A_3701 = arith.constant 0.000000e+00 : f32
    %broadcast_in_dim3A_3702 = vector.broadcast %jit3A_3701 : f32 to vector<16xf32>
    %select_n3A_3703 = arith.select %eq3A_3700, %get3A_3668, %broadcast_in_dim3A_3702 : vector<16xi1>, vector<16xf32>
    %add3A_3704 = arith.addf %add3A_3641, %select_n3A_3703 : vector<16xf32>
    %eq3A_3705 = arith.constant 2 : i32
    %eq3A_3706 = vector.broadcast %eq3A_3705 : i32 to vector<16xi32>
    %eq3A_3707 = arith.cmpi eq, %get3A_3684, %eq3A_3706 : vector<16xi32>
    %jit3A_3708 = arith.constant 0.000000e+00 : f32
    %broadcast_in_dim3A_3709 = vector.broadcast %jit3A_3708 : f32 to vector<16xf32>
    %select_n3A_3710 = arith.select %eq3A_3707, %get3A_3668, %broadcast_in_dim3A_3709 : vector<16xi1>, vector<16xf32>
    %add3A_3711 = arith.addf %add3A_3648, %select_n3A_3710 : vector<16xf32>
    %gt3A_3712 = arith.constant 0.000000e+00 : f32
    %gt3A_3713 = vector.broadcast %gt3A_3712 : f32 to vector<16xf32>
    %gt3A_3714 = arith.cmpf ogt, %get3A_3668, %gt3A_3713 : vector<16xf32>
    %jit3A_3715 = arith.constant 0.000000e+00 : f32
    %broadcast_in_dim3A_3716 = vector.broadcast %jit3A_3715 : f32 to vector<16xf32>
    %select_n3A_3717 = arith.select %gt3A_3714, %broadcast_in_dim3A_3716, %add3A_3675 : vector<16xi1>, vector<16xf32>
    %swap3A_3718 = arith.constant 928 : index
    %swap3A_3719 = tpu.vector_load %arg18[%swap3A_3718] {strides = array<i32>} : memref<1024xf32, #tpu.memory_space<vmem>>, vector<16xf32>,
    %swap3A_3720 = vector.shape_cast %swap3A_3719 : vector<16xf32> to vector<16xf32>
    %swap3A_3721 = vector.shape_cast %select_n3A_3717 : vector<16xf32> to vector<16xf32>
    tpu.vector_store %arg18[%swap3A_3718], %swap3A_3721 {strides = array<i32>} : memref<1024xf32, #tpu.memory_space<vmem>>, vector<16xf32>,
    %jit3A_3722 = arith.constant 0 : i32
    %broadcast_in_dim3A_3723 = vector.broadcast %jit3A_3722 : i32 to vector<16xi32>
    %select_n3A_3724 = arith.select %gt3A_3714, %broadcast_in_dim3A_3723, %add3A_3681 : vector<16xi1>, vector<16xi32>
    %swap3A_3725 = arith.constant 928 : index
    %swap3A_3726 = tpu.vector_load %arg19[%swap3A_3725] {strides = array<i32>} : memref<1024xi32, #tpu.memory_space<vmem>>, vector<16xi32>,
    %swap3A_3727 = vector.shape_cast %swap3A_3726 : vector<16xi32> to vector<16xi32>
    %swap3A_3728 = vector.shape_cast %select_n3A_3724 : vector<16xi32> to vector<16xi32>
    tpu.vector_store %arg19[%swap3A_3725], %swap3A_3728 {strides = array<i32>} : memref<1024xi32, #tpu.memory_space<vmem>>, vector<16xi32>,
    %get3A_3729 = arith.constant 944 : index
    %get3A_3730 = tpu.vector_load %arg14[%get3A_3729] {strides = array<i32>} : memref<1024xf32, #tpu.memory_space<vmem>>, vector<16xf32>,
    %get3A_3731 = vector.shape_cast %get3A_3730 : vector<16xf32> to vector<16xf32>
    %get3A_3732 = arith.constant 944 : index
    %get3A_3733 = tpu.vector_load %arg16[%get3A_3732] {strides = array<i32>} : memref<1024xf32, #tpu.memory_space<vmem>>, vector<16xf32>,
    %get3A_3734 = vector.shape_cast %get3A_3733 : vector<16xf32> to vector<16xf32>
    %get3A_3735 = arith.constant 944 : index
    %get3A_3736 = tpu.vector_load %arg13[%get3A_3735] {strides = array<i32>} : memref<1024xf32, #tpu.memory_space<vmem>>, vector<16xf32>,
    %get3A_3737 = vector.shape_cast %get3A_3736 : vector<16xf32> to vector<16xf32>
    %add3A_3738 = arith.addf %get3A_3734, %get3A_3737 : vector<16xf32>
    %get3A_3739 = arith.constant 944 : index
    %get3A_3740 = tpu.vector_load %arg17[%get3A_3739] {strides = array<i32>} : memref<1024xi32, #tpu.memory_space<vmem>>, vector<16xi32>,
    %get3A_3741 = vector.shape_cast %get3A_3740 : vector<16xi32> to vector<16xi32>
    %add3A_3742 = arith.constant 1 : i32
    %add3A_3743 = vector.broadcast %add3A_3742 : i32 to vector<16xi32>
    %add3A_3744 = arith.addi %get3A_3741, %add3A_3743 : vector<16xi32>
    %get3A_3745 = arith.constant 944 : index
    %get3A_3746 = tpu.vector_load %arg15[%get3A_3745] {strides = array<i32>} : memref<1024xi32, #tpu.memory_space<vmem>>, vector<16xi32>,
    %get3A_3747 = vector.shape_cast %get3A_3746 : vector<16xi32> to vector<16xi32>
    %add3A_3748 = arith.addf %add3A_3685, %get3A_3731 : vector<16xf32>
    %mul3A_3749 = arith.mulf %add3A_3738, %get3A_3731 : vector<16xf32>
    %add3A_3750 = arith.addf %add3A_3687, %mul3A_3749 : vector<16xf32>
    %convert_element_type3A_3751 = arith.sitofp %add3A_3744 : vector<16xi32> to vector<16xf32>
    %mul3A_3752 = arith.mulf %convert_element_type3A_3751, %get3A_3731 : vector<16xf32>
    %add3A_3753 = arith.addf %add3A_3690, %mul3A_3752 : vector<16xf32>
    %eq3A_3754 = arith.constant 0 : i32
    %eq3A_3755 = vector.broadcast %eq3A_3754 : i32 to vector<16xi32>
    %eq3A_3756 = arith.cmpi eq, %get3A_3747, %eq3A_3755 : vector<16xi32>
    %jit3A_3757 = arith.constant 0.000000e+00 : f32
    %broadcast_in_dim3A_3758 = vector.broadcast %jit3A_3757 : f32 to vector<16xf32>
    %select_n3A_3759 = arith.select %eq3A_3756, %get3A_3731, %broadcast_in_dim3A_3758 : vector<16xi1>, vector<16xf32>
    %add3A_3760 = arith.addf %add3A_3697, %select_n3A_3759 : vector<16xf32>
    %eq3A_3761 = arith.constant 1 : i32
    %eq3A_3762 = vector.broadcast %eq3A_3761 : i32 to vector<16xi32>
    %eq3A_3763 = arith.cmpi eq, %get3A_3747, %eq3A_3762 : vector<16xi32>
    %jit3A_3764 = arith.constant 0.000000e+00 : f32
    %broadcast_in_dim3A_3765 = vector.broadcast %jit3A_3764 : f32 to vector<16xf32>
    %select_n3A_3766 = arith.select %eq3A_3763, %get3A_3731, %broadcast_in_dim3A_3765 : vector<16xi1>, vector<16xf32>
    %add3A_3767 = arith.addf %add3A_3704, %select_n3A_3766 : vector<16xf32>
    %eq3A_3768 = arith.constant 2 : i32
    %eq3A_3769 = vector.broadcast %eq3A_3768 : i32 to vector<16xi32>
    %eq3A_3770 = arith.cmpi eq, %get3A_3747, %eq3A_3769 : vector<16xi32>
    %jit3A_3771 = arith.constant 0.000000e+00 : f32
    %broadcast_in_dim3A_3772 = vector.broadcast %jit3A_3771 : f32 to vector<16xf32>
    %select_n3A_3773 = arith.select %eq3A_3770, %get3A_3731, %broadcast_in_dim3A_3772 : vector<16xi1>, vector<16xf32>
    %add3A_3774 = arith.addf %add3A_3711, %select_n3A_3773 : vector<16xf32>
    %gt3A_3775 = arith.constant 0.000000e+00 : f32
    %gt3A_3776 = vector.broadcast %gt3A_3775 : f32 to vector<16xf32>
    %gt3A_3777 = arith.cmpf ogt, %get3A_3731, %gt3A_3776 : vector<16xf32>
    %jit3A_3778 = arith.constant 0.000000e+00 : f32
    %broadcast_in_dim3A_3779 = vector.broadcast %jit3A_3778 : f32 to vector<16xf32>
    %select_n3A_3780 = arith.select %gt3A_3777, %broadcast_in_dim3A_3779, %add3A_3738 : vector<16xi1>, vector<16xf32>
    %swap3A_3781 = arith.constant 944 : index
    %swap3A_3782 = tpu.vector_load %arg18[%swap3A_3781] {strides = array<i32>} : memref<1024xf32, #tpu.memory_space<vmem>>, vector<16xf32>,
    %swap3A_3783 = vector.shape_cast %swap3A_3782 : vector<16xf32> to vector<16xf32>
    %swap3A_3784 = vector.shape_cast %select_n3A_3780 : vector<16xf32> to vector<16xf32>
    tpu.vector_store %arg18[%swap3A_3781], %swap3A_3784 {strides = array<i32>} : memref<1024xf32, #tpu.memory_space<vmem>>, vector<16xf32>,
    %jit3A_3785 = arith.constant 0 : i32
    %broadcast_in_dim3A_3786 = vector.broadcast %jit3A_3785 : i32 to vector<16xi32>
    %select_n3A_3787 = arith.select %gt3A_3777, %broadcast_in_dim3A_3786, %add3A_3744 : vector<16xi1>, vector<16xi32>
    %swap3A_3788 = arith.constant 944 : index
    %swap3A_3789 = tpu.vector_load %arg19[%swap3A_3788] {strides = array<i32>} : memref<1024xi32, #tpu.memory_space<vmem>>, vector<16xi32>,
    %swap3A_3790 = vector.shape_cast %swap3A_3789 : vector<16xi32> to vector<16xi32>
    %swap3A_3791 = vector.shape_cast %select_n3A_3787 : vector<16xi32> to vector<16xi32>
    tpu.vector_store %arg19[%swap3A_3788], %swap3A_3791 {strides = array<i32>} : memref<1024xi32, #tpu.memory_space<vmem>>, vector<16xi32>,
    %get3A_3792 = arith.constant 960 : index
    %get3A_3793 = tpu.vector_load %arg14[%get3A_3792] {strides = array<i32>} : memref<1024xf32, #tpu.memory_space<vmem>>, vector<16xf32>,
    %get3A_3794 = vector.shape_cast %get3A_3793 : vector<16xf32> to vector<16xf32>
    %get3A_3795 = arith.constant 960 : index
    %get3A_3796 = tpu.vector_load %arg16[%get3A_3795] {strides = array<i32>} : memref<1024xf32, #tpu.memory_space<vmem>>, vector<16xf32>,
    %get3A_3797 = vector.shape_cast %get3A_3796 : vector<16xf32> to vector<16xf32>
    %get3A_3798 = arith.constant 960 : index
    %get3A_3799 = tpu.vector_load %arg13[%get3A_3798] {strides = array<i32>} : memref<1024xf32, #tpu.memory_space<vmem>>, vector<16xf32>,
    %get3A_3800 = vector.shape_cast %get3A_3799 : vector<16xf32> to vector<16xf32>
    %add3A_3801 = arith.addf %get3A_3797, %get3A_3800 : vector<16xf32>
    %get3A_3802 = arith.constant 960 : index
    %get3A_3803 = tpu.vector_load %arg17[%get3A_3802] {strides = array<i32>} : memref<1024xi32, #tpu.memory_space<vmem>>, vector<16xi32>,
    %get3A_3804 = vector.shape_cast %get3A_3803 : vector<16xi32> to vector<16xi32>
    %add3A_3805 = arith.constant 1 : i32
    %add3A_3806 = vector.broadcast %add3A_3805 : i32 to vector<16xi32>
    %add3A_3807 = arith.addi %get3A_3804, %add3A_3806 : vector<16xi32>
    %get3A_3808 = arith.constant 960 : index
    %get3A_3809 = tpu.vector_load %arg15[%get3A_3808] {strides = array<i32>} : memref<1024xi32, #tpu.memory_space<vmem>>, vector<16xi32>,
    %get3A_3810 = vector.shape_cast %get3A_3809 : vector<16xi32> to vector<16xi32>
    %add3A_3811 = arith.addf %add3A_3748, %get3A_3794 : vector<16xf32>
    %mul3A_3812 = arith.mulf %add3A_3801, %get3A_3794 : vector<16xf32>
    %add3A_3813 = arith.addf %add3A_3750, %mul3A_3812 : vector<16xf32>
    %convert_element_type3A_3814 = arith.sitofp %add3A_3807 : vector<16xi32> to vector<16xf32>
    %mul3A_3815 = arith.mulf %convert_element_type3A_3814, %get3A_3794 : vector<16xf32>
    %add3A_3816 = arith.addf %add3A_3753, %mul3A_3815 : vector<16xf32>
    %eq3A_3817 = arith.constant 0 : i32
    %eq3A_3818 = vector.broadcast %eq3A_3817 : i32 to vector<16xi32>
    %eq3A_3819 = arith.cmpi eq, %get3A_3810, %eq3A_3818 : vector<16xi32>
    %jit3A_3820 = arith.constant 0.000000e+00 : f32
    %broadcast_in_dim3A_3821 = vector.broadcast %jit3A_3820 : f32 to vector<16xf32>
    %select_n3A_3822 = arith.select %eq3A_3819, %get3A_3794, %broadcast_in_dim3A_3821 : vector<16xi1>, vector<16xf32>
    %add3A_3823 = arith.addf %add3A_3760, %select_n3A_3822 : vector<16xf32>
    %eq3A_3824 = arith.constant 1 : i32
    %eq3A_3825 = vector.broadcast %eq3A_3824 : i32 to vector<16xi32>
    %eq3A_3826 = arith.cmpi eq, %get3A_3810, %eq3A_3825 : vector<16xi32>
    %jit3A_3827 = arith.constant 0.000000e+00 : f32
    %broadcast_in_dim3A_3828 = vector.broadcast %jit3A_3827 : f32 to vector<16xf32>
    %select_n3A_3829 = arith.select %eq3A_3826, %get3A_3794, %broadcast_in_dim3A_3828 : vector<16xi1>, vector<16xf32>
    %add3A_3830 = arith.addf %add3A_3767, %select_n3A_3829 : vector<16xf32>
    %eq3A_3831 = arith.constant 2 : i32
    %eq3A_3832 = vector.broadcast %eq3A_3831 : i32 to vector<16xi32>
    %eq3A_3833 = arith.cmpi eq, %get3A_3810, %eq3A_3832 : vector<16xi32>
    %jit3A_3834 = arith.constant 0.000000e+00 : f32
    %broadcast_in_dim3A_3835 = vector.broadcast %jit3A_3834 : f32 to vector<16xf32>
    %select_n3A_3836 = arith.select %eq3A_3833, %get3A_3794, %broadcast_in_dim3A_3835 : vector<16xi1>, vector<16xf32>
    %add3A_3837 = arith.addf %add3A_3774, %select_n3A_3836 : vector<16xf32>
    %gt3A_3838 = arith.constant 0.000000e+00 : f32
    %gt3A_3839 = vector.broadcast %gt3A_3838 : f32 to vector<16xf32>
    %gt3A_3840 = arith.cmpf ogt, %get3A_3794, %gt3A_3839 : vector<16xf32>
    %jit3A_3841 = arith.constant 0.000000e+00 : f32
    %broadcast_in_dim3A_3842 = vector.broadcast %jit3A_3841 : f32 to vector<16xf32>
    %select_n3A_3843 = arith.select %gt3A_3840, %broadcast_in_dim3A_3842, %add3A_3801 : vector<16xi1>, vector<16xf32>
    %swap3A_3844 = arith.constant 960 : index
    %swap3A_3845 = tpu.vector_load %arg18[%swap3A_3844] {strides = array<i32>} : memref<1024xf32, #tpu.memory_space<vmem>>, vector<16xf32>,
    %swap3A_3846 = vector.shape_cast %swap3A_3845 : vector<16xf32> to vector<16xf32>
    %swap3A_3847 = vector.shape_cast %select_n3A_3843 : vector<16xf32> to vector<16xf32>
    tpu.vector_store %arg18[%swap3A_3844], %swap3A_3847 {strides = array<i32>} : memref<1024xf32, #tpu.memory_space<vmem>>, vector<16xf32>,
    %jit3A_3848 = arith.constant 0 : i32
    %broadcast_in_dim3A_3849 = vector.broadcast %jit3A_3848 : i32 to vector<16xi32>
    %select_n3A_3850 = arith.select %gt3A_3840, %broadcast_in_dim3A_3849, %add3A_3807 : vector<16xi1>, vector<16xi32>
    %swap3A_3851 = arith.constant 960 : index
    %swap3A_3852 = tpu.vector_load %arg19[%swap3A_3851] {strides = array<i32>} : memref<1024xi32, #tpu.memory_space<vmem>>, vector<16xi32>,
    %swap3A_3853 = vector.shape_cast %swap3A_3852 : vector<16xi32> to vector<16xi32>
    %swap3A_3854 = vector.shape_cast %select_n3A_3850 : vector<16xi32> to vector<16xi32>
    tpu.vector_store %arg19[%swap3A_3851], %swap3A_3854 {strides = array<i32>} : memref<1024xi32, #tpu.memory_space<vmem>>, vector<16xi32>,
    %get3A_3855 = arith.constant 976 : index
    %get3A_3856 = tpu.vector_load %arg14[%get3A_3855] {strides = array<i32>} : memref<1024xf32, #tpu.memory_space<vmem>>, vector<16xf32>,
    %get3A_3857 = vector.shape_cast %get3A_3856 : vector<16xf32> to vector<16xf32>
    %get3A_3858 = arith.constant 976 : index
    %get3A_3859 = tpu.vector_load %arg16[%get3A_3858] {strides = array<i32>} : memref<1024xf32, #tpu.memory_space<vmem>>, vector<16xf32>,
    %get3A_3860 = vector.shape_cast %get3A_3859 : vector<16xf32> to vector<16xf32>
    %get3A_3861 = arith.constant 976 : index
    %get3A_3862 = tpu.vector_load %arg13[%get3A_3861] {strides = array<i32>} : memref<1024xf32, #tpu.memory_space<vmem>>, vector<16xf32>,
    %get3A_3863 = vector.shape_cast %get3A_3862 : vector<16xf32> to vector<16xf32>
    %add3A_3864 = arith.addf %get3A_3860, %get3A_3863 : vector<16xf32>
    %get3A_3865 = arith.constant 976 : index
    %get3A_3866 = tpu.vector_load %arg17[%get3A_3865] {strides = array<i32>} : memref<1024xi32, #tpu.memory_space<vmem>>, vector<16xi32>,
    %get3A_3867 = vector.shape_cast %get3A_3866 : vector<16xi32> to vector<16xi32>
    %add3A_3868 = arith.constant 1 : i32
    %add3A_3869 = vector.broadcast %add3A_3868 : i32 to vector<16xi32>
    %add3A_3870 = arith.addi %get3A_3867, %add3A_3869 : vector<16xi32>
    %get3A_3871 = arith.constant 976 : index
    %get3A_3872 = tpu.vector_load %arg15[%get3A_3871] {strides = array<i32>} : memref<1024xi32, #tpu.memory_space<vmem>>, vector<16xi32>,
    %get3A_3873 = vector.shape_cast %get3A_3872 : vector<16xi32> to vector<16xi32>
    %add3A_3874 = arith.addf %add3A_3811, %get3A_3857 : vector<16xf32>
    %mul3A_3875 = arith.mulf %add3A_3864, %get3A_3857 : vector<16xf32>
    %add3A_3876 = arith.addf %add3A_3813, %mul3A_3875 : vector<16xf32>
    %convert_element_type3A_3877 = arith.sitofp %add3A_3870 : vector<16xi32> to vector<16xf32>
    %mul3A_3878 = arith.mulf %convert_element_type3A_3877, %get3A_3857 : vector<16xf32>
    %add3A_3879 = arith.addf %add3A_3816, %mul3A_3878 : vector<16xf32>
    %eq3A_3880 = arith.constant 0 : i32
    %eq3A_3881 = vector.broadcast %eq3A_3880 : i32 to vector<16xi32>
    %eq3A_3882 = arith.cmpi eq, %get3A_3873, %eq3A_3881 : vector<16xi32>
    %jit3A_3883 = arith.constant 0.000000e+00 : f32
    %broadcast_in_dim3A_3884 = vector.broadcast %jit3A_3883 : f32 to vector<16xf32>
    %select_n3A_3885 = arith.select %eq3A_3882, %get3A_3857, %broadcast_in_dim3A_3884 : vector<16xi1>, vector<16xf32>
    %add3A_3886 = arith.addf %add3A_3823, %select_n3A_3885 : vector<16xf32>
    %eq3A_3887 = arith.constant 1 : i32
    %eq3A_3888 = vector.broadcast %eq3A_3887 : i32 to vector<16xi32>
    %eq3A_3889 = arith.cmpi eq, %get3A_3873, %eq3A_3888 : vector<16xi32>
    %jit3A_3890 = arith.constant 0.000000e+00 : f32
    %broadcast_in_dim3A_3891 = vector.broadcast %jit3A_3890 : f32 to vector<16xf32>
    %select_n3A_3892 = arith.select %eq3A_3889, %get3A_3857, %broadcast_in_dim3A_3891 : vector<16xi1>, vector<16xf32>
    %add3A_3893 = arith.addf %add3A_3830, %select_n3A_3892 : vector<16xf32>
    %eq3A_3894 = arith.constant 2 : i32
    %eq3A_3895 = vector.broadcast %eq3A_3894 : i32 to vector<16xi32>
    %eq3A_3896 = arith.cmpi eq, %get3A_3873, %eq3A_3895 : vector<16xi32>
    %jit3A_3897 = arith.constant 0.000000e+00 : f32
    %broadcast_in_dim3A_3898 = vector.broadcast %jit3A_3897 : f32 to vector<16xf32>
    %select_n3A_3899 = arith.select %eq3A_3896, %get3A_3857, %broadcast_in_dim3A_3898 : vector<16xi1>, vector<16xf32>
    %add3A_3900 = arith.addf %add3A_3837, %select_n3A_3899 : vector<16xf32>
    %gt3A_3901 = arith.constant 0.000000e+00 : f32
    %gt3A_3902 = vector.broadcast %gt3A_3901 : f32 to vector<16xf32>
    %gt3A_3903 = arith.cmpf ogt, %get3A_3857, %gt3A_3902 : vector<16xf32>
    %jit3A_3904 = arith.constant 0.000000e+00 : f32
    %broadcast_in_dim3A_3905 = vector.broadcast %jit3A_3904 : f32 to vector<16xf32>
    %select_n3A_3906 = arith.select %gt3A_3903, %broadcast_in_dim3A_3905, %add3A_3864 : vector<16xi1>, vector<16xf32>
    %swap3A_3907 = arith.constant 976 : index
    %swap3A_3908 = tpu.vector_load %arg18[%swap3A_3907] {strides = array<i32>} : memref<1024xf32, #tpu.memory_space<vmem>>, vector<16xf32>,
    %swap3A_3909 = vector.shape_cast %swap3A_3908 : vector<16xf32> to vector<16xf32>
    %swap3A_3910 = vector.shape_cast %select_n3A_3906 : vector<16xf32> to vector<16xf32>
    tpu.vector_store %arg18[%swap3A_3907], %swap3A_3910 {strides = array<i32>} : memref<1024xf32, #tpu.memory_space<vmem>>, vector<16xf32>,
    %jit3A_3911 = arith.constant 0 : i32
    %broadcast_in_dim3A_3912 = vector.broadcast %jit3A_3911 : i32 to vector<16xi32>
    %select_n3A_3913 = arith.select %gt3A_3903, %broadcast_in_dim3A_3912, %add3A_3870 : vector<16xi1>, vector<16xi32>
    %swap3A_3914 = arith.constant 976 : index
    %swap3A_3915 = tpu.vector_load %arg19[%swap3A_3914] {strides = array<i32>} : memref<1024xi32, #tpu.memory_space<vmem>>, vector<16xi32>,
    %swap3A_3916 = vector.shape_cast %swap3A_3915 : vector<16xi32> to vector<16xi32>
    %swap3A_3917 = vector.shape_cast %select_n3A_3913 : vector<16xi32> to vector<16xi32>
    tpu.vector_store %arg19[%swap3A_3914], %swap3A_3917 {strides = array<i32>} : memref<1024xi32, #tpu.memory_space<vmem>>, vector<16xi32>,
    %get3A_3918 = arith.constant 992 : index
    %get3A_3919 = tpu.vector_load %arg14[%get3A_3918] {strides = array<i32>} : memref<1024xf32, #tpu.memory_space<vmem>>, vector<16xf32>,
    %get3A_3920 = vector.shape_cast %get3A_3919 : vector<16xf32> to vector<16xf32>
    %get3A_3921 = arith.constant 992 : index
    %get3A_3922 = tpu.vector_load %arg16[%get3A_3921] {strides = array<i32>} : memref<1024xf32, #tpu.memory_space<vmem>>, vector<16xf32>,
    %get3A_3923 = vector.shape_cast %get3A_3922 : vector<16xf32> to vector<16xf32>
    %get3A_3924 = arith.constant 992 : index
    %get3A_3925 = tpu.vector_load %arg13[%get3A_3924] {strides = array<i32>} : memref<1024xf32, #tpu.memory_space<vmem>>, vector<16xf32>,
    %get3A_3926 = vector.shape_cast %get3A_3925 : vector<16xf32> to vector<16xf32>
    %add3A_3927 = arith.addf %get3A_3923, %get3A_3926 : vector<16xf32>
    %get3A_3928 = arith.constant 992 : index
    %get3A_3929 = tpu.vector_load %arg17[%get3A_3928] {strides = array<i32>} : memref<1024xi32, #tpu.memory_space<vmem>>, vector<16xi32>,
    %get3A_3930 = vector.shape_cast %get3A_3929 : vector<16xi32> to vector<16xi32>
    %add3A_3931 = arith.constant 1 : i32
    %add3A_3932 = vector.broadcast %add3A_3931 : i32 to vector<16xi32>
    %add3A_3933 = arith.addi %get3A_3930, %add3A_3932 : vector<16xi32>
    %get3A_3934 = arith.constant 992 : index
    %get3A_3935 = tpu.vector_load %arg15[%get3A_3934] {strides = array<i32>} : memref<1024xi32, #tpu.memory_space<vmem>>, vector<16xi32>,
    %get3A_3936 = vector.shape_cast %get3A_3935 : vector<16xi32> to vector<16xi32>
    %add3A_3937 = arith.addf %add3A_3874, %get3A_3920 : vector<16xf32>
    %mul3A_3938 = arith.mulf %add3A_3927, %get3A_3920 : vector<16xf32>
    %add3A_3939 = arith.addf %add3A_3876, %mul3A_3938 : vector<16xf32>
    %convert_element_type3A_3940 = arith.sitofp %add3A_3933 : vector<16xi32> to vector<16xf32>
    %mul3A_3941 = arith.mulf %convert_element_type3A_3940, %get3A_3920 : vector<16xf32>
    %add3A_3942 = arith.addf %add3A_3879, %mul3A_3941 : vector<16xf32>
    %eq3A_3943 = arith.constant 0 : i32
    %eq3A_3944 = vector.broadcast %eq3A_3943 : i32 to vector<16xi32>
    %eq3A_3945 = arith.cmpi eq, %get3A_3936, %eq3A_3944 : vector<16xi32>
    %jit3A_3946 = arith.constant 0.000000e+00 : f32
    %broadcast_in_dim3A_3947 = vector.broadcast %jit3A_3946 : f32 to vector<16xf32>
    %select_n3A_3948 = arith.select %eq3A_3945, %get3A_3920, %broadcast_in_dim3A_3947 : vector<16xi1>, vector<16xf32>
    %add3A_3949 = arith.addf %add3A_3886, %select_n3A_3948 : vector<16xf32>
    %eq3A_3950 = arith.constant 1 : i32
    %eq3A_3951 = vector.broadcast %eq3A_3950 : i32 to vector<16xi32>
    %eq3A_3952 = arith.cmpi eq, %get3A_3936, %eq3A_3951 : vector<16xi32>
    %jit3A_3953 = arith.constant 0.000000e+00 : f32
    %broadcast_in_dim3A_3954 = vector.broadcast %jit3A_3953 : f32 to vector<16xf32>
    %select_n3A_3955 = arith.select %eq3A_3952, %get3A_3920, %broadcast_in_dim3A_3954 : vector<16xi1>, vector<16xf32>
    %add3A_3956 = arith.addf %add3A_3893, %select_n3A_3955 : vector<16xf32>
    %eq3A_3957 = arith.constant 2 : i32
    %eq3A_3958 = vector.broadcast %eq3A_3957 : i32 to vector<16xi32>
    %eq3A_3959 = arith.cmpi eq, %get3A_3936, %eq3A_3958 : vector<16xi32>
    %jit3A_3960 = arith.constant 0.000000e+00 : f32
    %broadcast_in_dim3A_3961 = vector.broadcast %jit3A_3960 : f32 to vector<16xf32>
    %select_n3A_3962 = arith.select %eq3A_3959, %get3A_3920, %broadcast_in_dim3A_3961 : vector<16xi1>, vector<16xf32>
    %add3A_3963 = arith.addf %add3A_3900, %select_n3A_3962 : vector<16xf32>
    %gt3A_3964 = arith.constant 0.000000e+00 : f32
    %gt3A_3965 = vector.broadcast %gt3A_3964 : f32 to vector<16xf32>
    %gt3A_3966 = arith.cmpf ogt, %get3A_3920, %gt3A_3965 : vector<16xf32>
    %jit3A_3967 = arith.constant 0.000000e+00 : f32
    %broadcast_in_dim3A_3968 = vector.broadcast %jit3A_3967 : f32 to vector<16xf32>
    %select_n3A_3969 = arith.select %gt3A_3966, %broadcast_in_dim3A_3968, %add3A_3927 : vector<16xi1>, vector<16xf32>
    %swap3A_3970 = arith.constant 992 : index
    %swap3A_3971 = tpu.vector_load %arg18[%swap3A_3970] {strides = array<i32>} : memref<1024xf32, #tpu.memory_space<vmem>>, vector<16xf32>,
    %swap3A_3972 = vector.shape_cast %swap3A_3971 : vector<16xf32> to vector<16xf32>
    %swap3A_3973 = vector.shape_cast %select_n3A_3969 : vector<16xf32> to vector<16xf32>
    tpu.vector_store %arg18[%swap3A_3970], %swap3A_3973 {strides = array<i32>} : memref<1024xf32, #tpu.memory_space<vmem>>, vector<16xf32>,
    %jit3A_3974 = arith.constant 0 : i32
    %broadcast_in_dim3A_3975 = vector.broadcast %jit3A_3974 : i32 to vector<16xi32>
    %select_n3A_3976 = arith.select %gt3A_3966, %broadcast_in_dim3A_3975, %add3A_3933 : vector<16xi1>, vector<16xi32>
    %swap3A_3977 = arith.constant 992 : index
    %swap3A_3978 = tpu.vector_load %arg19[%swap3A_3977] {strides = array<i32>} : memref<1024xi32, #tpu.memory_space<vmem>>, vector<16xi32>,
    %swap3A_3979 = vector.shape_cast %swap3A_3978 : vector<16xi32> to vector<16xi32>
    %swap3A_3980 = vector.shape_cast %select_n3A_3976 : vector<16xi32> to vector<16xi32>
    tpu.vector_store %arg19[%swap3A_3977], %swap3A_3980 {strides = array<i32>} : memref<1024xi32, #tpu.memory_space<vmem>>, vector<16xi32>,
    %get3A_3981 = arith.constant 1008 : index
    %get3A_3982 = tpu.vector_load %arg14[%get3A_3981] {strides = array<i32>} : memref<1024xf32, #tpu.memory_space<vmem>>, vector<16xf32>,
    %get3A_3983 = vector.shape_cast %get3A_3982 : vector<16xf32> to vector<16xf32>
    %get3A_3984 = arith.constant 1008 : index
    %get3A_3985 = tpu.vector_load %arg16[%get3A_3984] {strides = array<i32>} : memref<1024xf32, #tpu.memory_space<vmem>>, vector<16xf32>,
    %get3A_3986 = vector.shape_cast %get3A_3985 : vector<16xf32> to vector<16xf32>
    %get3A_3987 = arith.constant 1008 : index
    %get3A_3988 = tpu.vector_load %arg13[%get3A_3987] {strides = array<i32>} : memref<1024xf32, #tpu.memory_space<vmem>>, vector<16xf32>,
    %get3A_3989 = vector.shape_cast %get3A_3988 : vector<16xf32> to vector<16xf32>
    %add3A_3990 = arith.addf %get3A_3986, %get3A_3989 : vector<16xf32>
    %get3A_3991 = arith.constant 1008 : index
    %get3A_3992 = tpu.vector_load %arg17[%get3A_3991] {strides = array<i32>} : memref<1024xi32, #tpu.memory_space<vmem>>, vector<16xi32>,
    %get3A_3993 = vector.shape_cast %get3A_3992 : vector<16xi32> to vector<16xi32>
    %add3A_3994 = arith.constant 1 : i32
    %add3A_3995 = vector.broadcast %add3A_3994 : i32 to vector<16xi32>
    %add3A_3996 = arith.addi %get3A_3993, %add3A_3995 : vector<16xi32>
    %get3A_3997 = arith.constant 1008 : index
    %get3A_3998 = tpu.vector_load %arg15[%get3A_3997] {strides = array<i32>} : memref<1024xi32, #tpu.memory_space<vmem>>, vector<16xi32>,
    %get3A_3999 = vector.shape_cast %get3A_3998 : vector<16xi32> to vector<16xi32>
    %add3A_4000 = arith.addf %add3A_3937, %get3A_3983 : vector<16xf32>
    %mul3A_4001 = arith.mulf %add3A_3990, %get3A_3983 : vector<16xf32>
    %add3A_4002 = arith.addf %add3A_3939, %mul3A_4001 : vector<16xf32>
    %convert_element_type3A_4003 = arith.sitofp %add3A_3996 : vector<16xi32> to vector<16xf32>
    %mul3A_4004 = arith.mulf %convert_element_type3A_4003, %get3A_3983 : vector<16xf32>
    %add3A_4005 = arith.addf %add3A_3942, %mul3A_4004 : vector<16xf32>
    %eq3A_4006 = arith.constant 0 : i32
    %eq3A_4007 = vector.broadcast %eq3A_4006 : i32 to vector<16xi32>
    %eq3A_4008 = arith.cmpi eq, %get3A_3999, %eq3A_4007 : vector<16xi32>
    %jit3A_4009 = arith.constant 0.000000e+00 : f32
    %broadcast_in_dim3A_4010 = vector.broadcast %jit3A_4009 : f32 to vector<16xf32>
    %select_n3A_4011 = arith.select %eq3A_4008, %get3A_3983, %broadcast_in_dim3A_4010 : vector<16xi1>, vector<16xf32>
    %add3A_4012 = arith.addf %add3A_3949, %select_n3A_4011 : vector<16xf32>
    %eq3A_4013 = arith.constant 1 : i32
    %eq3A_4014 = vector.broadcast %eq3A_4013 : i32 to vector<16xi32>
    %eq3A_4015 = arith.cmpi eq, %get3A_3999, %eq3A_4014 : vector<16xi32>
    %jit3A_4016 = arith.constant 0.000000e+00 : f32
    %broadcast_in_dim3A_4017 = vector.broadcast %jit3A_4016 : f32 to vector<16xf32>
    %select_n3A_4018 = arith.select %eq3A_4015, %get3A_3983, %broadcast_in_dim3A_4017 : vector<16xi1>, vector<16xf32>
    %add3A_4019 = arith.addf %add3A_3956, %select_n3A_4018 : vector<16xf32>
    %eq3A_4020 = arith.constant 2 : i32
    %eq3A_4021 = vector.broadcast %eq3A_4020 : i32 to vector<16xi32>
    %eq3A_4022 = arith.cmpi eq, %get3A_3999, %eq3A_4021 : vector<16xi32>
    %jit3A_4023 = arith.constant 0.000000e+00 : f32
    %broadcast_in_dim3A_4024 = vector.broadcast %jit3A_4023 : f32 to vector<16xf32>
    %select_n3A_4025 = arith.select %eq3A_4022, %get3A_3983, %broadcast_in_dim3A_4024 : vector<16xi1>, vector<16xf32>
    %add3A_4026 = arith.addf %add3A_3963, %select_n3A_4025 : vector<16xf32>
    %gt3A_4027 = arith.constant 0.000000e+00 : f32
    %gt3A_4028 = vector.broadcast %gt3A_4027 : f32 to vector<16xf32>
    %gt3A_4029 = arith.cmpf ogt, %get3A_3983, %gt3A_4028 : vector<16xf32>
    %jit3A_4030 = arith.constant 0.000000e+00 : f32
    %broadcast_in_dim3A_4031 = vector.broadcast %jit3A_4030 : f32 to vector<16xf32>
    %select_n3A_4032 = arith.select %gt3A_4029, %broadcast_in_dim3A_4031, %add3A_3990 : vector<16xi1>, vector<16xf32>
    %swap3A_4033 = arith.constant 1008 : index
    %swap3A_4034 = tpu.vector_load %arg18[%swap3A_4033] {strides = array<i32>} : memref<1024xf32, #tpu.memory_space<vmem>>, vector<16xf32>,
    %swap3A_4035 = vector.shape_cast %swap3A_4034 : vector<16xf32> to vector<16xf32>
    %swap3A_4036 = vector.shape_cast %select_n3A_4032 : vector<16xf32> to vector<16xf32>
    tpu.vector_store %arg18[%swap3A_4033], %swap3A_4036 {strides = array<i32>} : memref<1024xf32, #tpu.memory_space<vmem>>, vector<16xf32>,
    %jit3A_4037 = arith.constant 0 : i32
    %broadcast_in_dim3A_4038 = vector.broadcast %jit3A_4037 : i32 to vector<16xi32>
    %select_n3A_4039 = arith.select %gt3A_4029, %broadcast_in_dim3A_4038, %add3A_3996 : vector<16xi1>, vector<16xi32>
    %swap3A_4040 = arith.constant 1008 : index
    %swap3A_4041 = tpu.vector_load %arg19[%swap3A_4040] {strides = array<i32>} : memref<1024xi32, #tpu.memory_space<vmem>>, vector<16xi32>,
    %swap3A_4042 = vector.shape_cast %swap3A_4041 : vector<16xi32> to vector<16xi32>
    %swap3A_4043 = vector.shape_cast %select_n3A_4039 : vector<16xi32> to vector<16xi32>
    tpu.vector_store %arg19[%swap3A_4040], %swap3A_4043 {strides = array<i32>} : memref<1024xi32, #tpu.memory_space<vmem>>, vector<16xi32>,
    %dma_start3A_4044 = tpu.memref_slice %arg9[%mul3A_0] : memref<16384xf32, #tpu.memory_space<hbm>> -> memref<1024xf32, #tpu.memory_space<hbm>>
    %dma_start3A_4045 = tpu.memref_slice %arg9[%mul3A_0] : memref<16384xf32, #tpu.memory_space<hbm>> -> memref<1024xf32, #tpu.memory_space<hbm>>
    tpu.enqueue_dma source(%arg18 : memref<1024xf32, #tpu.memory_space<vmem>>) target(%dma_start3A_4045 : memref<1024xf32, #tpu.memory_space<hbm>>) target_semaphore(%arg25 : memref<!tpu.dma_semaphore, #tpu.memory_space<semaphore_mem>>)
    %dma_start3A_4046 = tpu.memref_slice %arg10[%mul3A_0] : memref<16384xi32, #tpu.memory_space<hbm>> -> memref<1024xi32, #tpu.memory_space<hbm>>
    %dma_start3A_4047 = tpu.memref_slice %arg10[%mul3A_0] : memref<16384xi32, #tpu.memory_space<hbm>> -> memref<1024xi32, #tpu.memory_space<hbm>>
    tpu.enqueue_dma source(%arg19 : memref<1024xi32, #tpu.memory_space<vmem>>) target(%dma_start3A_4047 : memref<1024xi32, #tpu.memory_space<hbm>>) target_semaphore(%arg25 : memref<!tpu.dma_semaphore, #tpu.memory_space<semaphore_mem>>)
    %swap3A_4048 = arith.constant 0 : index
    %swap3A_4049 = tpu.vector_load %arg20[%swap3A_4048] {strides = array<i32>} : memref<96xf32, #tpu.memory_space<vmem>>, vector<16xf32>,
    %swap3A_4050 = vector.shape_cast %swap3A_4049 : vector<16xf32> to vector<16xf32>
    %swap3A_4051 = vector.shape_cast %add3A_4002 : vector<16xf32> to vector<16xf32>
    tpu.vector_store %arg20[%swap3A_4048], %swap3A_4051 {strides = array<i32>} : memref<96xf32, #tpu.memory_space<vmem>>, vector<16xf32>,
    %swap3A_4052 = arith.constant 16 : index
    %swap3A_4053 = tpu.vector_load %arg20[%swap3A_4052] {strides = array<i32>} : memref<96xf32, #tpu.memory_space<vmem>>, vector<16xf32>,
    %swap3A_4054 = vector.shape_cast %swap3A_4053 : vector<16xf32> to vector<16xf32>
    %swap3A_4055 = vector.shape_cast %add3A_4005 : vector<16xf32> to vector<16xf32>
    tpu.vector_store %arg20[%swap3A_4052], %swap3A_4055 {strides = array<i32>} : memref<96xf32, #tpu.memory_space<vmem>>, vector<16xf32>,
    %swap3A_4056 = arith.constant 32 : index
    %swap3A_4057 = tpu.vector_load %arg20[%swap3A_4056] {strides = array<i32>} : memref<96xf32, #tpu.memory_space<vmem>>, vector<16xf32>,
    %swap3A_4058 = vector.shape_cast %swap3A_4057 : vector<16xf32> to vector<16xf32>
    %swap3A_4059 = vector.shape_cast %add3A_4012 : vector<16xf32> to vector<16xf32>
    tpu.vector_store %arg20[%swap3A_4056], %swap3A_4059 {strides = array<i32>} : memref<96xf32, #tpu.memory_space<vmem>>, vector<16xf32>,
    %swap3A_4060 = arith.constant 48 : index
    %swap3A_4061 = tpu.vector_load %arg20[%swap3A_4060] {strides = array<i32>} : memref<96xf32, #tpu.memory_space<vmem>>, vector<16xf32>,
    %swap3A_4062 = vector.shape_cast %swap3A_4061 : vector<16xf32> to vector<16xf32>
    %swap3A_4063 = vector.shape_cast %add3A_4019 : vector<16xf32> to vector<16xf32>
    tpu.vector_store %arg20[%swap3A_4060], %swap3A_4063 {strides = array<i32>} : memref<96xf32, #tpu.memory_space<vmem>>, vector<16xf32>,
    %swap3A_4064 = arith.constant 64 : index
    %swap3A_4065 = tpu.vector_load %arg20[%swap3A_4064] {strides = array<i32>} : memref<96xf32, #tpu.memory_space<vmem>>, vector<16xf32>,
    %swap3A_4066 = vector.shape_cast %swap3A_4065 : vector<16xf32> to vector<16xf32>
    %swap3A_4067 = vector.shape_cast %add3A_4026 : vector<16xf32> to vector<16xf32>
    tpu.vector_store %arg20[%swap3A_4064], %swap3A_4067 {strides = array<i32>} : memref<96xf32, #tpu.memory_space<vmem>>, vector<16xf32>,
    %swap3A_4068 = arith.constant 80 : index
    %swap3A_4069 = tpu.vector_load %arg20[%swap3A_4068] {strides = array<i32>} : memref<96xf32, #tpu.memory_space<vmem>>, vector<16xf32>,
    %swap3A_4070 = vector.shape_cast %swap3A_4069 : vector<16xf32> to vector<16xf32>
    %swap3A_4071 = vector.shape_cast %add3A_4000 : vector<16xf32> to vector<16xf32>
    tpu.vector_store %arg20[%swap3A_4068], %swap3A_4071 {strides = array<i32>} : memref<96xf32, #tpu.memory_space<vmem>>, vector<16xf32>,
    %mul3A_4072 = arith.constant 96 : i32
    %mul3A_4073 = arith.muli %arg1, %mul3A_4072 : i32
    "tpu.region"() ({
      %run_scoped3A = tpu.sem_alloc : memref<!tpu.dma_semaphore, #tpu.memory_space<semaphore_mem>>
      %dma_start3A_4082 = tpu.memref_slice %arg24[%mul3A_4073] : memref<1536xf32, #tpu.memory_space<vmem_shared>> -> memref<96xf32, #tpu.memory_space<vmem_shared>>
      %dma_start3A_4083 = tpu.memref_slice %arg24[%mul3A_4073] : memref<1536xf32, #tpu.memory_space<vmem_shared>> -> memref<96xf32, #tpu.memory_space<vmem_shared>>
      tpu.enqueue_dma source(%arg20 : memref<96xf32, #tpu.memory_space<vmem>>) target(%dma_start3A_4083 : memref<96xf32, #tpu.memory_space<vmem_shared>>) target_semaphore(%run_scoped3A : memref<!tpu.dma_semaphore, #tpu.memory_space<semaphore_mem>>)
      %dma_wait3A_4084 = tpu.memref_slice %arg24[%mul3A_4073] : memref<1536xf32, #tpu.memory_space<vmem_shared>> -> memref<96xf32, #tpu.memory_space<vmem_shared>>
      %dma_wait3A_4085 = tpu.memref_slice %arg24[%mul3A_4073] : memref<1536xf32, #tpu.memory_space<vmem_shared>> -> memref<96xf32, #tpu.memory_space<vmem_shared>>
      tpu.wait_dma2 semaphore(%run_scoped3A : memref<!tpu.dma_semaphore, #tpu.memory_space<semaphore_mem>>) src(%arg20 : memref<96xf32, #tpu.memory_space<vmem>>) dst(%dma_wait3A_4085 : memref<96xf32, #tpu.memory_space<vmem_shared>>)
      tpu.yield
    }) : () -> ()
    %barrier3A = arith.constant 0 : index
    tpu.barrier barrier_id(%barrier3A)
    %eq3A_4074 = arith.constant 0 : i32
    %eq3A_4075 = arith.cmpi eq, %arg1, %eq3A_4074 : i32
    %convert_element_type3A_4076 = arith.extui %eq3A_4075 : i1 to i32
    %cond3A = arith.constant 0 : i32
    %cond3A_4077 = arith.cmpi ne, %convert_element_type3A_4076, %cond3A : i32
    scf.if %cond3A_4077 {
      "tpu.region"() ({
        %run_scoped3A = tpu.sem_alloc : memref<!tpu.dma_semaphore, #tpu.memory_space<semaphore_mem>>
        tpu.enqueue_dma source(%arg24 : memref<1536xf32, #tpu.memory_space<vmem_shared>>) target(%arg21 : memref<1536xf32, #tpu.memory_space<vmem>>) target_semaphore(%run_scoped3A : memref<!tpu.dma_semaphore, #tpu.memory_space<semaphore_mem>>)
        tpu.wait_dma2 semaphore(%run_scoped3A : memref<!tpu.dma_semaphore, #tpu.memory_space<semaphore_mem>>) src(%arg24 : memref<1536xf32, #tpu.memory_space<vmem_shared>>) dst(%arg21 : memref<1536xf32, #tpu.memory_space<vmem>>)
        tpu.yield
      }) : () -> ()
      "tpu.region"() ({
        %run_scoped3A = tpu.sem_alloc : memref<!tpu.dma_semaphore, #tpu.memory_space<semaphore_mem>>
        tpu.enqueue_dma source(%arg7 : memref<16xf32, #tpu.memory_space<hbm>>) target(%arg22 : memref<16xf32, #tpu.memory_space<vmem>>) target_semaphore(%run_scoped3A : memref<!tpu.dma_semaphore, #tpu.memory_space<semaphore_mem>>)
        tpu.wait_dma2 semaphore(%run_scoped3A : memref<!tpu.dma_semaphore, #tpu.memory_space<semaphore_mem>>) src(%arg7 : memref<16xf32, #tpu.memory_space<hbm>>) dst(%arg22 : memref<16xf32, #tpu.memory_space<vmem>>)
        tpu.yield
      }) : () -> ()
      "tpu.region"() ({
        %run_scoped3A = tpu.sem_alloc : memref<!tpu.dma_semaphore, #tpu.memory_space<semaphore_mem>>
        tpu.enqueue_dma source(%arg8 : memref<16xi32, #tpu.memory_space<hbm>>) target(%arg23 : memref<16xi32, #tpu.memory_space<vmem>>) target_semaphore(%run_scoped3A : memref<!tpu.dma_semaphore, #tpu.memory_space<semaphore_mem>>)
        tpu.wait_dma2 semaphore(%run_scoped3A : memref<!tpu.dma_semaphore, #tpu.memory_space<semaphore_mem>>) src(%arg8 : memref<16xi32, #tpu.memory_space<hbm>>) dst(%arg23 : memref<16xi32, #tpu.memory_space<vmem>>)
        tpu.yield
      }) : () -> ()
      %get3A_4082 = arith.constant 0 : index
      %get3A_4083 = tpu.vector_load %arg21[%get3A_4082] {strides = array<i32>} : memref<1536xf32, #tpu.memory_space<vmem>>, vector<16xf32>,
      %get3A_4084 = vector.shape_cast %get3A_4083 : vector<16xf32> to vector<16xf32>
      %get3A_4085 = arith.constant 96 : index
      %get3A_4086 = tpu.vector_load %arg21[%get3A_4085] {strides = array<i32>} : memref<1536xf32, #tpu.memory_space<vmem>>, vector<16xf32>,
      %get3A_4087 = vector.shape_cast %get3A_4086 : vector<16xf32> to vector<16xf32>
      %add3A_4088 = arith.addf %get3A_4084, %get3A_4087 : vector<16xf32>
      %get3A_4089 = arith.constant 192 : index
      %get3A_4090 = tpu.vector_load %arg21[%get3A_4089] {strides = array<i32>} : memref<1536xf32, #tpu.memory_space<vmem>>, vector<16xf32>,
      %get3A_4091 = vector.shape_cast %get3A_4090 : vector<16xf32> to vector<16xf32>
      %add3A_4092 = arith.addf %add3A_4088, %get3A_4091 : vector<16xf32>
      %get3A_4093 = arith.constant 288 : index
      %get3A_4094 = tpu.vector_load %arg21[%get3A_4093] {strides = array<i32>} : memref<1536xf32, #tpu.memory_space<vmem>>, vector<16xf32>,
      %get3A_4095 = vector.shape_cast %get3A_4094 : vector<16xf32> to vector<16xf32>
      %add3A_4096 = arith.addf %add3A_4092, %get3A_4095 : vector<16xf32>
      %get3A_4097 = arith.constant 384 : index
      %get3A_4098 = tpu.vector_load %arg21[%get3A_4097] {strides = array<i32>} : memref<1536xf32, #tpu.memory_space<vmem>>, vector<16xf32>,
      %get3A_4099 = vector.shape_cast %get3A_4098 : vector<16xf32> to vector<16xf32>
      %add3A_4100 = arith.addf %add3A_4096, %get3A_4099 : vector<16xf32>
      %get3A_4101 = arith.constant 480 : index
      %get3A_4102 = tpu.vector_load %arg21[%get3A_4101] {strides = array<i32>} : memref<1536xf32, #tpu.memory_space<vmem>>, vector<16xf32>,
      %get3A_4103 = vector.shape_cast %get3A_4102 : vector<16xf32> to vector<16xf32>
      %add3A_4104 = arith.addf %add3A_4100, %get3A_4103 : vector<16xf32>
      %get3A_4105 = arith.constant 576 : index
      %get3A_4106 = tpu.vector_load %arg21[%get3A_4105] {strides = array<i32>} : memref<1536xf32, #tpu.memory_space<vmem>>, vector<16xf32>,
      %get3A_4107 = vector.shape_cast %get3A_4106 : vector<16xf32> to vector<16xf32>
      %add3A_4108 = arith.addf %add3A_4104, %get3A_4107 : vector<16xf32>
      %get3A_4109 = arith.constant 672 : index
      %get3A_4110 = tpu.vector_load %arg21[%get3A_4109] {strides = array<i32>} : memref<1536xf32, #tpu.memory_space<vmem>>, vector<16xf32>,
      %get3A_4111 = vector.shape_cast %get3A_4110 : vector<16xf32> to vector<16xf32>
      %add3A_4112 = arith.addf %add3A_4108, %get3A_4111 : vector<16xf32>
      %get3A_4113 = arith.constant 768 : index
      %get3A_4114 = tpu.vector_load %arg21[%get3A_4113] {strides = array<i32>} : memref<1536xf32, #tpu.memory_space<vmem>>, vector<16xf32>,
      %get3A_4115 = vector.shape_cast %get3A_4114 : vector<16xf32> to vector<16xf32>
      %add3A_4116 = arith.addf %add3A_4112, %get3A_4115 : vector<16xf32>
      %get3A_4117 = arith.constant 864 : index
      %get3A_4118 = tpu.vector_load %arg21[%get3A_4117] {strides = array<i32>} : memref<1536xf32, #tpu.memory_space<vmem>>, vector<16xf32>,
      %get3A_4119 = vector.shape_cast %get3A_4118 : vector<16xf32> to vector<16xf32>
      %add3A_4120 = arith.addf %add3A_4116, %get3A_4119 : vector<16xf32>
      %get3A_4121 = arith.constant 960 : index
      %get3A_4122 = tpu.vector_load %arg21[%get3A_4121] {strides = array<i32>} : memref<1536xf32, #tpu.memory_space<vmem>>, vector<16xf32>,
      %get3A_4123 = vector.shape_cast %get3A_4122 : vector<16xf32> to vector<16xf32>
      %add3A_4124 = arith.addf %add3A_4120, %get3A_4123 : vector<16xf32>
      %get3A_4125 = arith.constant 1056 : index
      %get3A_4126 = tpu.vector_load %arg21[%get3A_4125] {strides = array<i32>} : memref<1536xf32, #tpu.memory_space<vmem>>, vector<16xf32>,
      %get3A_4127 = vector.shape_cast %get3A_4126 : vector<16xf32> to vector<16xf32>
      %add3A_4128 = arith.addf %add3A_4124, %get3A_4127 : vector<16xf32>
      %get3A_4129 = arith.constant 1152 : index
      %get3A_4130 = tpu.vector_load %arg21[%get3A_4129] {strides = array<i32>} : memref<1536xf32, #tpu.memory_space<vmem>>, vector<16xf32>,
      %get3A_4131 = vector.shape_cast %get3A_4130 : vector<16xf32> to vector<16xf32>
      %add3A_4132 = arith.addf %add3A_4128, %get3A_4131 : vector<16xf32>
      %get3A_4133 = arith.constant 1248 : index
      %get3A_4134 = tpu.vector_load %arg21[%get3A_4133] {strides = array<i32>} : memref<1536xf32, #tpu.memory_space<vmem>>, vector<16xf32>,
      %get3A_4135 = vector.shape_cast %get3A_4134 : vector<16xf32> to vector<16xf32>
      %add3A_4136 = arith.addf %add3A_4132, %get3A_4135 : vector<16xf32>
      %get3A_4137 = arith.constant 1344 : index
      %get3A_4138 = tpu.vector_load %arg21[%get3A_4137] {strides = array<i32>} : memref<1536xf32, #tpu.memory_space<vmem>>, vector<16xf32>,
      %get3A_4139 = vector.shape_cast %get3A_4138 : vector<16xf32> to vector<16xf32>
      %add3A_4140 = arith.addf %add3A_4136, %get3A_4139 : vector<16xf32>
      %get3A_4141 = arith.constant 1440 : index
      %get3A_4142 = tpu.vector_load %arg21[%get3A_4141] {strides = array<i32>} : memref<1536xf32, #tpu.memory_space<vmem>>, vector<16xf32>,
      %get3A_4143 = vector.shape_cast %get3A_4142 : vector<16xf32> to vector<16xf32>
      %add3A_4144 = arith.addf %add3A_4140, %get3A_4143 : vector<16xf32>
      %slice3A = vector.extract_strided_slice %add3A_4144 {offsets = [0], sizes = [1], strides = [1]} : vector<16xf32> to vector<1xf32>
      %squeeze3A = vector.extract %slice3A[0] : f32 from vector<1xf32>
      %slice3A_4145 = vector.extract_strided_slice %add3A_4144 {offsets = [1], sizes = [1], strides = [1]} : vector<16xf32> to vector<1xf32>
      %squeeze3A_4146 = vector.extract %slice3A_4145[0] : f32 from vector<1xf32>
      %add3A_4147 = arith.addf %squeeze3A, %squeeze3A_4146 : f32
      %slice3A_4148 = vector.extract_strided_slice %add3A_4144 {offsets = [2], sizes = [1], strides = [1]} : vector<16xf32> to vector<1xf32>
      %squeeze3A_4149 = vector.extract %slice3A_4148[0] : f32 from vector<1xf32>
      %add3A_4150 = arith.addf %add3A_4147, %squeeze3A_4149 : f32
      %slice3A_4151 = vector.extract_strided_slice %add3A_4144 {offsets = [3], sizes = [1], strides = [1]} : vector<16xf32> to vector<1xf32>
      %squeeze3A_4152 = vector.extract %slice3A_4151[0] : f32 from vector<1xf32>
      %add3A_4153 = arith.addf %add3A_4150, %squeeze3A_4152 : f32
      %slice3A_4154 = vector.extract_strided_slice %add3A_4144 {offsets = [4], sizes = [1], strides = [1]} : vector<16xf32> to vector<1xf32>
      %squeeze3A_4155 = vector.extract %slice3A_4154[0] : f32 from vector<1xf32>
      %add3A_4156 = arith.addf %add3A_4153, %squeeze3A_4155 : f32
      %slice3A_4157 = vector.extract_strided_slice %add3A_4144 {offsets = [5], sizes = [1], strides = [1]} : vector<16xf32> to vector<1xf32>
      %squeeze3A_4158 = vector.extract %slice3A_4157[0] : f32 from vector<1xf32>
      %add3A_4159 = arith.addf %add3A_4156, %squeeze3A_4158 : f32
      %slice3A_4160 = vector.extract_strided_slice %add3A_4144 {offsets = [6], sizes = [1], strides = [1]} : vector<16xf32> to vector<1xf32>
      %squeeze3A_4161 = vector.extract %slice3A_4160[0] : f32 from vector<1xf32>
      %add3A_4162 = arith.addf %add3A_4159, %squeeze3A_4161 : f32
      %slice3A_4163 = vector.extract_strided_slice %add3A_4144 {offsets = [7], sizes = [1], strides = [1]} : vector<16xf32> to vector<1xf32>
      %squeeze3A_4164 = vector.extract %slice3A_4163[0] : f32 from vector<1xf32>
      %add3A_4165 = arith.addf %add3A_4162, %squeeze3A_4164 : f32
      %slice3A_4166 = vector.extract_strided_slice %add3A_4144 {offsets = [8], sizes = [1], strides = [1]} : vector<16xf32> to vector<1xf32>
      %squeeze3A_4167 = vector.extract %slice3A_4166[0] : f32 from vector<1xf32>
      %add3A_4168 = arith.addf %add3A_4165, %squeeze3A_4167 : f32
      %slice3A_4169 = vector.extract_strided_slice %add3A_4144 {offsets = [9], sizes = [1], strides = [1]} : vector<16xf32> to vector<1xf32>
      %squeeze3A_4170 = vector.extract %slice3A_4169[0] : f32 from vector<1xf32>
      %add3A_4171 = arith.addf %add3A_4168, %squeeze3A_4170 : f32
      %slice3A_4172 = vector.extract_strided_slice %add3A_4144 {offsets = [10], sizes = [1], strides = [1]} : vector<16xf32> to vector<1xf32>
      %squeeze3A_4173 = vector.extract %slice3A_4172[0] : f32 from vector<1xf32>
      %add3A_4174 = arith.addf %add3A_4171, %squeeze3A_4173 : f32
      %slice3A_4175 = vector.extract_strided_slice %add3A_4144 {offsets = [11], sizes = [1], strides = [1]} : vector<16xf32> to vector<1xf32>
      %squeeze3A_4176 = vector.extract %slice3A_4175[0] : f32 from vector<1xf32>
      %add3A_4177 = arith.addf %add3A_4174, %squeeze3A_4176 : f32
      %slice3A_4178 = vector.extract_strided_slice %add3A_4144 {offsets = [12], sizes = [1], strides = [1]} : vector<16xf32> to vector<1xf32>
      %squeeze3A_4179 = vector.extract %slice3A_4178[0] : f32 from vector<1xf32>
      %add3A_4180 = arith.addf %add3A_4177, %squeeze3A_4179 : f32
      %slice3A_4181 = vector.extract_strided_slice %add3A_4144 {offsets = [13], sizes = [1], strides = [1]} : vector<16xf32> to vector<1xf32>
      %squeeze3A_4182 = vector.extract %slice3A_4181[0] : f32 from vector<1xf32>
      %add3A_4183 = arith.addf %add3A_4180, %squeeze3A_4182 : f32
      %slice3A_4184 = vector.extract_strided_slice %add3A_4144 {offsets = [14], sizes = [1], strides = [1]} : vector<16xf32> to vector<1xf32>
      %squeeze3A_4185 = vector.extract %slice3A_4184[0] : f32 from vector<1xf32>
      %add3A_4186 = arith.addf %add3A_4183, %squeeze3A_4185 : f32
      %slice3A_4187 = vector.extract_strided_slice %add3A_4144 {offsets = [15], sizes = [1], strides = [1]} : vector<16xf32> to vector<1xf32>
      %squeeze3A_4188 = vector.extract %slice3A_4187[0] : f32 from vector<1xf32>
      %add3A_4189 = arith.addf %add3A_4186, %squeeze3A_4188 : f32
      %get3A_4190 = arith.constant 16 : index
      %get3A_4191 = tpu.vector_load %arg21[%get3A_4190] {strides = array<i32>} : memref<1536xf32, #tpu.memory_space<vmem>>, vector<16xf32>,
      %get3A_4192 = vector.shape_cast %get3A_4191 : vector<16xf32> to vector<16xf32>
      %get3A_4193 = arith.constant 112 : index
      %get3A_4194 = tpu.vector_load %arg21[%get3A_4193] {strides = array<i32>} : memref<1536xf32, #tpu.memory_space<vmem>>, vector<16xf32>,
      %get3A_4195 = vector.shape_cast %get3A_4194 : vector<16xf32> to vector<16xf32>
      %add3A_4196 = arith.addf %get3A_4192, %get3A_4195 : vector<16xf32>
      %get3A_4197 = arith.constant 208 : index
      %get3A_4198 = tpu.vector_load %arg21[%get3A_4197] {strides = array<i32>} : memref<1536xf32, #tpu.memory_space<vmem>>, vector<16xf32>,
      %get3A_4199 = vector.shape_cast %get3A_4198 : vector<16xf32> to vector<16xf32>
      %add3A_4200 = arith.addf %add3A_4196, %get3A_4199 : vector<16xf32>
      %get3A_4201 = arith.constant 304 : index
      %get3A_4202 = tpu.vector_load %arg21[%get3A_4201] {strides = array<i32>} : memref<1536xf32, #tpu.memory_space<vmem>>, vector<16xf32>,
      %get3A_4203 = vector.shape_cast %get3A_4202 : vector<16xf32> to vector<16xf32>
      %add3A_4204 = arith.addf %add3A_4200, %get3A_4203 : vector<16xf32>
      %get3A_4205 = arith.constant 400 : index
      %get3A_4206 = tpu.vector_load %arg21[%get3A_4205] {strides = array<i32>} : memref<1536xf32, #tpu.memory_space<vmem>>, vector<16xf32>,
      %get3A_4207 = vector.shape_cast %get3A_4206 : vector<16xf32> to vector<16xf32>
      %add3A_4208 = arith.addf %add3A_4204, %get3A_4207 : vector<16xf32>
      %get3A_4209 = arith.constant 496 : index
      %get3A_4210 = tpu.vector_load %arg21[%get3A_4209] {strides = array<i32>} : memref<1536xf32, #tpu.memory_space<vmem>>, vector<16xf32>,
      %get3A_4211 = vector.shape_cast %get3A_4210 : vector<16xf32> to vector<16xf32>
      %add3A_4212 = arith.addf %add3A_4208, %get3A_4211 : vector<16xf32>
      %get3A_4213 = arith.constant 592 : index
      %get3A_4214 = tpu.vector_load %arg21[%get3A_4213] {strides = array<i32>} : memref<1536xf32, #tpu.memory_space<vmem>>, vector<16xf32>,
      %get3A_4215 = vector.shape_cast %get3A_4214 : vector<16xf32> to vector<16xf32>
      %add3A_4216 = arith.addf %add3A_4212, %get3A_4215 : vector<16xf32>
      %get3A_4217 = arith.constant 688 : index
      %get3A_4218 = tpu.vector_load %arg21[%get3A_4217] {strides = array<i32>} : memref<1536xf32, #tpu.memory_space<vmem>>, vector<16xf32>,
      %get3A_4219 = vector.shape_cast %get3A_4218 : vector<16xf32> to vector<16xf32>
      %add3A_4220 = arith.addf %add3A_4216, %get3A_4219 : vector<16xf32>
      %get3A_4221 = arith.constant 784 : index
      %get3A_4222 = tpu.vector_load %arg21[%get3A_4221] {strides = array<i32>} : memref<1536xf32, #tpu.memory_space<vmem>>, vector<16xf32>,
      %get3A_4223 = vector.shape_cast %get3A_4222 : vector<16xf32> to vector<16xf32>
      %add3A_4224 = arith.addf %add3A_4220, %get3A_4223 : vector<16xf32>
      %get3A_4225 = arith.constant 880 : index
      %get3A_4226 = tpu.vector_load %arg21[%get3A_4225] {strides = array<i32>} : memref<1536xf32, #tpu.memory_space<vmem>>, vector<16xf32>,
      %get3A_4227 = vector.shape_cast %get3A_4226 : vector<16xf32> to vector<16xf32>
      %add3A_4228 = arith.addf %add3A_4224, %get3A_4227 : vector<16xf32>
      %get3A_4229 = arith.constant 976 : index
      %get3A_4230 = tpu.vector_load %arg21[%get3A_4229] {strides = array<i32>} : memref<1536xf32, #tpu.memory_space<vmem>>, vector<16xf32>,
      %get3A_4231 = vector.shape_cast %get3A_4230 : vector<16xf32> to vector<16xf32>
      %add3A_4232 = arith.addf %add3A_4228, %get3A_4231 : vector<16xf32>
      %get3A_4233 = arith.constant 1072 : index
      %get3A_4234 = tpu.vector_load %arg21[%get3A_4233] {strides = array<i32>} : memref<1536xf32, #tpu.memory_space<vmem>>, vector<16xf32>,
      %get3A_4235 = vector.shape_cast %get3A_4234 : vector<16xf32> to vector<16xf32>
      %add3A_4236 = arith.addf %add3A_4232, %get3A_4235 : vector<16xf32>
      %get3A_4237 = arith.constant 1168 : index
      %get3A_4238 = tpu.vector_load %arg21[%get3A_4237] {strides = array<i32>} : memref<1536xf32, #tpu.memory_space<vmem>>, vector<16xf32>,
      %get3A_4239 = vector.shape_cast %get3A_4238 : vector<16xf32> to vector<16xf32>
      %add3A_4240 = arith.addf %add3A_4236, %get3A_4239 : vector<16xf32>
      %get3A_4241 = arith.constant 1264 : index
      %get3A_4242 = tpu.vector_load %arg21[%get3A_4241] {strides = array<i32>} : memref<1536xf32, #tpu.memory_space<vmem>>, vector<16xf32>,
      %get3A_4243 = vector.shape_cast %get3A_4242 : vector<16xf32> to vector<16xf32>
      %add3A_4244 = arith.addf %add3A_4240, %get3A_4243 : vector<16xf32>
      %get3A_4245 = arith.constant 1360 : index
      %get3A_4246 = tpu.vector_load %arg21[%get3A_4245] {strides = array<i32>} : memref<1536xf32, #tpu.memory_space<vmem>>, vector<16xf32>,
      %get3A_4247 = vector.shape_cast %get3A_4246 : vector<16xf32> to vector<16xf32>
      %add3A_4248 = arith.addf %add3A_4244, %get3A_4247 : vector<16xf32>
      %get3A_4249 = arith.constant 1456 : index
      %get3A_4250 = tpu.vector_load %arg21[%get3A_4249] {strides = array<i32>} : memref<1536xf32, #tpu.memory_space<vmem>>, vector<16xf32>,
      %get3A_4251 = vector.shape_cast %get3A_4250 : vector<16xf32> to vector<16xf32>
      %add3A_4252 = arith.addf %add3A_4248, %get3A_4251 : vector<16xf32>
      %slice3A_4253 = vector.extract_strided_slice %add3A_4252 {offsets = [0], sizes = [1], strides = [1]} : vector<16xf32> to vector<1xf32>
      %squeeze3A_4254 = vector.extract %slice3A_4253[0] : f32 from vector<1xf32>
      %slice3A_4255 = vector.extract_strided_slice %add3A_4252 {offsets = [1], sizes = [1], strides = [1]} : vector<16xf32> to vector<1xf32>
      %squeeze3A_4256 = vector.extract %slice3A_4255[0] : f32 from vector<1xf32>
      %add3A_4257 = arith.addf %squeeze3A_4254, %squeeze3A_4256 : f32
      %slice3A_4258 = vector.extract_strided_slice %add3A_4252 {offsets = [2], sizes = [1], strides = [1]} : vector<16xf32> to vector<1xf32>
      %squeeze3A_4259 = vector.extract %slice3A_4258[0] : f32 from vector<1xf32>
      %add3A_4260 = arith.addf %add3A_4257, %squeeze3A_4259 : f32
      %slice3A_4261 = vector.extract_strided_slice %add3A_4252 {offsets = [3], sizes = [1], strides = [1]} : vector<16xf32> to vector<1xf32>
      %squeeze3A_4262 = vector.extract %slice3A_4261[0] : f32 from vector<1xf32>
      %add3A_4263 = arith.addf %add3A_4260, %squeeze3A_4262 : f32
      %slice3A_4264 = vector.extract_strided_slice %add3A_4252 {offsets = [4], sizes = [1], strides = [1]} : vector<16xf32> to vector<1xf32>
      %squeeze3A_4265 = vector.extract %slice3A_4264[0] : f32 from vector<1xf32>
      %add3A_4266 = arith.addf %add3A_4263, %squeeze3A_4265 : f32
      %slice3A_4267 = vector.extract_strided_slice %add3A_4252 {offsets = [5], sizes = [1], strides = [1]} : vector<16xf32> to vector<1xf32>
      %squeeze3A_4268 = vector.extract %slice3A_4267[0] : f32 from vector<1xf32>
      %add3A_4269 = arith.addf %add3A_4266, %squeeze3A_4268 : f32
      %slice3A_4270 = vector.extract_strided_slice %add3A_4252 {offsets = [6], sizes = [1], strides = [1]} : vector<16xf32> to vector<1xf32>
      %squeeze3A_4271 = vector.extract %slice3A_4270[0] : f32 from vector<1xf32>
      %add3A_4272 = arith.addf %add3A_4269, %squeeze3A_4271 : f32
      %slice3A_4273 = vector.extract_strided_slice %add3A_4252 {offsets = [7], sizes = [1], strides = [1]} : vector<16xf32> to vector<1xf32>
      %squeeze3A_4274 = vector.extract %slice3A_4273[0] : f32 from vector<1xf32>
      %add3A_4275 = arith.addf %add3A_4272, %squeeze3A_4274 : f32
      %slice3A_4276 = vector.extract_strided_slice %add3A_4252 {offsets = [8], sizes = [1], strides = [1]} : vector<16xf32> to vector<1xf32>
      %squeeze3A_4277 = vector.extract %slice3A_4276[0] : f32 from vector<1xf32>
      %add3A_4278 = arith.addf %add3A_4275, %squeeze3A_4277 : f32
      %slice3A_4279 = vector.extract_strided_slice %add3A_4252 {offsets = [9], sizes = [1], strides = [1]} : vector<16xf32> to vector<1xf32>
      %squeeze3A_4280 = vector.extract %slice3A_4279[0] : f32 from vector<1xf32>
      %add3A_4281 = arith.addf %add3A_4278, %squeeze3A_4280 : f32
      %slice3A_4282 = vector.extract_strided_slice %add3A_4252 {offsets = [10], sizes = [1], strides = [1]} : vector<16xf32> to vector<1xf32>
      %squeeze3A_4283 = vector.extract %slice3A_4282[0] : f32 from vector<1xf32>
      %add3A_4284 = arith.addf %add3A_4281, %squeeze3A_4283 : f32
      %slice3A_4285 = vector.extract_strided_slice %add3A_4252 {offsets = [11], sizes = [1], strides = [1]} : vector<16xf32> to vector<1xf32>
      %squeeze3A_4286 = vector.extract %slice3A_4285[0] : f32 from vector<1xf32>
      %add3A_4287 = arith.addf %add3A_4284, %squeeze3A_4286 : f32
      %slice3A_4288 = vector.extract_strided_slice %add3A_4252 {offsets = [12], sizes = [1], strides = [1]} : vector<16xf32> to vector<1xf32>
      %squeeze3A_4289 = vector.extract %slice3A_4288[0] : f32 from vector<1xf32>
      %add3A_4290 = arith.addf %add3A_4287, %squeeze3A_4289 : f32
      %slice3A_4291 = vector.extract_strided_slice %add3A_4252 {offsets = [13], sizes = [1], strides = [1]} : vector<16xf32> to vector<1xf32>
      %squeeze3A_4292 = vector.extract %slice3A_4291[0] : f32 from vector<1xf32>
      %add3A_4293 = arith.addf %add3A_4290, %squeeze3A_4292 : f32
      %slice3A_4294 = vector.extract_strided_slice %add3A_4252 {offsets = [14], sizes = [1], strides = [1]} : vector<16xf32> to vector<1xf32>
      %squeeze3A_4295 = vector.extract %slice3A_4294[0] : f32 from vector<1xf32>
      %add3A_4296 = arith.addf %add3A_4293, %squeeze3A_4295 : f32
      %slice3A_4297 = vector.extract_strided_slice %add3A_4252 {offsets = [15], sizes = [1], strides = [1]} : vector<16xf32> to vector<1xf32>
      %squeeze3A_4298 = vector.extract %slice3A_4297[0] : f32 from vector<1xf32>
      %add3A_4299 = arith.addf %add3A_4296, %squeeze3A_4298 : f32
      %get3A_4300 = arith.constant 32 : index
      %get3A_4301 = tpu.vector_load %arg21[%get3A_4300] {strides = array<i32>} : memref<1536xf32, #tpu.memory_space<vmem>>, vector<16xf32>,
      %get3A_4302 = vector.shape_cast %get3A_4301 : vector<16xf32> to vector<16xf32>
      %get3A_4303 = arith.constant 128 : index
      %get3A_4304 = tpu.vector_load %arg21[%get3A_4303] {strides = array<i32>} : memref<1536xf32, #tpu.memory_space<vmem>>, vector<16xf32>,
      %get3A_4305 = vector.shape_cast %get3A_4304 : vector<16xf32> to vector<16xf32>
      %add3A_4306 = arith.addf %get3A_4302, %get3A_4305 : vector<16xf32>
      %get3A_4307 = arith.constant 224 : index
      %get3A_4308 = tpu.vector_load %arg21[%get3A_4307] {strides = array<i32>} : memref<1536xf32, #tpu.memory_space<vmem>>, vector<16xf32>,
      %get3A_4309 = vector.shape_cast %get3A_4308 : vector<16xf32> to vector<16xf32>
      %add3A_4310 = arith.addf %add3A_4306, %get3A_4309 : vector<16xf32>
      %get3A_4311 = arith.constant 320 : index
      %get3A_4312 = tpu.vector_load %arg21[%get3A_4311] {strides = array<i32>} : memref<1536xf32, #tpu.memory_space<vmem>>, vector<16xf32>,
      %get3A_4313 = vector.shape_cast %get3A_4312 : vector<16xf32> to vector<16xf32>
      %add3A_4314 = arith.addf %add3A_4310, %get3A_4313 : vector<16xf32>
      %get3A_4315 = arith.constant 416 : index
      %get3A_4316 = tpu.vector_load %arg21[%get3A_4315] {strides = array<i32>} : memref<1536xf32, #tpu.memory_space<vmem>>, vector<16xf32>,
      %get3A_4317 = vector.shape_cast %get3A_4316 : vector<16xf32> to vector<16xf32>
      %add3A_4318 = arith.addf %add3A_4314, %get3A_4317 : vector<16xf32>
      %get3A_4319 = arith.constant 512 : index
      %get3A_4320 = tpu.vector_load %arg21[%get3A_4319] {strides = array<i32>} : memref<1536xf32, #tpu.memory_space<vmem>>, vector<16xf32>,
      %get3A_4321 = vector.shape_cast %get3A_4320 : vector<16xf32> to vector<16xf32>
      %add3A_4322 = arith.addf %add3A_4318, %get3A_4321 : vector<16xf32>
      %get3A_4323 = arith.constant 608 : index
      %get3A_4324 = tpu.vector_load %arg21[%get3A_4323] {strides = array<i32>} : memref<1536xf32, #tpu.memory_space<vmem>>, vector<16xf32>,
      %get3A_4325 = vector.shape_cast %get3A_4324 : vector<16xf32> to vector<16xf32>
      %add3A_4326 = arith.addf %add3A_4322, %get3A_4325 : vector<16xf32>
      %get3A_4327 = arith.constant 704 : index
      %get3A_4328 = tpu.vector_load %arg21[%get3A_4327] {strides = array<i32>} : memref<1536xf32, #tpu.memory_space<vmem>>, vector<16xf32>,
      %get3A_4329 = vector.shape_cast %get3A_4328 : vector<16xf32> to vector<16xf32>
      %add3A_4330 = arith.addf %add3A_4326, %get3A_4329 : vector<16xf32>
      %get3A_4331 = arith.constant 800 : index
      %get3A_4332 = tpu.vector_load %arg21[%get3A_4331] {strides = array<i32>} : memref<1536xf32, #tpu.memory_space<vmem>>, vector<16xf32>,
      %get3A_4333 = vector.shape_cast %get3A_4332 : vector<16xf32> to vector<16xf32>
      %add3A_4334 = arith.addf %add3A_4330, %get3A_4333 : vector<16xf32>
      %get3A_4335 = arith.constant 896 : index
      %get3A_4336 = tpu.vector_load %arg21[%get3A_4335] {strides = array<i32>} : memref<1536xf32, #tpu.memory_space<vmem>>, vector<16xf32>,
      %get3A_4337 = vector.shape_cast %get3A_4336 : vector<16xf32> to vector<16xf32>
      %add3A_4338 = arith.addf %add3A_4334, %get3A_4337 : vector<16xf32>
      %get3A_4339 = arith.constant 992 : index
      %get3A_4340 = tpu.vector_load %arg21[%get3A_4339] {strides = array<i32>} : memref<1536xf32, #tpu.memory_space<vmem>>, vector<16xf32>,
      %get3A_4341 = vector.shape_cast %get3A_4340 : vector<16xf32> to vector<16xf32>
      %add3A_4342 = arith.addf %add3A_4338, %get3A_4341 : vector<16xf32>
      %get3A_4343 = arith.constant 1088 : index
      %get3A_4344 = tpu.vector_load %arg21[%get3A_4343] {strides = array<i32>} : memref<1536xf32, #tpu.memory_space<vmem>>, vector<16xf32>,
      %get3A_4345 = vector.shape_cast %get3A_4344 : vector<16xf32> to vector<16xf32>
      %add3A_4346 = arith.addf %add3A_4342, %get3A_4345 : vector<16xf32>
      %get3A_4347 = arith.constant 1184 : index
      %get3A_4348 = tpu.vector_load %arg21[%get3A_4347] {strides = array<i32>} : memref<1536xf32, #tpu.memory_space<vmem>>, vector<16xf32>,
      %get3A_4349 = vector.shape_cast %get3A_4348 : vector<16xf32> to vector<16xf32>
      %add3A_4350 = arith.addf %add3A_4346, %get3A_4349 : vector<16xf32>
      %get3A_4351 = arith.constant 1280 : index
      %get3A_4352 = tpu.vector_load %arg21[%get3A_4351] {strides = array<i32>} : memref<1536xf32, #tpu.memory_space<vmem>>, vector<16xf32>,
      %get3A_4353 = vector.shape_cast %get3A_4352 : vector<16xf32> to vector<16xf32>
      %add3A_4354 = arith.addf %add3A_4350, %get3A_4353 : vector<16xf32>
      %get3A_4355 = arith.constant 1376 : index
      %get3A_4356 = tpu.vector_load %arg21[%get3A_4355] {strides = array<i32>} : memref<1536xf32, #tpu.memory_space<vmem>>, vector<16xf32>,
      %get3A_4357 = vector.shape_cast %get3A_4356 : vector<16xf32> to vector<16xf32>
      %add3A_4358 = arith.addf %add3A_4354, %get3A_4357 : vector<16xf32>
      %get3A_4359 = arith.constant 1472 : index
      %get3A_4360 = tpu.vector_load %arg21[%get3A_4359] {strides = array<i32>} : memref<1536xf32, #tpu.memory_space<vmem>>, vector<16xf32>,
      %get3A_4361 = vector.shape_cast %get3A_4360 : vector<16xf32> to vector<16xf32>
      %add3A_4362 = arith.addf %add3A_4358, %get3A_4361 : vector<16xf32>
      %slice3A_4363 = vector.extract_strided_slice %add3A_4362 {offsets = [0], sizes = [1], strides = [1]} : vector<16xf32> to vector<1xf32>
      %squeeze3A_4364 = vector.extract %slice3A_4363[0] : f32 from vector<1xf32>
      %slice3A_4365 = vector.extract_strided_slice %add3A_4362 {offsets = [1], sizes = [1], strides = [1]} : vector<16xf32> to vector<1xf32>
      %squeeze3A_4366 = vector.extract %slice3A_4365[0] : f32 from vector<1xf32>
      %add3A_4367 = arith.addf %squeeze3A_4364, %squeeze3A_4366 : f32
      %slice3A_4368 = vector.extract_strided_slice %add3A_4362 {offsets = [2], sizes = [1], strides = [1]} : vector<16xf32> to vector<1xf32>
      %squeeze3A_4369 = vector.extract %slice3A_4368[0] : f32 from vector<1xf32>
      %add3A_4370 = arith.addf %add3A_4367, %squeeze3A_4369 : f32
      %slice3A_4371 = vector.extract_strided_slice %add3A_4362 {offsets = [3], sizes = [1], strides = [1]} : vector<16xf32> to vector<1xf32>
      %squeeze3A_4372 = vector.extract %slice3A_4371[0] : f32 from vector<1xf32>
      %add3A_4373 = arith.addf %add3A_4370, %squeeze3A_4372 : f32
      %slice3A_4374 = vector.extract_strided_slice %add3A_4362 {offsets = [4], sizes = [1], strides = [1]} : vector<16xf32> to vector<1xf32>
      %squeeze3A_4375 = vector.extract %slice3A_4374[0] : f32 from vector<1xf32>
      %add3A_4376 = arith.addf %add3A_4373, %squeeze3A_4375 : f32
      %slice3A_4377 = vector.extract_strided_slice %add3A_4362 {offsets = [5], sizes = [1], strides = [1]} : vector<16xf32> to vector<1xf32>
      %squeeze3A_4378 = vector.extract %slice3A_4377[0] : f32 from vector<1xf32>
      %add3A_4379 = arith.addf %add3A_4376, %squeeze3A_4378 : f32
      %slice3A_4380 = vector.extract_strided_slice %add3A_4362 {offsets = [6], sizes = [1], strides = [1]} : vector<16xf32> to vector<1xf32>
      %squeeze3A_4381 = vector.extract %slice3A_4380[0] : f32 from vector<1xf32>
      %add3A_4382 = arith.addf %add3A_4379, %squeeze3A_4381 : f32
      %slice3A_4383 = vector.extract_strided_slice %add3A_4362 {offsets = [7], sizes = [1], strides = [1]} : vector<16xf32> to vector<1xf32>
      %squeeze3A_4384 = vector.extract %slice3A_4383[0] : f32 from vector<1xf32>
      %add3A_4385 = arith.addf %add3A_4382, %squeeze3A_4384 : f32
      %slice3A_4386 = vector.extract_strided_slice %add3A_4362 {offsets = [8], sizes = [1], strides = [1]} : vector<16xf32> to vector<1xf32>
      %squeeze3A_4387 = vector.extract %slice3A_4386[0] : f32 from vector<1xf32>
      %add3A_4388 = arith.addf %add3A_4385, %squeeze3A_4387 : f32
      %slice3A_4389 = vector.extract_strided_slice %add3A_4362 {offsets = [9], sizes = [1], strides = [1]} : vector<16xf32> to vector<1xf32>
      %squeeze3A_4390 = vector.extract %slice3A_4389[0] : f32 from vector<1xf32>
      %add3A_4391 = arith.addf %add3A_4388, %squeeze3A_4390 : f32
      %slice3A_4392 = vector.extract_strided_slice %add3A_4362 {offsets = [10], sizes = [1], strides = [1]} : vector<16xf32> to vector<1xf32>
      %squeeze3A_4393 = vector.extract %slice3A_4392[0] : f32 from vector<1xf32>
      %add3A_4394 = arith.addf %add3A_4391, %squeeze3A_4393 : f32
      %slice3A_4395 = vector.extract_strided_slice %add3A_4362 {offsets = [11], sizes = [1], strides = [1]} : vector<16xf32> to vector<1xf32>
      %squeeze3A_4396 = vector.extract %slice3A_4395[0] : f32 from vector<1xf32>
      %add3A_4397 = arith.addf %add3A_4394, %squeeze3A_4396 : f32
      %slice3A_4398 = vector.extract_strided_slice %add3A_4362 {offsets = [12], sizes = [1], strides = [1]} : vector<16xf32> to vector<1xf32>
      %squeeze3A_4399 = vector.extract %slice3A_4398[0] : f32 from vector<1xf32>
      %add3A_4400 = arith.addf %add3A_4397, %squeeze3A_4399 : f32
      %slice3A_4401 = vector.extract_strided_slice %add3A_4362 {offsets = [13], sizes = [1], strides = [1]} : vector<16xf32> to vector<1xf32>
      %squeeze3A_4402 = vector.extract %slice3A_4401[0] : f32 from vector<1xf32>
      %add3A_4403 = arith.addf %add3A_4400, %squeeze3A_4402 : f32
      %slice3A_4404 = vector.extract_strided_slice %add3A_4362 {offsets = [14], sizes = [1], strides = [1]} : vector<16xf32> to vector<1xf32>
      %squeeze3A_4405 = vector.extract %slice3A_4404[0] : f32 from vector<1xf32>
      %add3A_4406 = arith.addf %add3A_4403, %squeeze3A_4405 : f32
      %slice3A_4407 = vector.extract_strided_slice %add3A_4362 {offsets = [15], sizes = [1], strides = [1]} : vector<16xf32> to vector<1xf32>
      %squeeze3A_4408 = vector.extract %slice3A_4407[0] : f32 from vector<1xf32>
      %add3A_4409 = arith.addf %add3A_4406, %squeeze3A_4408 : f32
      %get3A_4410 = arith.constant 48 : index
      %get3A_4411 = tpu.vector_load %arg21[%get3A_4410] {strides = array<i32>} : memref<1536xf32, #tpu.memory_space<vmem>>, vector<16xf32>,
      %get3A_4412 = vector.shape_cast %get3A_4411 : vector<16xf32> to vector<16xf32>
      %get3A_4413 = arith.constant 144 : index
      %get3A_4414 = tpu.vector_load %arg21[%get3A_4413] {strides = array<i32>} : memref<1536xf32, #tpu.memory_space<vmem>>, vector<16xf32>,
      %get3A_4415 = vector.shape_cast %get3A_4414 : vector<16xf32> to vector<16xf32>
      %add3A_4416 = arith.addf %get3A_4412, %get3A_4415 : vector<16xf32>
      %get3A_4417 = arith.constant 240 : index
      %get3A_4418 = tpu.vector_load %arg21[%get3A_4417] {strides = array<i32>} : memref<1536xf32, #tpu.memory_space<vmem>>, vector<16xf32>,
      %get3A_4419 = vector.shape_cast %get3A_4418 : vector<16xf32> to vector<16xf32>
      %add3A_4420 = arith.addf %add3A_4416, %get3A_4419 : vector<16xf32>
      %get3A_4421 = arith.constant 336 : index
      %get3A_4422 = tpu.vector_load %arg21[%get3A_4421] {strides = array<i32>} : memref<1536xf32, #tpu.memory_space<vmem>>, vector<16xf32>,
      %get3A_4423 = vector.shape_cast %get3A_4422 : vector<16xf32> to vector<16xf32>
      %add3A_4424 = arith.addf %add3A_4420, %get3A_4423 : vector<16xf32>
      %get3A_4425 = arith.constant 432 : index
      %get3A_4426 = tpu.vector_load %arg21[%get3A_4425] {strides = array<i32>} : memref<1536xf32, #tpu.memory_space<vmem>>, vector<16xf32>,
      %get3A_4427 = vector.shape_cast %get3A_4426 : vector<16xf32> to vector<16xf32>
      %add3A_4428 = arith.addf %add3A_4424, %get3A_4427 : vector<16xf32>
      %get3A_4429 = arith.constant 528 : index
      %get3A_4430 = tpu.vector_load %arg21[%get3A_4429] {strides = array<i32>} : memref<1536xf32, #tpu.memory_space<vmem>>, vector<16xf32>,
      %get3A_4431 = vector.shape_cast %get3A_4430 : vector<16xf32> to vector<16xf32>
      %add3A_4432 = arith.addf %add3A_4428, %get3A_4431 : vector<16xf32>
      %get3A_4433 = arith.constant 624 : index
      %get3A_4434 = tpu.vector_load %arg21[%get3A_4433] {strides = array<i32>} : memref<1536xf32, #tpu.memory_space<vmem>>, vector<16xf32>,
      %get3A_4435 = vector.shape_cast %get3A_4434 : vector<16xf32> to vector<16xf32>
      %add3A_4436 = arith.addf %add3A_4432, %get3A_4435 : vector<16xf32>
      %get3A_4437 = arith.constant 720 : index
      %get3A_4438 = tpu.vector_load %arg21[%get3A_4437] {strides = array<i32>} : memref<1536xf32, #tpu.memory_space<vmem>>, vector<16xf32>,
      %get3A_4439 = vector.shape_cast %get3A_4438 : vector<16xf32> to vector<16xf32>
      %add3A_4440 = arith.addf %add3A_4436, %get3A_4439 : vector<16xf32>
      %get3A_4441 = arith.constant 816 : index
      %get3A_4442 = tpu.vector_load %arg21[%get3A_4441] {strides = array<i32>} : memref<1536xf32, #tpu.memory_space<vmem>>, vector<16xf32>,
      %get3A_4443 = vector.shape_cast %get3A_4442 : vector<16xf32> to vector<16xf32>
      %add3A_4444 = arith.addf %add3A_4440, %get3A_4443 : vector<16xf32>
      %get3A_4445 = arith.constant 912 : index
      %get3A_4446 = tpu.vector_load %arg21[%get3A_4445] {strides = array<i32>} : memref<1536xf32, #tpu.memory_space<vmem>>, vector<16xf32>,
      %get3A_4447 = vector.shape_cast %get3A_4446 : vector<16xf32> to vector<16xf32>
      %add3A_4448 = arith.addf %add3A_4444, %get3A_4447 : vector<16xf32>
      %get3A_4449 = arith.constant 1008 : index
      %get3A_4450 = tpu.vector_load %arg21[%get3A_4449] {strides = array<i32>} : memref<1536xf32, #tpu.memory_space<vmem>>, vector<16xf32>,
      %get3A_4451 = vector.shape_cast %get3A_4450 : vector<16xf32> to vector<16xf32>
      %add3A_4452 = arith.addf %add3A_4448, %get3A_4451 : vector<16xf32>
      %get3A_4453 = arith.constant 1104 : index
      %get3A_4454 = tpu.vector_load %arg21[%get3A_4453] {strides = array<i32>} : memref<1536xf32, #tpu.memory_space<vmem>>, vector<16xf32>,
      %get3A_4455 = vector.shape_cast %get3A_4454 : vector<16xf32> to vector<16xf32>
      %add3A_4456 = arith.addf %add3A_4452, %get3A_4455 : vector<16xf32>
      %get3A_4457 = arith.constant 1200 : index
      %get3A_4458 = tpu.vector_load %arg21[%get3A_4457] {strides = array<i32>} : memref<1536xf32, #tpu.memory_space<vmem>>, vector<16xf32>,
      %get3A_4459 = vector.shape_cast %get3A_4458 : vector<16xf32> to vector<16xf32>
      %add3A_4460 = arith.addf %add3A_4456, %get3A_4459 : vector<16xf32>
      %get3A_4461 = arith.constant 1296 : index
      %get3A_4462 = tpu.vector_load %arg21[%get3A_4461] {strides = array<i32>} : memref<1536xf32, #tpu.memory_space<vmem>>, vector<16xf32>,
      %get3A_4463 = vector.shape_cast %get3A_4462 : vector<16xf32> to vector<16xf32>
      %add3A_4464 = arith.addf %add3A_4460, %get3A_4463 : vector<16xf32>
      %get3A_4465 = arith.constant 1392 : index
      %get3A_4466 = tpu.vector_load %arg21[%get3A_4465] {strides = array<i32>} : memref<1536xf32, #tpu.memory_space<vmem>>, vector<16xf32>,
      %get3A_4467 = vector.shape_cast %get3A_4466 : vector<16xf32> to vector<16xf32>
      %add3A_4468 = arith.addf %add3A_4464, %get3A_4467 : vector<16xf32>
      %get3A_4469 = arith.constant 1488 : index
      %get3A_4470 = tpu.vector_load %arg21[%get3A_4469] {strides = array<i32>} : memref<1536xf32, #tpu.memory_space<vmem>>, vector<16xf32>,
      %get3A_4471 = vector.shape_cast %get3A_4470 : vector<16xf32> to vector<16xf32>
      %add3A_4472 = arith.addf %add3A_4468, %get3A_4471 : vector<16xf32>
      %slice3A_4473 = vector.extract_strided_slice %add3A_4472 {offsets = [0], sizes = [1], strides = [1]} : vector<16xf32> to vector<1xf32>
      %squeeze3A_4474 = vector.extract %slice3A_4473[0] : f32 from vector<1xf32>
      %slice3A_4475 = vector.extract_strided_slice %add3A_4472 {offsets = [1], sizes = [1], strides = [1]} : vector<16xf32> to vector<1xf32>
      %squeeze3A_4476 = vector.extract %slice3A_4475[0] : f32 from vector<1xf32>
      %add3A_4477 = arith.addf %squeeze3A_4474, %squeeze3A_4476 : f32
      %slice3A_4478 = vector.extract_strided_slice %add3A_4472 {offsets = [2], sizes = [1], strides = [1]} : vector<16xf32> to vector<1xf32>
      %squeeze3A_4479 = vector.extract %slice3A_4478[0] : f32 from vector<1xf32>
      %add3A_4480 = arith.addf %add3A_4477, %squeeze3A_4479 : f32
      %slice3A_4481 = vector.extract_strided_slice %add3A_4472 {offsets = [3], sizes = [1], strides = [1]} : vector<16xf32> to vector<1xf32>
      %squeeze3A_4482 = vector.extract %slice3A_4481[0] : f32 from vector<1xf32>
      %add3A_4483 = arith.addf %add3A_4480, %squeeze3A_4482 : f32
      %slice3A_4484 = vector.extract_strided_slice %add3A_4472 {offsets = [4], sizes = [1], strides = [1]} : vector<16xf32> to vector<1xf32>
      %squeeze3A_4485 = vector.extract %slice3A_4484[0] : f32 from vector<1xf32>
      %add3A_4486 = arith.addf %add3A_4483, %squeeze3A_4485 : f32
      %slice3A_4487 = vector.extract_strided_slice %add3A_4472 {offsets = [5], sizes = [1], strides = [1]} : vector<16xf32> to vector<1xf32>
      %squeeze3A_4488 = vector.extract %slice3A_4487[0] : f32 from vector<1xf32>
      %add3A_4489 = arith.addf %add3A_4486, %squeeze3A_4488 : f32
      %slice3A_4490 = vector.extract_strided_slice %add3A_4472 {offsets = [6], sizes = [1], strides = [1]} : vector<16xf32> to vector<1xf32>
      %squeeze3A_4491 = vector.extract %slice3A_4490[0] : f32 from vector<1xf32>
      %add3A_4492 = arith.addf %add3A_4489, %squeeze3A_4491 : f32
      %slice3A_4493 = vector.extract_strided_slice %add3A_4472 {offsets = [7], sizes = [1], strides = [1]} : vector<16xf32> to vector<1xf32>
      %squeeze3A_4494 = vector.extract %slice3A_4493[0] : f32 from vector<1xf32>
      %add3A_4495 = arith.addf %add3A_4492, %squeeze3A_4494 : f32
      %slice3A_4496 = vector.extract_strided_slice %add3A_4472 {offsets = [8], sizes = [1], strides = [1]} : vector<16xf32> to vector<1xf32>
      %squeeze3A_4497 = vector.extract %slice3A_4496[0] : f32 from vector<1xf32>
      %add3A_4498 = arith.addf %add3A_4495, %squeeze3A_4497 : f32
      %slice3A_4499 = vector.extract_strided_slice %add3A_4472 {offsets = [9], sizes = [1], strides = [1]} : vector<16xf32> to vector<1xf32>
      %squeeze3A_4500 = vector.extract %slice3A_4499[0] : f32 from vector<1xf32>
      %add3A_4501 = arith.addf %add3A_4498, %squeeze3A_4500 : f32
      %slice3A_4502 = vector.extract_strided_slice %add3A_4472 {offsets = [10], sizes = [1], strides = [1]} : vector<16xf32> to vector<1xf32>
      %squeeze3A_4503 = vector.extract %slice3A_4502[0] : f32 from vector<1xf32>
      %add3A_4504 = arith.addf %add3A_4501, %squeeze3A_4503 : f32
      %slice3A_4505 = vector.extract_strided_slice %add3A_4472 {offsets = [11], sizes = [1], strides = [1]} : vector<16xf32> to vector<1xf32>
      %squeeze3A_4506 = vector.extract %slice3A_4505[0] : f32 from vector<1xf32>
      %add3A_4507 = arith.addf %add3A_4504, %squeeze3A_4506 : f32
      %slice3A_4508 = vector.extract_strided_slice %add3A_4472 {offsets = [12], sizes = [1], strides = [1]} : vector<16xf32> to vector<1xf32>
      %squeeze3A_4509 = vector.extract %slice3A_4508[0] : f32 from vector<1xf32>
      %add3A_4510 = arith.addf %add3A_4507, %squeeze3A_4509 : f32
      %slice3A_4511 = vector.extract_strided_slice %add3A_4472 {offsets = [13], sizes = [1], strides = [1]} : vector<16xf32> to vector<1xf32>
      %squeeze3A_4512 = vector.extract %slice3A_4511[0] : f32 from vector<1xf32>
      %add3A_4513 = arith.addf %add3A_4510, %squeeze3A_4512 : f32
      %slice3A_4514 = vector.extract_strided_slice %add3A_4472 {offsets = [14], sizes = [1], strides = [1]} : vector<16xf32> to vector<1xf32>
      %squeeze3A_4515 = vector.extract %slice3A_4514[0] : f32 from vector<1xf32>
      %add3A_4516 = arith.addf %add3A_4513, %squeeze3A_4515 : f32
      %slice3A_4517 = vector.extract_strided_slice %add3A_4472 {offsets = [15], sizes = [1], strides = [1]} : vector<16xf32> to vector<1xf32>
      %squeeze3A_4518 = vector.extract %slice3A_4517[0] : f32 from vector<1xf32>
      %add3A_4519 = arith.addf %add3A_4516, %squeeze3A_4518 : f32
      %get3A_4520 = arith.constant 64 : index
      %get3A_4521 = tpu.vector_load %arg21[%get3A_4520] {strides = array<i32>} : memref<1536xf32, #tpu.memory_space<vmem>>, vector<16xf32>,
      %get3A_4522 = vector.shape_cast %get3A_4521 : vector<16xf32> to vector<16xf32>
      %get3A_4523 = arith.constant 160 : index
      %get3A_4524 = tpu.vector_load %arg21[%get3A_4523] {strides = array<i32>} : memref<1536xf32, #tpu.memory_space<vmem>>, vector<16xf32>,
      %get3A_4525 = vector.shape_cast %get3A_4524 : vector<16xf32> to vector<16xf32>
      %add3A_4526 = arith.addf %get3A_4522, %get3A_4525 : vector<16xf32>
      %get3A_4527 = arith.constant 256 : index
      %get3A_4528 = tpu.vector_load %arg21[%get3A_4527] {strides = array<i32>} : memref<1536xf32, #tpu.memory_space<vmem>>, vector<16xf32>,
      %get3A_4529 = vector.shape_cast %get3A_4528 : vector<16xf32> to vector<16xf32>
      %add3A_4530 = arith.addf %add3A_4526, %get3A_4529 : vector<16xf32>
      %get3A_4531 = arith.constant 352 : index
      %get3A_4532 = tpu.vector_load %arg21[%get3A_4531] {strides = array<i32>} : memref<1536xf32, #tpu.memory_space<vmem>>, vector<16xf32>,
      %get3A_4533 = vector.shape_cast %get3A_4532 : vector<16xf32> to vector<16xf32>
      %add3A_4534 = arith.addf %add3A_4530, %get3A_4533 : vector<16xf32>
      %get3A_4535 = arith.constant 448 : index
      %get3A_4536 = tpu.vector_load %arg21[%get3A_4535] {strides = array<i32>} : memref<1536xf32, #tpu.memory_space<vmem>>, vector<16xf32>,
      %get3A_4537 = vector.shape_cast %get3A_4536 : vector<16xf32> to vector<16xf32>
      %add3A_4538 = arith.addf %add3A_4534, %get3A_4537 : vector<16xf32>
      %get3A_4539 = arith.constant 544 : index
      %get3A_4540 = tpu.vector_load %arg21[%get3A_4539] {strides = array<i32>} : memref<1536xf32, #tpu.memory_space<vmem>>, vector<16xf32>,
      %get3A_4541 = vector.shape_cast %get3A_4540 : vector<16xf32> to vector<16xf32>
      %add3A_4542 = arith.addf %add3A_4538, %get3A_4541 : vector<16xf32>
      %get3A_4543 = arith.constant 640 : index
      %get3A_4544 = tpu.vector_load %arg21[%get3A_4543] {strides = array<i32>} : memref<1536xf32, #tpu.memory_space<vmem>>, vector<16xf32>,
      %get3A_4545 = vector.shape_cast %get3A_4544 : vector<16xf32> to vector<16xf32>
      %add3A_4546 = arith.addf %add3A_4542, %get3A_4545 : vector<16xf32>
      %get3A_4547 = arith.constant 736 : index
      %get3A_4548 = tpu.vector_load %arg21[%get3A_4547] {strides = array<i32>} : memref<1536xf32, #tpu.memory_space<vmem>>, vector<16xf32>,
      %get3A_4549 = vector.shape_cast %get3A_4548 : vector<16xf32> to vector<16xf32>
      %add3A_4550 = arith.addf %add3A_4546, %get3A_4549 : vector<16xf32>
      %get3A_4551 = arith.constant 832 : index
      %get3A_4552 = tpu.vector_load %arg21[%get3A_4551] {strides = array<i32>} : memref<1536xf32, #tpu.memory_space<vmem>>, vector<16xf32>,
      %get3A_4553 = vector.shape_cast %get3A_4552 : vector<16xf32> to vector<16xf32>
      %add3A_4554 = arith.addf %add3A_4550, %get3A_4553 : vector<16xf32>
      %get3A_4555 = arith.constant 928 : index
      %get3A_4556 = tpu.vector_load %arg21[%get3A_4555] {strides = array<i32>} : memref<1536xf32, #tpu.memory_space<vmem>>, vector<16xf32>,
      %get3A_4557 = vector.shape_cast %get3A_4556 : vector<16xf32> to vector<16xf32>
      %add3A_4558 = arith.addf %add3A_4554, %get3A_4557 : vector<16xf32>
      %get3A_4559 = arith.constant 1024 : index
      %get3A_4560 = tpu.vector_load %arg21[%get3A_4559] {strides = array<i32>} : memref<1536xf32, #tpu.memory_space<vmem>>, vector<16xf32>,
      %get3A_4561 = vector.shape_cast %get3A_4560 : vector<16xf32> to vector<16xf32>
      %add3A_4562 = arith.addf %add3A_4558, %get3A_4561 : vector<16xf32>
      %get3A_4563 = arith.constant 1120 : index
      %get3A_4564 = tpu.vector_load %arg21[%get3A_4563] {strides = array<i32>} : memref<1536xf32, #tpu.memory_space<vmem>>, vector<16xf32>,
      %get3A_4565 = vector.shape_cast %get3A_4564 : vector<16xf32> to vector<16xf32>
      %add3A_4566 = arith.addf %add3A_4562, %get3A_4565 : vector<16xf32>
      %get3A_4567 = arith.constant 1216 : index
      %get3A_4568 = tpu.vector_load %arg21[%get3A_4567] {strides = array<i32>} : memref<1536xf32, #tpu.memory_space<vmem>>, vector<16xf32>,
      %get3A_4569 = vector.shape_cast %get3A_4568 : vector<16xf32> to vector<16xf32>
      %add3A_4570 = arith.addf %add3A_4566, %get3A_4569 : vector<16xf32>
      %get3A_4571 = arith.constant 1312 : index
      %get3A_4572 = tpu.vector_load %arg21[%get3A_4571] {strides = array<i32>} : memref<1536xf32, #tpu.memory_space<vmem>>, vector<16xf32>,
      %get3A_4573 = vector.shape_cast %get3A_4572 : vector<16xf32> to vector<16xf32>
      %add3A_4574 = arith.addf %add3A_4570, %get3A_4573 : vector<16xf32>
      %get3A_4575 = arith.constant 1408 : index
      %get3A_4576 = tpu.vector_load %arg21[%get3A_4575] {strides = array<i32>} : memref<1536xf32, #tpu.memory_space<vmem>>, vector<16xf32>,
      %get3A_4577 = vector.shape_cast %get3A_4576 : vector<16xf32> to vector<16xf32>
      %add3A_4578 = arith.addf %add3A_4574, %get3A_4577 : vector<16xf32>
      %get3A_4579 = arith.constant 1504 : index
      %get3A_4580 = tpu.vector_load %arg21[%get3A_4579] {strides = array<i32>} : memref<1536xf32, #tpu.memory_space<vmem>>, vector<16xf32>,
      %get3A_4581 = vector.shape_cast %get3A_4580 : vector<16xf32> to vector<16xf32>
      %add3A_4582 = arith.addf %add3A_4578, %get3A_4581 : vector<16xf32>
      %slice3A_4583 = vector.extract_strided_slice %add3A_4582 {offsets = [0], sizes = [1], strides = [1]} : vector<16xf32> to vector<1xf32>
      %squeeze3A_4584 = vector.extract %slice3A_4583[0] : f32 from vector<1xf32>
      %slice3A_4585 = vector.extract_strided_slice %add3A_4582 {offsets = [1], sizes = [1], strides = [1]} : vector<16xf32> to vector<1xf32>
      %squeeze3A_4586 = vector.extract %slice3A_4585[0] : f32 from vector<1xf32>
      %add3A_4587 = arith.addf %squeeze3A_4584, %squeeze3A_4586 : f32
      %slice3A_4588 = vector.extract_strided_slice %add3A_4582 {offsets = [2], sizes = [1], strides = [1]} : vector<16xf32> to vector<1xf32>
      %squeeze3A_4589 = vector.extract %slice3A_4588[0] : f32 from vector<1xf32>
      %add3A_4590 = arith.addf %add3A_4587, %squeeze3A_4589 : f32
      %slice3A_4591 = vector.extract_strided_slice %add3A_4582 {offsets = [3], sizes = [1], strides = [1]} : vector<16xf32> to vector<1xf32>
      %squeeze3A_4592 = vector.extract %slice3A_4591[0] : f32 from vector<1xf32>
      %add3A_4593 = arith.addf %add3A_4590, %squeeze3A_4592 : f32
      %slice3A_4594 = vector.extract_strided_slice %add3A_4582 {offsets = [4], sizes = [1], strides = [1]} : vector<16xf32> to vector<1xf32>
      %squeeze3A_4595 = vector.extract %slice3A_4594[0] : f32 from vector<1xf32>
      %add3A_4596 = arith.addf %add3A_4593, %squeeze3A_4595 : f32
      %slice3A_4597 = vector.extract_strided_slice %add3A_4582 {offsets = [5], sizes = [1], strides = [1]} : vector<16xf32> to vector<1xf32>
      %squeeze3A_4598 = vector.extract %slice3A_4597[0] : f32 from vector<1xf32>
      %add3A_4599 = arith.addf %add3A_4596, %squeeze3A_4598 : f32
      %slice3A_4600 = vector.extract_strided_slice %add3A_4582 {offsets = [6], sizes = [1], strides = [1]} : vector<16xf32> to vector<1xf32>
      %squeeze3A_4601 = vector.extract %slice3A_4600[0] : f32 from vector<1xf32>
      %add3A_4602 = arith.addf %add3A_4599, %squeeze3A_4601 : f32
      %slice3A_4603 = vector.extract_strided_slice %add3A_4582 {offsets = [7], sizes = [1], strides = [1]} : vector<16xf32> to vector<1xf32>
      %squeeze3A_4604 = vector.extract %slice3A_4603[0] : f32 from vector<1xf32>
      %add3A_4605 = arith.addf %add3A_4602, %squeeze3A_4604 : f32
      %slice3A_4606 = vector.extract_strided_slice %add3A_4582 {offsets = [8], sizes = [1], strides = [1]} : vector<16xf32> to vector<1xf32>
      %squeeze3A_4607 = vector.extract %slice3A_4606[0] : f32 from vector<1xf32>
      %add3A_4608 = arith.addf %add3A_4605, %squeeze3A_4607 : f32
      %slice3A_4609 = vector.extract_strided_slice %add3A_4582 {offsets = [9], sizes = [1], strides = [1]} : vector<16xf32> to vector<1xf32>
      %squeeze3A_4610 = vector.extract %slice3A_4609[0] : f32 from vector<1xf32>
      %add3A_4611 = arith.addf %add3A_4608, %squeeze3A_4610 : f32
      %slice3A_4612 = vector.extract_strided_slice %add3A_4582 {offsets = [10], sizes = [1], strides = [1]} : vector<16xf32> to vector<1xf32>
      %squeeze3A_4613 = vector.extract %slice3A_4612[0] : f32 from vector<1xf32>
      %add3A_4614 = arith.addf %add3A_4611, %squeeze3A_4613 : f32
      %slice3A_4615 = vector.extract_strided_slice %add3A_4582 {offsets = [11], sizes = [1], strides = [1]} : vector<16xf32> to vector<1xf32>
      %squeeze3A_4616 = vector.extract %slice3A_4615[0] : f32 from vector<1xf32>
      %add3A_4617 = arith.addf %add3A_4614, %squeeze3A_4616 : f32
      %slice3A_4618 = vector.extract_strided_slice %add3A_4582 {offsets = [12], sizes = [1], strides = [1]} : vector<16xf32> to vector<1xf32>
      %squeeze3A_4619 = vector.extract %slice3A_4618[0] : f32 from vector<1xf32>
      %add3A_4620 = arith.addf %add3A_4617, %squeeze3A_4619 : f32
      %slice3A_4621 = vector.extract_strided_slice %add3A_4582 {offsets = [13], sizes = [1], strides = [1]} : vector<16xf32> to vector<1xf32>
      %squeeze3A_4622 = vector.extract %slice3A_4621[0] : f32 from vector<1xf32>
      %add3A_4623 = arith.addf %add3A_4620, %squeeze3A_4622 : f32
      %slice3A_4624 = vector.extract_strided_slice %add3A_4582 {offsets = [14], sizes = [1], strides = [1]} : vector<16xf32> to vector<1xf32>
      %squeeze3A_4625 = vector.extract %slice3A_4624[0] : f32 from vector<1xf32>
      %add3A_4626 = arith.addf %add3A_4623, %squeeze3A_4625 : f32
      %slice3A_4627 = vector.extract_strided_slice %add3A_4582 {offsets = [15], sizes = [1], strides = [1]} : vector<16xf32> to vector<1xf32>
      %squeeze3A_4628 = vector.extract %slice3A_4627[0] : f32 from vector<1xf32>
      %add3A_4629 = arith.addf %add3A_4626, %squeeze3A_4628 : f32
      %get3A_4630 = arith.constant 80 : index
      %get3A_4631 = tpu.vector_load %arg21[%get3A_4630] {strides = array<i32>} : memref<1536xf32, #tpu.memory_space<vmem>>, vector<16xf32>,
      %get3A_4632 = vector.shape_cast %get3A_4631 : vector<16xf32> to vector<16xf32>
      %get3A_4633 = arith.constant 176 : index
      %get3A_4634 = tpu.vector_load %arg21[%get3A_4633] {strides = array<i32>} : memref<1536xf32, #tpu.memory_space<vmem>>, vector<16xf32>,
      %get3A_4635 = vector.shape_cast %get3A_4634 : vector<16xf32> to vector<16xf32>
      %add3A_4636 = arith.addf %get3A_4632, %get3A_4635 : vector<16xf32>
      %get3A_4637 = arith.constant 272 : index
      %get3A_4638 = tpu.vector_load %arg21[%get3A_4637] {strides = array<i32>} : memref<1536xf32, #tpu.memory_space<vmem>>, vector<16xf32>,
      %get3A_4639 = vector.shape_cast %get3A_4638 : vector<16xf32> to vector<16xf32>
      %add3A_4640 = arith.addf %add3A_4636, %get3A_4639 : vector<16xf32>
      %get3A_4641 = arith.constant 368 : index
      %get3A_4642 = tpu.vector_load %arg21[%get3A_4641] {strides = array<i32>} : memref<1536xf32, #tpu.memory_space<vmem>>, vector<16xf32>,
      %get3A_4643 = vector.shape_cast %get3A_4642 : vector<16xf32> to vector<16xf32>
      %add3A_4644 = arith.addf %add3A_4640, %get3A_4643 : vector<16xf32>
      %get3A_4645 = arith.constant 464 : index
      %get3A_4646 = tpu.vector_load %arg21[%get3A_4645] {strides = array<i32>} : memref<1536xf32, #tpu.memory_space<vmem>>, vector<16xf32>,
      %get3A_4647 = vector.shape_cast %get3A_4646 : vector<16xf32> to vector<16xf32>
      %add3A_4648 = arith.addf %add3A_4644, %get3A_4647 : vector<16xf32>
      %get3A_4649 = arith.constant 560 : index
      %get3A_4650 = tpu.vector_load %arg21[%get3A_4649] {strides = array<i32>} : memref<1536xf32, #tpu.memory_space<vmem>>, vector<16xf32>,
      %get3A_4651 = vector.shape_cast %get3A_4650 : vector<16xf32> to vector<16xf32>
      %add3A_4652 = arith.addf %add3A_4648, %get3A_4651 : vector<16xf32>
      %get3A_4653 = arith.constant 656 : index
      %get3A_4654 = tpu.vector_load %arg21[%get3A_4653] {strides = array<i32>} : memref<1536xf32, #tpu.memory_space<vmem>>, vector<16xf32>,
      %get3A_4655 = vector.shape_cast %get3A_4654 : vector<16xf32> to vector<16xf32>
      %add3A_4656 = arith.addf %add3A_4652, %get3A_4655 : vector<16xf32>
      %get3A_4657 = arith.constant 752 : index
      %get3A_4658 = tpu.vector_load %arg21[%get3A_4657] {strides = array<i32>} : memref<1536xf32, #tpu.memory_space<vmem>>, vector<16xf32>,
      %get3A_4659 = vector.shape_cast %get3A_4658 : vector<16xf32> to vector<16xf32>
      %add3A_4660 = arith.addf %add3A_4656, %get3A_4659 : vector<16xf32>
      %get3A_4661 = arith.constant 848 : index
      %get3A_4662 = tpu.vector_load %arg21[%get3A_4661] {strides = array<i32>} : memref<1536xf32, #tpu.memory_space<vmem>>, vector<16xf32>,
      %get3A_4663 = vector.shape_cast %get3A_4662 : vector<16xf32> to vector<16xf32>
      %add3A_4664 = arith.addf %add3A_4660, %get3A_4663 : vector<16xf32>
      %get3A_4665 = arith.constant 944 : index
      %get3A_4666 = tpu.vector_load %arg21[%get3A_4665] {strides = array<i32>} : memref<1536xf32, #tpu.memory_space<vmem>>, vector<16xf32>,
      %get3A_4667 = vector.shape_cast %get3A_4666 : vector<16xf32> to vector<16xf32>
      %add3A_4668 = arith.addf %add3A_4664, %get3A_4667 : vector<16xf32>
      %get3A_4669 = arith.constant 1040 : index
      %get3A_4670 = tpu.vector_load %arg21[%get3A_4669] {strides = array<i32>} : memref<1536xf32, #tpu.memory_space<vmem>>, vector<16xf32>,
      %get3A_4671 = vector.shape_cast %get3A_4670 : vector<16xf32> to vector<16xf32>
      %add3A_4672 = arith.addf %add3A_4668, %get3A_4671 : vector<16xf32>
      %get3A_4673 = arith.constant 1136 : index
      %get3A_4674 = tpu.vector_load %arg21[%get3A_4673] {strides = array<i32>} : memref<1536xf32, #tpu.memory_space<vmem>>, vector<16xf32>,
      %get3A_4675 = vector.shape_cast %get3A_4674 : vector<16xf32> to vector<16xf32>
      %add3A_4676 = arith.addf %add3A_4672, %get3A_4675 : vector<16xf32>
      %get3A_4677 = arith.constant 1232 : index
      %get3A_4678 = tpu.vector_load %arg21[%get3A_4677] {strides = array<i32>} : memref<1536xf32, #tpu.memory_space<vmem>>, vector<16xf32>,
      %get3A_4679 = vector.shape_cast %get3A_4678 : vector<16xf32> to vector<16xf32>
      %add3A_4680 = arith.addf %add3A_4676, %get3A_4679 : vector<16xf32>
      %get3A_4681 = arith.constant 1328 : index
      %get3A_4682 = tpu.vector_load %arg21[%get3A_4681] {strides = array<i32>} : memref<1536xf32, #tpu.memory_space<vmem>>, vector<16xf32>,
      %get3A_4683 = vector.shape_cast %get3A_4682 : vector<16xf32> to vector<16xf32>
      %add3A_4684 = arith.addf %add3A_4680, %get3A_4683 : vector<16xf32>
      %get3A_4685 = arith.constant 1424 : index
      %get3A_4686 = tpu.vector_load %arg21[%get3A_4685] {strides = array<i32>} : memref<1536xf32, #tpu.memory_space<vmem>>, vector<16xf32>,
      %get3A_4687 = vector.shape_cast %get3A_4686 : vector<16xf32> to vector<16xf32>
      %add3A_4688 = arith.addf %add3A_4684, %get3A_4687 : vector<16xf32>
      %get3A_4689 = arith.constant 1520 : index
      %get3A_4690 = tpu.vector_load %arg21[%get3A_4689] {strides = array<i32>} : memref<1536xf32, #tpu.memory_space<vmem>>, vector<16xf32>,
      %get3A_4691 = vector.shape_cast %get3A_4690 : vector<16xf32> to vector<16xf32>
      %add3A_4692 = arith.addf %add3A_4688, %get3A_4691 : vector<16xf32>
      %slice3A_4693 = vector.extract_strided_slice %add3A_4692 {offsets = [0], sizes = [1], strides = [1]} : vector<16xf32> to vector<1xf32>
      %squeeze3A_4694 = vector.extract %slice3A_4693[0] : f32 from vector<1xf32>
      %slice3A_4695 = vector.extract_strided_slice %add3A_4692 {offsets = [1], sizes = [1], strides = [1]} : vector<16xf32> to vector<1xf32>
      %squeeze3A_4696 = vector.extract %slice3A_4695[0] : f32 from vector<1xf32>
      %add3A_4697 = arith.addf %squeeze3A_4694, %squeeze3A_4696 : f32
      %slice3A_4698 = vector.extract_strided_slice %add3A_4692 {offsets = [2], sizes = [1], strides = [1]} : vector<16xf32> to vector<1xf32>
      %squeeze3A_4699 = vector.extract %slice3A_4698[0] : f32 from vector<1xf32>
      %add3A_4700 = arith.addf %add3A_4697, %squeeze3A_4699 : f32
      %slice3A_4701 = vector.extract_strided_slice %add3A_4692 {offsets = [3], sizes = [1], strides = [1]} : vector<16xf32> to vector<1xf32>
      %squeeze3A_4702 = vector.extract %slice3A_4701[0] : f32 from vector<1xf32>
      %add3A_4703 = arith.addf %add3A_4700, %squeeze3A_4702 : f32
      %slice3A_4704 = vector.extract_strided_slice %add3A_4692 {offsets = [4], sizes = [1], strides = [1]} : vector<16xf32> to vector<1xf32>
      %squeeze3A_4705 = vector.extract %slice3A_4704[0] : f32 from vector<1xf32>
      %add3A_4706 = arith.addf %add3A_4703, %squeeze3A_4705 : f32
      %slice3A_4707 = vector.extract_strided_slice %add3A_4692 {offsets = [5], sizes = [1], strides = [1]} : vector<16xf32> to vector<1xf32>
      %squeeze3A_4708 = vector.extract %slice3A_4707[0] : f32 from vector<1xf32>
      %add3A_4709 = arith.addf %add3A_4706, %squeeze3A_4708 : f32
      %slice3A_4710 = vector.extract_strided_slice %add3A_4692 {offsets = [6], sizes = [1], strides = [1]} : vector<16xf32> to vector<1xf32>
      %squeeze3A_4711 = vector.extract %slice3A_4710[0] : f32 from vector<1xf32>
      %add3A_4712 = arith.addf %add3A_4709, %squeeze3A_4711 : f32
      %slice3A_4713 = vector.extract_strided_slice %add3A_4692 {offsets = [7], sizes = [1], strides = [1]} : vector<16xf32> to vector<1xf32>
      %squeeze3A_4714 = vector.extract %slice3A_4713[0] : f32 from vector<1xf32>
      %add3A_4715 = arith.addf %add3A_4712, %squeeze3A_4714 : f32
      %slice3A_4716 = vector.extract_strided_slice %add3A_4692 {offsets = [8], sizes = [1], strides = [1]} : vector<16xf32> to vector<1xf32>
      %squeeze3A_4717 = vector.extract %slice3A_4716[0] : f32 from vector<1xf32>
      %add3A_4718 = arith.addf %add3A_4715, %squeeze3A_4717 : f32
      %slice3A_4719 = vector.extract_strided_slice %add3A_4692 {offsets = [9], sizes = [1], strides = [1]} : vector<16xf32> to vector<1xf32>
      %squeeze3A_4720 = vector.extract %slice3A_4719[0] : f32 from vector<1xf32>
      %add3A_4721 = arith.addf %add3A_4718, %squeeze3A_4720 : f32
      %slice3A_4722 = vector.extract_strided_slice %add3A_4692 {offsets = [10], sizes = [1], strides = [1]} : vector<16xf32> to vector<1xf32>
      %squeeze3A_4723 = vector.extract %slice3A_4722[0] : f32 from vector<1xf32>
      %add3A_4724 = arith.addf %add3A_4721, %squeeze3A_4723 : f32
      %slice3A_4725 = vector.extract_strided_slice %add3A_4692 {offsets = [11], sizes = [1], strides = [1]} : vector<16xf32> to vector<1xf32>
      %squeeze3A_4726 = vector.extract %slice3A_4725[0] : f32 from vector<1xf32>
      %add3A_4727 = arith.addf %add3A_4724, %squeeze3A_4726 : f32
      %slice3A_4728 = vector.extract_strided_slice %add3A_4692 {offsets = [12], sizes = [1], strides = [1]} : vector<16xf32> to vector<1xf32>
      %squeeze3A_4729 = vector.extract %slice3A_4728[0] : f32 from vector<1xf32>
      %add3A_4730 = arith.addf %add3A_4727, %squeeze3A_4729 : f32
      %slice3A_4731 = vector.extract_strided_slice %add3A_4692 {offsets = [13], sizes = [1], strides = [1]} : vector<16xf32> to vector<1xf32>
      %squeeze3A_4732 = vector.extract %slice3A_4731[0] : f32 from vector<1xf32>
      %add3A_4733 = arith.addf %add3A_4730, %squeeze3A_4732 : f32
      %slice3A_4734 = vector.extract_strided_slice %add3A_4692 {offsets = [14], sizes = [1], strides = [1]} : vector<16xf32> to vector<1xf32>
      %squeeze3A_4735 = vector.extract %slice3A_4734[0] : f32 from vector<1xf32>
      %add3A_4736 = arith.addf %add3A_4733, %squeeze3A_4735 : f32
      %slice3A_4737 = vector.extract_strided_slice %add3A_4692 {offsets = [15], sizes = [1], strides = [1]} : vector<16xf32> to vector<1xf32>
      %squeeze3A_4738 = vector.extract %slice3A_4737[0] : f32 from vector<1xf32>
      %add3A_4739 = arith.addf %add3A_4736, %squeeze3A_4738 : f32
      %max3A = arith.constant 1.000000e+00 : f32
      %max3A_4740 = arith.maximumf %add3A_4739, %max3A : f32
      %gt3A_4741 = arith.constant 0.000000e+00 : f32
      %gt3A_4742 = arith.cmpf ogt, %add3A_4739, %gt3A_4741 : f32
      %jit3A_4743 = arith.constant 1.000000e+00 : f32
      %jit3A_4744 = arith.constant 0.000000e+00 : f32
      %select_n3A_4745 = arith.select %gt3A_4742, %jit3A_4743, %jit3A_4744 : f32
      %iota3A = tpu.iota {dimensions = array<i32: 0>} : vector<16xi32>
      %eq3A_4746 = arith.constant 0 : i32
      %eq3A_4747 = vector.broadcast %eq3A_4746 : i32 to vector<16xi32>
      %eq3A_4748 = arith.cmpi eq, %iota3A, %eq3A_4747 : vector<16xi32>
      %eq3A_4749 = arith.constant 1 : i32
      %eq3A_4750 = vector.broadcast %eq3A_4749 : i32 to vector<16xi32>
      %eq3A_4751 = arith.cmpi eq, %iota3A, %eq3A_4750 : vector<16xi32>
      %eq3A_4752 = arith.constant 2 : i32
      %eq3A_4753 = vector.broadcast %eq3A_4752 : i32 to vector<16xi32>
      %eq3A_4754 = arith.cmpi eq, %iota3A, %eq3A_4753 : vector<16xi32>
      %eq3A_4755 = arith.constant 3 : i32
      %eq3A_4756 = vector.broadcast %eq3A_4755 : i32 to vector<16xi32>
      %eq3A_4757 = arith.cmpi eq, %iota3A, %eq3A_4756 : vector<16xi32>
      %eq3A_4758 = arith.constant 4 : i32
      %eq3A_4759 = vector.broadcast %eq3A_4758 : i32 to vector<16xi32>
      %eq3A_4760 = arith.cmpi eq, %iota3A, %eq3A_4759 : vector<16xi32>
      %jit3A_4761 = arith.constant 0.000000e+00 : f32
      %broadcast_in_dim3A_4762 = vector.broadcast %add3A_4629 : f32 to vector<16xf32>
      %broadcast_in_dim3A_4763 = vector.broadcast %jit3A_4761 : f32 to vector<16xf32>
      %select_n3A_4764 = arith.select %eq3A_4760, %broadcast_in_dim3A_4762, %broadcast_in_dim3A_4763 : vector<16xi1>, vector<16xf32>
      %broadcast_in_dim3A_4765 = vector.broadcast %add3A_4519 : f32 to vector<16xf32>
      %select_n3A_4766 = arith.select %eq3A_4757, %broadcast_in_dim3A_4765, %select_n3A_4764 : vector<16xi1>, vector<16xf32>
      %broadcast_in_dim3A_4767 = vector.broadcast %add3A_4409 : f32 to vector<16xf32>
      %select_n3A_4768 = arith.select %eq3A_4754, %broadcast_in_dim3A_4767, %select_n3A_4766 : vector<16xi1>, vector<16xf32>
      %broadcast_in_dim3A_4769 = vector.broadcast %add3A_4299 : f32 to vector<16xf32>
      %select_n3A_4770 = arith.select %eq3A_4751, %broadcast_in_dim3A_4769, %select_n3A_4768 : vector<16xi1>, vector<16xf32>
      %broadcast_in_dim3A_4771 = vector.broadcast %add3A_4189 : f32 to vector<16xf32>
      %select_n3A_4772 = arith.select %eq3A_4748, %broadcast_in_dim3A_4771, %select_n3A_4770 : vector<16xi1>, vector<16xf32>
      %get3A_4773 = arith.constant 0 : index
      %get3A_4774 = tpu.vector_load %arg22[%get3A_4773] {strides = array<i32>} : memref<16xf32, #tpu.memory_space<vmem>>, vector<16xf32>,
      %get3A_4775 = vector.shape_cast %get3A_4774 : vector<16xf32> to vector<16xf32>
      %mul3A_4776 = arith.constant 9.900000e-01 : f32
      %mul3A_4777 = vector.broadcast %mul3A_4776 : f32 to vector<16xf32>
      %mul3A_4778 = arith.mulf %get3A_4775, %mul3A_4777 : vector<16xf32>
      %div3A = vector.broadcast %max3A_4740 : f32 to vector<16xf32>
      %div3A_4779 = arith.divf %select_n3A_4772, %div3A : vector<16xf32>
      %mul3A_4780 = arith.constant 0.00999999977 : f32
      %mul3A_4781 = vector.broadcast %mul3A_4780 : f32 to vector<16xf32>
      %mul3A_4782 = arith.mulf %mul3A_4781, %div3A_4779 : vector<16xf32>
      %add3A_4783 = arith.addf %mul3A_4778, %mul3A_4782 : vector<16xf32>
      %sub3A = arith.subf %add3A_4783, %get3A_4775 : vector<16xf32>
      %mul3A_4784 = vector.broadcast %select_n3A_4745 : f32 to vector<16xf32>
      %mul3A_4785 = arith.mulf %mul3A_4784, %sub3A : vector<16xf32>
      %add3A_4786 = arith.addf %get3A_4775, %mul3A_4785 : vector<16xf32>
      %eq3A_4787 = arith.constant 5 : i32
      %eq3A_4788 = vector.broadcast %eq3A_4787 : i32 to vector<16xi32>
      %eq3A_4789 = arith.cmpi eq, %iota3A, %eq3A_4788 : vector<16xi32>
      %broadcast_in_dim3A_4790 = vector.broadcast %add3A_4739 : f32 to vector<16xf32>
      %select_n3A_4791 = arith.select %eq3A_4789, %broadcast_in_dim3A_4790, %add3A_4786 : vector<16xi1>, vector<16xf32>
      %get3A_4792 = arith.constant 0 : index
      %get3A_4793 = tpu.vector_load %arg23[%get3A_4792] {strides = array<i32>} : memref<16xi32, #tpu.memory_space<vmem>>, vector<16xi32>,
      %get3A_4794 = vector.shape_cast %get3A_4793 : vector<16xi32> to vector<16xi32>
      %convert_element_type3A_4795 = arith.fptosi %select_n3A_4772 : vector<16xf32> to vector<16xi32>
      %add3A_4796 = arith.addi %get3A_4794, %convert_element_type3A_4795 : vector<16xi32>
      %swap3A_4797 = arith.constant 0 : index
      %swap3A_4798 = tpu.vector_load %arg22[%swap3A_4797] {strides = array<i32>} : memref<16xf32, #tpu.memory_space<vmem>>, vector<16xf32>,
      %swap3A_4799 = vector.shape_cast %swap3A_4798 : vector<16xf32> to vector<16xf32>
      %swap3A_4800 = vector.shape_cast %select_n3A_4791 : vector<16xf32> to vector<16xf32>
      tpu.vector_store %arg22[%swap3A_4797], %swap3A_4800 {strides = array<i32>} : memref<16xf32, #tpu.memory_space<vmem>>, vector<16xf32>,
      %swap3A_4801 = arith.constant 0 : index
      %swap3A_4802 = tpu.vector_load %arg23[%swap3A_4801] {strides = array<i32>} : memref<16xi32, #tpu.memory_space<vmem>>, vector<16xi32>,
      %swap3A_4803 = vector.shape_cast %swap3A_4802 : vector<16xi32> to vector<16xi32>
      %swap3A_4804 = vector.shape_cast %add3A_4796 : vector<16xi32> to vector<16xi32>
      tpu.vector_store %arg23[%swap3A_4801], %swap3A_4804 {strides = array<i32>} : memref<16xi32, #tpu.memory_space<vmem>>, vector<16xi32>,
      "tpu.region"() ({
        %run_scoped3A = tpu.sem_alloc : memref<!tpu.dma_semaphore, #tpu.memory_space<semaphore_mem>>
        tpu.enqueue_dma source(%arg22 : memref<16xf32, #tpu.memory_space<vmem>>) target(%arg11 : memref<16xf32, #tpu.memory_space<hbm>>) target_semaphore(%run_scoped3A : memref<!tpu.dma_semaphore, #tpu.memory_space<semaphore_mem>>)
        tpu.wait_dma2 semaphore(%run_scoped3A : memref<!tpu.dma_semaphore, #tpu.memory_space<semaphore_mem>>) src(%arg22 : memref<16xf32, #tpu.memory_space<vmem>>) dst(%arg11 : memref<16xf32, #tpu.memory_space<hbm>>)
        tpu.yield
      }) : () -> ()
      "tpu.region"() ({
        %run_scoped3A = tpu.sem_alloc : memref<!tpu.dma_semaphore, #tpu.memory_space<semaphore_mem>>
        tpu.enqueue_dma source(%arg23 : memref<16xi32, #tpu.memory_space<vmem>>) target(%arg12 : memref<16xi32, #tpu.memory_space<hbm>>) target_semaphore(%run_scoped3A : memref<!tpu.dma_semaphore, #tpu.memory_space<semaphore_mem>>)
        tpu.wait_dma2 semaphore(%run_scoped3A : memref<!tpu.dma_semaphore, #tpu.memory_space<semaphore_mem>>) src(%arg23 : memref<16xi32, #tpu.memory_space<vmem>>) dst(%arg12 : memref<16xi32, #tpu.memory_space<hbm>>)
        tpu.yield
      }) : () -> ()
    } else {
    }
    %dma_wait3A_4078 = tpu.memref_slice %arg9[%mul3A_0] : memref<16384xf32, #tpu.memory_space<hbm>> -> memref<1024xf32, #tpu.memory_space<hbm>>
    %dma_wait3A_4079 = tpu.memref_slice %arg9[%mul3A_0] : memref<16384xf32, #tpu.memory_space<hbm>> -> memref<1024xf32, #tpu.memory_space<hbm>>
    tpu.wait_dma2 semaphore(%arg25 : memref<!tpu.dma_semaphore, #tpu.memory_space<semaphore_mem>>) src(%arg18 : memref<1024xf32, #tpu.memory_space<vmem>>) dst(%dma_wait3A_4079 : memref<1024xf32, #tpu.memory_space<hbm>>)
    %dma_wait3A_4080 = tpu.memref_slice %arg10[%mul3A_0] : memref<16384xi32, #tpu.memory_space<hbm>> -> memref<1024xi32, #tpu.memory_space<hbm>>
    %dma_wait3A_4081 = tpu.memref_slice %arg10[%mul3A_0] : memref<16384xi32, #tpu.memory_space<hbm>> -> memref<1024xi32, #tpu.memory_space<hbm>>
    tpu.wait_dma2 semaphore(%arg25 : memref<!tpu.dma_semaphore, #tpu.memory_space<semaphore_mem>>) src(%arg19 : memref<1024xi32, #tpu.memory_space<vmem>>) dst(%dma_wait3A_4081 : memref<1024xi32, #tpu.memory_space<hbm>>)
    return
  }
}

</mosaic_0001>

<sc_bundles>
// kernel: kernel.3.cloned.1.call-start
scs
__scs_entry_jumppad:
0x0: {  	(pc) =	sbr.rel $0x88, $3  }
0x1: {  	(tag) =	ssettag $0x0;
	lr =	simm.s32 $0x1  }
0x2: {  	[smem:$0x3F98] =	sst lr;
	_ =	strace $0xD0000000  }
0x3: {  	_ = 	snop  }
0x4: {  	_ = 	snop  }
0x5: {  	_ = 	snop  }
0x6: {  	_ = 	snop  }
0x7: {  	_ = 	snop  }
__scs_overlays_trampoline_lowered:
0x8: {  	[smem:$0x3FA7] =	sst s0  }
0x9: {  	[smem:$0x3FA8] =	sst s1  }
0xa: {  	[smem:$0x3FA9] =	sst s2  }
0xb: {  	[smem:$0x3FAA] =	sst s3  }
0xc: {  	[smem:$0x3FAB] =	sst s4  }
0xd: {  	[smem:$0x3FAC] =	sst s5  }
0xe: {  	[smem:$0x3FAD] =	sst s6  }
0xf: {  	[smem:$0x3FAE] =	sst s7  }
0x10: {  	[smem:$0x3FAF] =	sst s8  }
0x11: {  	[smem:$0x3FB0] =	sst s9;
	s0 =	simm.s32 @!p0 $0x0  }
0x12: {  	s1 =	sld [smem:$0x3F96];
	s0 =	simm.s32 @p0 $0x1  }
0x13: {  	[smem:$0x3FB1] =	sst s0;
	s0 =	simm.s32 @!p1 $0x0  }
0x14: {  	s2 =	sld [smem:$0x3F95];
	s0 =	simm.s32 @p1 $0x1  }
0x15: {  	[smem:$0x3FB2] =	sst s0;
	s0 =	simm.s32 @!p2 $0x0  }
0x16: {  	s3 =	sld [smem:$0x3FDB];
	s0 =	simm.s32 @p2 $0x1  }
0x17: {  	s4 =	simm.s32 $0x1BF5;
	[smem:$0x3FB4] =	sst s0  }
0x18: {  	s0 =	sld [smem:$0x3F97];
	_ =	swait.ge [sflag:s4], $0x0  }
0x19: {  	s7 =	sld [smem:$0x3F98]  }
0x1a: {  	s8 =	sadd.s32 $0xFFFFE003, lr  }
0x1b: {  	s9 =	sadd.s32 $0xFFFFFEF7, lr;
	s5 =	simm.s32 $0xFFFFFFFF;
	p2 =	slt.u32 s8, $0xFFFFF086  }
0x1c: {  	p1 =	slt.u32 s9, $0xF7A;
	s5 =	simm.s32 @!p2 $0x0  }
0x1d: {  	s5 =	simm.s32 @p1 $0x1;
	p0 =	seq.s32 s7, s2  }
0x1e: {  	s7 =	smul.u32 @!p0 $0xF7A, s2;
	p2 =	seq.s32 @!p0 s5, $0x0  }
0x1f: {  	s9 =	smul.u32 $0xF7A, s1;
	s8 =	simm.s32 @!p0 $0x1BF5;
	p2 =	por !p2, p0  }
0x20: {  	[sflag:s8] =	ssyncset.s32 @!p0 $0xFFFFF086;
	s6 =	sadd.s32 @!p0 s3, s7;
	s7 =	simm.s32 @!p0 $0x108  }
0x21: {  	s3 =	sadd.s32 s3, s9;
	s6 =	sadd.s32 @!p0 $0x88, s6;
	s7 =	simm.s32 @p2 $0x1082  }
0x22: {  	[simem:s7], [sflag:s8] =	dma.local @!p0 [hbm:s6], $0xF7A  }
0x23: {  	s9 =	sor.u32 $0xD0000000, s2;
	s6 =	simm.s32 $0x108;
	_ =	swait.ge @!p0 [sflag:s8], $0x0  }
0x24: {  	s3 =	sadd.s32 $0x88, s3;
	s6 =	simm.s32 @!p1 $0x1082;
	[sflag:s4] =	ssyncset.s32 $0xFFFFF086  }
0x25: {  	[simem:s6], [sflag:s4] =	dma.local [hbm:s3], $0xF7A  }
0x26: {  	[smem:$0x3F98] =	sst s1;
	(tag) =	ssettag s2;
	_ =	strace s9  }
0x27: {  	s1 =	sld [smem:$0x3FA8]  }
0x28: {  	s2 =	sld [smem:$0x3FA9]  }
0x29: {  	s4 =	sld [smem:$0x3FAB]  }
0x2a: {  	p0 =	seq.s32 s5, $0x0;
	s5 =	sld [smem:$0x3FAC]  }
0x2b: {  	s6 =	sld [smem:$0x3FAD]  }
0x2c: {  	s7 =	sld [smem:$0x3FAE]  }
0x2d: {  	s3 =	simm.s32 $0x108;
	s8 =	sld [smem:$0x3FAF]  }
0x2e: {  	s3 =	simm.s32 @!p0 $0x1082;
	s9 =	sld [smem:$0x3FB0]  }
0x2f: {  	lr =	sadd.s32 s0, s3;
	s0 =	sld [smem:$0x3FA7]  }
0x30: {  	s3 =	sld [smem:$0x3FAA]  }
0x31: {  	[smem:$0x3FB3] =	sst s10  }
0x32: {  	s10 =	sld [smem:$0x3FB1];
	_ =	sdelay $0x3  }
0x33: {  	p0 =	seq.s32 s10, $0x1;
	s10 =	sld [smem:$0x3FB3];
	_ =	sdelay $0x3  }
0x34: {  	[smem:$0x3FB3] =	sst s10  }
0x35: {  	s10 =	sld [smem:$0x3FB2];
	_ =	sdelay $0x3  }
0x36: {  	p1 =	seq.s32 s10, $0x1;
	s10 =	sld [smem:$0x3FB3];
	_ =	sdelay $0x3  }
0x37: {  	[smem:$0x3FB3] =	sst s10  }
0x38: {  	s10 =	sld [smem:$0x3FB4]  }
0x39: {  	_ = 	snop;
	(pc) =	sbr.ind lr, $3  }
0x3a: {  	_ = 	snop  }
0x3b: {  	_ = 	snop  }
0x3c: {  	p2 =	seq.s32 s10, $0x1;
	s10 =	sld [smem:$0x3FB3]  }
0x3d: {  	_ =	shalt  }
0x3e: {  	_ =	shalt  }
0x3f: {  	_ =	shalt  }
0x40: {  	_ =	shalt  }
0x41: {  	_ =	shalt  }
0x42: {  	_ =	shalt  }
0x43: {  	_ =	shalt  }
0x44: {  	_ =	shalt  }
0x45: {  	_ =	shalt  }
0x46: {  	_ =	shalt  }
0x47: {  	_ =	shalt  }
0x48: {  	_ =	shalt  }
0x49: {  	_ =	shalt  }
0x4a: {  	_ =	shalt  }
0x4b: {  	_ =	shalt  }
0x4c: {  	_ =	shalt  }
0x4d: {  	_ =	shalt  }
0x4e: {  	_ =	shalt  }
0x4f: {  	_ =	shalt  }
0x50: {  	_ =	shalt  }
0x51: {  	_ =	shalt  }
0x52: {  	_ =	shalt  }
0x53: {  	_ =	shalt  }
0x54: {  	_ =	shalt  }
0x55: {  	_ =	shalt  }
0x56: {  	_ =	shalt  }
0x57: {  	_ =	shalt  }
0x58: {  	_ =	shalt  }
0x59: {  	_ =	shalt  }
0x5a: {  	_ =	shalt  }
0x5b: {  	_ =	shalt  }
0x5c: {  	_ =	shalt  }
0x5d: {  	_ =	shalt  }
0x5e: {  	_ =	shalt  }
0x5f: {  	_ =	shalt  }
0x60: {  	_ =	shalt  }
0x61: {  	_ =	shalt  }
0x62: {  	_ =	shalt  }
0x63: {  	_ =	shalt  }
0x64: {  	_ =	shalt  }
0x65: {  	_ =	shalt  }
0x66: {  	_ =	shalt  }
0x67: {  	_ =	shalt  }
0x68: {  	_ =	shalt  }
0x69: {  	_ =	shalt  }
0x6a: {  	_ =	shalt  }
0x6b: {  	_ =	shalt  }
0x6c: {  	_ =	shalt  }
0x6d: {  	_ =	shalt  }
0x6e: {  	_ =	shalt  }
0x6f: {  	_ =	shalt  }
0x70: {  	_ =	shalt  }
0x71: {  	_ =	shalt  }
0x72: {  	_ =	shalt  }
0x73: {  	_ =	shalt  }
0x74: {  	_ =	shalt  }
0x75: {  	_ =	shalt  }
0x76: {  	_ =	shalt  }
0x77: {  	_ =	shalt  }
0x78: {  	_ =	shalt  }
0x79: {  	_ =	shalt  }
0x7a: {  	_ =	shalt  }
0x7b: {  	_ =	shalt  }
0x7c: {  	_ =	shalt  }
0x7d: {  	_ =	shalt  }
0x7e: {  	_ =	shalt  }
0x7f: {  	_ =	shalt  }
0x80: {  	_ =	shalt  }
0x81: {  	_ =	shalt  }
0x82: {  	_ =	shalt  }
0x83: {  	_ =	shalt  }
0x84: {  	_ =	shalt  }
0x85: {  	_ =	shalt  }
0x86: {  	_ =	shalt  }
0x87: {  	_ =	shalt  }
.Lfunc_end0:
.L_simem_size_0:
called_computation_lowered:
.L_overlay_start_0:
0x88: {  	s0 =	sld [smem:$0x3FD9]  }
0x89: {  	s1 =	sld [smem:$0x3FFE];
	_ =	sdelay $0x3  }
0x8a: {  	s0 =	sadd.s32 s1, s0  }
0x8b: {  	[smem:$0x3FBF] =	sst s0  }
0x8c: {  	_ = 	snop  }
0x8d: {  	s0 =	sld [smem:$0x3FC9]  }
0x8e: {  	s13 =	sld [smem:$0x3FD0]  }
0x8f: {  	s2 =	sld [smem:$0x3FC7]  }
0x90: {  	s3 =	sld [smem:$0x3FC6]  }
0x91: {  	s5 =	simm.s32 $0xA;
	s6 =	simm.s32 $0x10;
	s4 =	sld [smem:$0x3FC5]  }
0x92: {  	[smem:s6], [sflag:s5] =	dma.local [hbm:s13], $0x1  }
0x93: {  	_ =	swait.eq [sflag:s5], $0x1  }
0x94: {  	s14 =	sld [smem:$0x10]  }
0x95: {  	s15 =	sld [smem:$0x11]  }
0x96: {  	s7 =	sld [smem:$0x12];
	[sflag:s5] =	ssyncset.done $0x0  }
0x97: {  	s8 =	sld [smem:$0x13];
	[sflag:s5] =	ssyncadd.s32 $0xFFFFFFFF  }
0x98: {  	s16 =	sld [smem:$0x15];
	(tm) =	ssettm $0x1  }
0x99: {  	s9 =	sld [smem:$0x3FFB];
	_ =	sdelay $0x3  }
0x9a: {  	_ =	strace s9  }
0x9b: {  	s9 =	sld [smem:$0x3FFC];
	_ =	sdelay $0x3  }
0x9c: {  	_ =	strace s9  }
0x9d: {  	s9 =	sld [smem:$0x3FFD];
	_ =	sdelay $0x3  }
0x9e: {  	_ =	strace s9  }
0x9f: {  	_ =	strace $0x8FFFFFFF  }
0xa0: {  	s17 =	sld [smem:$0x3FDB];
	_ =	sdelay $0x1  }
0xa1: {  	s10 =	simm.s32 $_scs_section_size  }
0xa2: {  	s11 =	simm.s32 $_size__tile_overlayer_lowered;
	s12 =	simm.s32 $_tile_overlayer_lowered  }
0xa3: {  	s20 =	simm.s32 $0x1BFF;
	s19 =	sshll.u32 s12, $0x1;
	s9 =	sadd.s32 s10, s17  }
0xa4: {  	s18 =	sshll.u32 s11, $0x1;
	s13 =	simm.s32 $0x0;
	s11 =	sadd.s32 s19, s9  }
0xa5: {  	[timem:s13], [sflag:s20] =	dma.local [hbm:s11], s18  }
0xa6: {  	_ =	swait.ge [sflag:s20], s18  }
0xa7: {  	s10 =	ssub.s32 $0x0, s18;
	[sflag:s20] =	ssyncset.done $0x0  }
0xa8: {  	[sflag:s20] =	ssyncadd.s32 s10;
	_ =	sdelay $0x1  }
0xa9: {  	s21 =	simm.s32 $0x1B8B  }
0xaa: {  	_ =	swait.ge [sflag:s21], $0x1  }
0xab: {  	[sflag:s21] =	ssyncset.done $0x0  }
0xac: {  	s23 =	simm.s32 $0x1B8E;
	s22 =	sld [smem:$0x3FFE];
	[sflag:s21] =	ssyncadd.s32 $0xFFFFFFFF  }
0xad: {  	s24 =	simm.s32 $execute0_lowered;
	[smem:$0x3FD2] =	sst s23  }
0xae: {  	s11 =	sshll.u32 s24, $0x1;
	_ =	strace $0x80000046;
	[dreg:$0x1] =	wrdreg $0xFFFFFFFF  }
0xaf: {  	s25 =	simm.s32 $_size_execute0_lowered;
	s9 =	sadd.s32 s9, s11;
	[dreg:$0x0] =	wrdreg $0x0  }
0xb0: {  	s11 =	sshll.u32 s25, $0x1;
	[dreg:$0x2] =	wrdreg s9  }
0xb1: {  	[dreg:$0x3] =	wrdreg s11  }
0xb2: {  	[dreg:$0x4] =	wrdreg $0xC0  }
0xb3: {  	_ =	task [dreg:s13], $0x5FFFF  }
0xb4: {  	[dreg:$0x1] =	wrdreg $0xFFFFFFFF  }
0xb5: {  	[dreg:$0x0] =	wrdreg $0x60  }
0xb6: {  	[dreg:$0x2] =	wrdreg s0  }
0xb7: {  	[dreg:$0x3] =	wrdreg s22  }
0xb8: {  	[dreg:$0x4] =	wrdreg s2  }
0xb9: {  	[dreg:$0x5] =	wrdreg s3  }
0xba: {  	[dreg:$0x6] =	wrdreg s4  }
0xbb: {  	[dreg:$0x7] =	wrdreg s7  }
0xbc: {  	[dreg:$0x8] =	wrdreg s8  }
0xbd: {  	[dreg:$0x9] =	wrdreg s14  }
0xbe: {  	[dreg:$0xa] =	wrdreg s15  }
0xbf: {  	[dreg:$0xb] =	wrdreg s16  }
0xc0: {  	[dreg:$0xc] =	wrdreg $0x23800  }
0xc1: {  	[dreg:$0xd] =	wrdreg $0x9  }
0xc2: {  	_ =	task.clear_ibuf [dreg:s13], $0xEFFFF;
	_ =	strace $0x90000046  }
0xc3: {  	s26 =	simm.s32 $0x9;
	_ =	strace $0x80000048  }
0xc4: {  	_ =	swait.ge [sflag:s26], $0x1  }
0xc5: {  	[sflag:s26] =	ssyncadd.s32 $0xFFFFFFFF  }
0xc6: {  	_ =	strace $0x90000048  }
0xc7: {  	_ =	sfence  }
0xc8: {  	s28 =	sld [smem:$0x0];
	_ =	sdelay $0x1  }
0xc9: {  	s29 =	srdreg.scid  }
0xca: {  	s30 =	sshll.u32 s29, $0xD;
	s31 =	sshrl.u32 s29, $0x2  }
0xcb: {  	s1 =	sand.u32 $0x1, s29;
	s2 =	sand.u32 $0x4000, s30;
	s0 =	sadd.s32 s31, s28  }
0xcc: {  	s1 =	sor.u32 s2, s1;
	s0 =	sshll.u32 s0, $0x11  }
0xcd: {  	s0 =	sor.u32 s0, s1  }
0xce: {  	s0 =	sadd.s32 $0x8F2B, s0  }
0xcf: {  	[sflag:s0] =	ssyncadd.remote.s32 $0x1  }
0xd0: {  	_ =	sfence.sel $0xFFFF  }
0xd1: {  	[dreg:$0x0] =	wrdreg $0xFFFFFFFF;
	(pc) =	sbr.abs _section_cstart, $3  }
0xd2: {  	[dreg:$0x1] =	wrdreg $0xFFFFFFFF  }
0xd3: {  	_ =	task.clear_ibuf [dreg:s13], $0x2FFFF;
	_ =	strace $0x9FFFFFFF  }
0xd4: {  	(tm) =	ssettm $0x7FFFFFFF  }
0xd5: {  	_ =	shalt  }
tec
execute0_lowered:
.L_overlay_start_1:
0x0: {  	(tag) =	ssettag $0x1  }
0x1: {  	s5 =	rddreg [dreg:$0x0]  }
0x2: {  	s11 =	rddreg [dreg:$0x1]  }
0x3: {  	s6 =	rddreg [dreg:$0x2]  }
0x4: {  	s7 =	rddreg [dreg:$0x3]  }
0x5: {  	s10 =	rddreg [dreg:$0x4]  }
0x6: {  	s0 =	rddreg [dreg:$0x5]  }
0x7: {  	s3 =	rddreg [dreg:$0x6]  }
0x8: {  	s2 =	rddreg [dreg:$0x7]  }
0x9: {  	s9 =	rddreg [dreg:$0x8]  }
0xa: {  	s1 =	rddreg [dreg:$0xa];
	s14 =	simm.s32 $0x0;
	s8 =	stileid.u32  }
0xb: {  	[smem:$0x7FF] =	sst s14;
	s4 =	sshll.u32 s8, $0x7  }
0xc: {  	_ =	strace $0x80000047;
	s11 =	sadd.s32 s4, s11;
	s5 =	sadd.s32 s5, s4  }
0xd: {  	[tilespmem:s14], [sflag:$0x1] =	stream.linear.gather [hbm4b:s5+s14], $0x400, $0x38;
	[tilespmem:$0x23E0] =	vst v63  }
0xe: {  	s19 =	simm.s32 $0x400;
	s18 =	sadd.s32 $0x1200, s11  }
0xf: {  	[tilespmem:s19], [sflag:$0x1] =	stream.linear.gather [hbm4b:s18+s14], $0x400, $0x38;
	[tilespmem:$0x23E0] =	vst v63  }
0x10: {  	s21 =	simm.s32 $0x800;
	s20 =	sadd.s32 s6, s4  }
0x11: {  	[tilespmem:s21], [sflag:$0x1] =	stream.linear.gather [hbm4b:s20+s14], $0x400, $0x38;
	[tilespmem:$0x23E0] =	vst v63  }
0x12: {  	s23 =	simm.s32 $0xC00;
	s22 =	sadd.s32 s7, s4  }
0x13: {  	[tilespmem:s23], [sflag:$0x1] =	stream.linear.gather [hbm4b:s22+s14], $0x400, $0x38;
	[tilespmem:$0x23E0] =	vst v63  }
0x14: {  	s25 =	simm.s32 $0x1000;
	s24 =	sadd.s32 s10, s4;
	s6 =	simm.s32 $0x1  }
0x15: {  	[tilespmem:s25], [sflag:$0x1] =	stream.linear.gather [hbm4b:s24+s14], $0x400, $0x38;
	[tilespmem:$0x23E0] =	vst v63  }
0x16: {  	_ =	swait.ge [sflag:s6], $0x400  }
0x17: {  	[sflag:s6] =	ssyncset.done $0x0  }
0x18: {  	[sflag:s6] =	ssyncadd.s32 $0xFFFFFC00  }
0x19: {  	_ =	swait.ge [sflag:s6], $0x400  }
0x1a: {  	[sflag:s6] =	ssyncset.done $0x0  }
0x1b: {  	[sflag:s6] =	ssyncadd.s32 $0xFFFFFC00  }
0x1c: {  	_ =	swait.ge [sflag:s6], $0x400  }
0x1d: {  	[sflag:s6] =	ssyncset.done $0x0  }
0x1e: {  	[sflag:s6] =	ssyncadd.s32 $0xFFFFFC00  }
0x1f: {  	_ =	swait.ge [sflag:s6], $0x400  }
0x20: {  	[sflag:s6] =	ssyncset.done $0x0  }
0x21: {  	[sflag:s6] =	ssyncadd.s32 $0xFFFFFC00  }
0x22: {  	_ =	swait.ge [sflag:s6], $0x400  }
0x23: {  	[sflag:s6] =	ssyncset.done $0x0  }
0x24: {  	[sflag:s6] =	ssyncadd.s32 $0xFFFFFC00  }
0x25: {  	v0 =	vld [tilespmem:$0xC00]  }
0x26: {  	v1 =	vld [tilespmem:$0x0]  }
0x27: {  	v2 =	vld [tilespmem:$0x1000]  }
0x28: {  	v3 =	vld [tilespmem:$0x400]  }
0x29: {  	v4 =	vld [tilespmem:$0x800]  }
0x2a: {  	v5 =	vld [tilespmem:$0xC10]  }
0x2b: {  	v51 =	vld [tilespmem:$0x10]  }
0x2c: {  	v7 =	vld [tilespmem:$0x1010]  }
0x2d: {  	v10 =	vld [tilespmem:$0x410]  }
0x2e: {  	v11 =	vld [tilespmem:$0x810]  }
0x2f: {  	v14 =	vld [tilespmem:$0xC20]  }
0x30: {  	v53 =	vld [tilespmem:$0x20]  }
0x31: {  	v15 =	vld [tilespmem:$0x1020]  }
0x32: {  	v59 =	vld [tilespmem:$0x420]  }
0x33: {  	v63 =	vld [tilespmem:$0x820]  }
0x34: {  	v21 =	vld [tilespmem:$0xC30]  }
0x35: {  	v16 =	vld [tilespmem:$0x30]  }
0x36: {  	v24 =	vld [tilespmem:$0x1030]  }
0x37: {  	v30 =	vld [tilespmem:$0x830];
	v0 =	vadd.f32 v1, v0;
	v50 =	vadd.s32 $0x1, v2;
	v9 =	vadd.f32 $0.0e+00, v3  }
0x38: {  	v33 =	vld [tilespmem:$0xC40];
	vm0 =	veq.s32 v4, $0x0;
	vm1 =	veq.s32 v4, $0x1;
	vm9 =	veq.s32 v4, $0x2  }
0x39: {  	v36 =	vld [tilespmem:$0x40];
	v2 =	vadd.f32 v51, v5;
	v52 =	vadd.s32 $0x1, v7;
	vm10 =	vgt.f32 v3, $0.0e+00  }
0x3a: {  	v38 =	vld [tilespmem:$0x1040];
	vm11 =	veq.s32 v11, $0x0;
	vm12 =	veq.s32 v11, $0x1;
	vm13 =	veq.s32 v11, $0x2  }
0x3b: {  	v5 =	vadd.f32 v53, v14;
	v20 =	vadd.s32 $0x1, v15;
	vm14 =	vgt.f32 v10, $0.0e+00  }
0x3c: {  	vm15 =	veq.s32 v63, $0x0;
	vm2 =	veq.s32 v63, $0x1;
	vm4 =	veq.s32 v63, $0x2  }
0x3d: {  	v31 =	vadd.f32 v16, v21;
	v32 =	vadd.s32 $0x1, v24;
	vm5 =	vgt.f32 v59, $0.0e+00  }
0x3e: {  	v26 =	vld [tilespmem:$0x430];
	vm6 =	veq.s32 v30, $0x0;
	vm7 =	veq.s32 v30, $0x1;
	vm8 =	veq.s32 v30, $0x2  }
0x3f: {  	v39 =	vld [tilespmem:$0x440];
	v45 =	vadd.f32 v36, v33;
	v46 =	vadd.s32 $0x1, v38;
	v6 =	vcvt.s32.f32 v50  }
0x40: {  	v42 =	vld [tilespmem:$0x840];
	v55 =	vcvt.s32.f32 v52;
	v56 =	vsel vm10, $0x0, v50;
	v60 =	vnsel vm11, $0x0, v10  }
0x41: {  	v17 =	vld [tilespmem:$0x860];
	v62 =	vnsel vm12, $0x0, v10;
	v22 =	vnsel vm13, $0x0, v10;
	v15 =	vcvt.s32.f32 v20  }
0x42: {  	v27 =	vnsel vm15, $0x0, v59;
	v28 =	vnsel vm2, $0x0, v59;
	v4 =	vsel vm14, $0x0, v52  }
0x43: {  	v34 =	vnsel vm4, $0x0, v59;
	v35 =	vcvt.s32.f32 v32;
	v11 =	vsel vm5, $0x0, v20  }
0x44: {  	v40 =	vnsel vm6, $0x0, v26;
	v41 =	vnsel vm7, $0x0, v26;
	v44 =	vnsel vm8, $0x0, v26  }
0x45: {  	v48 =	vcvt.s32.f32 v46;
	vm11 =	veq.s32 v42, $0x1;
	vm12 =	veq.s32 v42, $0x2  }
0x46: {  	vm13 =	vgt.f32 v39, $0.0e+00;
	vm6 =	veq.s32 v17, $0x0;
	vm7 =	veq.s32 v17, $0x1  }
0x47: {  	vm8 =	veq.s32 v17, $0x2;
	v8 =	vmul.f32 v0, v3;
	v12 =	vnsel vm0, $0x0, v9  }
0x48: {  	v13 =	vnsel vm1, $0x0, v9;
	v54 =	vnsel vm9, $0x0, v9;
	v0 =	vsel vm10, $0x0, v0  }
0x49: {  	v49 =	vld [tilespmem:$0x1050];
	v57 =	vmul.f32 v2, v10;
	v58 =	vadd.f32 v10, v9;
	v23 =	vmul.f32 v5, v59  }
0x4a: {  	v18 =	vld [tilespmem:$0x870];
	v2 =	vsel vm14, $0x0, v2;
	v5 =	vsel vm5, $0x0, v5;
	v37 =	vmul.f32 v31, v26  }
0x4b: {  	vm9 =	vgt.f32 v26, $0.0e+00;
	v51 =	vmul.f32 v45, v39;
	vm10 =	veq.s32 v42, $0x0  }
0x4c: {  	[tilespmem:$0x1FC40] =	vst v11;
	v11 =	vsel vm13, $0x0, v45;
	v6 =	vmul.f32 v6, v3;
	v3 =	vmul.f32 v55, v10  }
0x4d: {  	v63 =	vld [tilespmem:$0x460];
	v61 =	vadd.f32 v60, v12;
	v7 =	vadd.f32 v22, v54;
	v25 =	vmul.f32 v15, v59  }
0x4e: {  	v9 =	vmul.f32 v35, v26;
	v50 =	vsel vm9, $0x0, v32;
	v53 =	vnsel vm10, $0x0, v39  }
0x4f: {  	v52 =	vld [tilespmem:$0x450];
	v54 =	vnsel vm11, $0x0, v39;
	v10 =	vadd.s32 $0x1, v49;
	vm10 =	veq.s32 v18, $0x0  }
0x50: {  	v43 =	vld [tilespmem:$0xC50];
	vm11 =	veq.s32 v18, $0x1;
	v8 =	vadd.f32 $0.0e+00, v8;
	v1 =	vadd.f32 v59, v58  }
0x51: {  	v47 =	vld [tilespmem:$0x50];
	v58 =	vcvt.s32.f32 v10;
	v6 =	vadd.f32 $0.0e+00, v6;
	v7 =	vadd.f32 v34, v7  }
0x52: {  	[tilespmem:$0x1FBF0] =	vst v0;
	v32 =	vnsel vm6, $0x0, v63;
	v34 =	vnsel vm7, $0x0, v63;
	v0 =	vadd.f32 v57, v8  }
0x53: {  	v55 =	vld [tilespmem:$0x850];
	v17 =	vnsel vm8, $0x0, v63;
	v8 =	vadd.f32 v62, v13;
	v1 =	vadd.f32 v26, v1  }
0x54: {  	v57 =	vnsel vm12, $0x0, v39;
	v62 =	vmul.f32 v58, v52;
	v13 =	vsel vm13, $0x0, v46  }
0x55: {  	[tilespmem:$0x1FC00] =	vst v56;
	v56 =	vld [tilespmem:$0xC60];
	vm5 =	vgt.f32 v52, $0.0e+00;
	vm12 =	veq.s32 v18, $0x2;
	v3 =	vadd.f32 v3, v6  }
0x56: {  	v59 =	vld [tilespmem:$0x60];
	v7 =	vadd.f32 v44, v7;
	v6 =	vadd.f32 v47, v43;
	v10 =	vsel vm5, $0x0, v10  }
0x57: {  	v0 =	vadd.f32 v23, v0;
	v29 =	vadd.f32 v28, v8;
	v8 =	vsel vm9, $0x0, v31  }
0x58: {  	[tilespmem:$0x1FC60] =	vst v50;
	v50 =	vld [tilespmem:$0x490];
	v1 =	vadd.f32 v39, v1;
	vm14 =	veq.s32 v55, $0x0;
	vm15 =	veq.s32 v55, $0x1  }
0x59: {  	[tilespmem:$0x1FC10] =	vst v2;
	vm4 =	veq.s32 v55, $0x2;
	vm9 =	vgt.f32 v63, $0.0e+00;
	v2 =	vadd.f32 v25, v3  }
0x5a: {  	v19 =	vld [tilespmem:$0x90];
	v3 =	vadd.f32 v27, v61;
	v7 =	vadd.f32 v57, v7;
	v60 =	vmul.f32 v6, v52  }
0x5b: {  	v46 =	vld [tilespmem:$0x1090];
	v21 =	vnsel vm14, $0x0, v52;
	v22 =	vnsel vm15, $0x0, v52;
	v23 =	vadd.f32 v59, v56  }
0x5c: {  	v43 =	vld [tilespmem:$0x880];
	v25 =	vnsel vm4, $0x0, v52;
	v6 =	vsel vm5, $0x0, v6;
	v0 =	vadd.f32 v37, v0  }
0x5d: {  	[tilespmem:$0x1FC20] =	vst v4;
	v44 =	vld [tilespmem:$0xC90];
	vm3 =	vgt.f32 v50, $0.0e+00;
	v4 =	vadd.f32 v41, v29;
	v1 =	vadd.f32 v52, v1  }
0x5e: {  	v2 =	vadd.f32 v9, v2;
	v3 =	vadd.f32 v40, v3;
	v9 =	vmul.f32 v48, v39  }
0x5f: {  	v31 =	vld [tilespmem:$0x470];
	v7 =	vadd.f32 v25, v7;
	v28 =	vmul.f32 v23, v63;
	v38 =	vsel vm9, $0x0, v23  }
0x60: {  	v61 =	vld [tilespmem:$0x1060];
	v18 =	vadd.s32 $0x1, v46;
	v0 =	vadd.f32 v51, v0;
	v4 =	vadd.f32 v54, v4  }
0x61: {  	v27 =	vld [tilespmem:$0x1070];
	v1 =	vadd.f32 v63, v1;
	vm13 =	veq.s32 v43, $0x0;
	vm14 =	veq.s32 v43, $0x1  }
0x62: {  	v24 =	vld [tilespmem:$0xC70];
	vm15 =	veq.s32 v43, $0x2;
	v19 =	vadd.f32 v19, v44;
	v55 =	vcvt.s32.f32 v18  }
0x63: {  	v56 =	vld [tilespmem:$0x10A0];
	v18 =	vsel vm3, $0x0, v18;
	v2 =	vadd.f32 v9, v2;
	v3 =	vadd.f32 v53, v3  }
0x64: {  	v29 =	vld [tilespmem:$0x70];
	v7 =	vadd.f32 v17, v7;
	v42 =	vnsel vm10, $0x0, v31;
	v47 =	vnsel vm11, $0x0, v31  }
0x65: {  	v37 =	vld [tilespmem:$0x1080];
	v48 =	vnsel vm12, $0x0, v31;
	vm12 =	vgt.f32 v31, $0.0e+00;
	v0 =	vadd.f32 v60, v0  }
0x66: {  	[tilespmem:$0x1FC50] =	vst v8;
	v41 =	vld [tilespmem:$0x480];
	v4 =	vadd.f32 v22, v4;
	v8 =	vadd.s32 $0x1, v61;
	v14 =	vadd.s32 $0x1, v27  }
0x67: {  	v33 =	vld [tilespmem:$0xC80];
	[tilespmem:$0x1FC30] =	vst v5;
	v1 =	vadd.f32 v31, v1;
	v59 =	vmul.f32 v19, v50;
	v5 =	vmul.f32 v55, v50  }
0x68: {  	[tilespmem:$0x1FC70] =	vst v11;
	v35 =	vld [tilespmem:$0x80];
	v11 =	vadd.s32 $0x1, v56;
	v2 =	vadd.f32 v62, v2;
	v3 =	vadd.f32 v21, v3  }
0x69: {  	v46 =	vld [tilespmem:$0x4D0];
	v26 =	vcvt.s32.f32 v8;
	v15 =	vadd.f32 v29, v24;
	v36 =	vcvt.s32.f32 v14  }
0x6a: {  	v8 =	vsel vm9, $0x0, v8;
	v16 =	vadd.s32 $0x1, v37;
	v7 =	vadd.f32 v48, v7  }
0x6b: {  	v53 =	vnsel vm13, $0x0, v41;
	v20 =	vnsel vm14, $0x0, v41;
	v58 =	vnsel vm15, $0x0, v41  }
0x6c: {  	[tilespmem:$0x1FC90] =	vst v6;
	v51 =	vld [tilespmem:$0x890];
	vm13 =	vgt.f32 v41, $0.0e+00;
	v6 =	vcvt.s32.f32 v11;
	v0 =	vadd.f32 v28, v0  }
0x6d: {  	[tilespmem:$0x1FCA0] =	vst v10;
	v14 =	vsel vm12, $0x0, v14;
	v10 =	vadd.f32 v34, v4;
	v4 =	vadd.f32 v35, v33  }
0x6e: {  	v45 =	vcvt.s32.f32 v16;
	v1 =	vadd.f32 v41, v1;
	vm2 =	vgt.f32 v46, $0.0e+00  }
0x6f: {  	v52 =	vld [tilespmem:$0xCA0];
	v16 =	vsel vm13, $0x0, v16;
	v30 =	vmul.f32 v26, v63;
	v3 =	vadd.f32 v32, v3  }
0x70: {  	v23 =	vld [tilespmem:$0xB0];
	v39 =	vmul.f32 v15, v31;
	v40 =	vmul.f32 v36, v31;
	v7 =	vadd.f32 v58, v7  }
0x71: {  	v60 =	vld [tilespmem:$0x4A0];
	vm4 =	veq.s32 v51, $0x0;
	vm5 =	veq.s32 v51, $0x1;
	vm6 =	veq.s32 v51, $0x2  }
0x72: {  	v54 =	vld [tilespmem:$0xA0];
	v15 =	vsel vm12, $0x0, v15;
	v49 =	vmul.f32 v4, v41;
	v10 =	vadd.f32 v47, v10  }
0x73: {  	v62 =	vld [tilespmem:$0x8A0];
	[tilespmem:$0x1FCC0] =	vst v8;
	v8 =	vmul.f32 v45, v41;
	v1 =	vadd.f32 v50, v1;
	v61 =	vnsel vm4, $0x0, v50  }
0x74: {  	v34 =	vld [tilespmem:$0xC0];
	v29 =	vnsel vm5, $0x0, v50;
	v21 =	vnsel vm6, $0x0, v50;
	v2 =	vadd.f32 v30, v2  }
0x75: {  	v63 =	vld [tilespmem:$0xCB0];
	v4 =	vsel vm13, $0x0, v4;
	v0 =	vadd.f32 v39, v0;
	v3 =	vadd.f32 v42, v3  }
0x76: {  	v31 =	vld [tilespmem:$0x8B0];
	v7 =	vadd.f32 v21, v7;
	v6 =	vmul.f32 v6, v60;
	v57 =	vadd.f32 v20, v10  }
0x77: {  	v32 =	vld [tilespmem:$0xCC0];
	vm14 =	vgt.f32 v60, $0.0e+00;
	v10 =	vadd.f32 v54, v52;
	v1 =	vadd.f32 v60, v1  }
0x78: {  	v27 =	vld [tilespmem:$0xD0];
	vm7 =	veq.s32 v62, $0x0;
	vm8 =	veq.s32 v62, $0x1;
	v2 =	vadd.f32 v40, v2  }
0x79: {  	v41 =	vld [tilespmem:$0xCD0];
	vm9 =	veq.s32 v62, $0x2;
	v0 =	vadd.f32 v49, v0;
	v3 =	vadd.f32 v53, v3  }
0x7a: {  	v47 =	vld [tilespmem:$0x8D0];
	v33 =	vnsel vm7, $0x0, v60;
	v24 =	vnsel vm8, $0x0, v60;
	v37 =	vnsel vm9, $0x0, v60  }
0x7b: {  	v30 =	vld [tilespmem:$0x4B0];
	v22 =	vmul.f32 v10, v60;
	v12 =	vadd.f32 v29, v57;
	v23 =	vadd.f32 v23, v63  }
0x7c: {  	v36 =	vld [tilespmem:$0x10C0];
	v7 =	vadd.f32 v37, v7;
	vm10 =	veq.s32 v31, $0x0;
	v25 =	vadd.f32 v34, v32  }
0x7d: {  	v26 =	vld [tilespmem:$0x4C0];
	vm11 =	veq.s32 v31, $0x1;
	vm15 =	veq.s32 v31, $0x2;
	v2 =	vadd.f32 v8, v2  }
0x7e: {  	v10 =	vsel vm14, $0x0, v10;
	v0 =	vadd.f32 v59, v0;
	v3 =	vadd.f32 v61, v3  }
0x7f: {  	v58 =	vld [tilespmem:$0x8E0];
	v31 =	vadd.f32 v27, v41;
	vm7 =	veq.s32 v47, $0x0;
	vm8 =	veq.s32 v47, $0x1  }
0x80: {  	[tilespmem:$0x1FCB0] =	vst v38;
	v28 =	vld [tilespmem:$0x10B0];
	vm9 =	veq.s32 v47, $0x2;
	v12 =	vadd.f32 v24, v12;
	v38 =	vmul.f32 v23, v30  }
0x81: {  	v48 =	vld [tilespmem:$0xCE0];
	v1 =	vadd.f32 v30, v1;
	v39 =	vnsel vm10, $0x0, v30;
	v24 =	vadd.s32 $0x1, v36  }
0x82: {  	[tilespmem:$0x1FC80] =	vst v13;
	v51 =	vld [tilespmem:$0xE0];
	v44 =	vnsel vm11, $0x0, v30;
	v13 =	vnsel vm15, $0x0, v30;
	v45 =	vmul.f32 v25, v26  }
0x83: {  	v40 =	vld [tilespmem:$0x8C0];
	vm10 =	vgt.f32 v30, $0.0e+00;
	vm11 =	vgt.f32 v26, $0.0e+00;
	v57 =	vnsel vm7, $0x0, v46  }
0x84: {  	v62 =	vnsel vm8, $0x0, v46;
	v63 =	vnsel vm9, $0x0, v46;
	vm15 =	veq.s32 v58, $0x0  }
0x85: {  	v53 =	vld [tilespmem:$0x10E0];
	v2 =	vadd.f32 v5, v2;
	v0 =	vadd.f32 v22, v0;
	v22 =	vadd.s32 $0x1, v28  }
0x86: {  	v3 =	vadd.f32 v33, v3;
	v42 =	vcvt.s32.f32 v24;
	v7 =	vadd.f32 v13, v7  }
0x87: {  	v56 =	vld [tilespmem:$0x4E0];
	v55 =	vmul.f32 v31, v46;
	v33 =	vadd.f32 v51, v48;
	v35 =	vcvt.s32.f32 v22  }
0x88: {  	v9 =	vadd.f32 v44, v12;
	v1 =	vadd.f32 v26, v1;
	vm4 =	veq.s32 v40, $0x0  }
0x89: {  	v43 =	vld [tilespmem:$0x10D0];
	vm5 =	veq.s32 v40, $0x1;
	vm6 =	veq.s32 v40, $0x2;
	v2 =	vadd.f32 v6, v2  }
0x8a: {  	v8 =	vadd.s32 $0x1, v53;
	v0 =	vadd.f32 v38, v0;
	v3 =	vadd.f32 v39, v3  }
0x8b: {  	v6 =	vmul.f32 v42, v26;
	v49 =	vnsel vm4, $0x0, v26;
	v50 =	vnsel vm5, $0x0, v26  }
0x8c: {  	v36 =	vld [tilespmem:$0x8F0];
	v54 =	vnsel vm6, $0x0, v26;
	v60 =	vcvt.s32.f32 v8;
	v32 =	vmul.f32 v33, v56  }
0x8d: {  	v59 =	vld [tilespmem:$0xCF0];
	vm4 =	veq.s32 v58, $0x1;
	v38 =	vnsel vm15, $0x0, v56;
	vm5 =	veq.s32 v58, $0x2  }
0x8e: {  	v61 =	vld [tilespmem:$0x10F0];
	v5 =	vmul.f32 v35, v30;
	v30 =	vadd.s32 $0x1, v43;
	v9 =	vadd.f32 v50, v9  }
0x8f: {  	v28 =	vld [tilespmem:$0xF0];
	v7 =	vadd.f32 v54, v7;
	v1 =	vadd.f32 v46, v1;
	v29 =	vnsel vm4, $0x0, v56  }
0x90: {  	v34 =	vld [tilespmem:$0x4F0];
	v47 =	vnsel vm5, $0x0, v56;
	vm5 =	vgt.f32 v56, $0.0e+00;
	v0 =	vadd.f32 v45, v0  }
0x91: {  	v51 =	vld [tilespmem:$0x900];
	v52 =	vcvt.s32.f32 v30;
	v3 =	vadd.f32 v49, v3;
	vm6 =	veq.s32 v36, $0x0  }
0x92: {  	v37 =	vld [tilespmem:$0xD00];
	vm7 =	veq.s32 v36, $0x1;
	vm8 =	veq.s32 v36, $0x2;
	v2 =	vadd.f32 v5, v2  }
0x93: {  	v44 =	vld [tilespmem:$0x100];
	v8 =	vsel vm5, $0x0, v8;
	v9 =	vadd.f32 v62, v9;
	v7 =	vadd.f32 v63, v7  }
0x94: {  	v35 =	vadd.f32 v56, v1;
	v1 =	vadd.s32 $0x1, v61;
	v41 =	vadd.f32 v28, v59  }
0x95: {  	v50 =	vnsel vm6, $0x0, v34;
	v26 =	vnsel vm8, $0x0, v34;
	vm6 =	vgt.f32 v34, $0.0e+00  }
0x96: {  	vm9 =	veq.s32 v51, $0x0;
	vm15 =	veq.s32 v51, $0x1;
	vm4 =	veq.s32 v51, $0x2  }
0x97: {  	v5 =	vmul.f32 v52, v46;
	v0 =	vadd.f32 v55, v0;
	v3 =	vadd.f32 v57, v3  }
0x98: {  	v49 =	vld [tilespmem:$0x500];
	v45 =	vcvt.s32.f32 v1;
	v40 =	vadd.f32 v44, v37;
	v55 =	vnsel vm7, $0x0, v34  }
0x99: {  	v54 =	vld [tilespmem:$0x1110];
	v1 =	vsel vm6, $0x0, v1;
	v2 =	vadd.f32 v6, v2;
	v9 =	vadd.f32 v29, v9  }
0x9a: {  	v46 =	vld [tilespmem:$0x1100];
	v6 =	vmul.f32 v60, v56;
	v7 =	vadd.f32 v47, v7;
	v12 =	vadd.f32 v34, v35  }
0x9b: {  	v52 =	vld [tilespmem:$0xD10];
	v48 =	vmul.f32 v41, v34;
	v0 =	vadd.f32 v32, v0;
	v3 =	vadd.f32 v38, v3  }
0x9c: {  	v57 =	vld [tilespmem:$0x110];
	v2 =	vadd.f32 v5, v2;
	v5 =	vmul.f32 v45, v34;
	v9 =	vadd.f32 v55, v9  }
0x9d: {  	v59 =	vld [tilespmem:$0x510];
	v56 =	vmul.f32 v40, v49;
	v58 =	vadd.f32 v26, v7;
	v12 =	vadd.f32 v49, v12  }
0x9e: {  	v60 =	vld [tilespmem:$0x910];
	v62 =	vnsel vm9, $0x0, v49;
	v32 =	vnsel vm15, $0x0, v49;
	v7 =	vadd.s32 $0x1, v54  }
0x9f: {  	v44 =	vld [tilespmem:$0x920];
	v37 =	vnsel vm4, $0x0, v49;
	vm4 =	vgt.f32 v49, $0.0e+00;
	v0 =	vadd.f32 v48, v0  }
0xa0: {  	v3 =	vadd.f32 v50, v3;
	v35 =	vcvt.s32.f32 v7;
	v2 =	vadd.f32 v6, v2  }
0xa1: {  	v61 =	vld [tilespmem:$0xD20];
	v42 =	vadd.s32 $0x1, v46;
	v46 =	vadd.f32 v57, v52;
	v9 =	vadd.f32 v32, v9  }
0xa2: {  	v39 =	vld [tilespmem:$0x520];
	v17 =	vadd.f32 v37, v58;
	v12 =	vadd.f32 v59, v12;
	v53 =	vcvt.s32.f32 v42  }
0xa3: {  	v63 =	vld [tilespmem:$0x120];
	v0 =	vadd.f32 v56, v0;
	v3 =	vadd.f32 v62, v3;
	vm7 =	veq.s32 v60, $0x0  }
0xa4: {  	v36 =	vld [tilespmem:$0x1120];
	vm8 =	veq.s32 v60, $0x1;
	vm9 =	veq.s32 v60, $0x2;
	vm15 =	veq.s32 v44, $0x0  }
0xa5: {  	v54 =	vld [tilespmem:$0x930];
	v2 =	vadd.f32 v5, v2;
	v38 =	vmul.f32 v46, v59;
	v5 =	vmul.f32 v35, v59  }
0xa6: {  	v47 =	vld [tilespmem:$0xD30];
	v43 =	vnsel vm7, $0x0, v59;
	v50 =	vnsel vm8, $0x0, v59;
	v51 =	vnsel vm9, $0x0, v59  }
0xa7: {  	v55 =	vld [tilespmem:$0xD40];
	vm8 =	vgt.f32 v59, $0.0e+00;
	v12 =	vadd.f32 v39, v12;
	vm7 =	veq.s32 v44, $0x1  }
0xa8: {  	v52 =	vld [tilespmem:$0x530];
	v60 =	vnsel vm15, $0x0, v39;
	vm9 =	veq.s32 v44, $0x2;
	v45 =	vadd.f32 v43, v3  }
0xa9: {  	v62 =	vld [tilespmem:$0x140];
	v6 =	vmul.f32 v53, v49;
	v9 =	vadd.f32 v50, v9;
	v17 =	vadd.f32 v51, v17  }
0xaa: {  	v35 =	vld [tilespmem:$0x130];
	v37 =	vnsel vm9, $0x0, v39;
	vm9 =	vgt.f32 v39, $0.0e+00;
	vm15 =	veq.s32 v54, $0x0  }
0xab: {  	v49 =	vld [tilespmem:$0x1130];
	v51 =	vimm.s32 $0x0;
	v7 =	vsel vm8, $0x0, v7;
	v27 =	vadd.f32 v38, v0  }
0xac: {  	v0 =	vadd.f32 v63, v61;
	v61 =	vnsel vm7, $0x0, v39;
	v2 =	vadd.f32 v6, v2  }
0xad: {  	vm7 =	veq.s32 v54, $0x1;
	v9 =	vadd.f32 v61, v9;
	v17 =	vadd.f32 v37, v17  }
0xae: {  	v12 =	vadd.f32 v52, v12;
	v34 =	vmul.f32 v0, v39;
	v61 =	vadd.f32 v62, v55  }
0xaf: {  	v29 =	vld [tilespmem:$0x940];
	v0 =	vsel vm9, $0x0, v0;
	v5 =	vadd.f32 v5, v2;
	v2 =	vadd.s32 $0x1, v36  }
0xb0: {  	v56 =	vld [tilespmem:$0x160];
	v3 =	vadd.f32 v35, v47;
	v48 =	vcvt.s32.f32 v2;
	v59 =	vadd.s32 $0x1, v49  }
0xb1: {  	v43 =	vld [tilespmem:$0xD50];
	v53 =	vadd.f32 v34, v27;
	v27 =	vadd.f32 v60, v45;
	v63 =	vcvt.s32.f32 v59  }
0xb2: {  	v36 =	vld [tilespmem:$0x1140];
	v2 =	vsel vm9, $0x0, v2;
	v38 =	vmul.f32 v3, v52;
	v6 =	vmul.f32 v48, v39  }
0xb3: {  	v34 =	vld [tilespmem:$0x540];
	v39 =	vnsel vm15, $0x0, v52;
	vm15 =	veq.s32 v54, $0x2;
	v48 =	vnsel vm7, $0x0, v52  }
0xb4: {  	v47 =	vld [tilespmem:$0x1150];
	vm7 =	vgt.f32 v52, $0.0e+00;
	v28 =	vmul.f32 v63, v52;
	v21 =	vadd.f32 v38, v53  }
0xb5: {  	v60 =	vld [tilespmem:$0x1160];
	v27 =	vadd.f32 v39, v27;
	v49 =	vnsel vm15, $0x0, v52;
	v9 =	vadd.f32 v48, v9  }
0xb6: {  	v54 =	vld [tilespmem:$0xD60];
	v20 =	vsel vm7, $0xFFFFFFFF, v51;
	vm15 =	veq.s32 v29, $0x0;
	vm7 =	veq.s32 v29, $0x1  }
0xb7: {  	v53 =	vld [tilespmem:$0x950];
	v39 =	vimm.s32 $0x0;
	v5 =	vadd.f32 v6, v5;
	v58 =	vadd.s32 $0x1, v36  }
0xb8: {  	v36 =	vld [tilespmem:$0x150];
	v17 =	vadd.f32 v49, v17;
	v45 =	vcvt.s32.f32 v58;
	v50 =	vmul.f32 v61, v34  }
0xb9: {  	v12 =	vadd.f32 v34, v12;
	v55 =	vnsel vm15, $0x0, v34;
	vm15 =	veq.s32 v29, $0x2;
	v29 =	vld [tilespmem:$0x9A0]  }
0xba: {  	v37 =	vnsel vm7, $0x0, v34;
	v5 =	vadd.f32 v28, v5;
	v28 =	vld [tilespmem:$0x550];
	v27 =	vadd.f32 v55, v27  }
0xbb: {  	v38 =	vld [tilespmem:$0xD70];
	v9 =	vadd.f32 v37, v9;
	v62 =	vnsel vm15, $0x0, v34;
	v13 =	vmul.f32 v45, v34  }
0xbc: {  	v52 =	vadd.f32 v50, v21;
	v45 =	vadd.s32 $0x1, v47;
	v17 =	vadd.f32 v62, v17;
	v47 =	vld [tilespmem:$0x170]  }
0xbd: {  	vm7 =	vgt.f32 v34, $0.0e+00;
	v50 =	vld [tilespmem:$0x1170];
	v13 =	vadd.f32 v13, v5;
	v5 =	vadd.f32 v36, v43  }
0xbe: {  	v34 =	vsel vm7, $0xFFFFFFFF, v39;
	v39 =	vld [tilespmem:$0x570];
	v57 =	vcvt.s32.f32 v45;
	vm15 =	veq.s32 v53, $0x0  }
0xbf: {  	vm7 =	veq.s32 v53, $0x1;
	v36 =	vld [tilespmem:$0x560];
	vm13 =	veq.s32 v29, $0x0;
	v63 =	vmul.f32 v5, v28  }
0xc0: {  	[tilespmem:$0x1FBB0] =	vst v34;
	v43 =	vld [tilespmem:$0x960];
	v6 =	vmul.f32 v57, v28;
	v34 =	vadd.f32 v28, v12;
	v44 =	vnsel vm15, $0x0, v28  }
0xc1: {  	v12 =	vadd.s32 $0x1, v60;
	v48 =	vnsel vm7, $0x0, v28;
	vm15 =	veq.s32 v53, $0x2  }
0xc2: {  	v27 =	vadd.f32 v44, v27;
	v49 =	vcvt.s32.f32 v12;
	v9 =	vadd.f32 v48, v9  }
0xc3: {  	[tilespmem:$0x1FBA0] =	vst v20;
	v53 =	vadd.f32 v47, v38;
	v48 =	vadd.s32 $0x1, v50;
	v20 =	vadd.f32 v63, v52  }
0xc4: {  	vm0 =	vgt.f32 v39, $0.0e+00;
	v13 =	vadd.f32 v6, v13;
	v6 =	vadd.f32 v56, v54  }
0xc5: {  	v60 =	vld [tilespmem:$0x970];
	v56 =	vnsel vm15, $0x0, v28;
	v32 =	vmul.f32 v49, v36;
	vm7 =	veq.s32 v43, $0x0  }
0xc6: {  	v17 =	vadd.f32 v56, v17;
	vm15 =	veq.s32 v43, $0x1;
	v49 =	vmul.f32 v53, v39  }
0xc7: {  	v62 =	vld [tilespmem:$0xD80];
	v34 =	vadd.f32 v36, v34;
	v55 =	vmul.f32 v6, v36;
	v57 =	vnsel vm7, $0x0, v36  }
0xc8: {  	v44 =	vld [tilespmem:$0x1180];
	vm7 =	vgt.f32 v28, $0.0e+00;
	v38 =	vnsel vm15, $0x0, v36;
	vm15 =	veq.s32 v43, $0x2  }
0xc9: {  	v63 =	vld [tilespmem:$0x180];
	v43 =	vcvt.s32.f32 v48;
	v13 =	vadd.f32 v32, v13;
	v21 =	vadd.f32 v57, v27  }
0xca: {  	v9 =	vadd.f32 v38, v9;
	v47 =	vnsel vm15, $0x0, v36;
	vm15 =	veq.s32 v60, $0x0  }
0xcb: {  	v50 =	vld [tilespmem:$0x980];
	v5 =	vsel vm7, $0x0, v5;
	v20 =	vadd.f32 v55, v20;
	v17 =	vadd.f32 v47, v17  }
0xcc: {  	v32 =	vld [tilespmem:$0x580];
	v51 =	vmul.f32 v43, v39;
	v52 =	vnsel vm15, $0x0, v39;
	vm15 =	veq.s32 v60, $0x1  }
0xcd: {  	v57 =	vld [tilespmem:$0x190];
	v54 =	vnsel vm15, $0x0, v39;
	vm15 =	veq.s32 v60, $0x2;
	v21 =	vadd.f32 v52, v21  }
0xce: {  	v55 =	vld [tilespmem:$0xD90];
	v63 =	vadd.f32 v63, v62;
	v62 =	vadd.s32 $0x1, v44;
	v20 =	vadd.f32 v49, v20  }
0xcf: {  	v13 =	vadd.f32 v51, v13;
	v9 =	vadd.f32 v54, v9;
	v56 =	vnsel vm15, $0x0, v39  }
0xd0: {  	v60 =	vld [tilespmem:$0x1190];
	vm15 =	veq.s32 v50, $0x0;
	v35 =	vcvt.s32.f32 v62;
	v51 =	vsel vm3, $0x0, v19  }
0xd1: {  	v44 =	vld [tilespmem:$0x590];
	v17 =	vadd.f32 v56, v17;
	v52 =	vnsel vm15, $0x0, v32;
	vm15 =	veq.s32 v50, $0x1  }
0xd2: {  	v49 =	vld [tilespmem:$0x990];
	v54 =	vmul.f32 v63, v32;
	v35 =	vmul.f32 v35, v32;
	vm1 =	vgt.f32 v32, $0.0e+00  }
0xd3: {  	v43 =	vnsel vm15, $0x0, v32;
	vm15 =	veq.s32 v50, $0x2;
	v55 =	vadd.f32 v57, v55  }
0xd4: {  	v37 =	vld [tilespmem:$0x11A0];
	v21 =	vadd.f32 v52, v21;
	v62 =	vsel vm1, $0x0, v62;
	v47 =	vnsel vm15, $0x0, v32  }
0xd5: {  	v56 =	vld [tilespmem:$0xDA0];
	vm15 =	vgt.f32 v36, $0.0e+00;
	v20 =	vadd.f32 v54, v20;
	v26 =	vadd.s32 $0x1, v60  }
0xd6: {  	v50 =	vld [tilespmem:$0xDB0];
	v13 =	vadd.f32 v35, v13;
	v9 =	vadd.f32 v43, v9;
	[tilespmem:$0x1FBD0] =	vst v26;
	v26 =	vcvt.s32.f32 v26  }
0xd7: {  	v60 =	vld [tilespmem:$0x1A0];
	v17 =	vadd.f32 v47, v17;
	v57 =	vmul.f32 v55, v44;
	vm12 =	veq.s32 v49, $0x0  }
0xd8: {  	v35 =	vld [tilespmem:$0x5A0];
	v47 =	vadd.f32 v39, v34;
	v38 =	vnsel vm12, $0x0, v44;
	vm12 =	veq.s32 v49, $0x1  }
0xd9: {  	[tilespmem:$0x1FCD0] =	vst v15;
	v54 =	vld [tilespmem:$0x1B0];
	v36 =	vmul.f32 v26, v44;
	v15 =	vadd.f32 v57, v20;
	v43 =	vnsel vm12, $0x0, v44  }
0xda: {  	vm12 =	veq.s32 v49, $0x2;
	v20 =	vadd.f32 v38, v21;
	v38 =	vadd.s32 $0x1, v37  }
0xdb: {  	v21 =	vadd.f32 v32, v47;
	v49 =	vnsel vm12, $0x0, v44;
	v9 =	vadd.f32 v43, v9  }
0xdc: {  	[tilespmem:$0x1FBC0] =	vst v55;
	v34 =	vld [tilespmem:$0x5B0];
	v55 =	vcvt.s32.f32 v38;
	vm12 =	veq.s32 v29, $0x1;
	v13 =	vadd.f32 v36, v13  }
0xdd: {  	[tilespmem:$0x1FCE0] =	vst v14;
	v14 =	vadd.f32 v49, v17;
	v52 =	vadd.f32 v60, v56;
	v56 =	vld [tilespmem:$0x11B0];
	v57 =	vnsel vm13, $0x0, v35  }
0xde: {  	v60 =	vnsel vm12, $0x0, v35;
	vm13 =	veq.s32 v29, $0x2;
	v29 =	vld [tilespmem:$0x9B0];
	v39 =	vadd.f32 v54, v50  }
0xdf: {  	[tilespmem:$0x1FD00] =	vst v16;
	v50 =	vld [tilespmem:$0xDC0];
	v32 =	vadd.f32 v44, v21;
	v16 =	vmul.f32 v55, v35;
	v43 =	vnsel vm13, $0x0, v35  }
0xe0: {  	v47 =	vadd.f32 v57, v20;
	v9 =	vadd.f32 v60, v9;
	v55 =	vld [tilespmem:$0x1C0];
	v28 =	vmul.f32 v52, v35  }
0xe1: {  	[tilespmem:$0x1FD50] =	vst v18;
	v37 =	vsel vm14, $0x0, v11;
	v57 =	vld [tilespmem:$0x11C0];
	v14 =	vadd.f32 v43, v14;
	v18 =	vadd.f32 v35, v32  }
0xe2: {  	v27 =	vld [tilespmem:$0x9C0];
	v32 =	vsel vm10, $0x0, v23;
	v13 =	vadd.f32 v16, v13;
	v15 =	vadd.f32 v28, v15  }
0xe3: {  	v18 =	vadd.f32 v34, v18;
	v49 =	vadd.s32 $0x1, v56;
	vm12 =	veq.s32 v29, $0x0  }
0xe4: {  	v43 =	vld [tilespmem:$0x11D0];
	v56 =	vmul.f32 v39, v34;
	vm13 =	veq.s32 v29, $0x1;
	vm14 =	veq.s32 v29, $0x2  }
0xe5: {  	v54 =	vcvt.s32.f32 v49;
	v60 =	vnsel vm12, $0x0, v34;
	v36 =	vnsel vm13, $0x0, v34  }
0xe6: {  	[tilespmem:$0x1FD30] =	vst v51;
	v28 =	vld [tilespmem:$0x5C0];
	vm12 =	vgt.f32 v44, $0.0e+00;
	v26 =	vadd.f32 v55, v50;
	v51 =	vadd.s32 $0x1, v57  }
0xe7: {  	v44 =	vnsel vm14, $0x0, v34;
	vm13 =	veq.s32 v27, $0x0;
	v15 =	vadd.f32 v56, v15  }
0xe8: {  	[tilespmem:$0x1FD60] =	vst v10;
	v10 =	vld [tilespmem:$0x5D0];
	vm14 =	veq.s32 v27, $0x1;
	v16 =	vadd.f32 v60, v47;
	v9 =	vadd.f32 v36, v9  }
0xe9: {  	[tilespmem:$0x1FBE0] =	vst v49;
	v49 =	vld [tilespmem:$0xDD0];
	v47 =	vcvt.s32.f32 v51;
	v11 =	vadd.f32 v44, v14;
	v57 =	vadd.s32 $0x1, v43  }
0xea: {  	v55 =	vld [tilespmem:$0x1D0];
	v43 =	vsel vm10, $0x0, v22;
	vm10 =	veq.s32 v27, $0x2;
	v27 =	vsel vm11, $0x0, v24  }
0xeb: {  	v17 =	vmul.f32 v54, v34;
	v50 =	vnsel vm13, $0x0, v28;
	v54 =	vmul.f32 v26, v28  }
0xec: {  	[tilespmem:$0x1FD70] =	vst v37;
	v36 =	vld [tilespmem:$0x9D0];
	v56 =	vnsel vm14, $0x0, v28;
	vm13 =	vgt.f32 v35, $0.0e+00;
	v35 =	vcvt.s32.f32 v57  }
0xed: {  	v37 =	vld [tilespmem:$0xDE0];
	[tilespmem:$0x1FD40] =	vst v57;
	v57 =	vsel vm11, $0x0, v25;
	v18 =	vadd.f32 v28, v18;
	v13 =	vadd.f32 v17, v13  }
0xee: {  	[tilespmem:$0x1FD80] =	vst v32;
	v32 =	vld [tilespmem:$0x5E0];
	v17 =	vmul.f32 v47, v28;
	v60 =	vadd.f32 v56, v9;
	v14 =	vadd.f32 v54, v15  }
0xef: {  	v25 =	vld [tilespmem:$0x5F0];
	v15 =	vadd.f32 v50, v16;
	v44 =	vadd.f32 v55, v49;
	v9 =	vmul.f32 v35, v10  }
0xf0: {  	v47 =	vld [tilespmem:$0x1E0];
	v49 =	vnsel vm10, $0x0, v28;
	v35 =	vsel vm2, $0x0, v30;
	v18 =	vadd.f32 v10, v18  }
0xf1: {  	v50 =	vld [tilespmem:$0x11E0];
	v30 =	vsel vm4, $0x0, v40;
	v13 =	vadd.f32 v17, v13;
	vm14 =	veq.s32 v36, $0x0  }
0xf2: {  	v55 =	vld [tilespmem:$0x9E0];
	vm10 =	veq.s32 v36, $0x1;
	v11 =	vadd.f32 v49, v11;
	v54 =	vnsel vm14, $0x0, v10  }
0xf3: {  	[tilespmem:$0x1FCF0] =	vst v4;
	v22 =	vmul.f32 v44, v10;
	v56 =	vnsel vm10, $0x0, v10;
	vm10 =	vgt.f32 v34, $0.0e+00  }
0xf4: {  	[tilespmem:$0x1FDA0] =	vst v43;
	vm14 =	veq.s32 v36, $0x2;
	v18 =	vadd.f32 v32, v18;
	v9 =	vadd.f32 v9, v13  }
0xf5: {  	[tilespmem:$0x1FD10] =	vst v44;
	v44 =	vld [tilespmem:$0x11F0];
	v13 =	vadd.f32 v54, v15;
	v4 =	vadd.f32 v56, v60;
	v43 =	vnsel vm14, $0x0, v10  }
0xf6: {  	v29 =	vld [tilespmem:$0x1F0];
	vm3 =	vgt.f32 v25, $0.0e+00;
	v22 =	vadd.f32 v22, v14;
	v34 =	vadd.f32 v47, v37  }
0xf7: {  	v60 =	vld [tilespmem:$0xDF0];
	v11 =	vadd.f32 v43, v11;
	v37 =	vadd.s32 $0x1, v50;
	vm11 =	veq.s32 v55, $0x0  }
0xf8: {  	v56 =	vld [tilespmem:$0x9F0];
	vm14 =	veq.s32 v55, $0x1;
	v47 =	vnsel vm11, $0x0, v32;
	v49 =	vcvt.s32.f32 v37  }
0xf9: {  	v50 =	vnsel vm14, $0x0, v32;
	vm11 =	veq.s32 v55, $0x2;
	v54 =	vmul.f32 v34, v32  }
0xfa: {  	v55 =	vnsel vm11, $0x0, v32;
	vm11 =	vgt.f32 v28, $0.0e+00;
	v23 =	vadd.s32 $0x1, v44  }
0xfb: {  	[tilespmem:$0x1FDE0] =	vst v27;
	v13 =	vadd.f32 v47, v13;
	v4 =	vadd.f32 v50, v4;
	v28 =	vsel vm2, $0x0, v31  }
0xfc: {  	v27 =	vld [tilespmem:$0xE00];
	[tilespmem:$0x1FDC0] =	vst v57;
	v50 =	vimm.s32 $0x0;
	v21 =	vmul.f32 v49, v32;
	v57 =	vadd.f32 v54, v22  }
0xfd: {  	v36 =	vld [tilespmem:$0x1200];
	v60 =	vadd.f32 v29, v60;
	v24 =	vcvt.s32.f32 v23;
	vm14 =	veq.s32 v56, $0x0  }
0xfe: {  	v31 =	vld [tilespmem:$0x200];
	v11 =	vadd.f32 v55, v11;
	v43 =	vnsel vm14, $0x0, v25;
	vm14 =	veq.s32 v56, $0x1  }
0xff: {  	v44 =	vld [tilespmem:$0xA00];
	v9 =	vadd.f32 v21, v9;
	v29 =	vmul.f32 v60, v25;
	v15 =	vmul.f32 v24, v25  }
0x100: {  	[tilespmem:$0x1FD90] =	vst v37;
	v37 =	vld [tilespmem:$0xA10];
	v47 =	vnsel vm14, $0x0, v25;
	vm14 =	veq.s32 v56, $0x2;
	v13 =	vadd.f32 v43, v13  }
0x101: {  	[tilespmem:$0x1FDD0] =	vst v23;
	v23 =	vld [tilespmem:$0x600];
	v56 =	vsel vm5, $0x0, v33;
	v49 =	vnsel vm14, $0x0, v25;
	v4 =	vadd.f32 v47, v4  }
0x102: {  	v40 =	vld [tilespmem:$0xE30];
	vm14 =	vgt.f32 v10, $0.0e+00;
	v17 =	vadd.f32 v29, v57;
	v9 =	vadd.f32 v15, v9  }
0x103: {  	[tilespmem:$0x1FE00] =	vst v35;
	v55 =	vld [tilespmem:$0xE10];
	v10 =	vsel vm14, $0xFFFFFFFF, v50;
	v54 =	vadd.f32 v49, v11;
	v35 =	vadd.f32 v31, v27  }
0x104: {  	[tilespmem:$0x1FDB0] =	vst v60;
	v60 =	vld [tilespmem:$0x210];
	v57 =	vadd.s32 $0x1, v36;
	vm14 =	veq.s32 v44, $0x0;
	vm5 =	veq.s32 v44, $0x1  }
0x105: {  	[tilespmem:$0x1FDF0] =	vst v28;
	v21 =	vld [tilespmem:$0x610];
	v50 =	vsel vm6, $0x0, v41;
	vm6 =	veq.s32 v37, $0x1;
	v31 =	vsel vm4, $0x0, v42  }
0x106: {  	v24 =	vld [tilespmem:$0x620];
	[tilespmem:$0x1FE10] =	vst v56;
	v28 =	vcvt.s32.f32 v57;
	v33 =	vnsel vm14, $0x0, v23;
	v36 =	vnsel vm5, $0x0, v23  }
0x107: {  	v56 =	vld [tilespmem:$0x1220];
	vm14 =	veq.s32 v44, $0x2;
	[tilespmem:$0x1FE40] =	vst v50;
	vm5 =	veq.s32 v37, $0x0;
	v50 =	vsel vm8, $0x0, v46  }
0x108: {  	[tilespmem:$0x1FE30] =	vst v8;
	v29 =	vld [tilespmem:$0x1210];
	v20 =	vmul.f32 v35, v23;
	v43 =	vnsel vm14, $0x0, v23;
	vm14 =	vgt.f32 v32, $0.0e+00  }
0x109: {  	v49 =	vld [tilespmem:$0xE20];
	[tilespmem:$0x1FD20] =	vst v10;
	v44 =	vadd.f32 v33, v13;
	v4 =	vadd.f32 v36, v4;
	v8 =	vmul.f32 v28, v23  }
0x10a: {  	[tilespmem:$0x1FE20] =	vst v57;
	v36 =	vld [tilespmem:$0x1230];
	v32 =	vadd.f32 v60, v55;
	v10 =	vadd.f32 v43, v54;
	v57 =	vnsel vm5, $0x0, v21  }
0x10b: {  	v54 =	vld [tilespmem:$0x220];
	v28 =	vadd.f32 v25, v18;
	vm5 =	veq.s32 v37, $0x2;
	v17 =	vadd.f32 v20, v17  }
0x10c: {  	v60 =	vld [tilespmem:$0xA20];
	v33 =	vadd.s32 $0x1, v56;
	v37 =	vnsel vm5, $0x0, v21;
	v8 =	vadd.f32 v8, v9  }
0x10d: {  	[tilespmem:$0x1FE70] =	vst v31;
	v31 =	vld [tilespmem:$0x250];
	v47 =	vadd.s32 $0x1, v29;
	v55 =	vmul.f32 v32, v21;
	v29 =	vnsel vm6, $0x0, v21  }
0x10e: {  	v9 =	vadd.f32 v57, v44;
	v16 =	vcvt.s32.f32 v33;
	v44 =	vld [tilespmem:$0x230];
	v10 =	vadd.f32 v37, v10  }
0x10f: {  	[tilespmem:$0x1FE50] =	vst v1;
	v57 =	vld [tilespmem:$0x1240];
	v13 =	vcvt.s32.f32 v47;
	v4 =	vadd.f32 v29, v4;
	v1 =	vadd.f32 v55, v17  }
0x110: {  	v29 =	vld [tilespmem:$0xE50];
	v17 =	vadd.f32 v23, v28;
	v16 =	vmul.f32 v16, v24;
	v11 =	vadd.s32 $0x1, v36  }
0x111: {  	v55 =	vld [tilespmem:$0x240];
	v13 =	vmul.f32 v13, v21;
	v42 =	vadd.f32 v54, v49;
	vm6 =	veq.s32 v60, $0x0  }
0x112: {  	vm4 =	veq.s32 v60, $0x1;
	v49 =	vld [tilespmem:$0xA30];
	[tilespmem:$0x1FF00] =	vst v11;
	v11 =	vcvt.s32.f32 v11;
	vm5 =	veq.s32 v60, $0x2  }
0x113: {  	[tilespmem:$0x1FEA0] =	vst v47;
	v54 =	vld [tilespmem:$0xE40];
	v41 =	vnsel vm6, $0x0, v24;
	v47 =	vnsel vm4, $0x0, v24;
	vm4 =	vgt.f32 v23, $0.0e+00  }
0x114: {  	v56 =	vnsel vm5, $0x0, v24;
	v27 =	vadd.f32 v21, v17;
	v23 =	vld [tilespmem:$0x640];
	v8 =	vadd.f32 v13, v8  }
0x115: {  	v13 =	vld [tilespmem:$0x630];
	v43 =	vmul.f32 v42, v24;
	v9 =	vadd.f32 v41, v9;
	v4 =	vadd.f32 v47, v4  }
0x116: {  	v46 =	vadd.f32 v44, v40;
	v10 =	vadd.f32 v56, v10;
	v47 =	vadd.s32 $0x1, v57  }
0x117: {  	v25 =	vld [tilespmem:$0xA40];
	v1 =	vadd.f32 v43, v1;
	v8 =	vadd.f32 v16, v8;
	v43 =	vcvt.s32.f32 v47  }
0x118: {  	v16 =	vadd.f32 v24, v27;
	vm6 =	veq.s32 v49, $0x0;
	vm8 =	veq.s32 v49, $0x1  }
0x119: {  	v20 =	vld [tilespmem:$0x650];
	vm9 =	veq.s32 v49, $0x2;
	v44 =	vadd.f32 v55, v54;
	v17 =	vmul.f32 v43, v23  }
0x11a: {  	v36 =	vld [tilespmem:$0x1250];
	v43 =	vadd.f32 v31, v29;
	v11 =	vmul.f32 v11, v13;
	v60 =	vnsel vm6, $0x0, v13  }
0x11b: {  	[tilespmem:$0x1FEB0] =	vst v33;
	v14 =	vmul.f32 v46, v13;
	v28 =	vnsel vm8, $0x0, v13;
	v33 =	vnsel vm9, $0x0, v13  }
0x11c: {  	[tilespmem:$0x1FE80] =	vst v50;
	vm8 =	veq.s32 v25, $0x0;
	vm9 =	veq.s32 v25, $0x1;
	v50 =	vmul.f32 v44, v23  }
0x11d: {  	v9 =	vadd.f32 v60, v9;
	v4 =	vadd.f32 v28, v4;
	v37 =	vnsel vm8, $0x0, v23  }
0x11e: {  	[tilespmem:$0x1FE90] =	vst v7;
	v55 =	vld [tilespmem:$0xA50];
	v49 =	vnsel vm9, $0x0, v23;
	vm8 =	veq.s32 v25, $0x2;
	v7 =	vadd.f32 v33, v10  }
0x11f: {  	v60 =	vadd.s32 $0x1, v36;
	v25 =	vld [tilespmem:$0x1FBA0];
	v27 =	vmul.f32 v43, v20;
	v1 =	vadd.f32 v14, v1  }
0x120: {  	v28 =	vld [tilespmem:$0x260];
	v8 =	vadd.f32 v11, v8;
	v54 =	vnsel vm8, $0x0, v23;
	v19 =	vcvt.s32.f32 v60  }
0x121: {  	vm8 =	vgt.f32 v24, $0.0e+00;
	v24 =	vld [tilespmem:$0xE60];
	v56 =	vadd.f32 v37, v9;
	v57 =	vadd.f32 v49, v4  }
0x122: {  	v1 =	vadd.f32 v50, v1;
	v8 =	vadd.f32 v17, v8;
	v4 =	vmul.f32 v19, v20  }
0x123: {  	vm2 =	vgt.f32 v21, $0.0e+00;
	v7 =	vadd.f32 v54, v7;
	v37 =	vadd.f32 v13, v16;
	v17 =	vld [tilespmem:$0x660]  }
0x124: {  	v54 =	vld [tilespmem:$0x1FBB0];
	vm9 =	vnez.u8 v25;
	v1 =	vadd.f32 v27, v1;
	v4 =	vadd.f32 v4, v8  }
0x125: {  	[tilespmem:$0x1FE60] =	vst v30;
	v30 =	vld [tilespmem:$0x1260];
	v3 =	vsel vm9, $0x0, v3;
	v29 =	vsel vm9, $0x0, v59;
	vm9 =	veq.s32 v55, $0x0  }
0x126: {  	v33 =	vld [tilespmem:$0xA60];
	v40 =	vadd.f32 v28, v24;
	v31 =	vnsel vm9, $0x0, v20;
	vm9 =	veq.s32 v55, $0x1  }
0x127: {  	[tilespmem:$0x1FEE0] =	vst v3;
	v3 =	vadd.f32 v23, v37;
	v36 =	vnsel vm9, $0x0, v20;
	vm9 =	veq.s32 v55, $0x2  }
0x128: {  	[tilespmem:$0x1FEC0] =	vst v0;
	v0 =	vadd.f32 v31, v56;
	v22 =	vmul.f32 v40, v17;
	v31 =	vimm.s32 $0x0  }
0x129: {  	[tilespmem:$0x1FED0] =	vst v2;
	v18 =	vld [tilespmem:$0x670];
	v49 =	vnsel vm9, $0x0, v20;
	v2 =	vadd.f32 v36, v57;
	vm9 =	vnez.u8 v54  }
0x12a: {  	v50 =	vld [tilespmem:$0xE70];
	v57 =	vadd.s32 $0x1, v30;
	v3 =	vadd.f32 v20, v3;
	v7 =	vadd.f32 v49, v7  }
0x12b: {  	v25 =	vld [tilespmem:$0xA70];
	v59 =	vsel vm9, $0x0, v61;
	v58 =	vsel vm9, $0x0, v58;
	vm9 =	veq.s32 v33, $0x0  }
0x12c: {  	v55 =	vld [tilespmem:$0x270];
	v56 =	vcvt.s32.f32 v57;
	v1 =	vadd.f32 v22, v1;
	v49 =	vsel vm7, $0x0, v45  }
0x12d: {  	v41 =	vld [tilespmem:$0x280];
	vm7 =	vgt.f32 v20, $0.0e+00;
	v21 =	vnsel vm9, $0x0, v17;
	vm9 =	veq.s32 v33, $0x1  }
0x12e: {  	v54 =	vld [tilespmem:$0x1280];
	v22 =	vsel vm15, $0x0, v12;
	v3 =	vadd.f32 v17, v3;
	v24 =	vnsel vm9, $0x0, v17  }
0x12f: {  	v61 =	vld [tilespmem:$0x1270];
	vm9 =	veq.s32 v33, $0x2;
	v10 =	vmul.f32 v56, v17;
	v0 =	vadd.f32 v21, v0  }
0x130: {  	v16 =	vld [tilespmem:$0xAF0];
	v21 =	vsel vm15, $0x0, v6;
	vm15 =	veq.s32 v25, $0x2;
	v30 =	vnsel vm9, $0x0, v17  }
0x131: {  	v28 =	vld [tilespmem:$0x680];
	vm9 =	vgt.f32 v23, $0.0e+00;
	v2 =	vadd.f32 v24, v2;
	v36 =	vadd.f32 v55, v50  }
0x132: {  	v27 =	vld [tilespmem:$0xE90];
	v24 =	vnsel vm15, $0x0, v18;
	v3 =	vadd.f32 v18, v3;
	v14 =	vsel vm9, $0xFFFFFFFF, v31  }
0x133: {  	v33 =	vld [tilespmem:$0xE80];
	v4 =	vadd.f32 v10, v4;
	v7 =	vadd.f32 v30, v7;
	vm9 =	veq.s32 v25, $0x0  }
0x134: {  	v23 =	vld [tilespmem:$0x1290];
	v31 =	vadd.s32 $0x1, v54;
	v56 =	vadd.s32 $0x1, v61;
	v50 =	vmul.f32 v36, v18  }
0x135: {  	v20 =	vld [tilespmem:$0x2A0];
	v55 =	vnsel vm9, $0x0, v18;
	vm9 =	veq.s32 v25, $0x1;
	v25 =	vcvt.s32.f32 v31  }
0x136: {  	v61 =	vld [tilespmem:$0xA80];
	v3 =	vadd.f32 v28, v3;
	v37 =	vcvt.s32.f32 v56;
	v0 =	vadd.f32 v55, v0  }
0x137: {  	[tilespmem:$0x1FF50] =	vst v22;
	v22 =	vld [tilespmem:$0x12A0];
	v19 =	vnsel vm9, $0x0, v18;
	v7 =	vadd.f32 v24, v7;
	v1 =	vadd.f32 v50, v1  }
0x138: {  	vm5 =	vgt.f32 v13, $0.0e+00;
	v55 =	vld [tilespmem:$0xEA0];
	v2 =	vadd.f32 v19, v2;
	v33 =	vadd.f32 v41, v33  }
0x139: {  	[tilespmem:$0x1FF20] =	vst v5;
	v41 =	vld [tilespmem:$0x290];
	v9 =	vmul.f32 v25, v28;
	v5 =	vmul.f32 v37, v18;
	v50 =	vadd.s32 $0x1, v23  }
0x13a: {  	v24 =	vld [tilespmem:$0xAA0];
	v19 =	vsel vm0, $0x0, v48;
	v30 =	vmul.f32 v33, v28;
	v54 =	vcvt.s32.f32 v50  }
0x13b: {  	v37 =	vld [tilespmem:$0xA90];
	v4 =	vadd.f32 v5, v4;
	vm6 =	veq.s32 v61, $0x0;
	vm15 =	veq.s32 v61, $0x1  }
0x13c: {  	[tilespmem:$0x1FEF0] =	vst v29;
	v5 =	vld [tilespmem:$0x690];
	v29 =	vnsel vm6, $0x0, v28;
	v45 =	vnsel vm15, $0x0, v28;
	v1 =	vadd.f32 v30, v1  }
0x13d: {  	v48 =	vld [tilespmem:$0x2B0];
	vm6 =	veq.s32 v61, $0x2;
	v61 =	vadd.f32 v20, v55;
	v4 =	vadd.f32 v9, v4  }
0x13e: {  	[tilespmem:$0x1FF30] =	vst v49;
	v55 =	vadd.s32 $0x1, v22;
	v2 =	vadd.f32 v45, v2;
	v49 =	vadd.f32 v41, v27;
	v45 =	vld [tilespmem:$0xEB0]  }
0x13f: {  	[tilespmem:$0x1FF40] =	vst v21;
	v21 =	vnsel vm6, $0x0, v28;
	v41 =	vsel vm1, $0x0, v63;
	vm1 =	vgt.f32 v28, $0.0e+00;
	v28 =	vld [tilespmem:$0xAC0]  }
0x140: {  	v0 =	vadd.f32 v29, v0;
	v20 =	vcvt.s32.f32 v55;
	v25 =	vadd.f32 v21, v7;
	v7 =	vld [tilespmem:$0x6A0]  }
0x141: {  	vm15 =	veq.s32 v37, $0x0;
	vm6 =	veq.s32 v37, $0x1;
	[tilespmem:$0x1FF80] =	vst v41;
	v41 =	vld [tilespmem:$0xEC0];
	v13 =	vmul.f32 v49, v5  }
0x142: {  	v6 =	vmul.f32 v54, v5;
	v27 =	vnsel vm6, $0x0, v5;
	vm6 =	vgt.f32 v18, $0.0e+00;
	v18 =	vld [tilespmem:$0x12B0]  }
0x143: {  	v23 =	vnsel vm15, $0x0, v5;
	vm15 =	veq.s32 v37, $0x2;
	v29 =	vadd.f32 v13, v1;
	v1 =	vld [tilespmem:$0x6B0]  }
0x144: {  	v3 =	vadd.f32 v5, v3;
	v63 =	vnsel vm15, $0x0, v5;
	v54 =	vadd.f32 v48, v45;
	v45 =	vld [tilespmem:$0x1FBC0]  }
0x145: {  	v53 =	vsel vm0, $0x0, v53;
	v30 =	vadd.f32 v23, v0;
	v9 =	vadd.f32 v63, v25;
	v63 =	vld [tilespmem:$0x2C0]  }
0x146: {  	v2 =	vadd.f32 v27, v2;
	vm15 =	veq.s32 v24, $0x0;
	v12 =	vmul.f32 v20, v7;
	v20 =	vld [tilespmem:$0x12C0]  }
0x147: {  	[tilespmem:$0x1FF70] =	vst v19;
	v19 =	vnsel vm15, $0x0, v7;
	vm15 =	veq.s32 v24, $0x1;
	v15 =	vadd.f32 v7, v3;
	v3 =	vld [tilespmem:$0x12F0]  }
0x148: {  	v4 =	vadd.f32 v6, v4;
	v21 =	vnsel vm15, $0x0, v7;
	vm15 =	veq.s32 v24, $0x2;
	v24 =	vld [tilespmem:$0xAB0]  }
0x149: {  	[tilespmem:$0x1FF60] =	vst v53;
	v22 =	vmul.f32 v61, v7;
	v25 =	vadd.f32 v19, v30;
	v19 =	vld [tilespmem:$0x1FBD0];
	v53 =	vadd.s32 $0x1, v18  }
0x14a: {  	v23 =	vnsel vm15, $0x0, v7;
	v4 =	vadd.f32 v12, v4;
	v12 =	vld [tilespmem:$0x6D0];
	v30 =	vcvt.s32.f32 v53  }
0x14b: {  	[tilespmem:$0x1FF10] =	vst v14;
	v14 =	vadd.f32 v22, v29;
	v2 =	vadd.f32 v21, v2;
	v11 =	vsel vm12, $0x0, v45;
	v45 =	vld [tilespmem:$0x2D0]  }
0x14c: {  	v48 =	vmul.f32 v54, v1;
	v8 =	vmul.f32 v30, v1;
	v30 =	vadd.f32 v63, v41;
	v63 =	vld [tilespmem:$0x12D0]  }
0x14d: {  	v9 =	vadd.f32 v23, v9;
	[tilespmem:$0x1FF90] =	vst v11;
	v41 =	vsel vm13, $0x0, v52;
	v11 =	vld [tilespmem:$0xEE0];
	vm0 =	veq.s32 v24, $0x0  }
0x14e: {  	v14 =	vadd.f32 v48, v14;
	v48 =	vsel vm13, $0x0, v38;
	v37 =	vadd.f32 v8, v4;
	v4 =	vld [tilespmem:$0x6C0]  }
0x14f: {  	v13 =	vsel vm12, $0x0, v19;
	v21 =	vnsel vm0, $0x0, v1;
	[tilespmem:$0x1FFC0] =	vst v48;
	v48 =	vsel vm10, $0x0, v39;
	v39 =	vld [tilespmem:$0xF00]  }
0x150: {  	v29 =	vadd.s32 $0x1, v20;
	[tilespmem:$0x1FFA0] =	vst v13;
	vm0 =	veq.s32 v24, $0x1;
	v13 =	vadd.f32 v21, v25;
	v25 =	vld [tilespmem:$0xED0]  }
0x151: {  	v52 =	vcvt.s32.f32 v29;
	v22 =	vnsel vm0, $0x0, v1;
	vm0 =	veq.s32 v24, $0x2;
	[tilespmem:$0x1FFD0] =	vst v48;
	v48 =	vld [tilespmem:$0xAE0]  }
0x152: {  	v23 =	vnsel vm0, $0x0, v1;
	v24 =	vadd.f32 v22, v2;
	vm0 =	veq.s32 v28, $0x0;
	v2 =	vld [tilespmem:$0xB00]  }
0x153: {  	v27 =	vadd.s32 $0x1, v63;
	v63 =	vld [tilespmem:$0x2E0];
	v20 =	vnsel vm0, $0x0, v4;
	vm0 =	veq.s32 v28, $0x1  }
0x154: {  	v8 =	vmul.f32 v52, v4;
	v22 =	vnsel vm0, $0x0, v4;
	vm0 =	veq.s32 v28, $0x2;
	v28 =	vld [tilespmem:$0xAD0]  }
0x155: {  	v38 =	vadd.f32 v20, v13;
	v20 =	vld [tilespmem:$0x1FBE0]  }
0x156: {  	vm13 =	vgt.f32 v7, $0.0e+00;
	v7 =	vadd.f32 v8, v37;
	v8 =	vld [tilespmem:$0x6E0]  }
0x157: {  	vm9 =	vgt.f32 v17, $0.0e+00;
	[tilespmem:$0x1FFB0] =	vst v41;
	v52 =	vcvt.s32.f32 v27;
	v41 =	vadd.f32 v22, v24;
	v22 =	vld [tilespmem:$0x12E0]  }
0x158: {  	v17 =	vadd.f32 v23, v9;
	v21 =	vmul.f32 v30, v4;
	v25 =	vadd.f32 v45, v25;
	v37 =	vld [tilespmem:$0x6F0]  }
0x159: {  	vm12 =	vgt.f32 v5, $0.0e+00;
	v23 =	vnsel vm0, $0x0, v4;
	v13 =	vmul.f32 v52, v12;
	v52 =	vld [tilespmem:$0x1FC00]  }
0x15a: {  	v5 =	vadd.f32 v21, v14;
	v6 =	vadd.f32 v23, v17;
	v21 =	vmul.f32 v25, v12;
	v17 =	vld [tilespmem:$0x700]  }
0x15b: {  	v13 =	vadd.f32 v13, v7;
	v7 =	vld [tilespmem:$0x1FC10]  }
0x15c: {  	v15 =	vadd.f32 v1, v15;
	v9 =	vadd.f32 v21, v5;
	v21 =	vld [tilespmem:$0x1FC30];
	v0 =	vsel vm10, $0x0, v20  }
0x15d: {  	vm0 =	veq.s32 v28, $0x0;
	vm15 =	veq.s32 v28, $0x1;
	vm10 =	vgt.f32 v1, $0.0e+00;
	v1 =	vld [tilespmem:$0x300]  }
0x15e: {  	v45 =	vnsel vm0, $0x0, v12;
	v23 =	vnsel vm15, $0x0, v12;
	vm0 =	veq.s32 v28, $0x2;
	v28 =	vld [tilespmem:$0xEF0]  }
0x15f: {  	v19 =	vadd.f32 v23, v41;
	v41 =	vld [tilespmem:$0x1FBF0]  }
0x160: {  	v38 =	vadd.f32 v45, v38;
	v45 =	vld [tilespmem:$0x2F0]  }
0x161: {  	vm15 =	veq.s32 v48, $0x0;
	v24 =	vnsel vm0, $0x0, v12;
	v23 =	vadd.s32 $0x1, v22;
	v22 =	vld [tilespmem:$0x1FC40]  }
0x162: {  	v14 =	vnsel vm15, $0x0, v8;
	vm0 =	veq.s32 v48, $0x1;
	vm15 =	veq.s32 v48, $0x2;
	v48 =	vld [tilespmem:$0x1FC80]  }
0x163: {  	v18 =	vadd.f32 v24, v6;
	v24 =	vadd.f32 v63, v11;
	v11 =	vld [tilespmem:$0x1FC20]  }
0x164: {  	v5 =	vsel vm11, $0x0, v51;
	v63 =	vsel vm11, $0x0, v26;
	[tilespmem:$0x1410] =	vst v7;
	v7 =	vnsel vm0, $0x0, v8;
	v26 =	vld [tilespmem:$0x1FC50]  }
0x165: {  	[tilespmem:$0x1FFF0] =	vst v5;
	v7 =	vadd.f32 v7, v19;
	v19 =	vld [tilespmem:$0x310]  }
0x166: {  	[tilespmem:$0x1FFE0] =	vst v0;
	v5 =	vnsel vm15, $0x0, v8;
	v14 =	vadd.f32 v14, v38;
	v38 =	vld [tilespmem:$0x1FCF0];
	v20 =	vmul.f32 v24, v8  }
0x167: {  	[tilespmem:$0x1800] =	vst v52;
	vm0 =	veq.s32 v16, $0x0;
	vm15 =	veq.s32 v16, $0x1;
	v5 =	vadd.f32 v5, v18;
	v18 =	vld [tilespmem:$0xB10]  }
0x168: {  	[tilespmem:$0x1420] =	vst v21;
	v51 =	vadd.f32 v20, v9;
	v9 =	vnsel vm0, $0x0, v37;
	vm0 =	veq.s32 v16, $0x2;
	v16 =	vld [tilespmem:$0x1300]  }
0x169: {  	v10 =	vcvt.s32.f32 v23;
	[tilespmem:$0x1400] =	vst v41;
	v41 =	vld [tilespmem:$0x1FC60]  }
0x16a: {  	v21 =	vadd.s32 $0x1, v3;
	[tilespmem:$0x1820] =	vst v22;
	v22 =	vadd.f32 v45, v28;
	v45 =	vld [tilespmem:$0x1FC70]  }
0x16b: {  	v0 =	vmul.f32 v10, v8;
	v52 =	vcvt.s32.f32 v21;
	[tilespmem:$0x1840] =	vst v48;
	v20 =	vadd.f32 v1, v39;
	v1 =	vld [tilespmem:$0x1310]  }
0x16c: {  	v39 =	vld [tilespmem:$0xF10];
	[tilespmem:$0x1810] =	vst v11  }
0x16d: {  	v0 =	vadd.f32 v0, v13;
	v48 =	vmul.f32 v52, v37;
	[tilespmem:$0x1430] =	vst v26;
	v26 =	vnsel vm15, $0x0, v37;
	v11 =	vld [tilespmem:$0x1FCB0]  }
0x16e: {  	v7 =	vadd.f32 v26, v7;
	v26 =	vld [tilespmem:$0x1FCE0]  }
0x16f: {  	v28 =	vnsel vm0, $0x0, v37;
	vm0 =	veq.s32 v2, $0x1;
	v0 =	vadd.f32 v48, v0;
	v48 =	vld [tilespmem:$0x1FD10]  }
0x170: {  	vm15 =	veq.s32 v2, $0x0;
	v3 =	vnsel vm0, $0x0, v17;
	vm0 =	veq.s32 v2, $0x2;
	v2 =	vld [tilespmem:$0x320]  }
0x171: {  	v3 =	vadd.f32 v3, v7;
	v7 =	vld [tilespmem:$0x1FD30]  }
0x172: {  	v52 =	vmul.f32 v22, v37;
	[tilespmem:$0x1830] =	vst v41;
	v41 =	vld [tilespmem:$0x1FC90]  }
0x173: {  	v10 =	vadd.f32 v4, v15;
	[tilespmem:$0x1440] =	vst v45;
	v45 =	vld [tilespmem:$0x1FCA0];
	v15 =	vadd.s32 $0x1, v16  }
0x174: {  	v16 =	vadd.f32 v52, v51;
	v52 =	vld [tilespmem:$0x1FCD0];
	v13 =	vcvt.s32.f32 v15  }
0x175: {  	v51 =	vld [tilespmem:$0x710]  }
0x176: {  	[tilespmem:$0x1460] =	vst v11;
	v11 =	vmul.f32 v13, v17;
	v13 =	vadd.f32 v19, v39;
	v19 =	vld [tilespmem:$0x1FD50]  }
0x177: {  	v9 =	vadd.f32 v9, v14;
	[tilespmem:$0x1870] =	vst v26;
	v39 =	vld [tilespmem:$0x1FD60]  }
0x178: {  	vm11 =	vgt.f32 v4, $0.0e+00;
	v6 =	vnsel vm15, $0x0, v17;
	[tilespmem:$0x1450] =	vst v41;
	v41 =	vld [tilespmem:$0x1FCC0]  }
0x179: {  	v6 =	vadd.f32 v6, v9;
	v26 =	vnsel vm0, $0x0, v17;
	vm0 =	veq.s32 v18, $0x0;
	[tilespmem:$0x1470] =	vst v52;
	v52 =	vld [tilespmem:$0x1FD20]  }
0x17a: {  	[tilespmem:$0x1850] =	vst v45;
	v45 =	vmul.f32 v20, v17;
	v0 =	vadd.f32 v11, v0;
	v11 =	vld [tilespmem:$0x1FD40];
	v4 =	vnsel vm0, $0x0, v51  }
0x17b: {  	v6 =	vadd.f32 v4, v6;
	v4 =	vld [tilespmem:$0x1FDE0]  }
0x17c: {  	[tilespmem:$0x1480] =	vst v38;
	v16 =	vadd.f32 v45, v16;
	v45 =	vld [tilespmem:$0x1FD00]  }
0x17d: {  	v38 =	vmul.f32 v13, v51;
	[tilespmem:$0x1890] =	vst v19;
	v19 =	vld [tilespmem:$0xF20]  }
0x17e: {  	[tilespmem:$0x14A0] =	vst v39;
	v39 =	vld [tilespmem:$0x1FDC0]  }
0x17f: {  	v5 =	vadd.f32 v28, v5;
	v28 =	vadd.s32 $0x1, v1;
	v9 =	vadd.f32 v38, v16;
	v16 =	vld [tilespmem:$0x1FDA0]  }
0x180: {  	v38 =	vld [tilespmem:$0x1FDB0];
	[tilespmem:$0x1860] =	vst v41;
	v41 =	vcvt.s32.f32 v28;
	vm15 =	vnez.u8 v52  }
0x181: {  	v48 =	vsel vm15, $0x0, v48;
	v52 =	vsel vm15, $0x0, v11;
	v11 =	vld [tilespmem:$0x1FD70]  }
0x182: {  	vm15 =	vgt.f32 v12, $0.0e+00;
	v14 =	vmul.f32 v41, v51;
	v41 =	vadd.f32 v12, v10;
	v12 =	vld [tilespmem:$0x1FD80]  }
0x183: {  	[tilespmem:$0x1490] =	vst v7;
	v10 =	vld [tilespmem:$0x1320]  }
0x184: {  	[tilespmem:$0x14C0] =	vst v39;
	v39 =	vsel vm4, $0x0, v35;
	v35 =	vld [tilespmem:$0x1FE20]  }
0x185: {  	[tilespmem:$0x1880] =	vst v45;
	v7 =	vadd.f32 v8, v41;
	v41 =	vld [tilespmem:$0x1FDD0]  }
0x186: {  	[tilespmem:$0x18A0] =	vst v11;
	v11 =	vadd.f32 v14, v0;
	v14 =	vld [tilespmem:$0x1FD90]  }
0x187: {  	v5 =	vadd.f32 v26, v5;
	vm0 =	veq.s32 v18, $0x2;
	[tilespmem:$0x18B0] =	vst v16;
	v16 =	vld [tilespmem:$0xB20]  }
0x188: {  	v45 =	vsel vm3, $0x0, v38;
	v38 =	vld [tilespmem:$0x720];
	[tilespmem:$0x14B0] =	vst v12;
	v12 =	vnsel vm0, $0x0, v51  }
0x189: {  	v5 =	vadd.f32 v12, v5;
	v12 =	vld [tilespmem:$0x1FE40]  }
0x18a: {  	v41 =	vsel vm3, $0x0, v41;
	vm3 =	vgt.f32 v8, $0.0e+00;
	v8 =	vadd.f32 v2, v19;
	v19 =	vld [tilespmem:$0x1FE10]  }
0x18b: {  	v26 =	vsel vm14, $0x0, v34;
	v34 =	vsel vm14, $0x0, v14;
	vm14 =	veq.s32 v18, $0x1;
	v14 =	vld [tilespmem:$0x1FDF0]  }
0x18c: {  	v7 =	vadd.f32 v37, v7;
	v18 =	vnsel vm14, $0x0, v51;
	vm14 =	vgt.f32 v37, $0.0e+00;
	v37 =	vld [tilespmem:$0x1FE30]  }
0x18d: {  	[tilespmem:$0x18C0] =	vst v4;
	v4 =	vadd.f32 v18, v3;
	v18 =	vld [tilespmem:$0x1FE00]  }
0x18e: {  	[tilespmem:$0x14F0] =	vst v12  }
0x18f: {  	v3 =	vld [tilespmem:$0x330];
	[tilespmem:$0x14E0] =	vst v19  }
0x190: {  	v10 =	vadd.s32 $0x1, v10;
	v12 =	vld [tilespmem:$0x1FE50];
	[tilespmem:$0x14D0] =	vst v14;
	v14 =	vsel vm4, $0x0, v35;
	vm4 =	veq.s32 v16, $0x0  }
0x191: {  	v19 =	vcvt.s32.f32 v10;
	v35 =	vld [tilespmem:$0x1330];
	[tilespmem:$0x18E0] =	vst v37;
	v37 =	vnsel vm4, $0x0, v38;
	vm4 =	veq.s32 v16, $0x1  }
0x192: {  	[tilespmem:$0x18D0] =	vst v18;
	v18 =	vld [tilespmem:$0xF30];
	v2 =	vnsel vm4, $0x0, v38  }
0x193: {  	vm4 =	veq.s32 v16, $0x2;
	v16 =	vmul.f32 v19, v38;
	v6 =	vadd.f32 v37, v6;
	v37 =	vld [tilespmem:$0x1FE70]  }
0x194: {  	v19 =	vld [tilespmem:$0x730]  }
0x195: {  	v7 =	vadd.f32 v17, v7;
	v1 =	vnsel vm4, $0x0, v38;
	v11 =	vadd.f32 v16, v11;
	v16 =	vld [tilespmem:$0x1FE80]  }
0x196: {  	vm4 =	vgt.f32 v17, $0.0e+00;
	v17 =	vadd.s32 $0x1, v35;
	v35 =	vsel vm2, $0x0, v32;
	v32 =	vld [tilespmem:$0x1FE90]  }
0x197: {  	v0 =	vmul.f32 v8, v38;
	[tilespmem:$0x18F0] =	vst v12;
	v12 =	vld [tilespmem:$0x1FE60]  }
0x198: {  	[tilespmem:$0x1900] =	vst v37;
	v37 =	vld [tilespmem:$0x1FEA0]  }
0x199: {  	v9 =	vadd.f32 v0, v9;
	v0 =	vld [tilespmem:$0xB30]  }
0x19a: {  	v3 =	vadd.f32 v3, v18;
	v18 =	vcvt.s32.f32 v17;
	[tilespmem:$0x1510] =	vst v16;
	v16 =	vld [tilespmem:$0x1FEC0]  }
0x19b: {  	[tilespmem:$0x1910] =	vst v32;
	v32 =	vsel vm8, $0x0, v42;
	v42 =	vld [tilespmem:$0x1FEB0]  }
0x19c: {  	[tilespmem:$0x15C0] =	vst v63;
	v2 =	vadd.f32 v2, v4;
	v4 =	vadd.f32 v1, v5;
	v5 =	vmul.f32 v18, v19;
	v18 =	vld [tilespmem:$0x1FED0]  }
0x19d: {  	[tilespmem:$0x1500] =	vst v12;
	v12 =	vsel vm2, $0x0, v37;
	v37 =	vld [tilespmem:$0x1FEE0]  }
0x19e: {  	v63 =	vld [tilespmem:$0x1FFF0];
	[tilespmem:$0x15E0] =	vst v26  }
0x19f: {  	v26 =	vld [tilespmem:$0x1360];
	v7 =	vadd.f32 v51, v7;
	[tilespmem:$0x19E0] =	vst v34  }
0x1a0: {  	v34 =	vld [tilespmem:$0xB60];
	vm2 =	veq.s32 v0, $0x1;
	[tilespmem:$0x1520] =	vst v16;
	v42 =	vsel vm8, $0x0, v42;
	vm8 =	veq.s32 v0, $0x0  }
0x1a1: {  	[tilespmem:$0x1920] =	vst v18;
	v16 =	vmul.f32 v3, v19;
	v18 =	vnsel vm8, $0x0, v19;
	vm8 =	vgt.f32 v51, $0.0e+00;
	v51 =	vld [tilespmem:$0x1FEF0]  }
0x1a2: {  	v7 =	vadd.f32 v38, v7;
	[tilespmem:$0x1530] =	vst v37;
	v37 =	vnsel vm2, $0x0, v19;
	vm2 =	vgt.f32 v38, $0.0e+00;
	v38 =	vld [tilespmem:$0x1FF10]  }
0x1a3: {  	v9 =	vadd.f32 v16, v9;
	v16 =	vld [tilespmem:$0x1FF30]  }
0x1a4: {  	v11 =	vadd.f32 v5, v11;
	v5 =	vadd.f32 v18, v6;
	v18 =	vld [tilespmem:$0x1FF40]  }
0x1a5: {  	v6 =	vadd.f32 v37, v2;
	v37 =	vld [tilespmem:$0x1FF00]  }
0x1a6: {  	[tilespmem:$0x1980] =	vst v62;
	v62 =	vsel vm8, $0x0, v28;
	v28 =	vld [tilespmem:$0x1FFA0]  }
0x1a7: {  	vm0 =	vnez.u8 v38;
	v38 =	vld [tilespmem:$0x1FF50]  }
0x1a8: {  	[tilespmem:$0x1930] =	vst v51;
	v51 =	vld [tilespmem:$0x1FF20]  }
0x1a9: {  	[tilespmem:$0x1540] =	vst v59;
	v2 =	vsel vm13, $0x0, v55;
	v55 =	vld [tilespmem:$0x1FF70]  }
0x1aa: {  	v46 =	vsel vm5, $0x0, v46;
	[tilespmem:$0x1940] =	vst v58;
	v59 =	vsel vm5, $0x0, v37;
	vm5 =	veq.s32 v0, $0x2;
	v0 =	vld [tilespmem:$0xF40]  }
0x1ab: {  	[tilespmem:$0x1950] =	vst v16;
	v37 =	vsel vm9, $0x0, v57;
	v57 =	vld [tilespmem:$0x340]  }
0x1ac: {  	v40 =	vsel vm9, $0x0, v40;
	[tilespmem:$0x1960] =	vst v38;
	v38 =	vsel vm12, $0x0, v49;
	v49 =	vsel vm13, $0x0, v61;
	v61 =	vld [tilespmem:$0x1FF80]  }
0x1ad: {  	v33 =	vsel vm1, $0x0, v33;
	v31 =	vsel vm1, $0x0, v31;
	v36 =	vsel vm6, $0x0, v36;
	[tilespmem:$0x1550] =	vst v51;
	v51 =	vld [tilespmem:$0x1FF60]  }
0x1ae: {  	v56 =	vsel vm6, $0x0, v56;
	v50 =	vsel vm12, $0x0, v50;
	v16 =	vsel vm10, $0x0, v54;
	[tilespmem:$0x1970] =	vst v55;
	v55 =	vld [tilespmem:$0x740]  }
0x1af: {  	v54 =	vld [tilespmem:$0x1340];
	[tilespmem:$0x1560] =	vst v18;
	v18 =	vsel vm11, $0x0, v30;
	v30 =	vsel vm4, $0x0, v15;
	v58 =	vsel vm0, $0x0, v44  }
0x1b0: {  	v1 =	vld [tilespmem:$0x1350];
	v44 =	vsel vm7, $0x0, v43;
	v43 =	vsel vm7, $0x0, v60;
	v60 =	vsel vm10, $0x0, v53  }
0x1b1: {  	v53 =	vsel vm15, $0x0, v27;
	v27 =	vsel vm4, $0x0, v20;
	v20 =	vadd.f32 v57, v0;
	[tilespmem:$0x1580] =	vst v61;
	v61 =	vld [tilespmem:$0x1FFB0]  }
0x1b2: {  	v57 =	vnsel vm5, $0x0, v19;
	[tilespmem:$0x1570] =	vst v51;
	v51 =	vsel vm15, $0x0, v25;
	v25 =	vsel vm14, $0x0, v22;
	v22 =	vld [tilespmem:$0x1FF90]  }
0x1b3: {  	v15 =	vld [tilespmem:$0xB40];
	v0 =	vadd.f32 v19, v7;
	vm15 =	vgt.f32 v19, $0.0e+00;
	v19 =	vmul.f32 v20, v55  }
0x1b4: {  	v29 =	vsel vm11, $0x0, v29;
	v24 =	vsel vm3, $0x0, v24;
	[tilespmem:$0x1990] =	vst v28;
	v28 =	vadd.s32 $0x1, v54;
	v54 =	vld [tilespmem:$0xF50]  }
0x1b5: {  	[tilespmem:$0x19C0] =	vst v63;
	v23 =	vsel vm3, $0x0, v23;
	v21 =	vsel vm14, $0x0, v21;
	v9 =	vadd.f32 v19, v9;
	v19 =	vld [tilespmem:$0xB50]  }
0x1b6: {  	v1 =	vadd.s32 $0x1, v1;
	[tilespmem:$0x15A0] =	vst v61;
	v61 =	vsel vm2, $0x0, v8;
	v8 =	vadd.f32 v57, v4;
	v57 =	vld [tilespmem:$0x350]  }
0x1b7: {  	v63 =	vcvt.s32.f32 v1;
	v13 =	vsel vm8, $0x0, v13;
	[tilespmem:$0x1590] =	vst v22;
	v22 =	vcvt.s32.f32 v28;
	v4 =	vld [tilespmem:$0x1FFC0]  }
0x1b8: {  	[tilespmem:$0x19D0] =	vst v52;
	v52 =	vld [tilespmem:$0x360];
	v47 =	vsel vm0, $0x0, v47;
	vm4 =	veq.s32 v15, $0x0;
	vm6 =	veq.s32 v15, $0x2  }
0x1b9: {  	vm12 =	veq.s32 v34, $0x0;
	v7 =	vsel vm2, $0x0, v10;
	v10 =	vmul.f32 v22, v55;
	v22 =	vld [tilespmem:$0x750]  }
0x1ba: {  	[tilespmem:$0x1620] =	vst v32;
	v32 =	vld [tilespmem:$0xB70];
	vm13 =	veq.s32 v34, $0x1;
	vm5 =	veq.s32 v15, $0x1;
	vm7 =	veq.s32 v19, $0x0  }
0x1bb: {  	[tilespmem:$0x15D0] =	vst v48;
	vm8 =	veq.s32 v19, $0x1;
	vm10 =	veq.s32 v19, $0x2;
	v19 =	vadd.s32 $0x1, v26;
	v26 =	vld [tilespmem:$0x1370]  }
0x1bc: {  	vm9 =	vgt.f32 v55, $0.0e+00;
	v0 =	vadd.f32 v55, v0;
	[tilespmem:$0x19A0] =	vst v4;
	v4 =	vld [tilespmem:$0x1FFD0];
	v48 =	vadd.f32 v57, v54  }
0x1bd: {  	vm14 =	veq.s32 v34, $0x2;
	v10 =	vadd.f32 v10, v11;
	v11 =	vnsel vm4, $0x0, v55;
	v54 =	vld [tilespmem:$0xF60]  }
0x1be: {  	[tilespmem:$0x1630] =	vst v46;
	v5 =	vadd.f32 v11, v5;
	v57 =	vnsel vm6, $0x0, v55;
	v11 =	vmul.f32 v48, v22  }
0x1bf: {  	[tilespmem:$0x19F0] =	vst v41;
	v41 =	vld [tilespmem:$0x770];
	vm6 =	veq.s32 v32, $0x2;
	v8 =	vadd.f32 v57, v8;
	v15 =	vmul.f32 v63, v22  }
0x1c0: {  	[tilespmem:$0x1660] =	vst v40;
	v57 =	vnsel vm7, $0x0, v22;
	v63 =	vnsel vm8, $0x0, v22;
	v9 =	vadd.f32 v11, v9;
	v11 =	vld [tilespmem:$0x760]  }
0x1c1: {  	[tilespmem:$0x1A00] =	vst v14;
	v0 =	vadd.f32 v22, v0;
	vm11 =	vgt.f32 v22, $0.0e+00;
	v26 =	vadd.s32 $0x1, v26  }
0x1c2: {  	[tilespmem:$0x15B0] =	vst v4;
	v4 =	vsel vm15, $0x0, v3;
	v3 =	vld [tilespmem:$0x1FFE0];
	v14 =	vadd.f32 v52, v54;
	v52 =	vnsel vm10, $0x0, v22  }
0x1c3: {  	[tilespmem:$0x1680] =	vst v33;
	v5 =	vadd.f32 v57, v5;
	v8 =	vadd.f32 v52, v8;
	v52 =	vcvt.s32.f32 v26  }
0x1c4: {  	[tilespmem:$0x1A70] =	vst v56;
	v10 =	vadd.f32 v15, v10;
	v15 =	vsel vm9, $0x0, v28;
	v54 =	vcvt.s32.f32 v19  }
0x1c5: {  	[tilespmem:$0x15F0] =	vst v45;
	v22 =	vsel vm11, $0x0, v48;
	v34 =	vmul.f32 v52, v41;
	v57 =	vmul.f32 v14, v11  }
0x1c6: {  	v56 =	vld [tilespmem:$0x790];
	[tilespmem:$0x1650] =	vst v44;
	v45 =	vnsel vm12, $0x0, v11;
	v46 =	vnsel vm13, $0x0, v11;
	v0 =	vadd.f32 v11, v0  }
0x1c7: {  	v44 =	vld [tilespmem:$0x780];
	vm4 =	vgt.f32 v11, $0.0e+00;
	[tilespmem:$0x19B0] =	vst v3;
	v3 =	vsel vm15, $0x0, v17;
	v17 =	vnsel vm5, $0x0, v55  }
0x1c8: {  	[tilespmem:$0x1A80] =	vst v31;
	v28 =	vld [tilespmem:$0xF70];
	v5 =	vadd.f32 v45, v5;
	vm15 =	veq.s32 v32, $0x0;
	vm5 =	veq.s32 v32, $0x1  }
0x1c9: {  	[tilespmem:$0x1670] =	vst v36;
	v52 =	vld [tilespmem:$0x1390];
	v45 =	vnsel vm6, $0x0, v41;
	v6 =	vadd.f32 v17, v6;
	v17 =	vsel vm9, $0x0, v20  }
0x1ca: {  	[tilespmem:$0x1A30] =	vst v59;
	v55 =	vld [tilespmem:$0x370];
	v20 =	vsel vm11, $0x0, v1;
	v9 =	vadd.f32 v57, v9;
	v59 =	vnsel vm15, $0x0, v41  }
0x1cb: {  	[tilespmem:$0x1A90] =	vst v50;
	v40 =	vnsel vm5, $0x0, v41;
	v0 =	vadd.f32 v41, v0;
	vm9 =	vgt.f32 v41, $0.0e+00  }
0x1cc: {  	[tilespmem:$0x1AC0] =	vst v29;
	v57 =	vld [tilespmem:$0x1380];
	vm11 =	vgt.f32 v44, $0.0e+00;
	v6 =	vadd.f32 v63, v6;
	v63 =	vmul.f32 v54, v11  }
0x1cd: {  	[tilespmem:$0x1A50] =	vst v43;
	v43 =	vld [tilespmem:$0xF90];
	vm15 =	vgt.f32 v56, $0.0e+00;
	v5 =	vadd.f32 v59, v5;
	v26 =	vsel vm9, $0x0, v26  }
0x1ce: {  	[tilespmem:$0x1A10] =	vst v12;
	v48 =	vld [tilespmem:$0xF80];
	v0 =	vadd.f32 v44, v0;
	v59 =	vadd.s32 $0x1, v52;
	v1 =	vadd.f32 v63, v10  }
0x1cf: {  	[tilespmem:$0x16F0] =	vst v25;
	v54 =	vld [tilespmem:$0x380];
	v25 =	vsel vm15, $0x0, v59;
	v28 =	vadd.f32 v55, v28;
	v6 =	vadd.f32 v46, v6  }
0x1d0: {  	[tilespmem:$0x1A40] =	vst v47;
	v47 =	vld [tilespmem:$0x390];
	v55 =	vnsel vm14, $0x0, v11;
	v11 =	vsel vm4, $0x0, v14;
	v10 =	vsel vm4, $0x0, v19  }
0x1d1: {  	[tilespmem:$0x1A20] =	vst v42;
	v63 =	vld [tilespmem:$0xB80];
	v0 =	vadd.f32 v56, v0;
	v8 =	vadd.f32 v55, v8;
	v12 =	vadd.s32 $0x1, v57  }
0x1d2: {  	[tilespmem:$0x1640] =	vst v58;
	v58 =	vmul.f32 v28, v41;
	v1 =	vadd.f32 v34, v1;
	v42 =	vcvt.s32.f32 v12  }
0x1d3: {  	[tilespmem:$0x1600] =	vst v39;
	v6 =	vadd.f32 v40, v6;
	v28 =	vsel vm9, $0x0, v28;
	v40 =	vcvt.s32.f32 v59  }
0x1d4: {  	[tilespmem:$0x16E0] =	vst v24;
	v57 =	vld [tilespmem:$0xB90];
	v12 =	vsel vm11, $0x0, v12;
	v14 =	vadd.f32 v54, v48;
	v8 =	vadd.f32 v45, v8  }
0x1d5: {  	v50 =	vld [tilespmem:$0x3B0];
	[tilespmem:$0x1AE0] =	vst v23;
	v9 =	vadd.f32 v58, v9;
	v48 =	vmul.f32 v42, v44;
	v58 =	vadd.f32 v47, v43  }
0x1d6: {  	[tilespmem:$0x1690] =	vst v38;
	v38 =	vld [tilespmem:$0x13C0];
	v46 =	vmul.f32 v14, v44;
	vm7 =	veq.s32 v63, $0x0;
	vm8 =	veq.s32 v63, $0x1  }
0x1d7: {  	[tilespmem:$0x1AF0] =	vst v21;
	v52 =	vld [tilespmem:$0x13B0];
	vm10 =	veq.s32 v63, $0x2;
	v14 =	vsel vm11, $0x0, v14;
	v54 =	vnsel vm7, $0x0, v44  }
0x1d8: {  	[tilespmem:$0x1610] =	vst v35;
	v34 =	vld [tilespmem:$0x7A0];
	v1 =	vadd.f32 v48, v1;
	v55 =	vnsel vm8, $0x0, v44;
	v39 =	vnsel vm10, $0x0, v44  }
0x1d9: {  	[tilespmem:$0x1710] =	vst v13;
	v41 =	vld [tilespmem:$0x3A0];
	v42 =	vmul.f32 v58, v56;
	v44 =	vmul.f32 v40, v56;
	vm12 =	veq.s32 v57, $0x0  }
0x1da: {  	[tilespmem:$0x1B10] =	vst v62;
	v43 =	vld [tilespmem:$0x13A0];
	vm13 =	veq.s32 v57, $0x1;
	vm14 =	veq.s32 v57, $0x2;
	v9 =	vadd.f32 v46, v9  }
0x1db: {  	[tilespmem:$0x1AA0] =	vst v2;
	v63 =	vld [tilespmem:$0xFA0];
	v2 =	vsel vm15, $0x0, v58;
	v5 =	vadd.f32 v54, v5;
	v6 =	vadd.f32 v55, v6  }
0x1dc: {  	[tilespmem:$0x16B0] =	vst v16;
	v48 =	vld [tilespmem:$0xFB0];
	v8 =	vadd.f32 v39, v8;
	v45 =	vnsel vm12, $0x0, v56;
	v47 =	vnsel vm13, $0x0, v56  }
0x1dd: {  	[tilespmem:$0x16A0] =	vst v49;
	v46 =	vld [tilespmem:$0xBA0];
	v49 =	vnsel vm14, $0x0, v56;
	v0 =	vadd.f32 v34, v0;
	v1 =	vadd.f32 v44, v1  }
0x1de: {  	v33 =	vld [tilespmem:$0xFC0];
	[tilespmem:$0x16C0] =	vst v18;
	vm10 =	vgt.f32 v34, $0.0e+00;
	v9 =	vadd.f32 v42, v9;
	v5 =	vadd.f32 v45, v5  }
0x1df: {  	[tilespmem:$0x1AD0] =	vst v53;
	v54 =	vld [tilespmem:$0xBB0];
	v32 =	vadd.s32 $0x1, v43;
	v6 =	vadd.f32 v47, v6;
	v8 =	vadd.f32 v49, v8  }
0x1e0: {  	[tilespmem:$0x16D0] =	vst v51;
	v40 =	vld [tilespmem:$0x3C0];
	v49 =	vadd.s32 $0x1, v38;
	v51 =	vadd.f32 v41, v63;
	v53 =	vcvt.s32.f32 v32  }
0x1e1: {  	[tilespmem:$0x1AB0] =	vst v60;
	v56 =	vld [tilespmem:$0x7B0];
	v63 =	vadd.s32 $0x1, v52;
	v52 =	vcvt.s32.f32 v49;
	v60 =	vadd.f32 v50, v48  }
0x1e2: {  	[tilespmem:$0x1B00] =	vst v30;
	v36 =	vcvt.s32.f32 v63;
	v55 =	vmul.f32 v51, v34;
	vm4 =	veq.s32 v46, $0x0  }
0x1e3: {  	[tilespmem:$0x1A60] =	vst v37;
	v18 =	vmul.f32 v53, v34;
	vm5 =	veq.s32 v46, $0x1;
	vm6 =	veq.s32 v46, $0x2  }
0x1e4: {  	[tilespmem:$0x1720] =	vst v61;
	v61 =	vld [tilespmem:$0xBD0];
	vm7 =	veq.s32 v54, $0x0;
	vm8 =	veq.s32 v54, $0x1;
	vm9 =	veq.s32 v54, $0x2  }
0x1e5: {  	[tilespmem:$0x1700] =	vst v27;
	v48 =	vsel vm10, $0x0, v51;
	v51 =	vadd.f32 v40, v33;
	v54 =	vsel vm10, $0x0, v32  }
0x1e6: {  	v29 =	vld [tilespmem:$0x3E0];
	[tilespmem:$0x1B20] =	vst v7;
	v0 =	vadd.f32 v56, v0;
	vm11 =	vgt.f32 v56, $0.0e+00;
	v57 =	vnsel vm4, $0x0, v34  }
0x1e7: {  	[tilespmem:$0x1B40] =	vst v15;
	v45 =	vld [tilespmem:$0x7C0];
	v58 =	vnsel vm5, $0x0, v34;
	v59 =	vnsel vm6, $0x0, v34;
	v37 =	vnsel vm7, $0x0, v56  }
0x1e8: {  	[tilespmem:$0x1730] =	vst v4;
	v47 =	vld [tilespmem:$0xBC0];
	v39 =	vnsel vm8, $0x0, v56;
	v41 =	vmul.f32 v60, v56;
	v42 =	vmul.f32 v36, v56  }
0x1e9: {  	[tilespmem:$0x1B70] =	vst v26;
	v26 =	vld [tilespmem:$0xFE0];
	v44 =	vnsel vm9, $0x0, v56;
	vm4 =	veq.s32 v61, $0x0;
	v9 =	vadd.f32 v55, v9  }
0x1ea: {  	[tilespmem:$0x1750] =	vst v22;
	v38 =	vld [tilespmem:$0xFF0];
	vm5 =	veq.s32 v61, $0x1;
	v1 =	vadd.f32 v18, v1;
	v5 =	vadd.f32 v57, v5  }
0x1eb: {  	[tilespmem:$0x1B30] =	vst v3;
	v50 =	vld [tilespmem:$0xFD0];
	vm6 =	veq.s32 v61, $0x2;
	v6 =	vadd.f32 v58, v6;
	v43 =	vadd.f32 v59, v8  }
0x1ec: {  	[tilespmem:$0x1740] =	vst v17;
	v53 =	vld [tilespmem:$0x3D0];
	v56 =	vmul.f32 v51, v45;
	v16 =	vmul.f32 v52, v45;
	v57 =	vsel vm11, $0x0, v60  }
0x1ed: {  	[tilespmem:$0x1B50] =	vst v20;
	v40 =	vld [tilespmem:$0x3F0];
	v58 =	vsel vm11, $0x0, v63;
	vm12 =	veq.s32 v47, $0x0;
	v0 =	vadd.f32 v45, v0  }
0x1ee: {  	[tilespmem:$0x1B90] =	vst v25;
	v32 =	vld [tilespmem:$0x13E0];
	vm13 =	veq.s32 v47, $0x1;
	vm14 =	veq.s32 v47, $0x2;
	vm15 =	vgt.f32 v45, $0.0e+00  }
0x1ef: {  	[tilespmem:$0x1760] =	vst v11;
	v34 =	vld [tilespmem:$0x7E0];
	v60 =	vnsel vm12, $0x0, v45;
	v46 =	vadd.f32 v41, v9;
	v1 =	vadd.f32 v42, v1  }
0x1f0: {  	[tilespmem:$0x1B60] =	vst v10;
	v36 =	vld [tilespmem:$0xBE0];
	v63 =	vnsel vm13, $0x0, v45;
	v5 =	vadd.f32 v37, v5;
	v6 =	vadd.f32 v39, v6  }
0x1f1: {  	[tilespmem:$0x1770] =	vst v28;
	v55 =	vld [tilespmem:$0x13D0];
	v27 =	vnsel vm14, $0x0, v45;
	v4 =	vadd.f32 v44, v43;
	v41 =	vadd.f32 v29, v26  }
0x1f2: {  	[tilespmem:$0x1B80] =	vst v12;
	v59 =	vld [tilespmem:$0x7D0];
	v33 =	vsel vm15, $0x0, v49;
	v62 =	vadd.f32 v53, v50;
	v49 =	vadd.f32 v40, v38  }
0x1f3: {  	[tilespmem:$0x1780] =	vst v14;
	v31 =	vsel vm15, $0x0, v51;
	v3 =	vadd.f32 v56, v46;
	v1 =	vadd.f32 v16, v1  }
0x1f4: {  	[tilespmem:$0x1790] =	vst v2;
	v12 =	vadd.s32 $0x1, v32;
	v5 =	vadd.f32 v60, v5;
	v6 =	vadd.f32 v63, v6  }
0x1f5: {  	[tilespmem:$0x17A0] =	vst v48;
	v30 =	vadd.f32 v27, v4;
	v44 =	vcvt.s32.f32 v12;
	v46 =	vmul.f32 v41, v34  }
0x1f6: {  	[tilespmem:$0x1BA0] =	vst v54;
	v52 =	vld [tilespmem:$0xBF0];
	vm8 =	veq.s32 v36, $0x0;
	vm9 =	vgt.f32 v34, $0.0e+00;
	vm11 =	veq.s32 v36, $0x1  }
0x1f7: {  	[tilespmem:$0x17B0] =	vst v57;
	vm12 =	veq.s32 v36, $0x2;
	v8 =	vadd.s32 $0x1, v55;
	v28 =	vmul.f32 v62, v59  }
0x1f8: {  	[tilespmem:$0x1BB0] =	vst v58;
	v42 =	vld [tilespmem:$0x7F0];
	v35 =	vnsel vm4, $0x0, v59;
	v37 =	vnsel vm5, $0x0, v59;
	v0 =	vadd.f32 v59, v0  }
0x1f9: {  	v45 =	vld [tilespmem:$0x13F0];
	[tilespmem:$0x17C0] =	vst v31;
	v39 =	vnsel vm6, $0x0, v59;
	vm7 =	vgt.f32 v59, $0.0e+00;
	v48 =	vnsel vm8, $0x0, v34  }
0x1fa: {  	[tilespmem:$0x1BC0] =	vst v33;
	v50 =	vsel vm9, $0x0, v41;
	v51 =	vsel vm9, $0x0, v12;
	v56 =	vnsel vm11, $0x0, v34  }
0x1fb: {  	v58 =	vnsel vm12, $0x0, v34;
	vm14 =	veq.s32 v52, $0x1;
	vm15 =	veq.s32 v52, $0x2;
	[tilespmem:$0x17E0] =	vst v50  }
0x1fc: {  	v24 =	vcvt.s32.f32 v8;
	v5 =	vadd.f32 v35, v5;
	v43 =	vsel vm7, $0x0, v62;
	[tilespmem:$0x1BE0] =	vst v51  }
0x1fd: {  	v6 =	vadd.f32 v37, v6;
	v8 =	vsel vm7, $0x0, v8;
	[tilespmem:$0x17D0] =	vst v43;
	vm10 =	vgt.f32 v42, $0.0e+00  }
0x1fe: {  	v53 =	vadd.s32 $0x1, v45;
	v3 =	vadd.f32 v28, v3;
	[tilespmem:$0x1BD0] =	vst v8;
	v54 =	vsel vm10, $0x0, v49  }
0x1ff: {  	v2 =	vadd.f32 v39, v30;
	v47 =	vmul.f32 v44, v34;
	v55 =	vsel vm10, $0x0, v53;
	[tilespmem:$0x17F0] =	vst v54  }
0x200: {  	s26 =	simm.s32 $0x1400;
	s2 =	sadd.s32 s2, s4;
	v57 =	vmul.f32 v49, v42;
	v7 =	vmul.f32 v24, v59;
	v3 =	vadd.f32 v46, v3;
	[tilespmem:$0x1BF0] =	vst v55  }
0x201: {  	v4 =	vcvt.s32.f32 v53;
	v6 =	vadd.f32 v56, v6;
	v2 =	vadd.f32 v58, v2;
	[hbm4b:s2+s14] =	stream.linear.scatter [tilespmem:s26], [sflag:$0x1], $0x400, $0x38;
	[tilespmem:$0x23E0] =	vst v63  }
0x202: {  	s29 =	simm.s32 $0x1800;
	s28 =	sadd.s32 s9, s4;
	v60 =	vnsel vm14, $0x0, v42;
	v1 =	vadd.f32 v7, v1;
	v3 =	vadd.f32 v57, v3  }
0x203: {  	v0 =	vadd.f32 v34, v0;
	v62 =	vnsel vm15, $0x0, v42;
	v61 =	vadd.f32 v60, v6;
	[hbm4b:s28+s14] =	stream.linear.scatter [tilespmem:s29], [sflag:$0x1], $0x400, $0x38;
	[tilespmem:$0x23E0] =	vst v63  }
0x204: {  	v4 =	vmul.f32 v4, v42;
	v63 =	vadd.f32 v62, v2;
	v1 =	vadd.f32 v47, v1;
	[tilespmem:$0x1C00] =	vst v3  }
0x205: {  	vm13 =	veq.s32 v52, $0x0;
	v5 =	vadd.f32 v48, v5;
	v0 =	vadd.f32 v42, v0;
	[tilespmem:$0x1C30] =	vst v61  }
0x206: {  	s30 =	smul.u32 $0x180, s8;
	v59 =	vnsel vm13, $0x0, v42;
	[tilespmem:$0x1C40] =	vst v63;
	v1 =	vadd.f32 v4, v1  }
0x207: {  	[tilespmem:$0x1C50] =	vst v0;
	v4 =	vadd.f32 v59, v5  }
0x208: {  	s2 =	sshrl.u32 s30, $0x2;
	[tilespmem:$0x1C10] =	vst v1  }
0x209: {  	s31 =	simm.s32 $0x1C00;
	s9 =	simm.s32 $0x2;
	s2 =	sadd.s32 s2, s1;
	[tilespmem:$0x1C20] =	vst v4  }
0x20a: {  	[spmem:s2] =	stream.linear.scatter [tilespmem:s31], [sflag:$0x2], $0x60, $0x38;
	[tilespmem:$0x23E0] =	vst v63  }
0x20b: {  	_ =	swait.ge [sflag:s9], $0x60  }
0x20c: {  	[sflag:s9] =	ssyncset.done $0x0  }
0x20d: {  	[sflag:s9] =	ssyncadd.s32 $0xFFFFFFA0  }
0x20e: {  	p0 =	sne.s32 s8, $0x0;
	[bflag:$0x0] =	sbarrier.arrive $0xFFFF  }
0x20f: {  	_ =	swait.ge @p0 [sflag:s6], $0x400  }
0x210: {  	[sflag:s6] =	ssyncset.done @p0 $0x0  }
0x211: {  	[sflag:s6] =	ssyncadd.s32 @p0 $0xFFFFFC00  }
0x212: {  	_ =	swait.ge @p0 [sflag:s6], $0x400  }
0x213: {  	[sflag:s6] =	ssyncset.done @p0 $0x0  }
0x214: {  	[sflag:s6] =	ssyncadd.s32 @p0 $0xFFFFFC00  }
0x215: {  	_ =	sfence.sel @p0 $0x180000  }
0x216: {  	[bflag:$0x0] =	sbarrier.arrive @p0 $0xFFFF  }
0x217: {  	_ =	strace @p0 $0x90000047  }
0x218: {  	[bflag:$0x2] =	sbarrier.arrive @p0 $0xFFFF  }
0x219: {  	_ =	shalt @p0  }
.LBB2_1:
0x21a: {  	s2 =	simm.s32 $0x1C80  }
0x21b: {  	[tilespmem:s2], [sflag:$0x2] =	stream.linear.gather [spmem:s1], $0x600, $0x38;
	[tilespmem:$0x23E0] =	vst v63  }
0x21c: {  	_ =	swait.ge [sflag:s9], $0x600  }
0x21d: {  	[sflag:s9] =	ssyncset.done $0x0  }
0x21e: {  	s13 =	simm.s32 $0x2280;
	[sflag:s9] =	ssyncadd.s32 $0xFFFFFA00  }
0x21f: {  	[tilespmem:s13], [sflag:$0x2] =	stream.linear.gather [hbm4b:s0+s14], $0x80, $0x38;
	[tilespmem:$0x23E0] =	vst v63  }
0x220: {  	_ =	swait.ge [sflag:s9], $0x80  }
0x221: {  	[sflag:s9] =	ssyncset.done $0x0  }
0x222: {  	s15 =	simm.s32 $0x2300;
	[sflag:s9] =	ssyncadd.s32 $0xFFFFFF80  }
0x223: {  	[tilespmem:s15], [sflag:$0x2] =	stream.linear.gather [hbm4b:s3+s14], $0x80, $0x38;
	[tilespmem:$0x23E0] =	vst v63  }
0x224: {  	_ =	swait.ge [sflag:s9], $0x80  }
0x225: {  	[sflag:s9] =	ssyncset.done $0x0  }
0x226: {  	[sflag:s9] =	ssyncadd.s32 $0xFFFFFF80  }
0x227: {  	v0 =	vld [tilespmem:$0x1C80]  }
0x228: {  	v1 =	vld [tilespmem:$0x1CE0];
	_ =	sdelay $0x1  }
0x229: {  	v2 =	vld [tilespmem:$0x1D40];
	_ =	sdelay $0x1  }
0x22a: {  	v3 =	vld [tilespmem:$0x1DA0]  }
0x22b: {  	v0 =	vadd.f32 v1, v0  }
0x22c: {  	v21 =	vld [tilespmem:$0x1E00]  }
0x22d: {  	v0 =	vadd.f32 v2, v0  }
0x22e: {  	v22 =	vld [tilespmem:$0x1E60]  }
0x22f: {  	v0 =	vadd.f32 v3, v0  }
0x230: {  	v23 =	vld [tilespmem:$0x1EC0]  }
0x231: {  	v0 =	vadd.f32 v21, v0  }
0x232: {  	v24 =	vld [tilespmem:$0x1F20]  }
0x233: {  	v25 =	vld [tilespmem:$0x1F80];
	v0 =	vadd.f32 v22, v0  }
0x234: {  	v4 =	vld [tilespmem:$0x1FE0]  }
0x235: {  	v26 =	vld [tilespmem:$0x1C90];
	v0 =	vadd.f32 v23, v0  }
0x236: {  	v5 =	vld [tilespmem:$0x1CF0]  }
0x237: {  	v27 =	vld [tilespmem:$0x2040];
	v0 =	vadd.f32 v24, v0  }
0x238: {  	v6 =	vld [tilespmem:$0x1D50]  }
0x239: {  	v28 =	vld [tilespmem:$0x20A0];
	v0 =	vadd.f32 v25, v0  }
0x23a: {  	v7 =	vld [tilespmem:$0x1DB0]  }
0x23b: {  	v29 =	vld [tilespmem:$0x2100];
	v3 =	vadd.f32 v5, v26;
	v0 =	vadd.f32 v4, v0  }
0x23c: {  	v30 =	vld [tilespmem:$0x1E10]  }
0x23d: {  	v31 =	vld [tilespmem:$0x2160];
	v3 =	vadd.f32 v6, v3;
	v0 =	vadd.f32 v27, v0  }
0x23e: {  	v32 =	vld [tilespmem:$0x1E70]  }
0x23f: {  	v33 =	vld [tilespmem:$0x21C0];
	v3 =	vadd.f32 v7, v3;
	v0 =	vadd.f32 v28, v0  }
0x240: {  	v34 =	vld [tilespmem:$0x1ED0]  }
0x241: {  	v35 =	vld [tilespmem:$0x2220];
	v3 =	vadd.f32 v30, v3;
	v0 =	vadd.f32 v29, v0  }
0x242: {  	v36 =	vld [tilespmem:$0x1F30]  }
0x243: {  	v38 =	vld [tilespmem:$0x1F90];
	v37 =	vadd.f32 v32, v3;
	v0 =	vadd.f32 v31, v0  }
0x244: {  	v39 =	vld [tilespmem:$0x1CA0]  }
0x245: {  	v40 =	vld [tilespmem:$0x1D00];
	v1 =	vadd.f32 v34, v37;
	v0 =	vadd.f32 v33, v0  }
0x246: {  	v41 =	vld [tilespmem:$0x1FF0]  }
0x247: {  	v42 =	vld [tilespmem:$0x1D60];
	v1 =	vadd.f32 v36, v1;
	v0 =	vadd.f32 v35, v0  }
0x248: {  	v43 =	vld [tilespmem:$0x2050]  }
0x249: {  	v44 =	vld [tilespmem:$0x1DC0];
	v1 =	vadd.f32 v38, v1;
	(v2sf) =	vpush v0, $0x0  }
0x24a: {  	v45 =	vld [tilespmem:$0x20B0];
	v2 =	vadd.f32 v40, v39;
	(v2sf) =	vpush v0, $0x1  }
0x24b: {  	v46 =	vld [tilespmem:$0x1E20];
	v1 =	vadd.f32 v41, v1;
	(v2sf) =	vpush v0, $0x2  }
0x24c: {  	v47 =	vld [tilespmem:$0x2110];
	v2 =	vadd.f32 v42, v2;
	(v2sf) =	vpush v0, $0x3  }
0x24d: {  	v48 =	vld [tilespmem:$0x1E80];
	v1 =	vadd.f32 v43, v1;
	(v2sf) =	vpush v0, $0x4  }
0x24e: {  	v49 =	vld [tilespmem:$0x2170];
	v2 =	vadd.f32 v44, v2;
	(v2sf) =	vpush v0, $0x5  }
0x24f: {  	v50 =	vld [tilespmem:$0x1EE0];
	v1 =	vadd.f32 v45, v1;
	(v2sf) =	vpush v0, $0x6  }
0x250: {  	v51 =	vld [tilespmem:$0x21D0];
	v2 =	vadd.f32 v46, v2;
	(v2sf) =	vpush v0, $0x7  }
0x251: {  	v52 =	vld [tilespmem:$0x1F40];
	v1 =	vadd.f32 v47, v1;
	(v2sf) =	vpush v0, $0x8  }
0x252: {  	v53 =	vld [tilespmem:$0x2230];
	v2 =	vadd.f32 v48, v2;
	(v2sf) =	vpush v0, $0x9  }
0x253: {  	v54 =	vld [tilespmem:$0x1FA0];
	v1 =	vadd.f32 v49, v1;
	(v2sf) =	vpush v0, $0xA  }
0x254: {  	v56 =	vld [tilespmem:$0x1CB0];
	v2 =	vadd.f32 v50, v2;
	(v2sf) =	vpush v0, $0xB  }
0x255: {  	v57 =	vld [tilespmem:$0x1D10];
	v1 =	vadd.f32 v51, v1;
	(v2sf) =	vpush v0, $0xC  }
0x256: {  	v55 =	vld [tilespmem:$0x2000];
	v2 =	vadd.f32 v52, v2;
	(v2sf) =	vpush v0, $0xD  }
0x257: {  	v60 =	vld [tilespmem:$0x1D70];
	v1 =	vadd.f32 v53, v1;
	(v2sf) =	vpush v0, $0xE  }
0x258: {  	v58 =	vld [tilespmem:$0x2060];
	s7 =	spop (v2sf);
	(v2sf) =	vpush v0, $0xF  }
0x259: {  	v62 =	vld [tilespmem:$0x1DD0];
	v59 =	vadd.f32 v54, v2;
	s5 =	spop (v2sf);
	(v2sf) =	vpush v1, $0x0  }
0x25a: {  	v61 =	vld [tilespmem:$0x20C0];
	v4 =	vadd.f32 v57, v56;
	s6 =	spop (v2sf);
	(v2sf) =	vpush v1, $0x1  }
0x25b: {  	v9 =	vld [tilespmem:$0x1E30];
	v0 =	vadd.f32 v55, v59;
	s4 =	spop (v2sf);
	(v2sf) =	vpush v1, $0x2  }
0x25c: {  	v63 =	vld [tilespmem:$0x2120];
	v2 =	vadd.f32 v60, v4;
	s16 =	spop (v2sf);
	(v2sf) =	vpush v1, $0x3  }
0x25d: {  	v11 =	vld [tilespmem:$0x1E90];
	v0 =	vadd.f32 v58, v0;
	s8 =	spop (v2sf);
	(v2sf) =	vpush v1, $0x4  }
0x25e: {  	v10 =	vld [tilespmem:$0x2180];
	v2 =	vadd.f32 v62, v2;
	s1 =	spop (v2sf);
	(v2sf) =	vpush v1, $0x5  }
0x25f: {  	v13 =	vld [tilespmem:$0x1EF0];
	s5 =	sadd.f32 s5, s7;
	v0 =	vadd.f32 v61, v0;
	s3 =	spop (v2sf);
	(v2sf) =	vpush v1, $0x6  }
0x260: {  	v12 =	vld [tilespmem:$0x21E0];
	v2 =	vadd.f32 v9, v2;
	s29 =	spop (v2sf);
	(v2sf) =	vpush v1, $0x7  }
0x261: {  	v15 =	vld [tilespmem:$0x1F50];
	s5 =	sadd.f32 s5, s6;
	v0 =	vadd.f32 v63, v0;
	s26 =	spop (v2sf);
	(v2sf) =	vpush v1, $0x8  }
0x262: {  	v14 =	vld [tilespmem:$0x2240];
	v2 =	vadd.f32 v11, v2;
	s24 =	spop (v2sf);
	(v2sf) =	vpush v1, $0x9  }
0x263: {  	v16 =	vld [tilespmem:$0x1FB0];
	s4 =	sadd.f32 s5, s4;
	v0 =	vadd.f32 v10, v0;
	s21 =	spop (v2sf);
	(v2sf) =	vpush v1, $0xA  }
0x264: {  	v17 =	vld [tilespmem:$0x1CC0];
	v2 =	vadd.f32 v13, v2;
	s19 =	spop (v2sf);
	(v2sf) =	vpush v1, $0xB  }
0x265: {  	v18 =	vld [tilespmem:$0x1D20];
	s2 =	sadd.f32 s4, s16;
	v0 =	vadd.f32 v12, v0;
	s17 =	spop (v2sf);
	(v2sf) =	vpush v1, $0xC  }
0x266: {  	v19 =	vld [tilespmem:$0x2010];
	v2 =	vadd.f32 v15, v2;
	s11 =	spop (v2sf);
	(v2sf) =	vpush v1, $0xD  }
0x267: {  	v20 =	vld [tilespmem:$0x1D80];
	s2 =	sadd.f32 s2, s8;
	v0 =	vadd.f32 v14, v0;
	s31 =	spop (v2sf);
	(v2sf) =	vpush v1, $0xE  }
0x268: {  	v21 =	vld [tilespmem:$0x2070];
	s30 =	spop (v2sf);
	(v2sf) =	vpush v1, $0xF  }
0x269: {  	v22 =	vld [tilespmem:$0x1DE0];
	v2 =	vadd.f32 v16, v2;
	s1 =	sadd.f32 s2, s1;
	s0 =	spop (v2sf);
	(v2sf) =	vpush v0, $0x0  }
0x26a: {  	v6 =	vadd.f32 v18, v17;
	v23 =	vld [tilespmem:$0x20D0];
	[dreg:$0xf] =	wrdreg s31;
	(v2sf) =	vpush v0, $0x1;
	s31 =	spop (v2sf)  }
0x26b: {  	v24 =	vld [tilespmem:$0x1E40];
	v2 =	vadd.f32 v19, v2;
	(v2sf) =	vpush v0, $0x2;
	s28 =	spop (v2sf)  }
0x26c: {  	v25 =	vld [tilespmem:$0x2130];
	v4 =	vadd.f32 v20, v6;
	s1 =	sadd.f32 s1, s3;
	(v2sf) =	vpush v0, $0x3;
	s25 =	spop (v2sf)  }
0x26d: {  	v26 =	vld [tilespmem:$0x1EA0];
	v1 =	vadd.f32 v21, v2;
	(v2sf) =	vpush v0, $0x4;
	s23 =	spop (v2sf)  }
0x26e: {  	v27 =	vld [tilespmem:$0x2190];
	v3 =	vadd.f32 v22, v4;
	s1 =	sadd.f32 s1, s29;
	(v2sf) =	vpush v0, $0x5;
	s22 =	spop (v2sf)  }
0x26f: {  	v28 =	vld [tilespmem:$0x1F00];
	v1 =	vadd.f32 v23, v1;
	(v2sf) =	vpush v0, $0x6;
	s20 =	spop (v2sf)  }
0x270: {  	v3 =	vadd.f32 v24, v3;
	v29 =	vld [tilespmem:$0x21F0];
	s1 =	sadd.f32 s1, s26;
	(v2sf) =	vpush v0, $0x7;
	s18 =	spop (v2sf)  }
0x271: {  	v30 =	vld [tilespmem:$0x1F60];
	s0 =	sadd.f32 s0, s30;
	v1 =	vadd.f32 v25, v1;
	(v2sf) =	vpush v0, $0x8;
	s14 =	spop (v2sf)  }
0x272: {  	v31 =	vld [tilespmem:$0x2250];
	v2 =	vadd.f32 v26, v3;
	s1 =	sadd.f32 s1, s24;
	(v2sf) =	vpush v0, $0x9;
	s15 =	spop (v2sf)  }
0x273: {  	v32 =	vld [tilespmem:$0x1FC0];
	s0 =	sadd.f32 s0, s31;
	v1 =	vadd.f32 v27, v1;
	(v2sf) =	vpush v0, $0xA;
	s10 =	spop (v2sf)  }
0x274: {  	v34 =	vld [tilespmem:$0x1CD0];
	v2 =	vadd.f32 v28, v2;
	s31 =	rddreg [dreg:$0xf];
	(v2sf) =	vpush v0, $0xB;
	s12 =	spop (v2sf)  }
0x275: {  	v35 =	vld [tilespmem:$0x1D30];
	s1 =	sadd.f32 s1, s21;
	v1 =	vadd.f32 v29, v1;
	(v2sf) =	vpush v0, $0xC;
	s13 =	spop (v2sf)  }
0x276: {  	v33 =	vld [tilespmem:$0x2020];
	v2 =	vadd.f32 v30, v2;
	s0 =	sadd.f32 s0, s28;
	(v2sf) =	vpush v0, $0xD;
	s8 =	spop (v2sf)  }
0x277: {  	v38 =	vld [tilespmem:$0x1D90];
	s1 =	sadd.f32 s1, s19;
	v1 =	vadd.f32 v31, v1;
	(v2sf) =	vpush v0, $0xE;
	s16 =	spop (v2sf)  }
0x278: {  	v36 =	vld [tilespmem:$0x2080];
	s0 =	sadd.f32 s0, s25;
	(v2sf) =	vpush v0, $0xF;
	s5 =	spop (v2sf)  }
0x279: {  	v40 =	vld [tilespmem:$0x1DF0];
	v37 =	vadd.f32 v32, v2;
	[dreg:$0xd] =	wrdreg s16;
	(v2sf) =	vpush v1, $0x0;
	s16 =	spop (v2sf)  }
0x27a: {  	v39 =	vld [tilespmem:$0x20E0];
	v5 =	vadd.f32 v35, v34;
	[dreg:$0x10] =	wrdreg s12;
	(v2sf) =	vpush v1, $0x1;
	s12 =	spop (v2sf)  }
0x27b: {  	v42 =	vld [tilespmem:$0x1E50];
	[dreg:$0x11] =	wrdreg s10;
	v0 =	vadd.f32 v33, v37;
	(v2sf) =	vpush v1, $0x2;
	s10 =	spop (v2sf)  }
0x27c: {  	v41 =	vld [tilespmem:$0x2140];
	v2 =	vadd.f32 v38, v5;
	s1 =	sadd.f32 s1, s17;
	(v2sf) =	vpush v1, $0x3;
	s3 =	spop (v2sf)  }
0x27d: {  	v44 =	vld [tilespmem:$0x1EB0];
	s0 =	sadd.f32 s0, s23;
	v0 =	vadd.f32 v36, v0;
	(v2sf) =	vpush v1, $0x4;
	s4 =	spop (v2sf)  }
0x27e: {  	v43 =	vld [tilespmem:$0x21A0];
	v2 =	vadd.f32 v40, v2;
	s1 =	sadd.f32 s1, s11;
	(v2sf) =	vpush v1, $0x5;
	s7 =	spop (v2sf)  }
0x27f: {  	v46 =	vld [tilespmem:$0x1F10];
	s0 =	sadd.f32 s0, s22;
	v0 =	vadd.f32 v39, v0;
	(v2sf) =	vpush v1, $0x6;
	s6 =	spop (v2sf)  }
0x280: {  	v45 =	vld [tilespmem:$0x2200];
	v2 =	vadd.f32 v42, v2;
	[dreg:$0xe] =	wrdreg s13;
	(v2sf) =	vpush v1, $0x7;
	s2 =	spop (v2sf)  }
0x281: {  	v48 =	vld [tilespmem:$0x1F70];
	s1 =	sadd.f32 s1, s31;
	v0 =	vadd.f32 v41, v0;
	(v2sf) =	vpush v1, $0x8;
	s26 =	spop (v2sf)  }
0x282: {  	v47 =	vld [tilespmem:$0x2260];
	v2 =	vadd.f32 v44, v2;
	s25 =	sadd.f32 s16, s5;
	(v2sf) =	vpush v1, $0x9;
	s29 =	spop (v2sf)  }
0x283: {  	[dreg:$0xc] =	wrdreg s1;
	v0 =	vadd.f32 v43, v0;
	(v2sf) =	vpush v1, $0xA;
	s21 =	spop (v2sf)  }
0x284: {  	v49 =	vld [tilespmem:$0x1FD0];
	v2 =	vadd.f32 v46, v2;
	s1 =	sadd.f32 s25, s12;
	(v2sf) =	vpush v1, $0xB;
	s24 =	spop (v2sf)  }
0x285: {  	s0 =	sadd.f32 s0, s20;
	v0 =	vadd.f32 v45, v0;
	(v2sf) =	vpush v1, $0xC;
	s19 =	spop (v2sf)  }
0x286: {  	v50 =	vld [tilespmem:$0x2030];
	v2 =	vadd.f32 v48, v2;
	s1 =	sadd.f32 s1, s10;
	(v2sf) =	vpush v1, $0xD;
	s17 =	spop (v2sf)  }
0x287: {  	s0 =	sadd.f32 s0, s18;
	v0 =	vadd.f32 v47, v0;
	(v2sf) =	vpush v1, $0xE;
	s13 =	spop (v2sf)  }
0x288: {  	v51 =	vld [tilespmem:$0x2090];
	s1 =	sadd.f32 s1, s3;
	(v2sf) =	vpush v1, $0xF;
	s28 =	spop (v2sf)  }
0x289: {  	v2 =	vadd.f32 v49, v2;
	s0 =	sadd.f32 s0, s14;
	(v2sf) =	vpush v0, $0x0;
	s11 =	spop (v2sf)  }
0x28a: {  	v52 =	vld [tilespmem:$0x20F0];
	s1 =	sadd.f32 s1, s4;
	(v2sf) =	vpush v0, $0x1;
	s31 =	spop (v2sf)  }
0x28b: {  	v2 =	vadd.f32 v50, v2;
	s0 =	sadd.f32 s0, s15;
	(v2sf) =	vpush v0, $0x2;
	s30 =	spop (v2sf)  }
0x28c: {  	v53 =	vld [tilespmem:$0x2150];
	s1 =	sadd.f32 s1, s7;
	(v2sf) =	vpush v0, $0x3;
	s23 =	spop (v2sf)  }
0x28d: {  	s4 =	rddreg [dreg:$0x11];
	v1 =	vadd.f32 v51, v2;
	(v2sf) =	vpush v0, $0x4;
	s5 =	spop (v2sf)  }
0x28e: {  	v54 =	vld [tilespmem:$0x21B0];
	s1 =	sadd.f32 s1, s6;
	(v2sf) =	vpush v0, $0x5;
	s12 =	spop (v2sf)  }
0x28f: {  	s3 =	sadd.f32 s0, s4;
	v1 =	vadd.f32 v52, v1;
	(v2sf) =	vpush v0, $0x6;
	s20 =	spop (v2sf)  }
0x290: {  	v55 =	vld [tilespmem:$0x2210];
	s1 =	sadd.f32 s1, s2;
	(v2sf) =	vpush v0, $0x7;
	s10 =	spop (v2sf)  }
0x291: {  	s6 =	rddreg [dreg:$0xe];
	v1 =	vadd.f32 v53, v1;
	(v2sf) =	vpush v0, $0x8;
	s18 =	spop (v2sf)  }
0x292: {  	v56 =	vld [tilespmem:$0x2270];
	s26 =	sadd.f32 s1, s26;
	(v2sf) =	vpush v0, $0x9;
	s22 =	spop (v2sf)  }
0x293: {  	s11 =	sadd.f32 s11, s28;
	v1 =	vadd.f32 v54, v1;
	(v2sf) =	vpush v0, $0xA;
	s25 =	spop (v2sf)  }
0x294: {  	s29 =	sadd.f32 s26, s29;
	(v2sf) =	vpush v0, $0xB;
	s16 =	spop (v2sf)  }
0x295: {  	s26 =	rddreg [dreg:$0xd];
	v1 =	vadd.f32 v55, v1;
	(v2sf) =	vpush v0, $0xC;
	s14 =	spop (v2sf)  }
0x296: {  	s31 =	sadd.f32 s11, s31;
	(v2sf) =	vpush v0, $0xD;
	s15 =	spop (v2sf)  }
0x297: {  	v1 =	vadd.f32 v56, v1;
	[dreg:$0x12] =	wrdreg s16;
	(v2sf) =	vpush v0, $0xE;
	s7 =	spop (v2sf)  }
0x298: {  	s16 =	rddreg [dreg:$0x10];
	(v2sf) =	vpush v0, $0xF;
	s0 =	spop (v2sf)  }
0x299: {  	s3 =	sadd.f32 s3, s16;
	(v2sf) =	vpush v1, $0x0;
	s16 =	spop (v2sf)  }
0x29a: {  	[dreg:$0x13] =	wrdreg s7;
	(v2sf) =	vpush v1, $0x1;
	s7 =	spop (v2sf)  }
0x29b: {  	s2 =	sadd.f32 s3, s6;
	s4 =	spop (v2sf)  }
0x29c: {  	s30 =	sadd.f32 s31, s30;
	(v2sf) =	vpush v1, $0x2;
	s6 =	spop (v2sf)  }
0x29d: {  	s8 =	sadd.f32 s2, s8;
	s1 =	spop (v2sf)  }
0x29e: {  	s23 =	sadd.f32 s30, s23;
	(v2sf) =	vpush v1, $0x3;
	s2 =	spop (v2sf)  }
0x29f: {  	s3 =	sadd.f32 s8, s26;
	s26 =	spop (v2sf)  }
0x2a0: {  	s21 =	sadd.f32 s29, s21;
	(v2sf) =	vpush v1, $0x4;
	s29 =	spop (v2sf)  }
0x2a1: {  	s5 =	sadd.f32 s23, s5;
	s28 =	spop (v2sf)  }
0x2a2: {  	s8 =	sadd.f32 s21, s24;
	(v2sf) =	vpush v1, $0x5;
	s21 =	spop (v2sf)  }
0x2a3: {  	s5 =	sadd.f32 s5, s12;
	s11 =	spop (v2sf)  }
0x2a4: {  	s19 =	sadd.f32 s8, s19;
	(v2sf) =	vpush v1, $0x6;
	s24 =	spop (v2sf)  }
0x2a5: {  	s5 =	sadd.f32 s5, s20;
	s8 =	spop (v2sf)  }
0x2a6: {  	s31 =	sadd.f32 s19, s17;
	(v2sf) =	vpush v1, $0x7;
	s19 =	spop (v2sf)  }
0x2a7: {  	s17 =	spop (v2sf)  }
0x2a8: {  	s5 =	sadd.f32 s5, s10;
	(v2sf) =	vpush v1, $0x8;
	s30 =	spop (v2sf)  }
0x2a9: {  	s13 =	sadd.f32 s31, s13;
	s31 =	spop (v2sf)  }
0x2aa: {  	(v2sf) =	vpush v1, $0x9;
	s23 =	sadd.f32 s31, s30  }
0x2ab: {  	s5 =	sadd.f32 s5, s18;
	s31 =	spop (v2sf)  }
0x2ac: {  	(v2sf) =	vpush v1, $0xA;
	s12 =	sadd.f32 s23, s31  }
0x2ad: {  	s0 =	sadd.f32 s16, s0;
	s30 =	spop (v2sf)  }
0x2ae: {  	(v2sf) =	vpush v1, $0xB;
	s12 =	sadd.f32 s12, s30  }
0x2af: {  	s5 =	sadd.f32 s5, s22;
	s31 =	spop (v2sf)  }
0x2b0: {  	(v2sf) =	vpush v1, $0xC;
	s10 =	sadd.f32 s12, s31  }
0x2b1: {  	s0 =	sadd.f32 s0, s7;
	s18 =	spop (v2sf)  }
0x2b2: {  	(v2sf) =	vpush v1, $0xD;
	s10 =	sadd.f32 s10, s18  }
0x2b3: {  	s0 =	sadd.f32 s0, s4;
	s20 =	spop (v2sf)  }
0x2b4: {  	(v2sf) =	vpush v1, $0xE;
	s10 =	sadd.f32 s10, s20  }
0x2b5: {  	s0 =	sadd.f32 s0, s6;
	s22 =	spop (v2sf)  }
0x2b6: {  	(v2sf) =	vpush v1, $0xF;
	s10 =	sadd.f32 s10, s22  }
0x2b7: {  	s0 =	sadd.f32 s0, s1;
	s23 =	spop (v2sf)  }
0x2b8: {  	s7 =	sadd.f32 s10, s23  }
0x2b9: {  	s0 =	sadd.f32 s0, s2;
	s30 =	spop (v2sf)  }
0x2ba: {  	s4 =	sadd.f32 s7, s30  }
0x2bb: {  	s0 =	sadd.f32 s0, s26;
	s31 =	spop (v2sf)  }
0x2bc: {  	s4 =	sadd.f32 s4, s31  }
0x2bd: {  	s0 =	sadd.f32 s0, s29;
	s6 =	spop (v2sf)  }
0x2be: {  	s1 =	sadd.f32 s4, s6  }
0x2bf: {  	s0 =	sadd.f32 s0, s28;
	s7 =	spop (v2sf)  }
0x2c0: {  	s1 =	sadd.f32 s1, s7  }
0x2c1: {  	s0 =	sadd.f32 s0, s21;
	s10 =	spop (v2sf)  }
0x2c2: {  	s1 =	sadd.f32 s1, s10  }
0x2c3: {  	s21 =	rddreg [dreg:$0x12];
	s12 =	spop (v2sf)  }
0x2c4: {  	s1 =	sadd.f32 s1, s12  }
0x2c5: {  	s0 =	sadd.f32 s0, s11;
	s16 =	spop (v2sf)  }
0x2c6: {  	s1 =	sadd.f32 s1, s16  }
0x2c7: {  	s0 =	sadd.f32 s0, s24  }
0x2c8: {  	s18 =	sadd.f32 s5, s25;
	s20 =	smax.f32 s1, $1.000000000e+00  }
0x2c9: {  	s0 =	sadd.f32 s0, s8;
	v57 =	vmov s20  }
0x2ca: {  	s2 =	sadd.f32 s18, s21;
	(erf) = vrcp.f32 v57  }
0x2cb: {  	s0 =	sadd.f32 s0, s19  }
0x2cc: {  	s2 =	sadd.f32 s2, s14  }
0x2cd: {  	s22 =	rddreg [dreg:$0xc]  }
0x2ce: {  	vm0 =	vcmask $0x300;
	v58 =	vmov s22;
	s2 =	sadd.f32 s2, s15  }
0x2cf: {  	vm11 =	vcmask $0x704;
	v0 =	vnsel vm0, $0x0, v58;
	s23 =	rddreg [dreg:$0x13]  }
0x2d0: {  	vm12 =	vcmask $0xB08;
	v0 =	vsel vm11, s3, v0;
	s2 =	sadd.f32 s2, s23  }
0x2d1: {  	vm13 =	vcmask $0xF0C;
	v59 =	vld [tilespmem:$0x2280];
	s0 =	sadd.f32 s0, s17;
	v0 =	vsel vm12, s13, v0  }
0x2d2: {  	vm14 =	vcmask $0x1310;
	v0 =	vsel vm13, s2, v0  }
0x2d3: {  	v0 =	vsel vm14, s0, v0;
	v60 =	vpop (erf)  }
0x2d4: {  	v2 =	vmul.f32 v60, v0;
	_ =	sdelay $0x1  }
0x2d5: {  	v61 =	vmul.f32 $9.900000090e-01, v59;
	v2 =	vmul.f32 $9.999999770e-03, v2;
	_ =	sdelay $0x1  }
0x2d6: {  	v2 =	vadd.f32 v2, v61  }
0x2d7: {  	p0 =	sgt.f32 s1, $0.0e+00  }
0x2d8: {  	v62 =	vld [tilespmem:$0x2300];
	s0 =	simm.f32 $1.000000000e+00;
	v2 =	vsub.f32 v2, v59  }
0x2d9: {  	s0 =	simm.s32 @!p0 $0x0  }
0x2da: {  	v0 =	vtrunc.f32 v0;
	v2 =	vmul.f32 s0, v2  }
0x2db: {  	v0 =	vcvt.f32.s32 v0  }
0x2dc: {  	v63 =	vlaneseq.u32;
	v1 =	vadd.f32 v2, v59  }
0x2dd: {  	vm15 =	veq.s32 v63, $0x5;
	v0 =	vadd.s32 v0, v62  }
0x2de: {  	[tilespmem:$0x2300] =	vst v0;
	v1 =	vsel vm15, s1, v1  }
0x2df: {  	s26 =	rddreg [dreg:$0x9];
	s24 =	simm.s32 $0x2280;
	s25 =	simm.s32 $0x0;
	[tilespmem:$0x2280] =	vst v1  }
0x2e0: {  	[hbm4b:s26+s25] =	stream.linear.scatter [tilespmem:s24], [sflag:$0x2], $0x80, $0x38;
	[tilespmem:$0x23E0] =	vst v63  }
0x2e1: {  	_ =	swait.ge [sflag:s9], $0x80  }
0x2e2: {  	[sflag:s9] =	ssyncset.done $0x0  }
0x2e3: {  	s28 =	rddreg [dreg:$0x1]  }
0x2e4: {  	s29 =	simm.s32 $0x2300;
	[sflag:s9] =	ssyncadd.s32 $0xFFFFFF80;
	s0 =	sadd.s32 $0x1A00, s28  }
0x2e5: {  	[hbm4b:s0+s25] =	stream.linear.scatter [tilespmem:s29], [sflag:$0x2], $0x80, $0x38;
	[tilespmem:$0x23E0] =	vst v63  }
0x2e6: {  	_ =	swait.ge [sflag:s9], $0x80  }
0x2e7: {  	[sflag:s9] =	ssyncset.done $0x0  }
0x2e8: {  	s30 =	simm.s32 $0x1;
	[sflag:s9] =	ssyncadd.s32 $0xFFFFFF80  }
0x2e9: {  	_ =	swait.ge [sflag:s30], $0x400  }
0x2ea: {  	[sflag:s30] =	ssyncset.done $0x0  }
0x2eb: {  	[sflag:s30] =	ssyncadd.s32 $0xFFFFFC00  }
0x2ec: {  	_ =	swait.ge [sflag:s30], $0x400  }
0x2ed: {  	[sflag:s30] =	ssyncset.done $0x0  }
0x2ee: {  	[sflag:s30] =	ssyncadd.s32 $0xFFFFFC00  }
0x2ef: {  	_ =	sfence.sel $0x180000  }
0x2f0: {  	[bflag:$0x0] =	sbarrier.arrive $0xFFFF  }
0x2f1: {  	_ =	strace $0x90000047  }
0x2f2: {  	[bflag:$0x2] =	sbarrier.arrive $0xFFFF  }
0x2f3: {  	s31 =	rddreg [dreg:$0xb]  }
0x2f4: {  	s0 =	sadd.s32 $0x100000, s31  }
0x2f5: {  	[sflag:s0] =	ssyncadd.tile.s32 $0x1;
	_ =	shalt  }
.Lfunc_end2:
_tile_overlayer_lowered:
.L_overlay_start_2:
0x2f6: {  	(tag) =	ssettag $0x2  }
0x2f7: {  	s0 =	rddreg [dreg:$0x0];
	s2 =	stileid.u32  }
0x2f8: {  	s1 =	rddreg [dreg:$0x1];
	p0 =	sne.s32 s2, $0x0  }
0x2f9: {  	s3 =	rddreg [dreg:$0x2];
	[bflag:$0x3] =	sbarrier.arrive $0xFFFF;
	s2 =	simm.s32 @!p0 $0x1C02  }
0x2fa: {  	[timem:s3], [sflag:s2] =	dma.local @!p0 [hbm:s0], s1  }
0x2fb: {  	s0 =	simm.s32 @!p0 $0x2  }
0x2fc: {  	_ =	swait.ge @!p0 [sflag:s0], s1  }
0x2fd: {  	s1 =	ssub.s32 @!p0 $0x0, s1;
	[sflag:s0] =	ssyncset.done @!p0 $0x0  }
0x2fe: {  	[sflag:s0] =	ssyncadd.s32 @!p0 s1  }
0x2ff: {  	[bflag:$0x3] =	sbarrier.arrive $0xFFFF  }
0x300: {  	_ =	shalt  }

</sc_bundles>
